<compile_context>
chip_gen: v7x
topology: tpu7x:2x2x1
jax: 0.10.2.dev20260603
libtpu: 0.0.44.dev20260713+nightly
codegen_flags: <defaults>
</compile_context>

<pallas_src>
import functools

import jax
import jax.numpy as jnp
from jax import lax
from jax.experimental import pallas as pl
from jax.experimental.pallas import tpu as pltpu
from jax.experimental.pallas import tpu_sc as plsc

N = 25000
E = 800000
NCORE, NSUB = 2, 16
NW = NCORE * NSUB

NPAD = 25088
RPT = NPAD // NSUB
ECHUNK = 128
CPT = 392
NCHUNK = CPT * NSUB + 2
EPAD = NCHUNK * ECHUNK
CW = 8

IPAD = 28672
RB = 1000

@functools.lru_cache(maxsize=None)
def _sc_mesh():
    return plsc.VectorSubcoreMesh(
        core_axis_name="c", subcore_axis_name="s",
        num_cores=NCORE, num_subcores=NSUB)



def _emb_body(idx2d, tab, out, idxv, rows, sem):
    wid = lax.axis_index("s") * NCORE + lax.axis_index("c")
    pltpu.sync_copy(idx2d.at[pl.ds(wid * 16, 16)], idxv)
    for j in range(16):
        pltpu.async_copy(
            tab.at[idxv.at[j]], rows.at[pl.ds(j * 112, 112)], sem)
    for j in range(16):
        pltpu.make_async_copy(
            tab.at[idxv.at[j]], rows.at[pl.ds(j * 112, 112)], sem).wait()
    pltpu.sync_copy(rows, out.at[pl.ds(wid * 1792, 1792)])


@functools.lru_cache(maxsize=None)
def _emb_kernel():
    return pl.kernel(
        _emb_body,
        out_type=jax.ShapeDtypeStruct((2 * IPAD, 16), jnp.float32),
        mesh=_sc_mesh(),
        compiler_params=pltpu.CompilerParams(use_tc_tiling_on_sc=False),
        scratch_types=[
            pltpu.VMEM((16, 112), jnp.int32),
            pltpu.VMEM((1792, 16), jnp.float32),
            pltpu.SemaphoreType.DMA,
        ],
    )


def _emb_call(idx2d, tab):
    return _emb_kernel()(idx2d, tab)



def _seg_body(tab_c, tab_p, srcC, dstC, srcP, dstP, zsum, zcnt, onesr,
              osum_c, ocnt_c, osum_p, ocnt_p,
              acc_sum, acc_cnt, sidx, didx, rows, onesv,
              gsem0, gsem1, isem, idsem, ssem0, ssem1):
    cid = lax.axis_index("c")
    sid = lax.axis_index("s")
    r0 = sid * RPT

    pltpu.sync_copy(zsum, acc_sum.at[pl.ds(r0, RPT)])
    pltpu.sync_copy(zcnt, acc_cnt.at[pl.ds(r0, RPT)])
    pltpu.sync_copy(onesr, onesv)
    plsc.subcore_barrier()

    def run(src2d, dst2d, tab, osum, ocnt):
        base = sid * CPT
        ssems = (ssem0, ssem1)
        gsems = (gsem0, gsem1)

        def step(c_ref, j, p, first):
            q = 1 - p
            def waits():
                pltpu.make_async_copy(
                    rows.at[q], acc_sum.at[didx.at[q]], ssems[q]).wait()
                pltpu.make_async_copy(
                    onesv, acc_cnt.at[didx.at[q]], ssems[q]).wait()
                pltpu.make_async_copy(
                    dst2d.at[c_ref], didx.at[p], idsem).wait()

            if first:
                @pl.when(j > 0)
                def _():
                    waits()
            else:
                waits()
            pltpu.async_copy(dst2d.at[c_ref + 1], didx.at[q], idsem)
            pltpu.make_async_copy(src2d.at[c_ref + 1], sidx.at[q],
                                  isem).wait()
            pltpu.async_copy(tab.at[sidx.at[q]], rows.at[q], gsems[q])
            pltpu.make_async_copy(
                tab.at[sidx.at[p]], rows.at[p], gsems[p]).wait()
            pltpu.async_copy(src2d.at[c_ref + 2], sidx.at[p], isem)
            pltpu.async_copy(rows.at[p], acc_sum.at[didx.at[p]], ssems[p],
                             add=True)
            pltpu.async_copy(onesv, acc_cnt.at[didx.at[p]], ssems[p],
                             add=True)

        pltpu.sync_copy(src2d.at[base], sidx.at[0])
        pltpu.sync_copy(dst2d.at[base], didx.at[0])
        pltpu.async_copy(tab.at[sidx.at[0]], rows.at[0], gsem0)
        pltpu.async_copy(src2d.at[base + 1], sidx.at[1], isem)

        def pair(j, carry):
            c0 = base + 2 * j
            step(c0, j, 0, True)
            step(c0 + 1, j, 1, False)
            return carry

        lax.fori_loop(0, CPT // 2, pair, 0)

        pltpu.make_async_copy(tab.at[sidx.at[0]], rows.at[0], gsem0).wait()
        pltpu.make_async_copy(rows.at[1], acc_sum.at[didx.at[1]], ssem1).wait()
        pltpu.make_async_copy(onesv, acc_cnt.at[didx.at[1]], ssem1).wait()
        pltpu.make_async_copy(src2d.at[base], sidx.at[1], isem).wait()
        pltpu.make_async_copy(dst2d.at[base], didx.at[1], idsem).wait()

        plsc.subcore_barrier()
        pltpu.sync_copy(acc_sum.at[pl.ds(r0, RPT)], osum.at[pl.ds(r0, RPT)])
        pltpu.sync_copy(acc_cnt.at[pl.ds(r0, RPT)], ocnt.at[pl.ds(r0, RPT)])

    @pl.when(cid == 0)
    def _():
        run(srcC, dstC, tab_p, osum_c, ocnt_c)

    @pl.when(cid == 1)
    def _():
        run(srcP, dstP, tab_c, osum_p, ocnt_p)


@functools.lru_cache(maxsize=None)
def _seg_kernel():
    return pl.kernel(
        _seg_body,
        out_type=(jax.ShapeDtypeStruct((NPAD, 64), jnp.float32),
                  jax.ShapeDtypeStruct((NPAD, CW), jnp.float32),
                  jax.ShapeDtypeStruct((NPAD, 64), jnp.float32),
                  jax.ShapeDtypeStruct((NPAD, CW), jnp.float32)),
        mesh=_sc_mesh(),
        compiler_params=pltpu.CompilerParams(use_tc_tiling_on_sc=False),
        scratch_types=[
            pltpu.VMEM_SHARED((NPAD, 64), jnp.float32),
            pltpu.VMEM_SHARED((NPAD, CW), jnp.float32),
            pltpu.VMEM((2, ECHUNK), jnp.int32),
            pltpu.VMEM((2, ECHUNK), jnp.int32),
            pltpu.VMEM((2, ECHUNK, 64), jnp.float32),
            pltpu.VMEM((ECHUNK, CW), jnp.float32),
            pltpu.SemaphoreType.DMA,
            pltpu.SemaphoreType.DMA,
            pltpu.SemaphoreType.DMA,
            pltpu.SemaphoreType.DMA,
            pltpu.SemaphoreType.DMA,
            pltpu.SemaphoreType.DMA,
        ],
    )


def _seg_call(tab_c, tab_p, srcC2, dstC2, srcP2, dstP2, zsum, zcnt, onesr):
    return _seg_kernel()(
        tab_c, tab_p, srcC2, dstC2, srcP2, dstP2, zsum, zcnt, onesr)



def _dot(a, b):
    return jnp.dot(a, b, preferred_element_type=jnp.float32)


def _sig(x):
    return 0.5 * jnp.tanh(0.5 * x) + 0.5


def _accum_stats(b, acc, st, hs):
    @pl.when(b == 0)
    def _():
        acc[...] = jnp.zeros((4, 64), jnp.float32)

    hc, hp = hs
    acc[0:1, :] += jnp.sum(hc, axis=0, keepdims=True)
    acc[1:2, :] += jnp.sum(hc * hc, axis=0, keepdims=True)
    acc[2:3, :] += jnp.sum(hp, axis=0, keepdims=True)
    acc[3:4, :] += jnp.sum(hp * hp, axis=0, keepdims=True)
    st[...] = acc[...]


def _a1_body(xc, ec, xp, ep, wca, wce, bca, wpa, wpe, bpa,
             h0c, c0c, h0p, c0p, st, acc):
    def node_type(x, e, wa, we, b, ho, co):
        pre = _dot(x[...], wa[...]) + _dot(e[...], we[...]) + b[...]
        c0 = _sig(pre[:, 0:64]) * jnp.tanh(pre[:, 64:128])
        h0 = _sig(pre[:, 128:192]) * jnp.tanh(c0)
        co[...] = c0
        ho[...] = h0
        return h0

    h_c = node_type(xc, ec, wca, wce, bca, h0c, c0c)
    h_p = node_type(xp, ep, wpa, wpe, bpa, h0p, c0p)
    _accum_stats(pl.program_id(0), acc, st, (h_c, h_p))


def _graph_norm(h, prm, st, k):
    ms = prm[3 * k:3 * k + 1, :]
    w = prm[3 * k + 1:3 * k + 2, :]
    b = prm[3 * k + 2:3 * k + 3, :]
    inv_n = jnp.float32(1.0 / N)
    m = st[2 * k:2 * k + 1, :] * inv_n
    msq = st[2 * k + 1:2 * k + 2, :] * inv_n
    var = msq - m * m * (2.0 * ms - ms * ms)
    out = h - ms * m
    return out / jnp.sqrt(var + 1e-5) * w + b


def _b1_body(h0c, c0c, sc, cc, h0p, c0p, sp, cp_, wxc, wmc, bc, wxp, wmp, bp,
             nrm0, st0, c1c, h1c, c1p, h1p, st, acc):
    def affine(k):
        ms = nrm0[3 * k:3 * k + 1, :]
        w = nrm0[3 * k + 1:3 * k + 2, :]
        bb = nrm0[3 * k + 2:3 * k + 3, :]
        inv_n = jnp.float32(1.0 / N)
        m = st0[2 * k:2 * k + 1, :] * inv_n
        msq = st0[2 * k + 1:2 * k + 2, :] * inv_n
        var = msq - m * m * (2.0 * ms - ms * ms)
        istd = 1.0 / jnp.sqrt(var + 1e-5)
        alpha = istd * w
        return alpha, bb - ms * m * alpha

    def node_type(h0, c0, s, cnt, wx, wm, b, c1o, h1o, k):
        alpha, beta = affine(k)
        alpha_s, beta_s = affine(1 - k)
        x1 = h0[...] * alpha + beta
        cntv = cnt[...][:, 0:1]
        inv = 1.0 / jnp.maximum(cntv, 1.0)
        nonempty = cntv * inv
        mean = s[...] * inv * alpha_s + nonempty * beta_s
        pre = _dot(x1, wx[...]) + _dot(mean, wm[...]) + b[...]
        c1 = (_sig(pre[:, 64:128]) * c0[...]
              + _sig(pre[:, 0:64]) * jnp.tanh(pre[:, 128:192]))
        h1 = _sig(pre[:, 192:256]) * jnp.tanh(c1)
        c1o[...] = c1
        h1o[...] = h1
        return h1

    h_c = node_type(h0c, c0c, sc, cc, wxc, wmc, bc, c1c, h1c, 0)
    h_p = node_type(h0p, c0p, sp, cp_, wxp, wmp, bp, c1p, h1p, 1)
    _accum_stats(pl.program_id(0), acc, st, (h_c, h_p))


def _b2_body(h1c, h1p, nrm, st, wvt, bv, wot, bo, w1, b1, w2, b2,
             pred, hc, hp):
    xc = _graph_norm(h1c[...], nrm[...], st[...], 0)
    hp[...] = _graph_norm(h1p[...], nrm[...], st[...], 1)
    hc[...] = xc
    v = _dot(xc, wvt[...]) + bv[...]
    att = xc + _dot(v, wot[...]) + bo[...]
    z = jnp.maximum(_dot(att, w1[...]) + b1[...], 0.0)
    pred[...] = _dot(z, w2[...]) + b2[...]


def _full(shape):
    return pl.BlockSpec(shape, lambda b: (0, 0))


def _rows(width):
    return pl.BlockSpec((RB, width), lambda b: (b, 0))


def kernel(x_customer, x_product, edge_index_buys, edge_index_rev_buys, params):
    p = params
    f32 = jnp.float32

    country_ids = x_customer[:, -1].astype(jnp.int32)
    desc_ids = x_product[:, -1].astype(jnp.int32)
    x14 = x_customer[:, :-1]
    x4 = x_product[:, :-1]
    ctab = jnp.pad(p['country_embed'], ((0, 0), (0, 12)))
    tab = jnp.concatenate([ctab, p['desc_embed']])
    idx2d = jnp.concatenate([
        jnp.pad(country_ids, (0, IPAD - N)),
        jnp.pad(desc_ids + ctab.shape[0], (0, IPAD - N)),
    ]).reshape(NW * 16, 112)

    emb = _emb_call(idx2d, tab)
    emb_c = emb[:N]
    emb_p = emb[IPAD:IPAD + N]

    G0 = ('i', 'c', 'o')
    L0 = p['layers'][0]
    wca = jnp.concatenate([L0['W_' + g]['customer'][:14] for g in G0], axis=1)
    wce = jnp.pad(
        jnp.concatenate([L0['W_' + g]['customer'][14:] for g in G0], axis=1),
        ((0, 12), (0, 0)))
    bca = jnp.concatenate(
        [L0['b_' + g]['customer'] + L0['conv_' + g]['rev']['bl'][None, :]
         for g in G0], axis=1)
    wpa = jnp.concatenate([L0['W_' + g]['product'][:4] for g in G0], axis=1)
    wpe = jnp.concatenate([L0['W_' + g]['product'][4:] for g in G0], axis=1)
    bpa = jnp.concatenate(
        [L0['b_' + g]['product'] + L0['conv_' + g]['buys']['bl'][None, :]
         for g in G0], axis=1)

    h0c, c0c, h0p, c0p, st0 = pl.pallas_call(
        _a1_body,
        grid=(N // RB,),
        in_specs=[
            _rows(14), _rows(16), _rows(4), _rows(16),
            _full((14, 192)), _full((16, 192)), _full((1, 192)),
            _full((4, 192)), _full((16, 192)), _full((1, 192)),
        ],
        out_specs=[_rows(64)] * 4 + [_full((4, 64))],
        out_shape=[jax.ShapeDtypeStruct((N, 64), f32)] * 4
        + [jax.ShapeDtypeStruct((4, 64), f32)],
        scratch_shapes=[pltpu.VMEM((4, 64), f32)],
    )(x14, emb_c, x4, emb_p, wca, wce, bca, wpa, wpe, bpa)

    def norm_pack(layer):
        return jnp.stack([
            layer['norm']['customer']['mean_scale'],
            layer['norm']['customer']['weight'],
            layer['norm']['customer']['bias'],
            layer['norm']['product']['mean_scale'],
            layer['norm']['product']['weight'],
            layer['norm']['product']['bias'],
        ])

    def prep_edges(src, dst):
        s = jnp.concatenate([src, jnp.zeros((EPAD - E,), jnp.int32)])
        d = jnp.concatenate([dst, jnp.full((EPAD - E,), N, jnp.int32)])
        return s.reshape(NCHUNK, ECHUNK), d.reshape(NCHUNK, ECHUNK)

    srcC2, dstC2 = prep_edges(edge_index_rev_buys[0], edge_index_rev_buys[1])
    srcP2, dstP2 = prep_edges(edge_index_buys[0], edge_index_buys[1])
    zsum = jnp.zeros((RPT, 64), f32)
    zcnt = jnp.zeros((RPT, CW), f32)
    onesr = jnp.ones((ECHUNK, CW), f32)

    sum_c, cnt_c, sum_p, cnt_p = _seg_call(
        h0c, h0p, srcC2, dstC2, srcP2, dstP2, zsum, zcnt, onesr)

    sum_c, cnt_c = sum_c[:N], cnt_c[:N]
    sum_p, cnt_p = sum_p[:N], cnt_p[:N]

    L1 = p['layers'][1]
    G1 = ('i', 'f', 'c', 'o')

    def wpack(nt, et):
        wx = jnp.concatenate(
            [L1['W_' + g][nt] + L1['conv_' + g][et]['Wr'] for g in G1], axis=1)
        wm = jnp.concatenate([L1['conv_' + g][et]['Wl'] for g in G1], axis=1)
        b = jnp.concatenate(
            [L1['b_' + g][nt] + L1['conv_' + g][et]['bl'][None, :]
             for g in G1], axis=1)
        return wx, wm, b

    wxc, wmc, bc1 = wpack('customer', 'rev')
    wxp, wmp, bp1 = wpack('product', 'buys')

    c1c, h1c, c1p, h1p, st1 = pl.pallas_call(
        _b1_body,
        grid=(N // RB,),
        in_specs=[
            _rows(64), _rows(64), _rows(64), _rows(CW),
            _rows(64), _rows(64), _rows(64), _rows(CW),
            _full((64, 256)), _full((64, 256)), _full((1, 256)),
            _full((64, 256)), _full((64, 256)), _full((1, 256)),
            _full((6, 64)), _full((4, 64)),
        ],
        out_specs=[_rows(64)] * 4 + [_full((4, 64))],
        out_shape=[jax.ShapeDtypeStruct((N, 64), f32)] * 4
        + [jax.ShapeDtypeStruct((4, 64), f32)],
        scratch_shapes=[pltpu.VMEM((4, 64), f32)],
    )(h0c, c0c, sum_c, cnt_c, h0p, c0p, sum_p, cnt_p,
      wxc, wmc, bc1, wxp, wmp, bp1, norm_pack(L0), st0)

    wvt = p['mha']['in_w'][128:192].T
    bv = p['mha']['in_b'][128:192][None, :]
    wot = p['mha']['out_w'].T
    bo = p['mha']['out_b'][None, :]
    w1 = p['pred']['W1']
    b1 = p['pred']['b1'][None, :]
    w2 = jnp.pad(p['pred']['W2'], ((0, 0), (0, 7)))
    b2 = jnp.pad(p['pred']['b2'], (0, 7))[None, :]

    pred8, hc, hp = pl.pallas_call(
        _b2_body,
        grid=(N // RB,),
        in_specs=[
            _rows(64), _rows(64), _full((6, 64)), _full((4, 64)),
            _full((64, 64)), _full((1, 64)), _full((64, 64)), _full((1, 64)),
            _full((64, 32)), _full((1, 32)), _full((32, 8)), _full((1, 8)),
        ],
        out_specs=[_rows(8), _rows(64), _rows(64)],
        out_shape=[jax.ShapeDtypeStruct((N, 8), f32),
                   jax.ShapeDtypeStruct((N, 64), f32),
                   jax.ShapeDtypeStruct((N, 64), f32)],
    )(h1c, h1p, norm_pack(L1), st1, wvt, bv, wot, bo, w1, b1, w2, b2)

    return (pred8[:, :1], hc, hp, c1c, c1p)

# --- scband reference (transcript-rebuilt; emitter-appended) ---
"""Pipeline reference for scband-clvmodel-attention-37847251812437 (READ-ONLY COPY).

The authoritative reference and input builder live on the scoring server;
editing this copy changes nothing except your own understanding.
"""

import jax, jax.numpy as jnp
import numpy as np

HIDDEN = 64
NUM_LAYERS = 2
HEADS = 4
NC = 25000
NPR = 25000
E = 800000
NUM_COUNTRIES = 40
NUM_DESC = 5000
CUST_IN = 18
PROD_IN = 20
NODE_TYPES = ('customer', 'product')


def make_params(key):
    cnt = [0]
    def nxt(shape):
        cnt[0] += 1
        return 0.05 * jax.random.normal(jax.random.fold_in(key, cnt[0]), shape, dtype=jnp.float32)
    in_dims = [{'customer': CUST_IN, 'product': PROD_IN}, {'customer': HIDDEN, 'product': HIDDEN}]
    p = {'country_embed': nxt((NUM_COUNTRIES, 4)), 'desc_embed': nxt((NUM_DESC, 16)), 'layers': []}
    for li in range(NUM_LAYERS):
        layer = {}
        for g in ('i', 'f', 'c', 'o'):
            layer['W_' + g] = {nt: nxt((in_dims[li][nt], HIDDEN)) for nt in NODE_TYPES}
            layer['b_' + g] = {nt: nxt((1, HIDDEN)) for nt in NODE_TYPES}
            layer['conv_' + g] = {et: {'Wl': nxt((HIDDEN, HIDDEN)), 'bl': nxt((HIDDEN,)), 'Wr': nxt((HIDDEN, HIDDEN))} for et in ('buys', 'rev')}
        layer['norm'] = {nt: {'weight': jnp.ones((HIDDEN,), jnp.float32), 'bias': jnp.zeros((HIDDEN,), jnp.float32), 'mean_scale': jnp.ones((HIDDEN,), jnp.float32)} for nt in NODE_TYPES}
        p['layers'].append(layer)
    p['mha'] = {'in_w': nxt((3 * HIDDEN, HIDDEN)), 'in_b': nxt((3 * HIDDEN,)), 'out_w': nxt((HIDDEN, HIDDEN)), 'out_b': nxt((HIDDEN,))}
    p['pred'] = {'W1': nxt((HIDDEN, HIDDEN // 2)), 'b1': nxt((HIDDEN // 2,)), 'W2': nxt((HIDDEN // 2, 1)), 'b2': nxt((1,))}
    return p


def sage_conv(h_src, h_dst, edge_index, w):
    # PyG SAGEConv (mean aggr): lin_l(mean of gathered src feats) + lin_r(dst feats)
    src, dst = edge_index[0], edge_index[1]
    msgs = jnp.take(h_src, src, axis=0)
    n_dst = h_dst.shape[0]
    summed = jax.ops.segment_sum(msgs, dst, num_segments=n_dst)
    cnt = jax.ops.segment_sum(jnp.ones((msgs.shape[0],), h_src.dtype), dst, num_segments=n_dst)
    mean = summed / jnp.maximum(cnt, 1.0)[:, None]
    return mean @ w['Wl'] + w['bl'] + h_dst @ w['Wr']


def gate_conv(gw, h, ei_buys, ei_rev):
    # HeteroConv with sum aggregation; each node type receives exactly one edge type
    return {'customer': sage_conv(h['product'], h['customer'], ei_rev, gw['rev']),
            'product': sage_conv(h['customer'], h['product'], ei_buys, gw['buys'])}


def hetero_gclstm(layer, x, ei_buys, ei_rev, h, c):
    if h is None:
        h = {nt: jnp.zeros((x[nt].shape[0], HIDDEN), jnp.float32) for nt in NODE_TYPES}
    if c is None:
        c = {nt: jnp.zeros((x[nt].shape[0], HIDDEN), jnp.float32) for nt in NODE_TYPES}
    def gate(g, act):
        conv = gate_conv(layer['conv_' + g], h, ei_buys, ei_rev)
        return {nt: act(x[nt] @ layer['W_' + g][nt] + conv[nt] + layer['b_' + g][nt]) for nt in NODE_TYPES}
    i = gate('i', jax.nn.sigmoid)
    f = gate('f', jax.nn.sigmoid)
    c_t = gate('c', jnp.tanh)
    c_new = {nt: f[nt] * c[nt] + i[nt] * c_t[nt] for nt in NODE_TYPES}
    o = gate('o', jax.nn.sigmoid)
    h_new = {nt: o[nt] * jnp.tanh(c_new[nt]) for nt in NODE_TYPES}
    return h_new, c_new


def graph_norm(x, w):
    mean = jnp.mean(x, axis=0, keepdims=True)
    out = x - w['mean_scale'] * mean
    var = jnp.mean(out * out, axis=0, keepdims=True)
    return out / jnp.sqrt(var + 1e-5) * w['weight'] + w['bias']


def mha_self(x, w):
    # torch nn.MultiheadAttention on (L=1, N, E): softmax over seq-len 1
    dh = HIDDEN // HEADS
    qkv = x @ w['in_w'].T + w['in_b']
    q, k, v = jnp.split(qkv, 3, axis=-1)
    q = q.reshape(-1, HEADS, 1, dh) / jnp.sqrt(dh)
    k = k.reshape(-1, HEADS, 1, dh)
    v = v.reshape(-1, HEADS, 1, dh)
    scores = jnp.einsum('nhqd,nhkd->nhqk', q, k)
    attn = jax.nn.softmax(scores, axis=-1)
    out = jnp.einsum('nhqk,nhkd->nhqd', attn, v).reshape(-1, HIDDEN)
    return out @ w['out_w'].T + w['out_b']


def forward_core(params, x_customer, x_product, ei_buys, ei_rev):
    country_ids = x_customer[:, -1].astype(jnp.int32)
    cust_x = jnp.concatenate([x_customer[:, :-1], jnp.take(params['country_embed'], country_ids, axis=0)], axis=1)
    desc_ids = x_product[:, -1].astype(jnp.int32)
    prod_x = jnp.concatenate([x_product[:, :-1], jnp.take(params['desc_embed'], desc_ids, axis=0)], axis=1)
    x = {'customer': cust_x, 'product': prod_x}
    h, c = None, None
    for li in range(NUM_LAYERS):
        h, c = hetero_gclstm(params['layers'][li], x, ei_buys, ei_rev, h, c)
        h = {nt: graph_norm(h[nt], params['layers'][li]['norm'][nt]) for nt in NODE_TYPES}
        x = h
    cr = x['customer']
    attended = cr + mha_self(cr, params['mha'])
    pred = jax.nn.relu(attended @ params['pred']['W1'] + params['pred']['b1']) @ params['pred']['W2'] + params['pred']['b2']
    return pred, h, c


def setup_inputs(seed: int = 0):
    key = jax.random.key(seed)
    x_customer = jnp.concatenate([
        jax.random.normal(jax.random.fold_in(key, 1), (NC, 14), dtype=jnp.float32),
        jax.random.randint(jax.random.fold_in(key, 2), (NC, 1), 0, NUM_COUNTRIES).astype(jnp.float32)
    ], axis=1)
    x_product = jnp.concatenate([
        jax.random.normal(jax.random.fold_in(key, 3), (NPR, 4), dtype=jnp.float32),
        jax.random.randint(jax.random.fold_in(key, 4), (NPR, 1), 0, NUM_DESC).astype(jnp.float32)
    ], axis=1)
    ei_buys = jnp.stack([
        jax.random.randint(jax.random.fold_in(key, 5), (E,), 0, NC),
        jax.random.randint(jax.random.fold_in(key, 6), (E,), 0, NPR)
    ]).astype(jnp.int32)
    ei_rev = jnp.stack([ei_buys[1], ei_buys[0]])
    params = make_params(jax.random.fold_in(key, 100))
    return {'x_customer': x_customer, 'x_product': x_product, 'edge_index_buys': ei_buys, 'edge_index_rev_buys': ei_rev, 'params': params}


def reference(x_customer, x_product, edge_index_buys, edge_index_rev_buys, params):
    pred, h, c = forward_core(params, x_customer, x_product, edge_index_buys, edge_index_rev_buys)
    return (pred, h['customer'], h['product'], c['customer'], c['product'])

if __name__ == "__main__":
    import jax
    _d = setup_inputs()
    print(jax.jit(kernel)(*tuple(_d.values())))

</pallas_src>

<mosaic_0001>
#map = affine_map<(d0, d1) -> (0, 0)>
module attributes {stable_mosaic.version = 14 : i64} {
  func.func @_emb_body(%arg0: i32, %arg1: i32, %arg2: memref<512x112xi32, #tpu.memory_space<hbm>>, %arg3: memref<5040x16xf32, #tpu.memory_space<hbm>>, %arg4: memref<57344x16xf32, #tpu.memory_space<hbm>>, %arg5: memref<16x112xi32, #tpu.memory_space<vmem>>, %arg6: memref<1792x16xf32, #tpu.memory_space<vmem>>, %arg7: memref<!tpu.dma_semaphore, #tpu.memory_space<semaphore_mem>>) attributes {dimension_semantics = [#tpu.dimension_semantics<core_parallel>, #tpu.dimension_semantics<subcore_parallel>], iteration_bounds = array<i64: 2, 16>, scalar_prefetch = 0 : i64, scratch_operands = 3 : i64, tpu.core_type = #tpu.core_type<sc_vector_subcore>, window_params = [{transform_indices = #map}, {transform_indices = #map}, {transform_indices = #map}]} {
    %mul3A = arith.constant 2 : i32
    %mul3A_0 = arith.muli %arg1, %mul3A : i32
    %add3A = arith.addi %mul3A_0, %arg0 : i32
    %mul3A_1 = arith.constant 16 : i32
    %mul3A_2 = arith.muli %add3A, %mul3A_1 : i32
    "tpu.region"() ({
      %run_scoped3A = tpu.sem_alloc : memref<!tpu.dma_semaphore, #tpu.memory_space<semaphore_mem>>
      %dma_start3A_323 = arith.constant 0 : i32
      %dma_start3A_324 = tpu.memref_slice %arg2[%mul3A_2, %dma_start3A_323] : memref<512x112xi32, #tpu.memory_space<hbm>> -> memref<16x112xi32, #tpu.memory_space<hbm>>
      %dma_start3A_325 = arith.constant 0 : i32
      %dma_start3A_326 = tpu.memref_slice %arg2[%mul3A_2, %dma_start3A_325] : memref<512x112xi32, #tpu.memory_space<hbm>> -> memref<16x112xi32, #tpu.memory_space<hbm>>
      tpu.enqueue_dma source(%dma_start3A_326 : memref<16x112xi32, #tpu.memory_space<hbm>>) target(%arg5 : memref<16x112xi32, #tpu.memory_space<vmem>>) target_semaphore(%run_scoped3A : memref<!tpu.dma_semaphore, #tpu.memory_space<semaphore_mem>>)
      %dma_wait3A_327 = arith.constant 0 : i32
      %dma_wait3A_328 = tpu.memref_slice %arg2[%mul3A_2, %dma_wait3A_327] : memref<512x112xi32, #tpu.memory_space<hbm>> -> memref<16x112xi32, #tpu.memory_space<hbm>>
      %dma_wait3A_329 = arith.constant 0 : i32
      %dma_wait3A_330 = tpu.memref_slice %arg2[%mul3A_2, %dma_wait3A_329] : memref<512x112xi32, #tpu.memory_space<hbm>> -> memref<16x112xi32, #tpu.memory_space<hbm>>
      tpu.wait_dma2 semaphore(%run_scoped3A : memref<!tpu.dma_semaphore, #tpu.memory_space<semaphore_mem>>) src(%dma_wait3A_330 : memref<16x112xi32, #tpu.memory_space<hbm>>) dst(%arg5 : memref<16x112xi32, #tpu.memory_space<vmem>>)
      tpu.yield
    }) : () -> ()
    %dma_start3A = arith.constant 0 : i32
    %dma_start3A_3 = arith.constant 0 : i32
    %dma_start3A_4 = arith.constant 0 : i32
    %dma_start3A_5 = tpu.memref_slice %arg6[%dma_start3A_3, %dma_start3A_4] : memref<1792x16xf32, #tpu.memory_space<vmem>> -> memref<112x16xf32, #tpu.memory_space<vmem>>
    %dma_start3A_6 = arith.constant 0 : i32
    %dma_start3A_7 = tpu.memref_slice %arg5[%dma_start3A, %dma_start3A_6] : memref<16x112xi32, #tpu.memory_space<vmem>> -> memref<1x112xi32, #tpu.memory_space<vmem>>
    %dma_start3A_8 = tpu.memref_squeeze %dma_start3A_7 : memref<1x112xi32, #tpu.memory_space<vmem>> -> memref<112xi32, #tpu.memory_space<vmem>>
    %dma_start3A_9 = arith.constant 0 : i32
    %dma_start3A_10 = arith.constant 0 : i32
    %dma_start3A_11 = tpu.memref_slice %arg3[%dma_start3A_9, %dma_start3A_10] : memref<5040x16xf32, #tpu.memory_space<hbm>> -> memref<5040x16xf32, #tpu.memory_space<hbm>>
    tpu.enqueue_indirect_dma source(%dma_start3A_11 : memref<5040x16xf32, #tpu.memory_space<hbm>>) target(%dma_start3A_5 : memref<112x16xf32, #tpu.memory_space<vmem>>) offsets(%dma_start3A_8 : memref<112xi32, #tpu.memory_space<vmem>>) semaphore(%arg7 : memref<!tpu.dma_semaphore, #tpu.memory_space<semaphore_mem>>)
    %dma_start3A_12 = arith.constant 1 : i32
    %dma_start3A_13 = arith.constant 112 : i32
    %dma_start3A_14 = arith.constant 0 : i32
    %dma_start3A_15 = tpu.memref_slice %arg6[%dma_start3A_13, %dma_start3A_14] : memref<1792x16xf32, #tpu.memory_space<vmem>> -> memref<112x16xf32, #tpu.memory_space<vmem>>
    %dma_start3A_16 = arith.constant 0 : i32
    %dma_start3A_17 = tpu.memref_slice %arg5[%dma_start3A_12, %dma_start3A_16] : memref<16x112xi32, #tpu.memory_space<vmem>> -> memref<1x112xi32, #tpu.memory_space<vmem>>
    %dma_start3A_18 = tpu.memref_squeeze %dma_start3A_17 : memref<1x112xi32, #tpu.memory_space<vmem>> -> memref<112xi32, #tpu.memory_space<vmem>>
    %dma_start3A_19 = arith.constant 0 : i32
    %dma_start3A_20 = arith.constant 0 : i32
    %dma_start3A_21 = tpu.memref_slice %arg3[%dma_start3A_19, %dma_start3A_20] : memref<5040x16xf32, #tpu.memory_space<hbm>> -> memref<5040x16xf32, #tpu.memory_space<hbm>>
    tpu.enqueue_indirect_dma source(%dma_start3A_21 : memref<5040x16xf32, #tpu.memory_space<hbm>>) target(%dma_start3A_15 : memref<112x16xf32, #tpu.memory_space<vmem>>) offsets(%dma_start3A_18 : memref<112xi32, #tpu.memory_space<vmem>>) semaphore(%arg7 : memref<!tpu.dma_semaphore, #tpu.memory_space<semaphore_mem>>)
    %dma_start3A_22 = arith.constant 2 : i32
    %dma_start3A_23 = arith.constant 224 : i32
    %dma_start3A_24 = arith.constant 0 : i32
    %dma_start3A_25 = tpu.memref_slice %arg6[%dma_start3A_23, %dma_start3A_24] : memref<1792x16xf32, #tpu.memory_space<vmem>> -> memref<112x16xf32, #tpu.memory_space<vmem>>
    %dma_start3A_26 = arith.constant 0 : i32
    %dma_start3A_27 = tpu.memref_slice %arg5[%dma_start3A_22, %dma_start3A_26] : memref<16x112xi32, #tpu.memory_space<vmem>> -> memref<1x112xi32, #tpu.memory_space<vmem>>
    %dma_start3A_28 = tpu.memref_squeeze %dma_start3A_27 : memref<1x112xi32, #tpu.memory_space<vmem>> -> memref<112xi32, #tpu.memory_space<vmem>>
    %dma_start3A_29 = arith.constant 0 : i32
    %dma_start3A_30 = arith.constant 0 : i32
    %dma_start3A_31 = tpu.memref_slice %arg3[%dma_start3A_29, %dma_start3A_30] : memref<5040x16xf32, #tpu.memory_space<hbm>> -> memref<5040x16xf32, #tpu.memory_space<hbm>>
    tpu.enqueue_indirect_dma source(%dma_start3A_31 : memref<5040x16xf32, #tpu.memory_space<hbm>>) target(%dma_start3A_25 : memref<112x16xf32, #tpu.memory_space<vmem>>) offsets(%dma_start3A_28 : memref<112xi32, #tpu.memory_space<vmem>>) semaphore(%arg7 : memref<!tpu.dma_semaphore, #tpu.memory_space<semaphore_mem>>)
    %dma_start3A_32 = arith.constant 3 : i32
    %dma_start3A_33 = arith.constant 336 : i32
    %dma_start3A_34 = arith.constant 0 : i32
    %dma_start3A_35 = tpu.memref_slice %arg6[%dma_start3A_33, %dma_start3A_34] : memref<1792x16xf32, #tpu.memory_space<vmem>> -> memref<112x16xf32, #tpu.memory_space<vmem>>
    %dma_start3A_36 = arith.constant 0 : i32
    %dma_start3A_37 = tpu.memref_slice %arg5[%dma_start3A_32, %dma_start3A_36] : memref<16x112xi32, #tpu.memory_space<vmem>> -> memref<1x112xi32, #tpu.memory_space<vmem>>
    %dma_start3A_38 = tpu.memref_squeeze %dma_start3A_37 : memref<1x112xi32, #tpu.memory_space<vmem>> -> memref<112xi32, #tpu.memory_space<vmem>>
    %dma_start3A_39 = arith.constant 0 : i32
    %dma_start3A_40 = arith.constant 0 : i32
    %dma_start3A_41 = tpu.memref_slice %arg3[%dma_start3A_39, %dma_start3A_40] : memref<5040x16xf32, #tpu.memory_space<hbm>> -> memref<5040x16xf32, #tpu.memory_space<hbm>>
    tpu.enqueue_indirect_dma source(%dma_start3A_41 : memref<5040x16xf32, #tpu.memory_space<hbm>>) target(%dma_start3A_35 : memref<112x16xf32, #tpu.memory_space<vmem>>) offsets(%dma_start3A_38 : memref<112xi32, #tpu.memory_space<vmem>>) semaphore(%arg7 : memref<!tpu.dma_semaphore, #tpu.memory_space<semaphore_mem>>)
    %dma_start3A_42 = arith.constant 4 : i32
    %dma_start3A_43 = arith.constant 448 : i32
    %dma_start3A_44 = arith.constant 0 : i32
    %dma_start3A_45 = tpu.memref_slice %arg6[%dma_start3A_43, %dma_start3A_44] : memref<1792x16xf32, #tpu.memory_space<vmem>> -> memref<112x16xf32, #tpu.memory_space<vmem>>
    %dma_start3A_46 = arith.constant 0 : i32
    %dma_start3A_47 = tpu.memref_slice %arg5[%dma_start3A_42, %dma_start3A_46] : memref<16x112xi32, #tpu.memory_space<vmem>> -> memref<1x112xi32, #tpu.memory_space<vmem>>
    %dma_start3A_48 = tpu.memref_squeeze %dma_start3A_47 : memref<1x112xi32, #tpu.memory_space<vmem>> -> memref<112xi32, #tpu.memory_space<vmem>>
    %dma_start3A_49 = arith.constant 0 : i32
    %dma_start3A_50 = arith.constant 0 : i32
    %dma_start3A_51 = tpu.memref_slice %arg3[%dma_start3A_49, %dma_start3A_50] : memref<5040x16xf32, #tpu.memory_space<hbm>> -> memref<5040x16xf32, #tpu.memory_space<hbm>>
    tpu.enqueue_indirect_dma source(%dma_start3A_51 : memref<5040x16xf32, #tpu.memory_space<hbm>>) target(%dma_start3A_45 : memref<112x16xf32, #tpu.memory_space<vmem>>) offsets(%dma_start3A_48 : memref<112xi32, #tpu.memory_space<vmem>>) semaphore(%arg7 : memref<!tpu.dma_semaphore, #tpu.memory_space<semaphore_mem>>)
    %dma_start3A_52 = arith.constant 5 : i32
    %dma_start3A_53 = arith.constant 560 : i32
    %dma_start3A_54 = arith.constant 0 : i32
    %dma_start3A_55 = tpu.memref_slice %arg6[%dma_start3A_53, %dma_start3A_54] : memref<1792x16xf32, #tpu.memory_space<vmem>> -> memref<112x16xf32, #tpu.memory_space<vmem>>
    %dma_start3A_56 = arith.constant 0 : i32
    %dma_start3A_57 = tpu.memref_slice %arg5[%dma_start3A_52, %dma_start3A_56] : memref<16x112xi32, #tpu.memory_space<vmem>> -> memref<1x112xi32, #tpu.memory_space<vmem>>
    %dma_start3A_58 = tpu.memref_squeeze %dma_start3A_57 : memref<1x112xi32, #tpu.memory_space<vmem>> -> memref<112xi32, #tpu.memory_space<vmem>>
    %dma_start3A_59 = arith.constant 0 : i32
    %dma_start3A_60 = arith.constant 0 : i32
    %dma_start3A_61 = tpu.memref_slice %arg3[%dma_start3A_59, %dma_start3A_60] : memref<5040x16xf32, #tpu.memory_space<hbm>> -> memref<5040x16xf32, #tpu.memory_space<hbm>>
    tpu.enqueue_indirect_dma source(%dma_start3A_61 : memref<5040x16xf32, #tpu.memory_space<hbm>>) target(%dma_start3A_55 : memref<112x16xf32, #tpu.memory_space<vmem>>) offsets(%dma_start3A_58 : memref<112xi32, #tpu.memory_space<vmem>>) semaphore(%arg7 : memref<!tpu.dma_semaphore, #tpu.memory_space<semaphore_mem>>)
    %dma_start3A_62 = arith.constant 6 : i32
    %dma_start3A_63 = arith.constant 672 : i32
    %dma_start3A_64 = arith.constant 0 : i32
    %dma_start3A_65 = tpu.memref_slice %arg6[%dma_start3A_63, %dma_start3A_64] : memref<1792x16xf32, #tpu.memory_space<vmem>> -> memref<112x16xf32, #tpu.memory_space<vmem>>
    %dma_start3A_66 = arith.constant 0 : i32
    %dma_start3A_67 = tpu.memref_slice %arg5[%dma_start3A_62, %dma_start3A_66] : memref<16x112xi32, #tpu.memory_space<vmem>> -> memref<1x112xi32, #tpu.memory_space<vmem>>
    %dma_start3A_68 = tpu.memref_squeeze %dma_start3A_67 : memref<1x112xi32, #tpu.memory_space<vmem>> -> memref<112xi32, #tpu.memory_space<vmem>>
    %dma_start3A_69 = arith.constant 0 : i32
    %dma_start3A_70 = arith.constant 0 : i32
    %dma_start3A_71 = tpu.memref_slice %arg3[%dma_start3A_69, %dma_start3A_70] : memref<5040x16xf32, #tpu.memory_space<hbm>> -> memref<5040x16xf32, #tpu.memory_space<hbm>>
    tpu.enqueue_indirect_dma source(%dma_start3A_71 : memref<5040x16xf32, #tpu.memory_space<hbm>>) target(%dma_start3A_65 : memref<112x16xf32, #tpu.memory_space<vmem>>) offsets(%dma_start3A_68 : memref<112xi32, #tpu.memory_space<vmem>>) semaphore(%arg7 : memref<!tpu.dma_semaphore, #tpu.memory_space<semaphore_mem>>)
    %dma_start3A_72 = arith.constant 7 : i32
    %dma_start3A_73 = arith.constant 784 : i32
    %dma_start3A_74 = arith.constant 0 : i32
    %dma_start3A_75 = tpu.memref_slice %arg6[%dma_start3A_73, %dma_start3A_74] : memref<1792x16xf32, #tpu.memory_space<vmem>> -> memref<112x16xf32, #tpu.memory_space<vmem>>
    %dma_start3A_76 = arith.constant 0 : i32
    %dma_start3A_77 = tpu.memref_slice %arg5[%dma_start3A_72, %dma_start3A_76] : memref<16x112xi32, #tpu.memory_space<vmem>> -> memref<1x112xi32, #tpu.memory_space<vmem>>
    %dma_start3A_78 = tpu.memref_squeeze %dma_start3A_77 : memref<1x112xi32, #tpu.memory_space<vmem>> -> memref<112xi32, #tpu.memory_space<vmem>>
    %dma_start3A_79 = arith.constant 0 : i32
    %dma_start3A_80 = arith.constant 0 : i32
    %dma_start3A_81 = tpu.memref_slice %arg3[%dma_start3A_79, %dma_start3A_80] : memref<5040x16xf32, #tpu.memory_space<hbm>> -> memref<5040x16xf32, #tpu.memory_space<hbm>>
    tpu.enqueue_indirect_dma source(%dma_start3A_81 : memref<5040x16xf32, #tpu.memory_space<hbm>>) target(%dma_start3A_75 : memref<112x16xf32, #tpu.memory_space<vmem>>) offsets(%dma_start3A_78 : memref<112xi32, #tpu.memory_space<vmem>>) semaphore(%arg7 : memref<!tpu.dma_semaphore, #tpu.memory_space<semaphore_mem>>)
    %dma_start3A_82 = arith.constant 8 : i32
    %dma_start3A_83 = arith.constant 896 : i32
    %dma_start3A_84 = arith.constant 0 : i32
    %dma_start3A_85 = tpu.memref_slice %arg6[%dma_start3A_83, %dma_start3A_84] : memref<1792x16xf32, #tpu.memory_space<vmem>> -> memref<112x16xf32, #tpu.memory_space<vmem>>
    %dma_start3A_86 = arith.constant 0 : i32
    %dma_start3A_87 = tpu.memref_slice %arg5[%dma_start3A_82, %dma_start3A_86] : memref<16x112xi32, #tpu.memory_space<vmem>> -> memref<1x112xi32, #tpu.memory_space<vmem>>
    %dma_start3A_88 = tpu.memref_squeeze %dma_start3A_87 : memref<1x112xi32, #tpu.memory_space<vmem>> -> memref<112xi32, #tpu.memory_space<vmem>>
    %dma_start3A_89 = arith.constant 0 : i32
    %dma_start3A_90 = arith.constant 0 : i32
    %dma_start3A_91 = tpu.memref_slice %arg3[%dma_start3A_89, %dma_start3A_90] : memref<5040x16xf32, #tpu.memory_space<hbm>> -> memref<5040x16xf32, #tpu.memory_space<hbm>>
    tpu.enqueue_indirect_dma source(%dma_start3A_91 : memref<5040x16xf32, #tpu.memory_space<hbm>>) target(%dma_start3A_85 : memref<112x16xf32, #tpu.memory_space<vmem>>) offsets(%dma_start3A_88 : memref<112xi32, #tpu.memory_space<vmem>>) semaphore(%arg7 : memref<!tpu.dma_semaphore, #tpu.memory_space<semaphore_mem>>)
    %dma_start3A_92 = arith.constant 9 : i32
    %dma_start3A_93 = arith.constant 1008 : i32
    %dma_start3A_94 = arith.constant 0 : i32
    %dma_start3A_95 = tpu.memref_slice %arg6[%dma_start3A_93, %dma_start3A_94] : memref<1792x16xf32, #tpu.memory_space<vmem>> -> memref<112x16xf32, #tpu.memory_space<vmem>>
    %dma_start3A_96 = arith.constant 0 : i32
    %dma_start3A_97 = tpu.memref_slice %arg5[%dma_start3A_92, %dma_start3A_96] : memref<16x112xi32, #tpu.memory_space<vmem>> -> memref<1x112xi32, #tpu.memory_space<vmem>>
    %dma_start3A_98 = tpu.memref_squeeze %dma_start3A_97 : memref<1x112xi32, #tpu.memory_space<vmem>> -> memref<112xi32, #tpu.memory_space<vmem>>
    %dma_start3A_99 = arith.constant 0 : i32
    %dma_start3A_100 = arith.constant 0 : i32
    %dma_start3A_101 = tpu.memref_slice %arg3[%dma_start3A_99, %dma_start3A_100] : memref<5040x16xf32, #tpu.memory_space<hbm>> -> memref<5040x16xf32, #tpu.memory_space<hbm>>
    tpu.enqueue_indirect_dma source(%dma_start3A_101 : memref<5040x16xf32, #tpu.memory_space<hbm>>) target(%dma_start3A_95 : memref<112x16xf32, #tpu.memory_space<vmem>>) offsets(%dma_start3A_98 : memref<112xi32, #tpu.memory_space<vmem>>) semaphore(%arg7 : memref<!tpu.dma_semaphore, #tpu.memory_space<semaphore_mem>>)
    %dma_start3A_102 = arith.constant 10 : i32
    %dma_start3A_103 = arith.constant 1120 : i32
    %dma_start3A_104 = arith.constant 0 : i32
    %dma_start3A_105 = tpu.memref_slice %arg6[%dma_start3A_103, %dma_start3A_104] : memref<1792x16xf32, #tpu.memory_space<vmem>> -> memref<112x16xf32, #tpu.memory_space<vmem>>
    %dma_start3A_106 = arith.constant 0 : i32
    %dma_start3A_107 = tpu.memref_slice %arg5[%dma_start3A_102, %dma_start3A_106] : memref<16x112xi32, #tpu.memory_space<vmem>> -> memref<1x112xi32, #tpu.memory_space<vmem>>
    %dma_start3A_108 = tpu.memref_squeeze %dma_start3A_107 : memref<1x112xi32, #tpu.memory_space<vmem>> -> memref<112xi32, #tpu.memory_space<vmem>>
    %dma_start3A_109 = arith.constant 0 : i32
    %dma_start3A_110 = arith.constant 0 : i32
    %dma_start3A_111 = tpu.memref_slice %arg3[%dma_start3A_109, %dma_start3A_110] : memref<5040x16xf32, #tpu.memory_space<hbm>> -> memref<5040x16xf32, #tpu.memory_space<hbm>>
    tpu.enqueue_indirect_dma source(%dma_start3A_111 : memref<5040x16xf32, #tpu.memory_space<hbm>>) target(%dma_start3A_105 : memref<112x16xf32, #tpu.memory_space<vmem>>) offsets(%dma_start3A_108 : memref<112xi32, #tpu.memory_space<vmem>>) semaphore(%arg7 : memref<!tpu.dma_semaphore, #tpu.memory_space<semaphore_mem>>)
    %dma_start3A_112 = arith.constant 11 : i32
    %dma_start3A_113 = arith.constant 1232 : i32
    %dma_start3A_114 = arith.constant 0 : i32
    %dma_start3A_115 = tpu.memref_slice %arg6[%dma_start3A_113, %dma_start3A_114] : memref<1792x16xf32, #tpu.memory_space<vmem>> -> memref<112x16xf32, #tpu.memory_space<vmem>>
    %dma_start3A_116 = arith.constant 0 : i32
    %dma_start3A_117 = tpu.memref_slice %arg5[%dma_start3A_112, %dma_start3A_116] : memref<16x112xi32, #tpu.memory_space<vmem>> -> memref<1x112xi32, #tpu.memory_space<vmem>>
    %dma_start3A_118 = tpu.memref_squeeze %dma_start3A_117 : memref<1x112xi32, #tpu.memory_space<vmem>> -> memref<112xi32, #tpu.memory_space<vmem>>
    %dma_start3A_119 = arith.constant 0 : i32
    %dma_start3A_120 = arith.constant 0 : i32
    %dma_start3A_121 = tpu.memref_slice %arg3[%dma_start3A_119, %dma_start3A_120] : memref<5040x16xf32, #tpu.memory_space<hbm>> -> memref<5040x16xf32, #tpu.memory_space<hbm>>
    tpu.enqueue_indirect_dma source(%dma_start3A_121 : memref<5040x16xf32, #tpu.memory_space<hbm>>) target(%dma_start3A_115 : memref<112x16xf32, #tpu.memory_space<vmem>>) offsets(%dma_start3A_118 : memref<112xi32, #tpu.memory_space<vmem>>) semaphore(%arg7 : memref<!tpu.dma_semaphore, #tpu.memory_space<semaphore_mem>>)
    %dma_start3A_122 = arith.constant 12 : i32
    %dma_start3A_123 = arith.constant 1344 : i32
    %dma_start3A_124 = arith.constant 0 : i32
    %dma_start3A_125 = tpu.memref_slice %arg6[%dma_start3A_123, %dma_start3A_124] : memref<1792x16xf32, #tpu.memory_space<vmem>> -> memref<112x16xf32, #tpu.memory_space<vmem>>
    %dma_start3A_126 = arith.constant 0 : i32
    %dma_start3A_127 = tpu.memref_slice %arg5[%dma_start3A_122, %dma_start3A_126] : memref<16x112xi32, #tpu.memory_space<vmem>> -> memref<1x112xi32, #tpu.memory_space<vmem>>
    %dma_start3A_128 = tpu.memref_squeeze %dma_start3A_127 : memref<1x112xi32, #tpu.memory_space<vmem>> -> memref<112xi32, #tpu.memory_space<vmem>>
    %dma_start3A_129 = arith.constant 0 : i32
    %dma_start3A_130 = arith.constant 0 : i32
    %dma_start3A_131 = tpu.memref_slice %arg3[%dma_start3A_129, %dma_start3A_130] : memref<5040x16xf32, #tpu.memory_space<hbm>> -> memref<5040x16xf32, #tpu.memory_space<hbm>>
    tpu.enqueue_indirect_dma source(%dma_start3A_131 : memref<5040x16xf32, #tpu.memory_space<hbm>>) target(%dma_start3A_125 : memref<112x16xf32, #tpu.memory_space<vmem>>) offsets(%dma_start3A_128 : memref<112xi32, #tpu.memory_space<vmem>>) semaphore(%arg7 : memref<!tpu.dma_semaphore, #tpu.memory_space<semaphore_mem>>)
    %dma_start3A_132 = arith.constant 13 : i32
    %dma_start3A_133 = arith.constant 1456 : i32
    %dma_start3A_134 = arith.constant 0 : i32
    %dma_start3A_135 = tpu.memref_slice %arg6[%dma_start3A_133, %dma_start3A_134] : memref<1792x16xf32, #tpu.memory_space<vmem>> -> memref<112x16xf32, #tpu.memory_space<vmem>>
    %dma_start3A_136 = arith.constant 0 : i32
    %dma_start3A_137 = tpu.memref_slice %arg5[%dma_start3A_132, %dma_start3A_136] : memref<16x112xi32, #tpu.memory_space<vmem>> -> memref<1x112xi32, #tpu.memory_space<vmem>>
    %dma_start3A_138 = tpu.memref_squeeze %dma_start3A_137 : memref<1x112xi32, #tpu.memory_space<vmem>> -> memref<112xi32, #tpu.memory_space<vmem>>
    %dma_start3A_139 = arith.constant 0 : i32
    %dma_start3A_140 = arith.constant 0 : i32
    %dma_start3A_141 = tpu.memref_slice %arg3[%dma_start3A_139, %dma_start3A_140] : memref<5040x16xf32, #tpu.memory_space<hbm>> -> memref<5040x16xf32, #tpu.memory_space<hbm>>
    tpu.enqueue_indirect_dma source(%dma_start3A_141 : memref<5040x16xf32, #tpu.memory_space<hbm>>) target(%dma_start3A_135 : memref<112x16xf32, #tpu.memory_space<vmem>>) offsets(%dma_start3A_138 : memref<112xi32, #tpu.memory_space<vmem>>) semaphore(%arg7 : memref<!tpu.dma_semaphore, #tpu.memory_space<semaphore_mem>>)
    %dma_start3A_142 = arith.constant 14 : i32
    %dma_start3A_143 = arith.constant 1568 : i32
    %dma_start3A_144 = arith.constant 0 : i32
    %dma_start3A_145 = tpu.memref_slice %arg6[%dma_start3A_143, %dma_start3A_144] : memref<1792x16xf32, #tpu.memory_space<vmem>> -> memref<112x16xf32, #tpu.memory_space<vmem>>
    %dma_start3A_146 = arith.constant 0 : i32
    %dma_start3A_147 = tpu.memref_slice %arg5[%dma_start3A_142, %dma_start3A_146] : memref<16x112xi32, #tpu.memory_space<vmem>> -> memref<1x112xi32, #tpu.memory_space<vmem>>
    %dma_start3A_148 = tpu.memref_squeeze %dma_start3A_147 : memref<1x112xi32, #tpu.memory_space<vmem>> -> memref<112xi32, #tpu.memory_space<vmem>>
    %dma_start3A_149 = arith.constant 0 : i32
    %dma_start3A_150 = arith.constant 0 : i32
    %dma_start3A_151 = tpu.memref_slice %arg3[%dma_start3A_149, %dma_start3A_150] : memref<5040x16xf32, #tpu.memory_space<hbm>> -> memref<5040x16xf32, #tpu.memory_space<hbm>>
    tpu.enqueue_indirect_dma source(%dma_start3A_151 : memref<5040x16xf32, #tpu.memory_space<hbm>>) target(%dma_start3A_145 : memref<112x16xf32, #tpu.memory_space<vmem>>) offsets(%dma_start3A_148 : memref<112xi32, #tpu.memory_space<vmem>>) semaphore(%arg7 : memref<!tpu.dma_semaphore, #tpu.memory_space<semaphore_mem>>)
    %dma_start3A_152 = arith.constant 15 : i32
    %dma_start3A_153 = arith.constant 1680 : i32
    %dma_start3A_154 = arith.constant 0 : i32
    %dma_start3A_155 = tpu.memref_slice %arg6[%dma_start3A_153, %dma_start3A_154] : memref<1792x16xf32, #tpu.memory_space<vmem>> -> memref<112x16xf32, #tpu.memory_space<vmem>>
    %dma_start3A_156 = arith.constant 0 : i32
    %dma_start3A_157 = tpu.memref_slice %arg5[%dma_start3A_152, %dma_start3A_156] : memref<16x112xi32, #tpu.memory_space<vmem>> -> memref<1x112xi32, #tpu.memory_space<vmem>>
    %dma_start3A_158 = tpu.memref_squeeze %dma_start3A_157 : memref<1x112xi32, #tpu.memory_space<vmem>> -> memref<112xi32, #tpu.memory_space<vmem>>
    %dma_start3A_159 = arith.constant 0 : i32
    %dma_start3A_160 = arith.constant 0 : i32
    %dma_start3A_161 = tpu.memref_slice %arg3[%dma_start3A_159, %dma_start3A_160] : memref<5040x16xf32, #tpu.memory_space<hbm>> -> memref<5040x16xf32, #tpu.memory_space<hbm>>
    tpu.enqueue_indirect_dma source(%dma_start3A_161 : memref<5040x16xf32, #tpu.memory_space<hbm>>) target(%dma_start3A_155 : memref<112x16xf32, #tpu.memory_space<vmem>>) offsets(%dma_start3A_158 : memref<112xi32, #tpu.memory_space<vmem>>) semaphore(%arg7 : memref<!tpu.dma_semaphore, #tpu.memory_space<semaphore_mem>>)
    %dma_wait3A = arith.constant 0 : i32
    %dma_wait3A_162 = arith.constant 0 : i32
    %dma_wait3A_163 = arith.constant 0 : i32
    %dma_wait3A_164 = tpu.memref_slice %arg6[%dma_wait3A_162, %dma_wait3A_163] : memref<1792x16xf32, #tpu.memory_space<vmem>> -> memref<112x16xf32, #tpu.memory_space<vmem>>
    %dma_wait3A_165 = arith.constant 0 : i32
    %dma_wait3A_166 = tpu.memref_slice %arg5[%dma_wait3A, %dma_wait3A_165] : memref<16x112xi32, #tpu.memory_space<vmem>> -> memref<1x112xi32, #tpu.memory_space<vmem>>
    %dma_wait3A_167 = tpu.memref_squeeze %dma_wait3A_166 : memref<1x112xi32, #tpu.memory_space<vmem>> -> memref<112xi32, #tpu.memory_space<vmem>>
    %dma_wait3A_168 = arith.constant 0 : i32
    %dma_wait3A_169 = arith.constant 0 : i32
    %dma_wait3A_170 = tpu.memref_slice %arg3[%dma_wait3A_168, %dma_wait3A_169] : memref<5040x16xf32, #tpu.memory_space<hbm>> -> memref<5040x16xf32, #tpu.memory_space<hbm>>
    tpu.wait_indirect_dma semaphore(%arg7 : memref<!tpu.dma_semaphore, #tpu.memory_space<semaphore_mem>>) src(%dma_wait3A_170 : memref<5040x16xf32, #tpu.memory_space<hbm>>) dst(%dma_wait3A_164 : memref<112x16xf32, #tpu.memory_space<vmem>>)
    %dma_wait3A_171 = arith.constant 1 : i32
    %dma_wait3A_172 = arith.constant 112 : i32
    %dma_wait3A_173 = arith.constant 0 : i32
    %dma_wait3A_174 = tpu.memref_slice %arg6[%dma_wait3A_172, %dma_wait3A_173] : memref<1792x16xf32, #tpu.memory_space<vmem>> -> memref<112x16xf32, #tpu.memory_space<vmem>>
    %dma_wait3A_175 = arith.constant 0 : i32
    %dma_wait3A_176 = tpu.memref_slice %arg5[%dma_wait3A_171, %dma_wait3A_175] : memref<16x112xi32, #tpu.memory_space<vmem>> -> memref<1x112xi32, #tpu.memory_space<vmem>>
    %dma_wait3A_177 = tpu.memref_squeeze %dma_wait3A_176 : memref<1x112xi32, #tpu.memory_space<vmem>> -> memref<112xi32, #tpu.memory_space<vmem>>
    %dma_wait3A_178 = arith.constant 0 : i32
    %dma_wait3A_179 = arith.constant 0 : i32
    %dma_wait3A_180 = tpu.memref_slice %arg3[%dma_wait3A_178, %dma_wait3A_179] : memref<5040x16xf32, #tpu.memory_space<hbm>> -> memref<5040x16xf32, #tpu.memory_space<hbm>>
    tpu.wait_indirect_dma semaphore(%arg7 : memref<!tpu.dma_semaphore, #tpu.memory_space<semaphore_mem>>) src(%dma_wait3A_180 : memref<5040x16xf32, #tpu.memory_space<hbm>>) dst(%dma_wait3A_174 : memref<112x16xf32, #tpu.memory_space<vmem>>)
    %dma_wait3A_181 = arith.constant 2 : i32
    %dma_wait3A_182 = arith.constant 224 : i32
    %dma_wait3A_183 = arith.constant 0 : i32
    %dma_wait3A_184 = tpu.memref_slice %arg6[%dma_wait3A_182, %dma_wait3A_183] : memref<1792x16xf32, #tpu.memory_space<vmem>> -> memref<112x16xf32, #tpu.memory_space<vmem>>
    %dma_wait3A_185 = arith.constant 0 : i32
    %dma_wait3A_186 = tpu.memref_slice %arg5[%dma_wait3A_181, %dma_wait3A_185] : memref<16x112xi32, #tpu.memory_space<vmem>> -> memref<1x112xi32, #tpu.memory_space<vmem>>
    %dma_wait3A_187 = tpu.memref_squeeze %dma_wait3A_186 : memref<1x112xi32, #tpu.memory_space<vmem>> -> memref<112xi32, #tpu.memory_space<vmem>>
    %dma_wait3A_188 = arith.constant 0 : i32
    %dma_wait3A_189 = arith.constant 0 : i32
    %dma_wait3A_190 = tpu.memref_slice %arg3[%dma_wait3A_188, %dma_wait3A_189] : memref<5040x16xf32, #tpu.memory_space<hbm>> -> memref<5040x16xf32, #tpu.memory_space<hbm>>
    tpu.wait_indirect_dma semaphore(%arg7 : memref<!tpu.dma_semaphore, #tpu.memory_space<semaphore_mem>>) src(%dma_wait3A_190 : memref<5040x16xf32, #tpu.memory_space<hbm>>) dst(%dma_wait3A_184 : memref<112x16xf32, #tpu.memory_space<vmem>>)
    %dma_wait3A_191 = arith.constant 3 : i32
    %dma_wait3A_192 = arith.constant 336 : i32
    %dma_wait3A_193 = arith.constant 0 : i32
    %dma_wait3A_194 = tpu.memref_slice %arg6[%dma_wait3A_192, %dma_wait3A_193] : memref<1792x16xf32, #tpu.memory_space<vmem>> -> memref<112x16xf32, #tpu.memory_space<vmem>>
    %dma_wait3A_195 = arith.constant 0 : i32
    %dma_wait3A_196 = tpu.memref_slice %arg5[%dma_wait3A_191, %dma_wait3A_195] : memref<16x112xi32, #tpu.memory_space<vmem>> -> memref<1x112xi32, #tpu.memory_space<vmem>>
    %dma_wait3A_197 = tpu.memref_squeeze %dma_wait3A_196 : memref<1x112xi32, #tpu.memory_space<vmem>> -> memref<112xi32, #tpu.memory_space<vmem>>
    %dma_wait3A_198 = arith.constant 0 : i32
    %dma_wait3A_199 = arith.constant 0 : i32
    %dma_wait3A_200 = tpu.memref_slice %arg3[%dma_wait3A_198, %dma_wait3A_199] : memref<5040x16xf32, #tpu.memory_space<hbm>> -> memref<5040x16xf32, #tpu.memory_space<hbm>>
    tpu.wait_indirect_dma semaphore(%arg7 : memref<!tpu.dma_semaphore, #tpu.memory_space<semaphore_mem>>) src(%dma_wait3A_200 : memref<5040x16xf32, #tpu.memory_space<hbm>>) dst(%dma_wait3A_194 : memref<112x16xf32, #tpu.memory_space<vmem>>)
    %dma_wait3A_201 = arith.constant 4 : i32
    %dma_wait3A_202 = arith.constant 448 : i32
    %dma_wait3A_203 = arith.constant 0 : i32
    %dma_wait3A_204 = tpu.memref_slice %arg6[%dma_wait3A_202, %dma_wait3A_203] : memref<1792x16xf32, #tpu.memory_space<vmem>> -> memref<112x16xf32, #tpu.memory_space<vmem>>
    %dma_wait3A_205 = arith.constant 0 : i32
    %dma_wait3A_206 = tpu.memref_slice %arg5[%dma_wait3A_201, %dma_wait3A_205] : memref<16x112xi32, #tpu.memory_space<vmem>> -> memref<1x112xi32, #tpu.memory_space<vmem>>
    %dma_wait3A_207 = tpu.memref_squeeze %dma_wait3A_206 : memref<1x112xi32, #tpu.memory_space<vmem>> -> memref<112xi32, #tpu.memory_space<vmem>>
    %dma_wait3A_208 = arith.constant 0 : i32
    %dma_wait3A_209 = arith.constant 0 : i32
    %dma_wait3A_210 = tpu.memref_slice %arg3[%dma_wait3A_208, %dma_wait3A_209] : memref<5040x16xf32, #tpu.memory_space<hbm>> -> memref<5040x16xf32, #tpu.memory_space<hbm>>
    tpu.wait_indirect_dma semaphore(%arg7 : memref<!tpu.dma_semaphore, #tpu.memory_space<semaphore_mem>>) src(%dma_wait3A_210 : memref<5040x16xf32, #tpu.memory_space<hbm>>) dst(%dma_wait3A_204 : memref<112x16xf32, #tpu.memory_space<vmem>>)
    %dma_wait3A_211 = arith.constant 5 : i32
    %dma_wait3A_212 = arith.constant 560 : i32
    %dma_wait3A_213 = arith.constant 0 : i32
    %dma_wait3A_214 = tpu.memref_slice %arg6[%dma_wait3A_212, %dma_wait3A_213] : memref<1792x16xf32, #tpu.memory_space<vmem>> -> memref<112x16xf32, #tpu.memory_space<vmem>>
    %dma_wait3A_215 = arith.constant 0 : i32
    %dma_wait3A_216 = tpu.memref_slice %arg5[%dma_wait3A_211, %dma_wait3A_215] : memref<16x112xi32, #tpu.memory_space<vmem>> -> memref<1x112xi32, #tpu.memory_space<vmem>>
    %dma_wait3A_217 = tpu.memref_squeeze %dma_wait3A_216 : memref<1x112xi32, #tpu.memory_space<vmem>> -> memref<112xi32, #tpu.memory_space<vmem>>
    %dma_wait3A_218 = arith.constant 0 : i32
    %dma_wait3A_219 = arith.constant 0 : i32
    %dma_wait3A_220 = tpu.memref_slice %arg3[%dma_wait3A_218, %dma_wait3A_219] : memref<5040x16xf32, #tpu.memory_space<hbm>> -> memref<5040x16xf32, #tpu.memory_space<hbm>>
    tpu.wait_indirect_dma semaphore(%arg7 : memref<!tpu.dma_semaphore, #tpu.memory_space<semaphore_mem>>) src(%dma_wait3A_220 : memref<5040x16xf32, #tpu.memory_space<hbm>>) dst(%dma_wait3A_214 : memref<112x16xf32, #tpu.memory_space<vmem>>)
    %dma_wait3A_221 = arith.constant 6 : i32
    %dma_wait3A_222 = arith.constant 672 : i32
    %dma_wait3A_223 = arith.constant 0 : i32
    %dma_wait3A_224 = tpu.memref_slice %arg6[%dma_wait3A_222, %dma_wait3A_223] : memref<1792x16xf32, #tpu.memory_space<vmem>> -> memref<112x16xf32, #tpu.memory_space<vmem>>
    %dma_wait3A_225 = arith.constant 0 : i32
    %dma_wait3A_226 = tpu.memref_slice %arg5[%dma_wait3A_221, %dma_wait3A_225] : memref<16x112xi32, #tpu.memory_space<vmem>> -> memref<1x112xi32, #tpu.memory_space<vmem>>
    %dma_wait3A_227 = tpu.memref_squeeze %dma_wait3A_226 : memref<1x112xi32, #tpu.memory_space<vmem>> -> memref<112xi32, #tpu.memory_space<vmem>>
    %dma_wait3A_228 = arith.constant 0 : i32
    %dma_wait3A_229 = arith.constant 0 : i32
    %dma_wait3A_230 = tpu.memref_slice %arg3[%dma_wait3A_228, %dma_wait3A_229] : memref<5040x16xf32, #tpu.memory_space<hbm>> -> memref<5040x16xf32, #tpu.memory_space<hbm>>
    tpu.wait_indirect_dma semaphore(%arg7 : memref<!tpu.dma_semaphore, #tpu.memory_space<semaphore_mem>>) src(%dma_wait3A_230 : memref<5040x16xf32, #tpu.memory_space<hbm>>) dst(%dma_wait3A_224 : memref<112x16xf32, #tpu.memory_space<vmem>>)
    %dma_wait3A_231 = arith.constant 7 : i32
    %dma_wait3A_232 = arith.constant 784 : i32
    %dma_wait3A_233 = arith.constant 0 : i32
    %dma_wait3A_234 = tpu.memref_slice %arg6[%dma_wait3A_232, %dma_wait3A_233] : memref<1792x16xf32, #tpu.memory_space<vmem>> -> memref<112x16xf32, #tpu.memory_space<vmem>>
    %dma_wait3A_235 = arith.constant 0 : i32
    %dma_wait3A_236 = tpu.memref_slice %arg5[%dma_wait3A_231, %dma_wait3A_235] : memref<16x112xi32, #tpu.memory_space<vmem>> -> memref<1x112xi32, #tpu.memory_space<vmem>>
    %dma_wait3A_237 = tpu.memref_squeeze %dma_wait3A_236 : memref<1x112xi32, #tpu.memory_space<vmem>> -> memref<112xi32, #tpu.memory_space<vmem>>
    %dma_wait3A_238 = arith.constant 0 : i32
    %dma_wait3A_239 = arith.constant 0 : i32
    %dma_wait3A_240 = tpu.memref_slice %arg3[%dma_wait3A_238, %dma_wait3A_239] : memref<5040x16xf32, #tpu.memory_space<hbm>> -> memref<5040x16xf32, #tpu.memory_space<hbm>>
    tpu.wait_indirect_dma semaphore(%arg7 : memref<!tpu.dma_semaphore, #tpu.memory_space<semaphore_mem>>) src(%dma_wait3A_240 : memref<5040x16xf32, #tpu.memory_space<hbm>>) dst(%dma_wait3A_234 : memref<112x16xf32, #tpu.memory_space<vmem>>)
    %dma_wait3A_241 = arith.constant 8 : i32
    %dma_wait3A_242 = arith.constant 896 : i32
    %dma_wait3A_243 = arith.constant 0 : i32
    %dma_wait3A_244 = tpu.memref_slice %arg6[%dma_wait3A_242, %dma_wait3A_243] : memref<1792x16xf32, #tpu.memory_space<vmem>> -> memref<112x16xf32, #tpu.memory_space<vmem>>
    %dma_wait3A_245 = arith.constant 0 : i32
    %dma_wait3A_246 = tpu.memref_slice %arg5[%dma_wait3A_241, %dma_wait3A_245] : memref<16x112xi32, #tpu.memory_space<vmem>> -> memref<1x112xi32, #tpu.memory_space<vmem>>
    %dma_wait3A_247 = tpu.memref_squeeze %dma_wait3A_246 : memref<1x112xi32, #tpu.memory_space<vmem>> -> memref<112xi32, #tpu.memory_space<vmem>>
    %dma_wait3A_248 = arith.constant 0 : i32
    %dma_wait3A_249 = arith.constant 0 : i32
    %dma_wait3A_250 = tpu.memref_slice %arg3[%dma_wait3A_248, %dma_wait3A_249] : memref<5040x16xf32, #tpu.memory_space<hbm>> -> memref<5040x16xf32, #tpu.memory_space<hbm>>
    tpu.wait_indirect_dma semaphore(%arg7 : memref<!tpu.dma_semaphore, #tpu.memory_space<semaphore_mem>>) src(%dma_wait3A_250 : memref<5040x16xf32, #tpu.memory_space<hbm>>) dst(%dma_wait3A_244 : memref<112x16xf32, #tpu.memory_space<vmem>>)
    %dma_wait3A_251 = arith.constant 9 : i32
    %dma_wait3A_252 = arith.constant 1008 : i32
    %dma_wait3A_253 = arith.constant 0 : i32
    %dma_wait3A_254 = tpu.memref_slice %arg6[%dma_wait3A_252, %dma_wait3A_253] : memref<1792x16xf32, #tpu.memory_space<vmem>> -> memref<112x16xf32, #tpu.memory_space<vmem>>
    %dma_wait3A_255 = arith.constant 0 : i32
    %dma_wait3A_256 = tpu.memref_slice %arg5[%dma_wait3A_251, %dma_wait3A_255] : memref<16x112xi32, #tpu.memory_space<vmem>> -> memref<1x112xi32, #tpu.memory_space<vmem>>
    %dma_wait3A_257 = tpu.memref_squeeze %dma_wait3A_256 : memref<1x112xi32, #tpu.memory_space<vmem>> -> memref<112xi32, #tpu.memory_space<vmem>>
    %dma_wait3A_258 = arith.constant 0 : i32
    %dma_wait3A_259 = arith.constant 0 : i32
    %dma_wait3A_260 = tpu.memref_slice %arg3[%dma_wait3A_258, %dma_wait3A_259] : memref<5040x16xf32, #tpu.memory_space<hbm>> -> memref<5040x16xf32, #tpu.memory_space<hbm>>
    tpu.wait_indirect_dma semaphore(%arg7 : memref<!tpu.dma_semaphore, #tpu.memory_space<semaphore_mem>>) src(%dma_wait3A_260 : memref<5040x16xf32, #tpu.memory_space<hbm>>) dst(%dma_wait3A_254 : memref<112x16xf32, #tpu.memory_space<vmem>>)
    %dma_wait3A_261 = arith.constant 10 : i32
    %dma_wait3A_262 = arith.constant 1120 : i32
    %dma_wait3A_263 = arith.constant 0 : i32
    %dma_wait3A_264 = tpu.memref_slice %arg6[%dma_wait3A_262, %dma_wait3A_263] : memref<1792x16xf32, #tpu.memory_space<vmem>> -> memref<112x16xf32, #tpu.memory_space<vmem>>
    %dma_wait3A_265 = arith.constant 0 : i32
    %dma_wait3A_266 = tpu.memref_slice %arg5[%dma_wait3A_261, %dma_wait3A_265] : memref<16x112xi32, #tpu.memory_space<vmem>> -> memref<1x112xi32, #tpu.memory_space<vmem>>
    %dma_wait3A_267 = tpu.memref_squeeze %dma_wait3A_266 : memref<1x112xi32, #tpu.memory_space<vmem>> -> memref<112xi32, #tpu.memory_space<vmem>>
    %dma_wait3A_268 = arith.constant 0 : i32
    %dma_wait3A_269 = arith.constant 0 : i32
    %dma_wait3A_270 = tpu.memref_slice %arg3[%dma_wait3A_268, %dma_wait3A_269] : memref<5040x16xf32, #tpu.memory_space<hbm>> -> memref<5040x16xf32, #tpu.memory_space<hbm>>
    tpu.wait_indirect_dma semaphore(%arg7 : memref<!tpu.dma_semaphore, #tpu.memory_space<semaphore_mem>>) src(%dma_wait3A_270 : memref<5040x16xf32, #tpu.memory_space<hbm>>) dst(%dma_wait3A_264 : memref<112x16xf32, #tpu.memory_space<vmem>>)
    %dma_wait3A_271 = arith.constant 11 : i32
    %dma_wait3A_272 = arith.constant 1232 : i32
    %dma_wait3A_273 = arith.constant 0 : i32
    %dma_wait3A_274 = tpu.memref_slice %arg6[%dma_wait3A_272, %dma_wait3A_273] : memref<1792x16xf32, #tpu.memory_space<vmem>> -> memref<112x16xf32, #tpu.memory_space<vmem>>
    %dma_wait3A_275 = arith.constant 0 : i32
    %dma_wait3A_276 = tpu.memref_slice %arg5[%dma_wait3A_271, %dma_wait3A_275] : memref<16x112xi32, #tpu.memory_space<vmem>> -> memref<1x112xi32, #tpu.memory_space<vmem>>
    %dma_wait3A_277 = tpu.memref_squeeze %dma_wait3A_276 : memref<1x112xi32, #tpu.memory_space<vmem>> -> memref<112xi32, #tpu.memory_space<vmem>>
    %dma_wait3A_278 = arith.constant 0 : i32
    %dma_wait3A_279 = arith.constant 0 : i32
    %dma_wait3A_280 = tpu.memref_slice %arg3[%dma_wait3A_278, %dma_wait3A_279] : memref<5040x16xf32, #tpu.memory_space<hbm>> -> memref<5040x16xf32, #tpu.memory_space<hbm>>
    tpu.wait_indirect_dma semaphore(%arg7 : memref<!tpu.dma_semaphore, #tpu.memory_space<semaphore_mem>>) src(%dma_wait3A_280 : memref<5040x16xf32, #tpu.memory_space<hbm>>) dst(%dma_wait3A_274 : memref<112x16xf32, #tpu.memory_space<vmem>>)
    %dma_wait3A_281 = arith.constant 12 : i32
    %dma_wait3A_282 = arith.constant 1344 : i32
    %dma_wait3A_283 = arith.constant 0 : i32
    %dma_wait3A_284 = tpu.memref_slice %arg6[%dma_wait3A_282, %dma_wait3A_283] : memref<1792x16xf32, #tpu.memory_space<vmem>> -> memref<112x16xf32, #tpu.memory_space<vmem>>
    %dma_wait3A_285 = arith.constant 0 : i32
    %dma_wait3A_286 = tpu.memref_slice %arg5[%dma_wait3A_281, %dma_wait3A_285] : memref<16x112xi32, #tpu.memory_space<vmem>> -> memref<1x112xi32, #tpu.memory_space<vmem>>
    %dma_wait3A_287 = tpu.memref_squeeze %dma_wait3A_286 : memref<1x112xi32, #tpu.memory_space<vmem>> -> memref<112xi32, #tpu.memory_space<vmem>>
    %dma_wait3A_288 = arith.constant 0 : i32
    %dma_wait3A_289 = arith.constant 0 : i32
    %dma_wait3A_290 = tpu.memref_slice %arg3[%dma_wait3A_288, %dma_wait3A_289] : memref<5040x16xf32, #tpu.memory_space<hbm>> -> memref<5040x16xf32, #tpu.memory_space<hbm>>
    tpu.wait_indirect_dma semaphore(%arg7 : memref<!tpu.dma_semaphore, #tpu.memory_space<semaphore_mem>>) src(%dma_wait3A_290 : memref<5040x16xf32, #tpu.memory_space<hbm>>) dst(%dma_wait3A_284 : memref<112x16xf32, #tpu.memory_space<vmem>>)
    %dma_wait3A_291 = arith.constant 13 : i32
    %dma_wait3A_292 = arith.constant 1456 : i32
    %dma_wait3A_293 = arith.constant 0 : i32
    %dma_wait3A_294 = tpu.memref_slice %arg6[%dma_wait3A_292, %dma_wait3A_293] : memref<1792x16xf32, #tpu.memory_space<vmem>> -> memref<112x16xf32, #tpu.memory_space<vmem>>
    %dma_wait3A_295 = arith.constant 0 : i32
    %dma_wait3A_296 = tpu.memref_slice %arg5[%dma_wait3A_291, %dma_wait3A_295] : memref<16x112xi32, #tpu.memory_space<vmem>> -> memref<1x112xi32, #tpu.memory_space<vmem>>
    %dma_wait3A_297 = tpu.memref_squeeze %dma_wait3A_296 : memref<1x112xi32, #tpu.memory_space<vmem>> -> memref<112xi32, #tpu.memory_space<vmem>>
    %dma_wait3A_298 = arith.constant 0 : i32
    %dma_wait3A_299 = arith.constant 0 : i32
    %dma_wait3A_300 = tpu.memref_slice %arg3[%dma_wait3A_298, %dma_wait3A_299] : memref<5040x16xf32, #tpu.memory_space<hbm>> -> memref<5040x16xf32, #tpu.memory_space<hbm>>
    tpu.wait_indirect_dma semaphore(%arg7 : memref<!tpu.dma_semaphore, #tpu.memory_space<semaphore_mem>>) src(%dma_wait3A_300 : memref<5040x16xf32, #tpu.memory_space<hbm>>) dst(%dma_wait3A_294 : memref<112x16xf32, #tpu.memory_space<vmem>>)
    %dma_wait3A_301 = arith.constant 14 : i32
    %dma_wait3A_302 = arith.constant 1568 : i32
    %dma_wait3A_303 = arith.constant 0 : i32
    %dma_wait3A_304 = tpu.memref_slice %arg6[%dma_wait3A_302, %dma_wait3A_303] : memref<1792x16xf32, #tpu.memory_space<vmem>> -> memref<112x16xf32, #tpu.memory_space<vmem>>
    %dma_wait3A_305 = arith.constant 0 : i32
    %dma_wait3A_306 = tpu.memref_slice %arg5[%dma_wait3A_301, %dma_wait3A_305] : memref<16x112xi32, #tpu.memory_space<vmem>> -> memref<1x112xi32, #tpu.memory_space<vmem>>
    %dma_wait3A_307 = tpu.memref_squeeze %dma_wait3A_306 : memref<1x112xi32, #tpu.memory_space<vmem>> -> memref<112xi32, #tpu.memory_space<vmem>>
    %dma_wait3A_308 = arith.constant 0 : i32
    %dma_wait3A_309 = arith.constant 0 : i32
    %dma_wait3A_310 = tpu.memref_slice %arg3[%dma_wait3A_308, %dma_wait3A_309] : memref<5040x16xf32, #tpu.memory_space<hbm>> -> memref<5040x16xf32, #tpu.memory_space<hbm>>
    tpu.wait_indirect_dma semaphore(%arg7 : memref<!tpu.dma_semaphore, #tpu.memory_space<semaphore_mem>>) src(%dma_wait3A_310 : memref<5040x16xf32, #tpu.memory_space<hbm>>) dst(%dma_wait3A_304 : memref<112x16xf32, #tpu.memory_space<vmem>>)
    %dma_wait3A_311 = arith.constant 15 : i32
    %dma_wait3A_312 = arith.constant 1680 : i32
    %dma_wait3A_313 = arith.constant 0 : i32
    %dma_wait3A_314 = tpu.memref_slice %arg6[%dma_wait3A_312, %dma_wait3A_313] : memref<1792x16xf32, #tpu.memory_space<vmem>> -> memref<112x16xf32, #tpu.memory_space<vmem>>
    %dma_wait3A_315 = arith.constant 0 : i32
    %dma_wait3A_316 = tpu.memref_slice %arg5[%dma_wait3A_311, %dma_wait3A_315] : memref<16x112xi32, #tpu.memory_space<vmem>> -> memref<1x112xi32, #tpu.memory_space<vmem>>
    %dma_wait3A_317 = tpu.memref_squeeze %dma_wait3A_316 : memref<1x112xi32, #tpu.memory_space<vmem>> -> memref<112xi32, #tpu.memory_space<vmem>>
    %dma_wait3A_318 = arith.constant 0 : i32
    %dma_wait3A_319 = arith.constant 0 : i32
    %dma_wait3A_320 = tpu.memref_slice %arg3[%dma_wait3A_318, %dma_wait3A_319] : memref<5040x16xf32, #tpu.memory_space<hbm>> -> memref<5040x16xf32, #tpu.memory_space<hbm>>
    tpu.wait_indirect_dma semaphore(%arg7 : memref<!tpu.dma_semaphore, #tpu.memory_space<semaphore_mem>>) src(%dma_wait3A_320 : memref<5040x16xf32, #tpu.memory_space<hbm>>) dst(%dma_wait3A_314 : memref<112x16xf32, #tpu.memory_space<vmem>>)
    %mul3A_321 = arith.constant 1792 : i32
    %mul3A_322 = arith.muli %add3A, %mul3A_321 : i32
    "tpu.region"() ({
      %run_scoped3A = tpu.sem_alloc : memref<!tpu.dma_semaphore, #tpu.memory_space<semaphore_mem>>
      %dma_start3A_323 = arith.constant 0 : i32
      %dma_start3A_324 = tpu.memref_slice %arg4[%mul3A_322, %dma_start3A_323] : memref<57344x16xf32, #tpu.memory_space<hbm>> -> memref<1792x16xf32, #tpu.memory_space<hbm>>
      %dma_start3A_325 = arith.constant 0 : i32
      %dma_start3A_326 = tpu.memref_slice %arg4[%mul3A_322, %dma_start3A_325] : memref<57344x16xf32, #tpu.memory_space<hbm>> -> memref<1792x16xf32, #tpu.memory_space<hbm>>
      tpu.enqueue_dma source(%arg6 : memref<1792x16xf32, #tpu.memory_space<vmem>>) target(%dma_start3A_326 : memref<1792x16xf32, #tpu.memory_space<hbm>>) target_semaphore(%run_scoped3A : memref<!tpu.dma_semaphore, #tpu.memory_space<semaphore_mem>>)
      %dma_wait3A_327 = arith.constant 0 : i32
      %dma_wait3A_328 = tpu.memref_slice %arg4[%mul3A_322, %dma_wait3A_327] : memref<57344x16xf32, #tpu.memory_space<hbm>> -> memref<1792x16xf32, #tpu.memory_space<hbm>>
      %dma_wait3A_329 = arith.constant 0 : i32
      %dma_wait3A_330 = tpu.memref_slice %arg4[%mul3A_322, %dma_wait3A_329] : memref<57344x16xf32, #tpu.memory_space<hbm>> -> memref<1792x16xf32, #tpu.memory_space<hbm>>
      tpu.wait_dma2 semaphore(%run_scoped3A : memref<!tpu.dma_semaphore, #tpu.memory_space<semaphore_mem>>) src(%arg6 : memref<1792x16xf32, #tpu.memory_space<vmem>>) dst(%dma_wait3A_330 : memref<1792x16xf32, #tpu.memory_space<hbm>>)
      tpu.yield
    }) : () -> ()
    return
  }
}

#map = affine_map<(d0, d1) -> (0, 0)>
module attributes {stable_mosaic.version = 14 : i64} {
  func.func @_seg_body(%arg0: i32, %arg1: i32, %arg2: memref<25000x64xf32, #tpu.memory_space<hbm>>, %arg3: memref<25000x64xf32, #tpu.memory_space<hbm>>, %arg4: memref<6274x128xi32, #tpu.memory_space<hbm>>, %arg5: memref<6274x128xi32, #tpu.memory_space<hbm>>, %arg6: memref<6274x128xi32, #tpu.memory_space<hbm>>, %arg7: memref<6274x128xi32, #tpu.memory_space<hbm>>, %arg8: memref<1568x64xf32, #tpu.memory_space<hbm>>, %arg9: memref<1568x8xf32, #tpu.memory_space<hbm>>, %arg10: memref<128x8xf32, #tpu.memory_space<hbm>>, %arg11: memref<25088x64xf32, #tpu.memory_space<hbm>>, %arg12: memref<25088x8xf32, #tpu.memory_space<hbm>>, %arg13: memref<25088x64xf32, #tpu.memory_space<hbm>>, %arg14: memref<25088x8xf32, #tpu.memory_space<hbm>>, %arg15: memref<25088x64xf32, #tpu.memory_space<vmem_shared>>, %arg16: memref<25088x8xf32, #tpu.memory_space<vmem_shared>>, %arg17: memref<2x128xi32, #tpu.memory_space<vmem>>, %arg18: memref<2x128xi32, #tpu.memory_space<vmem>>, %arg19: memref<2x128x64xf32, #tpu.memory_space<vmem>>, %arg20: memref<128x8xf32, #tpu.memory_space<vmem>>, %arg21: memref<!tpu.dma_semaphore, #tpu.memory_space<semaphore_mem>>, %arg22: memref<!tpu.dma_semaphore, #tpu.memory_space<semaphore_mem>>, %arg23: memref<!tpu.dma_semaphore, #tpu.memory_space<semaphore_mem>>, %arg24: memref<!tpu.dma_semaphore, #tpu.memory_space<semaphore_mem>>, %arg25: memref<!tpu.dma_semaphore, #tpu.memory_space<semaphore_mem>>, %arg26: memref<!tpu.dma_semaphore, #tpu.memory_space<semaphore_mem>>) attributes {dimension_semantics = [#tpu.dimension_semantics<core_parallel>, #tpu.dimension_semantics<subcore_parallel>], iteration_bounds = array<i64: 2, 16>, scalar_prefetch = 0 : i64, scratch_operands = 12 : i64, tpu.core_type = #tpu.core_type<sc_vector_subcore>, window_params = [{transform_indices = #map}, {transform_indices = #map}, {transform_indices = #map}, {transform_indices = #map}, {transform_indices = #map}, {transform_indices = #map}, {transform_indices = #map}, {transform_indices = #map}, {transform_indices = #map}, {transform_indices = #map}, {transform_indices = #map}, {transform_indices = #map}, {transform_indices = #map}]} {
    %mul3A = arith.constant 1568 : i32
    %mul3A_0 = arith.muli %arg1, %mul3A : i32
    "tpu.region"() ({
      %run_scoped3A = tpu.sem_alloc : memref<!tpu.dma_semaphore, #tpu.memory_space<semaphore_mem>>
      %dma_start3A = arith.constant 0 : i32
      %dma_start3A_8 = tpu.memref_slice %arg15[%mul3A_0, %dma_start3A] : memref<25088x64xf32, #tpu.memory_space<vmem_shared>> -> memref<1568x64xf32, #tpu.memory_space<vmem_shared>>
      tpu.enqueue_dma source(%arg8 : memref<1568x64xf32, #tpu.memory_space<hbm>>) target(%dma_start3A_8 : memref<1568x64xf32, #tpu.memory_space<vmem_shared>>) target_semaphore(%run_scoped3A : memref<!tpu.dma_semaphore, #tpu.memory_space<semaphore_mem>>)
      %dma_wait3A = arith.constant 0 : i32
      %dma_wait3A_9 = tpu.memref_slice %arg15[%mul3A_0, %dma_wait3A] : memref<25088x64xf32, #tpu.memory_space<vmem_shared>> -> memref<1568x64xf32, #tpu.memory_space<vmem_shared>>
      tpu.wait_dma2 semaphore(%run_scoped3A : memref<!tpu.dma_semaphore, #tpu.memory_space<semaphore_mem>>) src(%arg8 : memref<1568x64xf32, #tpu.memory_space<hbm>>) dst(%dma_wait3A_9 : memref<1568x64xf32, #tpu.memory_space<vmem_shared>>)
      tpu.yield
    }) : () -> ()
    "tpu.region"() ({
      %run_scoped3A = tpu.sem_alloc : memref<!tpu.dma_semaphore, #tpu.memory_space<semaphore_mem>>
      %dma_start3A = arith.constant 0 : i32
      %dma_start3A_8 = tpu.memref_slice %arg16[%mul3A_0, %dma_start3A] : memref<25088x8xf32, #tpu.memory_space<vmem_shared>> -> memref<1568x8xf32, #tpu.memory_space<vmem_shared>>
      tpu.enqueue_dma source(%arg9 : memref<1568x8xf32, #tpu.memory_space<hbm>>) target(%dma_start3A_8 : memref<1568x8xf32, #tpu.memory_space<vmem_shared>>) target_semaphore(%run_scoped3A : memref<!tpu.dma_semaphore, #tpu.memory_space<semaphore_mem>>)
      %dma_wait3A = arith.constant 0 : i32
      %dma_wait3A_9 = tpu.memref_slice %arg16[%mul3A_0, %dma_wait3A] : memref<25088x8xf32, #tpu.memory_space<vmem_shared>> -> memref<1568x8xf32, #tpu.memory_space<vmem_shared>>
      tpu.wait_dma2 semaphore(%run_scoped3A : memref<!tpu.dma_semaphore, #tpu.memory_space<semaphore_mem>>) src(%arg9 : memref<1568x8xf32, #tpu.memory_space<hbm>>) dst(%dma_wait3A_9 : memref<1568x8xf32, #tpu.memory_space<vmem_shared>>)
      tpu.yield
    }) : () -> ()
    "tpu.region"() ({
      %run_scoped3A = tpu.sem_alloc : memref<!tpu.dma_semaphore, #tpu.memory_space<semaphore_mem>>
      tpu.enqueue_dma source(%arg10 : memref<128x8xf32, #tpu.memory_space<hbm>>) target(%arg20 : memref<128x8xf32, #tpu.memory_space<vmem>>) target_semaphore(%run_scoped3A : memref<!tpu.dma_semaphore, #tpu.memory_space<semaphore_mem>>)
      tpu.wait_dma2 semaphore(%run_scoped3A : memref<!tpu.dma_semaphore, #tpu.memory_space<semaphore_mem>>) src(%arg10 : memref<128x8xf32, #tpu.memory_space<hbm>>) dst(%arg20 : memref<128x8xf32, #tpu.memory_space<vmem>>)
      tpu.yield
    }) : () -> ()
    %barrier3A = arith.constant 0 : index
    tpu.barrier barrier_id(%barrier3A)
    %eq3A = arith.constant 0 : i32
    %eq3A_1 = arith.cmpi eq, %arg0, %eq3A : i32
    %convert_element_type3A = arith.extui %eq3A_1 : i1 to i32
    %cond3A = arith.constant 0 : i32
    %cond3A_2 = arith.cmpi ne, %convert_element_type3A, %cond3A : i32
    scf.if %cond3A_2 {
      %mul3A_8 = arith.constant 392 : i32
      %mul3A_9 = arith.muli %arg1, %mul3A_8 : i32
      %run_scoped3A = arith.constant 0 : i32
      "tpu.region"() ({
        %run_scoped3A_98 = tpu.sem_alloc : memref<!tpu.dma_semaphore, #tpu.memory_space<semaphore_mem>>
        %dma_start3A_99 = arith.constant 0 : i32
        %dma_start3A_100 = tpu.memref_slice %arg17[%run_scoped3A, %dma_start3A_99] : memref<2x128xi32, #tpu.memory_space<vmem>> -> memref<1x128xi32, #tpu.memory_space<vmem>>
        %dma_start3A_101 = tpu.memref_squeeze %dma_start3A_100 : memref<1x128xi32, #tpu.memory_space<vmem>> -> memref<128xi32, #tpu.memory_space<vmem>>
        %dma_start3A_102 = arith.constant 0 : i32
        %dma_start3A_103 = tpu.memref_slice %arg4[%mul3A_9, %dma_start3A_102] : memref<6274x128xi32, #tpu.memory_space<hbm>> -> memref<1x128xi32, #tpu.memory_space<hbm>>
        %dma_start3A_104 = tpu.memref_squeeze %dma_start3A_103 : memref<1x128xi32, #tpu.memory_space<hbm>> -> memref<128xi32, #tpu.memory_space<hbm>>
        %dma_start3A_105 = arith.constant 0 : i32
        %dma_start3A_106 = tpu.memref_slice %arg17[%run_scoped3A, %dma_start3A_105] : memref<2x128xi32, #tpu.memory_space<vmem>> -> memref<1x128xi32, #tpu.memory_space<vmem>>
        %dma_start3A_107 = tpu.memref_squeeze %dma_start3A_106 : memref<1x128xi32, #tpu.memory_space<vmem>> -> memref<128xi32, #tpu.memory_space<vmem>>
        %dma_start3A_108 = arith.constant 0 : i32
        %dma_start3A_109 = tpu.memref_slice %arg4[%mul3A_9, %dma_start3A_108] : memref<6274x128xi32, #tpu.memory_space<hbm>> -> memref<1x128xi32, #tpu.memory_space<hbm>>
        %dma_start3A_110 = tpu.memref_squeeze %dma_start3A_109 : memref<1x128xi32, #tpu.memory_space<hbm>> -> memref<128xi32, #tpu.memory_space<hbm>>
        tpu.enqueue_dma source(%dma_start3A_110 : memref<128xi32, #tpu.memory_space<hbm>>) target(%dma_start3A_107 : memref<128xi32, #tpu.memory_space<vmem>>) target_semaphore(%run_scoped3A_98 : memref<!tpu.dma_semaphore, #tpu.memory_space<semaphore_mem>>)
        %dma_wait3A_111 = arith.constant 0 : i32
        %dma_wait3A_112 = tpu.memref_slice %arg17[%run_scoped3A, %dma_wait3A_111] : memref<2x128xi32, #tpu.memory_space<vmem>> -> memref<1x128xi32, #tpu.memory_space<vmem>>
        %dma_wait3A_113 = tpu.memref_squeeze %dma_wait3A_112 : memref<1x128xi32, #tpu.memory_space<vmem>> -> memref<128xi32, #tpu.memory_space<vmem>>
        %dma_wait3A_114 = arith.constant 0 : i32
        %dma_wait3A_115 = tpu.memref_slice %arg4[%mul3A_9, %dma_wait3A_114] : memref<6274x128xi32, #tpu.memory_space<hbm>> -> memref<1x128xi32, #tpu.memory_space<hbm>>
        %dma_wait3A_116 = tpu.memref_squeeze %dma_wait3A_115 : memref<1x128xi32, #tpu.memory_space<hbm>> -> memref<128xi32, #tpu.memory_space<hbm>>
        %dma_wait3A_117 = arith.constant 0 : i32
        %dma_wait3A_118 = tpu.memref_slice %arg17[%run_scoped3A, %dma_wait3A_117] : memref<2x128xi32, #tpu.memory_space<vmem>> -> memref<1x128xi32, #tpu.memory_space<vmem>>
        %dma_wait3A_119 = tpu.memref_squeeze %dma_wait3A_118 : memref<1x128xi32, #tpu.memory_space<vmem>> -> memref<128xi32, #tpu.memory_space<vmem>>
        %dma_wait3A_120 = arith.constant 0 : i32
        %dma_wait3A_121 = tpu.memref_slice %arg4[%mul3A_9, %dma_wait3A_120] : memref<6274x128xi32, #tpu.memory_space<hbm>> -> memref<1x128xi32, #tpu.memory_space<hbm>>
        %dma_wait3A_122 = tpu.memref_squeeze %dma_wait3A_121 : memref<1x128xi32, #tpu.memory_space<hbm>> -> memref<128xi32, #tpu.memory_space<hbm>>
        tpu.wait_dma2 semaphore(%run_scoped3A_98 : memref<!tpu.dma_semaphore, #tpu.memory_space<semaphore_mem>>) src(%dma_wait3A_122 : memref<128xi32, #tpu.memory_space<hbm>>) dst(%dma_wait3A_119 : memref<128xi32, #tpu.memory_space<vmem>>)
        tpu.yield
      }) : () -> ()
      %run_scoped3A_10 = arith.constant 0 : i32
      "tpu.region"() ({
        %run_scoped3A_98 = tpu.sem_alloc : memref<!tpu.dma_semaphore, #tpu.memory_space<semaphore_mem>>
        %dma_start3A_99 = arith.constant 0 : i32
        %dma_start3A_100 = tpu.memref_slice %arg18[%run_scoped3A_10, %dma_start3A_99] : memref<2x128xi32, #tpu.memory_space<vmem>> -> memref<1x128xi32, #tpu.memory_space<vmem>>
        %dma_start3A_101 = tpu.memref_squeeze %dma_start3A_100 : memref<1x128xi32, #tpu.memory_space<vmem>> -> memref<128xi32, #tpu.memory_space<vmem>>
        %dma_start3A_102 = arith.constant 0 : i32
        %dma_start3A_103 = tpu.memref_slice %arg5[%mul3A_9, %dma_start3A_102] : memref<6274x128xi32, #tpu.memory_space<hbm>> -> memref<1x128xi32, #tpu.memory_space<hbm>>
        %dma_start3A_104 = tpu.memref_squeeze %dma_start3A_103 : memref<1x128xi32, #tpu.memory_space<hbm>> -> memref<128xi32, #tpu.memory_space<hbm>>
        %dma_start3A_105 = arith.constant 0 : i32
        %dma_start3A_106 = tpu.memref_slice %arg18[%run_scoped3A_10, %dma_start3A_105] : memref<2x128xi32, #tpu.memory_space<vmem>> -> memref<1x128xi32, #tpu.memory_space<vmem>>
        %dma_start3A_107 = tpu.memref_squeeze %dma_start3A_106 : memref<1x128xi32, #tpu.memory_space<vmem>> -> memref<128xi32, #tpu.memory_space<vmem>>
        %dma_start3A_108 = arith.constant 0 : i32
        %dma_start3A_109 = tpu.memref_slice %arg5[%mul3A_9, %dma_start3A_108] : memref<6274x128xi32, #tpu.memory_space<hbm>> -> memref<1x128xi32, #tpu.memory_space<hbm>>
        %dma_start3A_110 = tpu.memref_squeeze %dma_start3A_109 : memref<1x128xi32, #tpu.memory_space<hbm>> -> memref<128xi32, #tpu.memory_space<hbm>>
        tpu.enqueue_dma source(%dma_start3A_110 : memref<128xi32, #tpu.memory_space<hbm>>) target(%dma_start3A_107 : memref<128xi32, #tpu.memory_space<vmem>>) target_semaphore(%run_scoped3A_98 : memref<!tpu.dma_semaphore, #tpu.memory_space<semaphore_mem>>)
        %dma_wait3A_111 = arith.constant 0 : i32
        %dma_wait3A_112 = tpu.memref_slice %arg18[%run_scoped3A_10, %dma_wait3A_111] : memref<2x128xi32, #tpu.memory_space<vmem>> -> memref<1x128xi32, #tpu.memory_space<vmem>>
        %dma_wait3A_113 = tpu.memref_squeeze %dma_wait3A_112 : memref<1x128xi32, #tpu.memory_space<vmem>> -> memref<128xi32, #tpu.memory_space<vmem>>
        %dma_wait3A_114 = arith.constant 0 : i32
        %dma_wait3A_115 = tpu.memref_slice %arg5[%mul3A_9, %dma_wait3A_114] : memref<6274x128xi32, #tpu.memory_space<hbm>> -> memref<1x128xi32, #tpu.memory_space<hbm>>
        %dma_wait3A_116 = tpu.memref_squeeze %dma_wait3A_115 : memref<1x128xi32, #tpu.memory_space<hbm>> -> memref<128xi32, #tpu.memory_space<hbm>>
        %dma_wait3A_117 = arith.constant 0 : i32
        %dma_wait3A_118 = tpu.memref_slice %arg18[%run_scoped3A_10, %dma_wait3A_117] : memref<2x128xi32, #tpu.memory_space<vmem>> -> memref<1x128xi32, #tpu.memory_space<vmem>>
        %dma_wait3A_119 = tpu.memref_squeeze %dma_wait3A_118 : memref<1x128xi32, #tpu.memory_space<vmem>> -> memref<128xi32, #tpu.memory_space<vmem>>
        %dma_wait3A_120 = arith.constant 0 : i32
        %dma_wait3A_121 = tpu.memref_slice %arg5[%mul3A_9, %dma_wait3A_120] : memref<6274x128xi32, #tpu.memory_space<hbm>> -> memref<1x128xi32, #tpu.memory_space<hbm>>
        %dma_wait3A_122 = tpu.memref_squeeze %dma_wait3A_121 : memref<1x128xi32, #tpu.memory_space<hbm>> -> memref<128xi32, #tpu.memory_space<hbm>>
        tpu.wait_dma2 semaphore(%run_scoped3A_98 : memref<!tpu.dma_semaphore, #tpu.memory_space<semaphore_mem>>) src(%dma_wait3A_122 : memref<128xi32, #tpu.memory_space<hbm>>) dst(%dma_wait3A_119 : memref<128xi32, #tpu.memory_space<vmem>>)
        tpu.yield
      }) : () -> ()
      %dma_start3A = arith.constant 0 : i32
      %dma_start3A_11 = arith.constant 0 : i32
      %dma_start3A_12 = arith.constant 0 : i32
      %dma_start3A_13 = arith.constant 0 : i32
      %dma_start3A_14 = tpu.memref_slice %arg19[%dma_start3A_11, %dma_start3A_12, %dma_start3A_13] : memref<2x128x64xf32, #tpu.memory_space<vmem>> -> memref<1x128x64xf32, #tpu.memory_space<vmem>>
      %dma_start3A_15 = tpu.memref_squeeze %dma_start3A_14 : memref<1x128x64xf32, #tpu.memory_space<vmem>> -> memref<128x64xf32, #tpu.memory_space<vmem>>
      %dma_start3A_16 = arith.constant 0 : i32
      %dma_start3A_17 = tpu.memref_slice %arg17[%dma_start3A, %dma_start3A_16] : memref<2x128xi32, #tpu.memory_space<vmem>> -> memref<1x128xi32, #tpu.memory_space<vmem>>
      %dma_start3A_18 = tpu.memref_squeeze %dma_start3A_17 : memref<1x128xi32, #tpu.memory_space<vmem>> -> memref<128xi32, #tpu.memory_space<vmem>>
      %dma_start3A_19 = arith.constant 0 : i32
      %dma_start3A_20 = arith.constant 0 : i32
      %dma_start3A_21 = tpu.memref_slice %arg3[%dma_start3A_19, %dma_start3A_20] : memref<25000x64xf32, #tpu.memory_space<hbm>> -> memref<25000x64xf32, #tpu.memory_space<hbm>>
      tpu.enqueue_indirect_dma source(%dma_start3A_21 : memref<25000x64xf32, #tpu.memory_space<hbm>>) target(%dma_start3A_15 : memref<128x64xf32, #tpu.memory_space<vmem>>) offsets(%dma_start3A_18 : memref<128xi32, #tpu.memory_space<vmem>>) semaphore(%arg21 : memref<!tpu.dma_semaphore, #tpu.memory_space<semaphore_mem>>)
      %add3A = arith.constant 1 : i32
      %add3A_22 = arith.addi %mul3A_9, %add3A : i32
      %dma_start3A_23 = arith.constant 1 : i32
      %dma_start3A_24 = arith.constant 0 : i32
      %dma_start3A_25 = tpu.memref_slice %arg17[%dma_start3A_23, %dma_start3A_24] : memref<2x128xi32, #tpu.memory_space<vmem>> -> memref<1x128xi32, #tpu.memory_space<vmem>>
      %dma_start3A_26 = tpu.memref_squeeze %dma_start3A_25 : memref<1x128xi32, #tpu.memory_space<vmem>> -> memref<128xi32, #tpu.memory_space<vmem>>
      %dma_start3A_27 = arith.constant 0 : i32
      %dma_start3A_28 = tpu.memref_slice %arg4[%add3A_22, %dma_start3A_27] : memref<6274x128xi32, #tpu.memory_space<hbm>> -> memref<1x128xi32, #tpu.memory_space<hbm>>
      %dma_start3A_29 = tpu.memref_squeeze %dma_start3A_28 : memref<1x128xi32, #tpu.memory_space<hbm>> -> memref<128xi32, #tpu.memory_space<hbm>>
      %dma_start3A_30 = arith.constant 0 : i32
      %dma_start3A_31 = tpu.memref_slice %arg17[%dma_start3A_23, %dma_start3A_30] : memref<2x128xi32, #tpu.memory_space<vmem>> -> memref<1x128xi32, #tpu.memory_space<vmem>>
      %dma_start3A_32 = tpu.memref_squeeze %dma_start3A_31 : memref<1x128xi32, #tpu.memory_space<vmem>> -> memref<128xi32, #tpu.memory_space<vmem>>
      %dma_start3A_33 = arith.constant 0 : i32
      %dma_start3A_34 = tpu.memref_slice %arg4[%add3A_22, %dma_start3A_33] : memref<6274x128xi32, #tpu.memory_space<hbm>> -> memref<1x128xi32, #tpu.memory_space<hbm>>
      %dma_start3A_35 = tpu.memref_squeeze %dma_start3A_34 : memref<1x128xi32, #tpu.memory_space<hbm>> -> memref<128xi32, #tpu.memory_space<hbm>>
      tpu.enqueue_dma source(%dma_start3A_35 : memref<128xi32, #tpu.memory_space<hbm>>) target(%dma_start3A_32 : memref<128xi32, #tpu.memory_space<vmem>>) target_semaphore(%arg23 : memref<!tpu.dma_semaphore, #tpu.memory_space<semaphore_mem>>)
      %scan3A = arith.constant 0 : i32
      %scan3A_36 = arith.constant 0 : i32
      %scan3A_37 = arith.constant 196 : i32
      %scan3A_38 = arith.addi %scan3A_36, %scan3A_37 : i32
      %scan3A_39 = arith.constant 1 : i32
      scf.for %scan3A_98 = %scan3A_36 to %scan3A_38 step %scan3A_39  : i32 {
        %mul3A_99 = arith.constant 2 : i32
        %mul3A_100 = arith.muli %mul3A_99, %scan3A_98 : i32
        %add3A_101 = arith.addi %mul3A_9, %mul3A_100 : i32
        %gt3A = arith.constant 0 : i32
        %gt3A_102 = arith.cmpi sgt, %scan3A_98, %gt3A : i32
        %convert_element_type3A_103 = arith.extui %gt3A_102 : i1 to i32
        %cond3A_104 = arith.constant 0 : i32
        %cond3A_105 = arith.cmpi ne, %convert_element_type3A_103, %cond3A_104 : i32
        scf.if %cond3A_105 {
          %dma_wait3A_316 = arith.constant 1 : i32
          %dma_wait3A_317 = arith.constant 1 : i32
          %dma_wait3A_318 = arith.constant 0 : i32
          %dma_wait3A_319 = arith.constant 0 : i32
          %dma_wait3A_320 = tpu.memref_slice %arg19[%dma_wait3A_316, %dma_wait3A_318, %dma_wait3A_319] : memref<2x128x64xf32, #tpu.memory_space<vmem>> -> memref<1x128x64xf32, #tpu.memory_space<vmem>>
          %dma_wait3A_321 = tpu.memref_squeeze %dma_wait3A_320 : memref<1x128x64xf32, #tpu.memory_space<vmem>> -> memref<128x64xf32, #tpu.memory_space<vmem>>
          %dma_wait3A_322 = arith.constant 0 : i32
          %dma_wait3A_323 = tpu.memref_slice %arg18[%dma_wait3A_317, %dma_wait3A_322] : memref<2x128xi32, #tpu.memory_space<vmem>> -> memref<1x128xi32, #tpu.memory_space<vmem>>
          %dma_wait3A_324 = tpu.memref_squeeze %dma_wait3A_323 : memref<1x128xi32, #tpu.memory_space<vmem>> -> memref<128xi32, #tpu.memory_space<vmem>>
          %dma_wait3A_325 = arith.constant 0 : i32
          %dma_wait3A_326 = arith.constant 0 : i32
          %dma_wait3A_327 = tpu.memref_slice %arg15[%dma_wait3A_325, %dma_wait3A_326] : memref<25088x64xf32, #tpu.memory_space<vmem_shared>> -> memref<25088x64xf32, #tpu.memory_space<vmem_shared>>
          tpu.wait_indirect_dma semaphore(%arg26 : memref<!tpu.dma_semaphore, #tpu.memory_space<semaphore_mem>>) src(%dma_wait3A_321 : memref<128x64xf32, #tpu.memory_space<vmem>>) dst(%dma_wait3A_327 : memref<25088x64xf32, #tpu.memory_space<vmem_shared>>)
          %dma_wait3A_328 = arith.constant 1 : i32
          %dma_wait3A_329 = arith.constant 0 : i32
          %dma_wait3A_330 = tpu.memref_slice %arg18[%dma_wait3A_328, %dma_wait3A_329] : memref<2x128xi32, #tpu.memory_space<vmem>> -> memref<1x128xi32, #tpu.memory_space<vmem>>
          %dma_wait3A_331 = tpu.memref_squeeze %dma_wait3A_330 : memref<1x128xi32, #tpu.memory_space<vmem>> -> memref<128xi32, #tpu.memory_space<vmem>>
          %dma_wait3A_332 = arith.constant 0 : i32
          %dma_wait3A_333 = arith.constant 0 : i32
          %dma_wait3A_334 = tpu.memref_slice %arg16[%dma_wait3A_332, %dma_wait3A_333] : memref<25088x8xf32, #tpu.memory_space<vmem_shared>> -> memref<25088x8xf32, #tpu.memory_space<vmem_shared>>
          tpu.wait_indirect_dma semaphore(%arg26 : memref<!tpu.dma_semaphore, #tpu.memory_space<semaphore_mem>>) src(%arg20 : memref<128x8xf32, #tpu.memory_space<vmem>>) dst(%dma_wait3A_334 : memref<25088x8xf32, #tpu.memory_space<vmem_shared>>)
          %dma_wait3A_335 = arith.constant 0 : i32
          %dma_wait3A_336 = arith.constant 0 : i32
          %dma_wait3A_337 = tpu.memref_slice %arg18[%dma_wait3A_335, %dma_wait3A_336] : memref<2x128xi32, #tpu.memory_space<vmem>> -> memref<1x128xi32, #tpu.memory_space<vmem>>
          %dma_wait3A_338 = tpu.memref_squeeze %dma_wait3A_337 : memref<1x128xi32, #tpu.memory_space<vmem>> -> memref<128xi32, #tpu.memory_space<vmem>>
          %dma_wait3A_339 = arith.constant 0 : i32
          %dma_wait3A_340 = tpu.memref_slice %arg5[%add3A_101, %dma_wait3A_339] : memref<6274x128xi32, #tpu.memory_space<hbm>> -> memref<1x128xi32, #tpu.memory_space<hbm>>
          %dma_wait3A_341 = tpu.memref_squeeze %dma_wait3A_340 : memref<1x128xi32, #tpu.memory_space<hbm>> -> memref<128xi32, #tpu.memory_space<hbm>>
          %dma_wait3A_342 = arith.constant 0 : i32
          %dma_wait3A_343 = tpu.memref_slice %arg18[%dma_wait3A_335, %dma_wait3A_342] : memref<2x128xi32, #tpu.memory_space<vmem>> -> memref<1x128xi32, #tpu.memory_space<vmem>>
          %dma_wait3A_344 = tpu.memref_squeeze %dma_wait3A_343 : memref<1x128xi32, #tpu.memory_space<vmem>> -> memref<128xi32, #tpu.memory_space<vmem>>
          %dma_wait3A_345 = arith.constant 0 : i32
          %dma_wait3A_346 = tpu.memref_slice %arg5[%add3A_101, %dma_wait3A_345] : memref<6274x128xi32, #tpu.memory_space<hbm>> -> memref<1x128xi32, #tpu.memory_space<hbm>>
          %dma_wait3A_347 = tpu.memref_squeeze %dma_wait3A_346 : memref<1x128xi32, #tpu.memory_space<hbm>> -> memref<128xi32, #tpu.memory_space<hbm>>
          tpu.wait_dma2 semaphore(%arg24 : memref<!tpu.dma_semaphore, #tpu.memory_space<semaphore_mem>>) src(%dma_wait3A_347 : memref<128xi32, #tpu.memory_space<hbm>>) dst(%dma_wait3A_344 : memref<128xi32, #tpu.memory_space<vmem>>)
        } else {
        }
        %add3A_106 = arith.constant 1 : i32
        %add3A_107 = arith.addi %add3A_101, %add3A_106 : i32
        %dma_start3A_108 = arith.constant 1 : i32
        %dma_start3A_109 = arith.constant 0 : i32
        %dma_start3A_110 = tpu.memref_slice %arg18[%dma_start3A_108, %dma_start3A_109] : memref<2x128xi32, #tpu.memory_space<vmem>> -> memref<1x128xi32, #tpu.memory_space<vmem>>
        %dma_start3A_111 = tpu.memref_squeeze %dma_start3A_110 : memref<1x128xi32, #tpu.memory_space<vmem>> -> memref<128xi32, #tpu.memory_space<vmem>>
        %dma_start3A_112 = arith.constant 0 : i32
        %dma_start3A_113 = tpu.memref_slice %arg5[%add3A_107, %dma_start3A_112] : memref<6274x128xi32, #tpu.memory_space<hbm>> -> memref<1x128xi32, #tpu.memory_space<hbm>>
        %dma_start3A_114 = tpu.memref_squeeze %dma_start3A_113 : memref<1x128xi32, #tpu.memory_space<hbm>> -> memref<128xi32, #tpu.memory_space<hbm>>
        %dma_start3A_115 = arith.constant 0 : i32
        %dma_start3A_116 = tpu.memref_slice %arg18[%dma_start3A_108, %dma_start3A_115] : memref<2x128xi32, #tpu.memory_space<vmem>> -> memref<1x128xi32, #tpu.memory_space<vmem>>
        %dma_start3A_117 = tpu.memref_squeeze %dma_start3A_116 : memref<1x128xi32, #tpu.memory_space<vmem>> -> memref<128xi32, #tpu.memory_space<vmem>>
        %dma_start3A_118 = arith.constant 0 : i32
        %dma_start3A_119 = tpu.memref_slice %arg5[%add3A_107, %dma_start3A_118] : memref<6274x128xi32, #tpu.memory_space<hbm>> -> memref<1x128xi32, #tpu.memory_space<hbm>>
        %dma_start3A_120 = tpu.memref_squeeze %dma_start3A_119 : memref<1x128xi32, #tpu.memory_space<hbm>> -> memref<128xi32, #tpu.memory_space<hbm>>
        tpu.enqueue_dma source(%dma_start3A_120 : memref<128xi32, #tpu.memory_space<hbm>>) target(%dma_start3A_117 : memref<128xi32, #tpu.memory_space<vmem>>) target_semaphore(%arg24 : memref<!tpu.dma_semaphore, #tpu.memory_space<semaphore_mem>>)
        %add3A_121 = arith.constant 1 : i32
        %add3A_122 = arith.addi %add3A_101, %add3A_121 : i32
        %dma_wait3A_123 = arith.constant 1 : i32
        %dma_wait3A_124 = arith.constant 0 : i32
        %dma_wait3A_125 = tpu.memref_slice %arg17[%dma_wait3A_123, %dma_wait3A_124] : memref<2x128xi32, #tpu.memory_space<vmem>> -> memref<1x128xi32, #tpu.memory_space<vmem>>
        %dma_wait3A_126 = tpu.memref_squeeze %dma_wait3A_125 : memref<1x128xi32, #tpu.memory_space<vmem>> -> memref<128xi32, #tpu.memory_space<vmem>>
        %dma_wait3A_127 = arith.constant 0 : i32
        %dma_wait3A_128 = tpu.memref_slice %arg4[%add3A_122, %dma_wait3A_127] : memref<6274x128xi32, #tpu.memory_space<hbm>> -> memref<1x128xi32, #tpu.memory_space<hbm>>
        %dma_wait3A_129 = tpu.memref_squeeze %dma_wait3A_128 : memref<1x128xi32, #tpu.memory_space<hbm>> -> memref<128xi32, #tpu.memory_space<hbm>>
        %dma_wait3A_130 = arith.constant 0 : i32
        %dma_wait3A_131 = tpu.memref_slice %arg17[%dma_wait3A_123, %dma_wait3A_130] : memref<2x128xi32, #tpu.memory_space<vmem>> -> memref<1x128xi32, #tpu.memory_space<vmem>>
        %dma_wait3A_132 = tpu.memref_squeeze %dma_wait3A_131 : memref<1x128xi32, #tpu.memory_space<vmem>> -> memref<128xi32, #tpu.memory_space<vmem>>
        %dma_wait3A_133 = arith.constant 0 : i32
        %dma_wait3A_134 = tpu.memref_slice %arg4[%add3A_122, %dma_wait3A_133] : memref<6274x128xi32, #tpu.memory_space<hbm>> -> memref<1x128xi32, #tpu.memory_space<hbm>>
        %dma_wait3A_135 = tpu.memref_squeeze %dma_wait3A_134 : memref<1x128xi32, #tpu.memory_space<hbm>> -> memref<128xi32, #tpu.memory_space<hbm>>
        tpu.wait_dma2 semaphore(%arg23 : memref<!tpu.dma_semaphore, #tpu.memory_space<semaphore_mem>>) src(%dma_wait3A_135 : memref<128xi32, #tpu.memory_space<hbm>>) dst(%dma_wait3A_132 : memref<128xi32, #tpu.memory_space<vmem>>)
        %dma_start3A_136 = arith.constant 1 : i32
        %dma_start3A_137 = arith.constant 1 : i32
        %dma_start3A_138 = arith.constant 0 : i32
        %dma_start3A_139 = arith.constant 0 : i32
        %dma_start3A_140 = tpu.memref_slice %arg19[%dma_start3A_137, %dma_start3A_138, %dma_start3A_139] : memref<2x128x64xf32, #tpu.memory_space<vmem>> -> memref<1x128x64xf32, #tpu.memory_space<vmem>>
        %dma_start3A_141 = tpu.memref_squeeze %dma_start3A_140 : memref<1x128x64xf32, #tpu.memory_space<vmem>> -> memref<128x64xf32, #tpu.memory_space<vmem>>
        %dma_start3A_142 = arith.constant 0 : i32
        %dma_start3A_143 = tpu.memref_slice %arg17[%dma_start3A_136, %dma_start3A_142] : memref<2x128xi32, #tpu.memory_space<vmem>> -> memref<1x128xi32, #tpu.memory_space<vmem>>
        %dma_start3A_144 = tpu.memref_squeeze %dma_start3A_143 : memref<1x128xi32, #tpu.memory_space<vmem>> -> memref<128xi32, #tpu.memory_space<vmem>>
        %dma_start3A_145 = arith.constant 0 : i32
        %dma_start3A_146 = arith.constant 0 : i32
        %dma_start3A_147 = tpu.memref_slice %arg3[%dma_start3A_145, %dma_start3A_146] : memref<25000x64xf32, #tpu.memory_space<hbm>> -> memref<25000x64xf32, #tpu.memory_space<hbm>>
        tpu.enqueue_indirect_dma source(%dma_start3A_147 : memref<25000x64xf32, #tpu.memory_space<hbm>>) target(%dma_start3A_141 : memref<128x64xf32, #tpu.memory_space<vmem>>) offsets(%dma_start3A_144 : memref<128xi32, #tpu.memory_space<vmem>>) semaphore(%arg22 : memref<!tpu.dma_semaphore, #tpu.memory_space<semaphore_mem>>)
        %dma_wait3A_148 = arith.constant 0 : i32
        %dma_wait3A_149 = arith.constant 0 : i32
        %dma_wait3A_150 = arith.constant 0 : i32
        %dma_wait3A_151 = arith.constant 0 : i32
        %dma_wait3A_152 = tpu.memref_slice %arg19[%dma_wait3A_149, %dma_wait3A_150, %dma_wait3A_151] : memref<2x128x64xf32, #tpu.memory_space<vmem>> -> memref<1x128x64xf32, #tpu.memory_space<vmem>>
        %dma_wait3A_153 = tpu.memref_squeeze %dma_wait3A_152 : memref<1x128x64xf32, #tpu.memory_space<vmem>> -> memref<128x64xf32, #tpu.memory_space<vmem>>
        %dma_wait3A_154 = arith.constant 0 : i32
        %dma_wait3A_155 = tpu.memref_slice %arg17[%dma_wait3A_148, %dma_wait3A_154] : memref<2x128xi32, #tpu.memory_space<vmem>> -> memref<1x128xi32, #tpu.memory_space<vmem>>
        %dma_wait3A_156 = tpu.memref_squeeze %dma_wait3A_155 : memref<1x128xi32, #tpu.memory_space<vmem>> -> memref<128xi32, #tpu.memory_space<vmem>>
        %dma_wait3A_157 = arith.constant 0 : i32
        %dma_wait3A_158 = arith.constant 0 : i32
        %dma_wait3A_159 = tpu.memref_slice %arg3[%dma_wait3A_157, %dma_wait3A_158] : memref<25000x64xf32, #tpu.memory_space<hbm>> -> memref<25000x64xf32, #tpu.memory_space<hbm>>
        tpu.wait_indirect_dma semaphore(%arg21 : memref<!tpu.dma_semaphore, #tpu.memory_space<semaphore_mem>>) src(%dma_wait3A_159 : memref<25000x64xf32, #tpu.memory_space<hbm>>) dst(%dma_wait3A_153 : memref<128x64xf32, #tpu.memory_space<vmem>>)
        %add3A_160 = arith.constant 2 : i32
        %add3A_161 = arith.addi %add3A_101, %add3A_160 : i32
        %dma_start3A_162 = arith.constant 0 : i32
        %dma_start3A_163 = arith.constant 0 : i32
        %dma_start3A_164 = tpu.memref_slice %arg17[%dma_start3A_162, %dma_start3A_163] : memref<2x128xi32, #tpu.memory_space<vmem>> -> memref<1x128xi32, #tpu.memory_space<vmem>>
        %dma_start3A_165 = tpu.memref_squeeze %dma_start3A_164 : memref<1x128xi32, #tpu.memory_space<vmem>> -> memref<128xi32, #tpu.memory_space<vmem>>
        %dma_start3A_166 = arith.constant 0 : i32
        %dma_start3A_167 = tpu.memref_slice %arg4[%add3A_161, %dma_start3A_166] : memref<6274x128xi32, #tpu.memory_space<hbm>> -> memref<1x128xi32, #tpu.memory_space<hbm>>
        %dma_start3A_168 = tpu.memref_squeeze %dma_start3A_167 : memref<1x128xi32, #tpu.memory_space<hbm>> -> memref<128xi32, #tpu.memory_space<hbm>>
        %dma_start3A_169 = arith.constant 0 : i32
        %dma_start3A_170 = tpu.memref_slice %arg17[%dma_start3A_162, %dma_start3A_169] : memref<2x128xi32, #tpu.memory_space<vmem>> -> memref<1x128xi32, #tpu.memory_space<vmem>>
        %dma_start3A_171 = tpu.memref_squeeze %dma_start3A_170 : memref<1x128xi32, #tpu.memory_space<vmem>> -> memref<128xi32, #tpu.memory_space<vmem>>
        %dma_start3A_172 = arith.constant 0 : i32
        %dma_start3A_173 = tpu.memref_slice %arg4[%add3A_161, %dma_start3A_172] : memref<6274x128xi32, #tpu.memory_space<hbm>> -> memref<1x128xi32, #tpu.memory_space<hbm>>
        %dma_start3A_174 = tpu.memref_squeeze %dma_start3A_173 : memref<1x128xi32, #tpu.memory_space<hbm>> -> memref<128xi32, #tpu.memory_space<hbm>>
        tpu.enqueue_dma source(%dma_start3A_174 : memref<128xi32, #tpu.memory_space<hbm>>) target(%dma_start3A_171 : memref<128xi32, #tpu.memory_space<vmem>>) target_semaphore(%arg23 : memref<!tpu.dma_semaphore, #tpu.memory_space<semaphore_mem>>)
        %dma_start3A_175 = arith.constant 0 : i32
        %dma_start3A_176 = arith.constant 0 : i32
        %dma_start3A_177 = arith.constant 0 : i32
        %dma_start3A_178 = arith.constant 0 : i32
        %dma_start3A_179 = tpu.memref_slice %arg19[%dma_start3A_175, %dma_start3A_177, %dma_start3A_178] : memref<2x128x64xf32, #tpu.memory_space<vmem>> -> memref<1x128x64xf32, #tpu.memory_space<vmem>>
        %dma_start3A_180 = tpu.memref_squeeze %dma_start3A_179 : memref<1x128x64xf32, #tpu.memory_space<vmem>> -> memref<128x64xf32, #tpu.memory_space<vmem>>
        %dma_start3A_181 = arith.constant 0 : i32
        %dma_start3A_182 = tpu.memref_slice %arg18[%dma_start3A_176, %dma_start3A_181] : memref<2x128xi32, #tpu.memory_space<vmem>> -> memref<1x128xi32, #tpu.memory_space<vmem>>
        %dma_start3A_183 = tpu.memref_squeeze %dma_start3A_182 : memref<1x128xi32, #tpu.memory_space<vmem>> -> memref<128xi32, #tpu.memory_space<vmem>>
        %dma_start3A_184 = arith.constant 0 : i32
        %dma_start3A_185 = arith.constant 0 : i32
        %dma_start3A_186 = tpu.memref_slice %arg15[%dma_start3A_184, %dma_start3A_185] : memref<25088x64xf32, #tpu.memory_space<vmem_shared>> -> memref<25088x64xf32, #tpu.memory_space<vmem_shared>>
        tpu.enqueue_indirect_dma source(%dma_start3A_180 : memref<128x64xf32, #tpu.memory_space<vmem>>) target(%dma_start3A_186 : memref<25088x64xf32, #tpu.memory_space<vmem_shared>>) offsets(%dma_start3A_183 : memref<128xi32, #tpu.memory_space<vmem>>) semaphore(%arg25 : memref<!tpu.dma_semaphore, #tpu.memory_space<semaphore_mem>>) {add = true}
        %dma_start3A_187 = arith.constant 0 : i32
        %dma_start3A_188 = arith.constant 0 : i32
        %dma_start3A_189 = tpu.memref_slice %arg18[%dma_start3A_187, %dma_start3A_188] : memref<2x128xi32, #tpu.memory_space<vmem>> -> memref<1x128xi32, #tpu.memory_space<vmem>>
        %dma_start3A_190 = tpu.memref_squeeze %dma_start3A_189 : memref<1x128xi32, #tpu.memory_space<vmem>> -> memref<128xi32, #tpu.memory_space<vmem>>
        %dma_start3A_191 = arith.constant 0 : i32
        %dma_start3A_192 = arith.constant 0 : i32
        %dma_start3A_193 = tpu.memref_slice %arg16[%dma_start3A_191, %dma_start3A_192] : memref<25088x8xf32, #tpu.memory_space<vmem_shared>> -> memref<25088x8xf32, #tpu.memory_space<vmem_shared>>
        tpu.enqueue_indirect_dma source(%arg20 : memref<128x8xf32, #tpu.memory_space<vmem>>) target(%dma_start3A_193 : memref<25088x8xf32, #tpu.memory_space<vmem_shared>>) offsets(%dma_start3A_190 : memref<128xi32, #tpu.memory_space<vmem>>) semaphore(%arg25 : memref<!tpu.dma_semaphore, #tpu.memory_space<semaphore_mem>>) {add = true}
        %add3A_194 = arith.constant 1 : i32
        %add3A_195 = arith.addi %add3A_101, %add3A_194 : i32
        %dma_wait3A_196 = arith.constant 0 : i32
        %dma_wait3A_197 = arith.constant 0 : i32
        %dma_wait3A_198 = arith.constant 0 : i32
        %dma_wait3A_199 = arith.constant 0 : i32
        %dma_wait3A_200 = tpu.memref_slice %arg19[%dma_wait3A_196, %dma_wait3A_198, %dma_wait3A_199] : memref<2x128x64xf32, #tpu.memory_space<vmem>> -> memref<1x128x64xf32, #tpu.memory_space<vmem>>
        %dma_wait3A_201 = tpu.memref_squeeze %dma_wait3A_200 : memref<1x128x64xf32, #tpu.memory_space<vmem>> -> memref<128x64xf32, #tpu.memory_space<vmem>>
        %dma_wait3A_202 = arith.constant 0 : i32
        %dma_wait3A_203 = tpu.memref_slice %arg18[%dma_wait3A_197, %dma_wait3A_202] : memref<2x128xi32, #tpu.memory_space<vmem>> -> memref<1x128xi32, #tpu.memory_space<vmem>>
        %dma_wait3A_204 = tpu.memref_squeeze %dma_wait3A_203 : memref<1x128xi32, #tpu.memory_space<vmem>> -> memref<128xi32, #tpu.memory_space<vmem>>
        %dma_wait3A_205 = arith.constant 0 : i32
        %dma_wait3A_206 = arith.constant 0 : i32
        %dma_wait3A_207 = tpu.memref_slice %arg15[%dma_wait3A_205, %dma_wait3A_206] : memref<25088x64xf32, #tpu.memory_space<vmem_shared>> -> memref<25088x64xf32, #tpu.memory_space<vmem_shared>>
        tpu.wait_indirect_dma semaphore(%arg25 : memref<!tpu.dma_semaphore, #tpu.memory_space<semaphore_mem>>) src(%dma_wait3A_201 : memref<128x64xf32, #tpu.memory_space<vmem>>) dst(%dma_wait3A_207 : memref<25088x64xf32, #tpu.memory_space<vmem_shared>>)
        %dma_wait3A_208 = arith.constant 0 : i32
        %dma_wait3A_209 = arith.constant 0 : i32
        %dma_wait3A_210 = tpu.memref_slice %arg18[%dma_wait3A_208, %dma_wait3A_209] : memref<2x128xi32, #tpu.memory_space<vmem>> -> memref<1x128xi32, #tpu.memory_space<vmem>>
        %dma_wait3A_211 = tpu.memref_squeeze %dma_wait3A_210 : memref<1x128xi32, #tpu.memory_space<vmem>> -> memref<128xi32, #tpu.memory_space<vmem>>
        %dma_wait3A_212 = arith.constant 0 : i32
        %dma_wait3A_213 = arith.constant 0 : i32
        %dma_wait3A_214 = tpu.memref_slice %arg16[%dma_wait3A_212, %dma_wait3A_213] : memref<25088x8xf32, #tpu.memory_space<vmem_shared>> -> memref<25088x8xf32, #tpu.memory_space<vmem_shared>>
        tpu.wait_indirect_dma semaphore(%arg25 : memref<!tpu.dma_semaphore, #tpu.memory_space<semaphore_mem>>) src(%arg20 : memref<128x8xf32, #tpu.memory_space<vmem>>) dst(%dma_wait3A_214 : memref<25088x8xf32, #tpu.memory_space<vmem_shared>>)
        %dma_wait3A_215 = arith.constant 1 : i32
        %dma_wait3A_216 = arith.constant 0 : i32
        %dma_wait3A_217 = tpu.memref_slice %arg18[%dma_wait3A_215, %dma_wait3A_216] : memref<2x128xi32, #tpu.memory_space<vmem>> -> memref<1x128xi32, #tpu.memory_space<vmem>>
        %dma_wait3A_218 = tpu.memref_squeeze %dma_wait3A_217 : memref<1x128xi32, #tpu.memory_space<vmem>> -> memref<128xi32, #tpu.memory_space<vmem>>
        %dma_wait3A_219 = arith.constant 0 : i32
        %dma_wait3A_220 = tpu.memref_slice %arg5[%add3A_195, %dma_wait3A_219] : memref<6274x128xi32, #tpu.memory_space<hbm>> -> memref<1x128xi32, #tpu.memory_space<hbm>>
        %dma_wait3A_221 = tpu.memref_squeeze %dma_wait3A_220 : memref<1x128xi32, #tpu.memory_space<hbm>> -> memref<128xi32, #tpu.memory_space<hbm>>
        %dma_wait3A_222 = arith.constant 0 : i32
        %dma_wait3A_223 = tpu.memref_slice %arg18[%dma_wait3A_215, %dma_wait3A_222] : memref<2x128xi32, #tpu.memory_space<vmem>> -> memref<1x128xi32, #tpu.memory_space<vmem>>
        %dma_wait3A_224 = tpu.memref_squeeze %dma_wait3A_223 : memref<1x128xi32, #tpu.memory_space<vmem>> -> memref<128xi32, #tpu.memory_space<vmem>>
        %dma_wait3A_225 = arith.constant 0 : i32
        %dma_wait3A_226 = tpu.memref_slice %arg5[%add3A_195, %dma_wait3A_225] : memref<6274x128xi32, #tpu.memory_space<hbm>> -> memref<1x128xi32, #tpu.memory_space<hbm>>
        %dma_wait3A_227 = tpu.memref_squeeze %dma_wait3A_226 : memref<1x128xi32, #tpu.memory_space<hbm>> -> memref<128xi32, #tpu.memory_space<hbm>>
        tpu.wait_dma2 semaphore(%arg24 : memref<!tpu.dma_semaphore, #tpu.memory_space<semaphore_mem>>) src(%dma_wait3A_227 : memref<128xi32, #tpu.memory_space<hbm>>) dst(%dma_wait3A_224 : memref<128xi32, #tpu.memory_space<vmem>>)
        %add3A_228 = arith.constant 1 : i32
        %add3A_229 = arith.addi %add3A_195, %add3A_228 : i32
        %dma_start3A_230 = arith.constant 0 : i32
        %dma_start3A_231 = arith.constant 0 : i32
        %dma_start3A_232 = tpu.memref_slice %arg18[%dma_start3A_230, %dma_start3A_231] : memref<2x128xi32, #tpu.memory_space<vmem>> -> memref<1x128xi32, #tpu.memory_space<vmem>>
        %dma_start3A_233 = tpu.memref_squeeze %dma_start3A_232 : memref<1x128xi32, #tpu.memory_space<vmem>> -> memref<128xi32, #tpu.memory_space<vmem>>
        %dma_start3A_234 = arith.constant 0 : i32
        %dma_start3A_235 = tpu.memref_slice %arg5[%add3A_229, %dma_start3A_234] : memref<6274x128xi32, #tpu.memory_space<hbm>> -> memref<1x128xi32, #tpu.memory_space<hbm>>
        %dma_start3A_236 = tpu.memref_squeeze %dma_start3A_235 : memref<1x128xi32, #tpu.memory_space<hbm>> -> memref<128xi32, #tpu.memory_space<hbm>>
        %dma_start3A_237 = arith.constant 0 : i32
        %dma_start3A_238 = tpu.memref_slice %arg18[%dma_start3A_230, %dma_start3A_237] : memref<2x128xi32, #tpu.memory_space<vmem>> -> memref<1x128xi32, #tpu.memory_space<vmem>>
        %dma_start3A_239 = tpu.memref_squeeze %dma_start3A_238 : memref<1x128xi32, #tpu.memory_space<vmem>> -> memref<128xi32, #tpu.memory_space<vmem>>
        %dma_start3A_240 = arith.constant 0 : i32
        %dma_start3A_241 = tpu.memref_slice %arg5[%add3A_229, %dma_start3A_240] : memref<6274x128xi32, #tpu.memory_space<hbm>> -> memref<1x128xi32, #tpu.memory_space<hbm>>
        %dma_start3A_242 = tpu.memref_squeeze %dma_start3A_241 : memref<1x128xi32, #tpu.memory_space<hbm>> -> memref<128xi32, #tpu.memory_space<hbm>>
        tpu.enqueue_dma source(%dma_start3A_242 : memref<128xi32, #tpu.memory_space<hbm>>) target(%dma_start3A_239 : memref<128xi32, #tpu.memory_space<vmem>>) target_semaphore(%arg24 : memref<!tpu.dma_semaphore, #tpu.memory_space<semaphore_mem>>)
        %add3A_243 = arith.constant 1 : i32
        %add3A_244 = arith.addi %add3A_195, %add3A_243 : i32
        %dma_wait3A_245 = arith.constant 0 : i32
        %dma_wait3A_246 = arith.constant 0 : i32
        %dma_wait3A_247 = tpu.memref_slice %arg17[%dma_wait3A_245, %dma_wait3A_246] : memref<2x128xi32, #tpu.memory_space<vmem>> -> memref<1x128xi32, #tpu.memory_space<vmem>>
        %dma_wait3A_248 = tpu.memref_squeeze %dma_wait3A_247 : memref<1x128xi32, #tpu.memory_space<vmem>> -> memref<128xi32, #tpu.memory_space<vmem>>
        %dma_wait3A_249 = arith.constant 0 : i32
        %dma_wait3A_250 = tpu.memref_slice %arg4[%add3A_244, %dma_wait3A_249] : memref<6274x128xi32, #tpu.memory_space<hbm>> -> memref<1x128xi32, #tpu.memory_space<hbm>>
        %dma_wait3A_251 = tpu.memref_squeeze %dma_wait3A_250 : memref<1x128xi32, #tpu.memory_space<hbm>> -> memref<128xi32, #tpu.memory_space<hbm>>
        %dma_wait3A_252 = arith.constant 0 : i32
        %dma_wait3A_253 = tpu.memref_slice %arg17[%dma_wait3A_245, %dma_wait3A_252] : memref<2x128xi32, #tpu.memory_space<vmem>> -> memref<1x128xi32, #tpu.memory_space<vmem>>
        %dma_wait3A_254 = tpu.memref_squeeze %dma_wait3A_253 : memref<1x128xi32, #tpu.memory_space<vmem>> -> memref<128xi32, #tpu.memory_space<vmem>>
        %dma_wait3A_255 = arith.constant 0 : i32
        %dma_wait3A_256 = tpu.memref_slice %arg4[%add3A_244, %dma_wait3A_255] : memref<6274x128xi32, #tpu.memory_space<hbm>> -> memref<1x128xi32, #tpu.memory_space<hbm>>
        %dma_wait3A_257 = tpu.memref_squeeze %dma_wait3A_256 : memref<1x128xi32, #tpu.memory_space<hbm>> -> memref<128xi32, #tpu.memory_space<hbm>>
        tpu.wait_dma2 semaphore(%arg23 : memref<!tpu.dma_semaphore, #tpu.memory_space<semaphore_mem>>) src(%dma_wait3A_257 : memref<128xi32, #tpu.memory_space<hbm>>) dst(%dma_wait3A_254 : memref<128xi32, #tpu.memory_space<vmem>>)
        %dma_start3A_258 = arith.constant 0 : i32
        %dma_start3A_259 = arith.constant 0 : i32
        %dma_start3A_260 = arith.constant 0 : i32
        %dma_start3A_261 = arith.constant 0 : i32
        %dma_start3A_262 = tpu.memref_slice %arg19[%dma_start3A_259, %dma_start3A_260, %dma_start3A_261] : memref<2x128x64xf32, #tpu.memory_space<vmem>> -> memref<1x128x64xf32, #tpu.memory_space<vmem>>
        %dma_start3A_263 = tpu.memref_squeeze %dma_start3A_262 : memref<1x128x64xf32, #tpu.memory_space<vmem>> -> memref<128x64xf32, #tpu.memory_space<vmem>>
        %dma_start3A_264 = arith.constant 0 : i32
        %dma_start3A_265 = tpu.memref_slice %arg17[%dma_start3A_258, %dma_start3A_264] : memref<2x128xi32, #tpu.memory_space<vmem>> -> memref<1x128xi32, #tpu.memory_space<vmem>>
        %dma_start3A_266 = tpu.memref_squeeze %dma_start3A_265 : memref<1x128xi32, #tpu.memory_space<vmem>> -> memref<128xi32, #tpu.memory_space<vmem>>
        %dma_start3A_267 = arith.constant 0 : i32
        %dma_start3A_268 = arith.constant 0 : i32
        %dma_start3A_269 = tpu.memref_slice %arg3[%dma_start3A_267, %dma_start3A_268] : memref<25000x64xf32, #tpu.memory_space<hbm>> -> memref<25000x64xf32, #tpu.memory_space<hbm>>
        tpu.enqueue_indirect_dma source(%dma_start3A_269 : memref<25000x64xf32, #tpu.memory_space<hbm>>) target(%dma_start3A_263 : memref<128x64xf32, #tpu.memory_space<vmem>>) offsets(%dma_start3A_266 : memref<128xi32, #tpu.memory_space<vmem>>) semaphore(%arg21 : memref<!tpu.dma_semaphore, #tpu.memory_space<semaphore_mem>>)
        %dma_wait3A_270 = arith.constant 1 : i32
        %dma_wait3A_271 = arith.constant 1 : i32
        %dma_wait3A_272 = arith.constant 0 : i32
        %dma_wait3A_273 = arith.constant 0 : i32
        %dma_wait3A_274 = tpu.memref_slice %arg19[%dma_wait3A_271, %dma_wait3A_272, %dma_wait3A_273] : memref<2x128x64xf32, #tpu.memory_space<vmem>> -> memref<1x128x64xf32, #tpu.memory_space<vmem>>
        %dma_wait3A_275 = tpu.memref_squeeze %dma_wait3A_274 : memref<1x128x64xf32, #tpu.memory_space<vmem>> -> memref<128x64xf32, #tpu.memory_space<vmem>>
        %dma_wait3A_276 = arith.constant 0 : i32
        %dma_wait3A_277 = tpu.memref_slice %arg17[%dma_wait3A_270, %dma_wait3A_276] : memref<2x128xi32, #tpu.memory_space<vmem>> -> memref<1x128xi32, #tpu.memory_space<vmem>>
        %dma_wait3A_278 = tpu.memref_squeeze %dma_wait3A_277 : memref<1x128xi32, #tpu.memory_space<vmem>> -> memref<128xi32, #tpu.memory_space<vmem>>
        %dma_wait3A_279 = arith.constant 0 : i32
        %dma_wait3A_280 = arith.constant 0 : i32
        %dma_wait3A_281 = tpu.memref_slice %arg3[%dma_wait3A_279, %dma_wait3A_280] : memref<25000x64xf32, #tpu.memory_space<hbm>> -> memref<25000x64xf32, #tpu.memory_space<hbm>>
        tpu.wait_indirect_dma semaphore(%arg22 : memref<!tpu.dma_semaphore, #tpu.memory_space<semaphore_mem>>) src(%dma_wait3A_281 : memref<25000x64xf32, #tpu.memory_space<hbm>>) dst(%dma_wait3A_275 : memref<128x64xf32, #tpu.memory_space<vmem>>)
        %add3A_282 = arith.constant 2 : i32
        %add3A_283 = arith.addi %add3A_195, %add3A_282 : i32
        %dma_start3A_284 = arith.constant 1 : i32
        %dma_start3A_285 = arith.constant 0 : i32
        %dma_start3A_286 = tpu.memref_slice %arg17[%dma_start3A_284, %dma_start3A_285] : memref<2x128xi32, #tpu.memory_space<vmem>> -> memref<1x128xi32, #tpu.memory_space<vmem>>
        %dma_start3A_287 = tpu.memref_squeeze %dma_start3A_286 : memref<1x128xi32, #tpu.memory_space<vmem>> -> memref<128xi32, #tpu.memory_space<vmem>>
        %dma_start3A_288 = arith.constant 0 : i32
        %dma_start3A_289 = tpu.memref_slice %arg4[%add3A_283, %dma_start3A_288] : memref<6274x128xi32, #tpu.memory_space<hbm>> -> memref<1x128xi32, #tpu.memory_space<hbm>>
        %dma_start3A_290 = tpu.memref_squeeze %dma_start3A_289 : memref<1x128xi32, #tpu.memory_space<hbm>> -> memref<128xi32, #tpu.memory_space<hbm>>
        %dma_start3A_291 = arith.constant 0 : i32
        %dma_start3A_292 = tpu.memref_slice %arg17[%dma_start3A_284, %dma_start3A_291] : memref<2x128xi32, #tpu.memory_space<vmem>> -> memref<1x128xi32, #tpu.memory_space<vmem>>
        %dma_start3A_293 = tpu.memref_squeeze %dma_start3A_292 : memref<1x128xi32, #tpu.memory_space<vmem>> -> memref<128xi32, #tpu.memory_space<vmem>>
        %dma_start3A_294 = arith.constant 0 : i32
        %dma_start3A_295 = tpu.memref_slice %arg4[%add3A_283, %dma_start3A_294] : memref<6274x128xi32, #tpu.memory_space<hbm>> -> memref<1x128xi32, #tpu.memory_space<hbm>>
        %dma_start3A_296 = tpu.memref_squeeze %dma_start3A_295 : memref<1x128xi32, #tpu.memory_space<hbm>> -> memref<128xi32, #tpu.memory_space<hbm>>
        tpu.enqueue_dma source(%dma_start3A_296 : memref<128xi32, #tpu.memory_space<hbm>>) target(%dma_start3A_293 : memref<128xi32, #tpu.memory_space<vmem>>) target_semaphore(%arg23 : memref<!tpu.dma_semaphore, #tpu.memory_space<semaphore_mem>>)
        %dma_start3A_297 = arith.constant 1 : i32
        %dma_start3A_298 = arith.constant 1 : i32
        %dma_start3A_299 = arith.constant 0 : i32
        %dma_start3A_300 = arith.constant 0 : i32
        %dma_start3A_301 = tpu.memref_slice %arg19[%dma_start3A_297, %dma_start3A_299, %dma_start3A_300] : memref<2x128x64xf32, #tpu.memory_space<vmem>> -> memref<1x128x64xf32, #tpu.memory_space<vmem>>
        %dma_start3A_302 = tpu.memref_squeeze %dma_start3A_301 : memref<1x128x64xf32, #tpu.memory_space<vmem>> -> memref<128x64xf32, #tpu.memory_space<vmem>>
        %dma_start3A_303 = arith.constant 0 : i32
        %dma_start3A_304 = tpu.memref_slice %arg18[%dma_start3A_298, %dma_start3A_303] : memref<2x128xi32, #tpu.memory_space<vmem>> -> memref<1x128xi32, #tpu.memory_space<vmem>>
        %dma_start3A_305 = tpu.memref_squeeze %dma_start3A_304 : memref<1x128xi32, #tpu.memory_space<vmem>> -> memref<128xi32, #tpu.memory_space<vmem>>
        %dma_start3A_306 = arith.constant 0 : i32
        %dma_start3A_307 = arith.constant 0 : i32
        %dma_start3A_308 = tpu.memref_slice %arg15[%dma_start3A_306, %dma_start3A_307] : memref<25088x64xf32, #tpu.memory_space<vmem_shared>> -> memref<25088x64xf32, #tpu.memory_space<vmem_shared>>
        tpu.enqueue_indirect_dma source(%dma_start3A_302 : memref<128x64xf32, #tpu.memory_space<vmem>>) target(%dma_start3A_308 : memref<25088x64xf32, #tpu.memory_space<vmem_shared>>) offsets(%dma_start3A_305 : memref<128xi32, #tpu.memory_space<vmem>>) semaphore(%arg26 : memref<!tpu.dma_semaphore, #tpu.memory_space<semaphore_mem>>) {add = true}
        %dma_start3A_309 = arith.constant 1 : i32
        %dma_start3A_310 = arith.constant 0 : i32
        %dma_start3A_311 = tpu.memref_slice %arg18[%dma_start3A_309, %dma_start3A_310] : memref<2x128xi32, #tpu.memory_space<vmem>> -> memref<1x128xi32, #tpu.memory_space<vmem>>
        %dma_start3A_312 = tpu.memref_squeeze %dma_start3A_311 : memref<1x128xi32, #tpu.memory_space<vmem>> -> memref<128xi32, #tpu.memory_space<vmem>>
        %dma_start3A_313 = arith.constant 0 : i32
        %dma_start3A_314 = arith.constant 0 : i32
        %dma_start3A_315 = tpu.memref_slice %arg16[%dma_start3A_313, %dma_start3A_314] : memref<25088x8xf32, #tpu.memory_space<vmem_shared>> -> memref<25088x8xf32, #tpu.memory_space<vmem_shared>>
        tpu.enqueue_indirect_dma source(%arg20 : memref<128x8xf32, #tpu.memory_space<vmem>>) target(%dma_start3A_315 : memref<25088x8xf32, #tpu.memory_space<vmem_shared>>) offsets(%dma_start3A_312 : memref<128xi32, #tpu.memory_space<vmem>>) semaphore(%arg26 : memref<!tpu.dma_semaphore, #tpu.memory_space<semaphore_mem>>) {add = true}
      }
      %scan3A_40 = arith.constant 196 : i32
      %dma_wait3A = arith.constant 0 : i32
      %dma_wait3A_41 = arith.constant 0 : i32
      %dma_wait3A_42 = arith.constant 0 : i32
      %dma_wait3A_43 = arith.constant 0 : i32
      %dma_wait3A_44 = tpu.memref_slice %arg19[%dma_wait3A_41, %dma_wait3A_42, %dma_wait3A_43] : memref<2x128x64xf32, #tpu.memory_space<vmem>> -> memref<1x128x64xf32, #tpu.memory_space<vmem>>
      %dma_wait3A_45 = tpu.memref_squeeze %dma_wait3A_44 : memref<1x128x64xf32, #tpu.memory_space<vmem>> -> memref<128x64xf32, #tpu.memory_space<vmem>>
      %dma_wait3A_46 = arith.constant 0 : i32
      %dma_wait3A_47 = tpu.memref_slice %arg17[%dma_wait3A, %dma_wait3A_46] : memref<2x128xi32, #tpu.memory_space<vmem>> -> memref<1x128xi32, #tpu.memory_space<vmem>>
      %dma_wait3A_48 = tpu.memref_squeeze %dma_wait3A_47 : memref<1x128xi32, #tpu.memory_space<vmem>> -> memref<128xi32, #tpu.memory_space<vmem>>
      %dma_wait3A_49 = arith.constant 0 : i32
      %dma_wait3A_50 = arith.constant 0 : i32
      %dma_wait3A_51 = tpu.memref_slice %arg3[%dma_wait3A_49, %dma_wait3A_50] : memref<25000x64xf32, #tpu.memory_space<hbm>> -> memref<25000x64xf32, #tpu.memory_space<hbm>>
      tpu.wait_indirect_dma semaphore(%arg21 : memref<!tpu.dma_semaphore, #tpu.memory_space<semaphore_mem>>) src(%dma_wait3A_51 : memref<25000x64xf32, #tpu.memory_space<hbm>>) dst(%dma_wait3A_45 : memref<128x64xf32, #tpu.memory_space<vmem>>)
      %dma_wait3A_52 = arith.constant 1 : i32
      %dma_wait3A_53 = arith.constant 1 : i32
      %dma_wait3A_54 = arith.constant 0 : i32
      %dma_wait3A_55 = arith.constant 0 : i32
      %dma_wait3A_56 = tpu.memref_slice %arg19[%dma_wait3A_52, %dma_wait3A_54, %dma_wait3A_55] : memref<2x128x64xf32, #tpu.memory_space<vmem>> -> memref<1x128x64xf32, #tpu.memory_space<vmem>>
      %dma_wait3A_57 = tpu.memref_squeeze %dma_wait3A_56 : memref<1x128x64xf32, #tpu.memory_space<vmem>> -> memref<128x64xf32, #tpu.memory_space<vmem>>
      %dma_wait3A_58 = arith.constant 0 : i32
      %dma_wait3A_59 = tpu.memref_slice %arg18[%dma_wait3A_53, %dma_wait3A_58] : memref<2x128xi32, #tpu.memory_space<vmem>> -> memref<1x128xi32, #tpu.memory_space<vmem>>
      %dma_wait3A_60 = tpu.memref_squeeze %dma_wait3A_59 : memref<1x128xi32, #tpu.memory_space<vmem>> -> memref<128xi32, #tpu.memory_space<vmem>>
      %dma_wait3A_61 = arith.constant 0 : i32
      %dma_wait3A_62 = arith.constant 0 : i32
      %dma_wait3A_63 = tpu.memref_slice %arg15[%dma_wait3A_61, %dma_wait3A_62] : memref<25088x64xf32, #tpu.memory_space<vmem_shared>> -> memref<25088x64xf32, #tpu.memory_space<vmem_shared>>
      tpu.wait_indirect_dma semaphore(%arg26 : memref<!tpu.dma_semaphore, #tpu.memory_space<semaphore_mem>>) src(%dma_wait3A_57 : memref<128x64xf32, #tpu.memory_space<vmem>>) dst(%dma_wait3A_63 : memref<25088x64xf32, #tpu.memory_space<vmem_shared>>)
      %dma_wait3A_64 = arith.constant 1 : i32
      %dma_wait3A_65 = arith.constant 0 : i32
      %dma_wait3A_66 = tpu.memref_slice %arg18[%dma_wait3A_64, %dma_wait3A_65] : memref<2x128xi32, #tpu.memory_space<vmem>> -> memref<1x128xi32, #tpu.memory_space<vmem>>
      %dma_wait3A_67 = tpu.memref_squeeze %dma_wait3A_66 : memref<1x128xi32, #tpu.memory_space<vmem>> -> memref<128xi32, #tpu.memory_space<vmem>>
      %dma_wait3A_68 = arith.constant 0 : i32
      %dma_wait3A_69 = arith.constant 0 : i32
      %dma_wait3A_70 = tpu.memref_slice %arg16[%dma_wait3A_68, %dma_wait3A_69] : memref<25088x8xf32, #tpu.memory_space<vmem_shared>> -> memref<25088x8xf32, #tpu.memory_space<vmem_shared>>
      tpu.wait_indirect_dma semaphore(%arg26 : memref<!tpu.dma_semaphore, #tpu.memory_space<semaphore_mem>>) src(%arg20 : memref<128x8xf32, #tpu.memory_space<vmem>>) dst(%dma_wait3A_70 : memref<25088x8xf32, #tpu.memory_space<vmem_shared>>)
      %dma_wait3A_71 = arith.constant 1 : i32
      %dma_wait3A_72 = arith.constant 0 : i32
      %dma_wait3A_73 = tpu.memref_slice %arg17[%dma_wait3A_71, %dma_wait3A_72] : memref<2x128xi32, #tpu.memory_space<vmem>> -> memref<1x128xi32, #tpu.memory_space<vmem>>
      %dma_wait3A_74 = tpu.memref_squeeze %dma_wait3A_73 : memref<1x128xi32, #tpu.memory_space<vmem>> -> memref<128xi32, #tpu.memory_space<vmem>>
      %dma_wait3A_75 = arith.constant 0 : i32
      %dma_wait3A_76 = tpu.memref_slice %arg4[%mul3A_9, %dma_wait3A_75] : memref<6274x128xi32, #tpu.memory_space<hbm>> -> memref<1x128xi32, #tpu.memory_space<hbm>>
      %dma_wait3A_77 = tpu.memref_squeeze %dma_wait3A_76 : memref<1x128xi32, #tpu.memory_space<hbm>> -> memref<128xi32, #tpu.memory_space<hbm>>
      %dma_wait3A_78 = arith.constant 0 : i32
      %dma_wait3A_79 = tpu.memref_slice %arg17[%dma_wait3A_71, %dma_wait3A_78] : memref<2x128xi32, #tpu.memory_space<vmem>> -> memref<1x128xi32, #tpu.memory_space<vmem>>
      %dma_wait3A_80 = tpu.memref_squeeze %dma_wait3A_79 : memref<1x128xi32, #tpu.memory_space<vmem>> -> memref<128xi32, #tpu.memory_space<vmem>>
      %dma_wait3A_81 = arith.constant 0 : i32
      %dma_wait3A_82 = tpu.memref_slice %arg4[%mul3A_9, %dma_wait3A_81] : memref<6274x128xi32, #tpu.memory_space<hbm>> -> memref<1x128xi32, #tpu.memory_space<hbm>>
      %dma_wait3A_83 = tpu.memref_squeeze %dma_wait3A_82 : memref<1x128xi32, #tpu.memory_space<hbm>> -> memref<128xi32, #tpu.memory_space<hbm>>
      tpu.wait_dma2 semaphore(%arg23 : memref<!tpu.dma_semaphore, #tpu.memory_space<semaphore_mem>>) src(%dma_wait3A_83 : memref<128xi32, #tpu.memory_space<hbm>>) dst(%dma_wait3A_80 : memref<128xi32, #tpu.memory_space<vmem>>)
      %dma_wait3A_84 = arith.constant 1 : i32
      %dma_wait3A_85 = arith.constant 0 : i32
      %dma_wait3A_86 = tpu.memref_slice %arg18[%dma_wait3A_84, %dma_wait3A_85] : memref<2x128xi32, #tpu.memory_space<vmem>> -> memref<1x128xi32, #tpu.memory_space<vmem>>
      %dma_wait3A_87 = tpu.memref_squeeze %dma_wait3A_86 : memref<1x128xi32, #tpu.memory_space<vmem>> -> memref<128xi32, #tpu.memory_space<vmem>>
      %dma_wait3A_88 = arith.constant 0 : i32
      %dma_wait3A_89 = tpu.memref_slice %arg5[%mul3A_9, %dma_wait3A_88] : memref<6274x128xi32, #tpu.memory_space<hbm>> -> memref<1x128xi32, #tpu.memory_space<hbm>>
      %dma_wait3A_90 = tpu.memref_squeeze %dma_wait3A_89 : memref<1x128xi32, #tpu.memory_space<hbm>> -> memref<128xi32, #tpu.memory_space<hbm>>
      %dma_wait3A_91 = arith.constant 0 : i32
      %dma_wait3A_92 = tpu.memref_slice %arg18[%dma_wait3A_84, %dma_wait3A_91] : memref<2x128xi32, #tpu.memory_space<vmem>> -> memref<1x128xi32, #tpu.memory_space<vmem>>
      %dma_wait3A_93 = tpu.memref_squeeze %dma_wait3A_92 : memref<1x128xi32, #tpu.memory_space<vmem>> -> memref<128xi32, #tpu.memory_space<vmem>>
      %dma_wait3A_94 = arith.constant 0 : i32
      %dma_wait3A_95 = tpu.memref_slice %arg5[%mul3A_9, %dma_wait3A_94] : memref<6274x128xi32, #tpu.memory_space<hbm>> -> memref<1x128xi32, #tpu.memory_space<hbm>>
      %dma_wait3A_96 = tpu.memref_squeeze %dma_wait3A_95 : memref<1x128xi32, #tpu.memory_space<hbm>> -> memref<128xi32, #tpu.memory_space<hbm>>
      tpu.wait_dma2 semaphore(%arg24 : memref<!tpu.dma_semaphore, #tpu.memory_space<semaphore_mem>>) src(%dma_wait3A_96 : memref<128xi32, #tpu.memory_space<hbm>>) dst(%dma_wait3A_93 : memref<128xi32, #tpu.memory_space<vmem>>)
      %barrier3A_97 = arith.constant 0 : index
      tpu.barrier barrier_id(%barrier3A_97)
      "tpu.region"() ({
        %run_scoped3A_98 = tpu.sem_alloc : memref<!tpu.dma_semaphore, #tpu.memory_space<semaphore_mem>>
        %dma_start3A_99 = arith.constant 0 : i32
        %dma_start3A_100 = tpu.memref_slice %arg11[%mul3A_0, %dma_start3A_99] : memref<25088x64xf32, #tpu.memory_space<hbm>> -> memref<1568x64xf32, #tpu.memory_space<hbm>>
        %dma_start3A_101 = arith.constant 0 : i32
        %dma_start3A_102 = tpu.memref_slice %arg15[%mul3A_0, %dma_start3A_101] : memref<25088x64xf32, #tpu.memory_space<vmem_shared>> -> memref<1568x64xf32, #tpu.memory_space<vmem_shared>>
        tpu.enqueue_dma source(%dma_start3A_102 : memref<1568x64xf32, #tpu.memory_space<vmem_shared>>) target(%dma_start3A_100 : memref<1568x64xf32, #tpu.memory_space<hbm>>) target_semaphore(%run_scoped3A_98 : memref<!tpu.dma_semaphore, #tpu.memory_space<semaphore_mem>>)
        %dma_wait3A_103 = arith.constant 0 : i32
        %dma_wait3A_104 = tpu.memref_slice %arg11[%mul3A_0, %dma_wait3A_103] : memref<25088x64xf32, #tpu.memory_space<hbm>> -> memref<1568x64xf32, #tpu.memory_space<hbm>>
        %dma_wait3A_105 = arith.constant 0 : i32
        %dma_wait3A_106 = tpu.memref_slice %arg15[%mul3A_0, %dma_wait3A_105] : memref<25088x64xf32, #tpu.memory_space<vmem_shared>> -> memref<1568x64xf32, #tpu.memory_space<vmem_shared>>
        tpu.wait_dma2 semaphore(%run_scoped3A_98 : memref<!tpu.dma_semaphore, #tpu.memory_space<semaphore_mem>>) src(%dma_wait3A_106 : memref<1568x64xf32, #tpu.memory_space<vmem_shared>>) dst(%dma_wait3A_104 : memref<1568x64xf32, #tpu.memory_space<hbm>>)
        tpu.yield
      }) : () -> ()
      "tpu.region"() ({
        %run_scoped3A_98 = tpu.sem_alloc : memref<!tpu.dma_semaphore, #tpu.memory_space<semaphore_mem>>
        %dma_start3A_99 = arith.constant 0 : i32
        %dma_start3A_100 = tpu.memref_slice %arg12[%mul3A_0, %dma_start3A_99] : memref<25088x8xf32, #tpu.memory_space<hbm>> -> memref<1568x8xf32, #tpu.memory_space<hbm>>
        %dma_start3A_101 = arith.constant 0 : i32
        %dma_start3A_102 = tpu.memref_slice %arg16[%mul3A_0, %dma_start3A_101] : memref<25088x8xf32, #tpu.memory_space<vmem_shared>> -> memref<1568x8xf32, #tpu.memory_space<vmem_shared>>
        tpu.enqueue_dma source(%dma_start3A_102 : memref<1568x8xf32, #tpu.memory_space<vmem_shared>>) target(%dma_start3A_100 : memref<1568x8xf32, #tpu.memory_space<hbm>>) target_semaphore(%run_scoped3A_98 : memref<!tpu.dma_semaphore, #tpu.memory_space<semaphore_mem>>)
        %dma_wait3A_103 = arith.constant 0 : i32
        %dma_wait3A_104 = tpu.memref_slice %arg12[%mul3A_0, %dma_wait3A_103] : memref<25088x8xf32, #tpu.memory_space<hbm>> -> memref<1568x8xf32, #tpu.memory_space<hbm>>
        %dma_wait3A_105 = arith.constant 0 : i32
        %dma_wait3A_106 = tpu.memref_slice %arg16[%mul3A_0, %dma_wait3A_105] : memref<25088x8xf32, #tpu.memory_space<vmem_shared>> -> memref<1568x8xf32, #tpu.memory_space<vmem_shared>>
        tpu.wait_dma2 semaphore(%run_scoped3A_98 : memref<!tpu.dma_semaphore, #tpu.memory_space<semaphore_mem>>) src(%dma_wait3A_106 : memref<1568x8xf32, #tpu.memory_space<vmem_shared>>) dst(%dma_wait3A_104 : memref<1568x8xf32, #tpu.memory_space<hbm>>)
        tpu.yield
      }) : () -> ()
    } else {
    }
    %eq3A_3 = arith.constant 1 : i32
    %eq3A_4 = arith.cmpi eq, %arg0, %eq3A_3 : i32
    %convert_element_type3A_5 = arith.extui %eq3A_4 : i1 to i32
    %cond3A_6 = arith.constant 0 : i32
    %cond3A_7 = arith.cmpi ne, %convert_element_type3A_5, %cond3A_6 : i32
    scf.if %cond3A_7 {
      %mul3A_8 = arith.constant 392 : i32
      %mul3A_9 = arith.muli %arg1, %mul3A_8 : i32
      %run_scoped3A = arith.constant 0 : i32
      "tpu.region"() ({
        %run_scoped3A_98 = tpu.sem_alloc : memref<!tpu.dma_semaphore, #tpu.memory_space<semaphore_mem>>
        %dma_start3A_99 = arith.constant 0 : i32
        %dma_start3A_100 = tpu.memref_slice %arg17[%run_scoped3A, %dma_start3A_99] : memref<2x128xi32, #tpu.memory_space<vmem>> -> memref<1x128xi32, #tpu.memory_space<vmem>>
        %dma_start3A_101 = tpu.memref_squeeze %dma_start3A_100 : memref<1x128xi32, #tpu.memory_space<vmem>> -> memref<128xi32, #tpu.memory_space<vmem>>
        %dma_start3A_102 = arith.constant 0 : i32
        %dma_start3A_103 = tpu.memref_slice %arg6[%mul3A_9, %dma_start3A_102] : memref<6274x128xi32, #tpu.memory_space<hbm>> -> memref<1x128xi32, #tpu.memory_space<hbm>>
        %dma_start3A_104 = tpu.memref_squeeze %dma_start3A_103 : memref<1x128xi32, #tpu.memory_space<hbm>> -> memref<128xi32, #tpu.memory_space<hbm>>
        %dma_start3A_105 = arith.constant 0 : i32
        %dma_start3A_106 = tpu.memref_slice %arg17[%run_scoped3A, %dma_start3A_105] : memref<2x128xi32, #tpu.memory_space<vmem>> -> memref<1x128xi32, #tpu.memory_space<vmem>>
        %dma_start3A_107 = tpu.memref_squeeze %dma_start3A_106 : memref<1x128xi32, #tpu.memory_space<vmem>> -> memref<128xi32, #tpu.memory_space<vmem>>
        %dma_start3A_108 = arith.constant 0 : i32
        %dma_start3A_109 = tpu.memref_slice %arg6[%mul3A_9, %dma_start3A_108] : memref<6274x128xi32, #tpu.memory_space<hbm>> -> memref<1x128xi32, #tpu.memory_space<hbm>>
        %dma_start3A_110 = tpu.memref_squeeze %dma_start3A_109 : memref<1x128xi32, #tpu.memory_space<hbm>> -> memref<128xi32, #tpu.memory_space<hbm>>
        tpu.enqueue_dma source(%dma_start3A_110 : memref<128xi32, #tpu.memory_space<hbm>>) target(%dma_start3A_107 : memref<128xi32, #tpu.memory_space<vmem>>) target_semaphore(%run_scoped3A_98 : memref<!tpu.dma_semaphore, #tpu.memory_space<semaphore_mem>>)
        %dma_wait3A_111 = arith.constant 0 : i32
        %dma_wait3A_112 = tpu.memref_slice %arg17[%run_scoped3A, %dma_wait3A_111] : memref<2x128xi32, #tpu.memory_space<vmem>> -> memref<1x128xi32, #tpu.memory_space<vmem>>
        %dma_wait3A_113 = tpu.memref_squeeze %dma_wait3A_112 : memref<1x128xi32, #tpu.memory_space<vmem>> -> memref<128xi32, #tpu.memory_space<vmem>>
        %dma_wait3A_114 = arith.constant 0 : i32
        %dma_wait3A_115 = tpu.memref_slice %arg6[%mul3A_9, %dma_wait3A_114] : memref<6274x128xi32, #tpu.memory_space<hbm>> -> memref<1x128xi32, #tpu.memory_space<hbm>>
        %dma_wait3A_116 = tpu.memref_squeeze %dma_wait3A_115 : memref<1x128xi32, #tpu.memory_space<hbm>> -> memref<128xi32, #tpu.memory_space<hbm>>
        %dma_wait3A_117 = arith.constant 0 : i32
        %dma_wait3A_118 = tpu.memref_slice %arg17[%run_scoped3A, %dma_wait3A_117] : memref<2x128xi32, #tpu.memory_space<vmem>> -> memref<1x128xi32, #tpu.memory_space<vmem>>
        %dma_wait3A_119 = tpu.memref_squeeze %dma_wait3A_118 : memref<1x128xi32, #tpu.memory_space<vmem>> -> memref<128xi32, #tpu.memory_space<vmem>>
        %dma_wait3A_120 = arith.constant 0 : i32
        %dma_wait3A_121 = tpu.memref_slice %arg6[%mul3A_9, %dma_wait3A_120] : memref<6274x128xi32, #tpu.memory_space<hbm>> -> memref<1x128xi32, #tpu.memory_space<hbm>>
        %dma_wait3A_122 = tpu.memref_squeeze %dma_wait3A_121 : memref<1x128xi32, #tpu.memory_space<hbm>> -> memref<128xi32, #tpu.memory_space<hbm>>
        tpu.wait_dma2 semaphore(%run_scoped3A_98 : memref<!tpu.dma_semaphore, #tpu.memory_space<semaphore_mem>>) src(%dma_wait3A_122 : memref<128xi32, #tpu.memory_space<hbm>>) dst(%dma_wait3A_119 : memref<128xi32, #tpu.memory_space<vmem>>)
        tpu.yield
      }) : () -> ()
      %run_scoped3A_10 = arith.constant 0 : i32
      "tpu.region"() ({
        %run_scoped3A_98 = tpu.sem_alloc : memref<!tpu.dma_semaphore, #tpu.memory_space<semaphore_mem>>
        %dma_start3A_99 = arith.constant 0 : i32
        %dma_start3A_100 = tpu.memref_slice %arg18[%run_scoped3A_10, %dma_start3A_99] : memref<2x128xi32, #tpu.memory_space<vmem>> -> memref<1x128xi32, #tpu.memory_space<vmem>>
        %dma_start3A_101 = tpu.memref_squeeze %dma_start3A_100 : memref<1x128xi32, #tpu.memory_space<vmem>> -> memref<128xi32, #tpu.memory_space<vmem>>
        %dma_start3A_102 = arith.constant 0 : i32
        %dma_start3A_103 = tpu.memref_slice %arg7[%mul3A_9, %dma_start3A_102] : memref<6274x128xi32, #tpu.memory_space<hbm>> -> memref<1x128xi32, #tpu.memory_space<hbm>>
        %dma_start3A_104 = tpu.memref_squeeze %dma_start3A_103 : memref<1x128xi32, #tpu.memory_space<hbm>> -> memref<128xi32, #tpu.memory_space<hbm>>
        %dma_start3A_105 = arith.constant 0 : i32
        %dma_start3A_106 = tpu.memref_slice %arg18[%run_scoped3A_10, %dma_start3A_105] : memref<2x128xi32, #tpu.memory_space<vmem>> -> memref<1x128xi32, #tpu.memory_space<vmem>>
        %dma_start3A_107 = tpu.memref_squeeze %dma_start3A_106 : memref<1x128xi32, #tpu.memory_space<vmem>> -> memref<128xi32, #tpu.memory_space<vmem>>
        %dma_start3A_108 = arith.constant 0 : i32
        %dma_start3A_109 = tpu.memref_slice %arg7[%mul3A_9, %dma_start3A_108] : memref<6274x128xi32, #tpu.memory_space<hbm>> -> memref<1x128xi32, #tpu.memory_space<hbm>>
        %dma_start3A_110 = tpu.memref_squeeze %dma_start3A_109 : memref<1x128xi32, #tpu.memory_space<hbm>> -> memref<128xi32, #tpu.memory_space<hbm>>
        tpu.enqueue_dma source(%dma_start3A_110 : memref<128xi32, #tpu.memory_space<hbm>>) target(%dma_start3A_107 : memref<128xi32, #tpu.memory_space<vmem>>) target_semaphore(%run_scoped3A_98 : memref<!tpu.dma_semaphore, #tpu.memory_space<semaphore_mem>>)
        %dma_wait3A_111 = arith.constant 0 : i32
        %dma_wait3A_112 = tpu.memref_slice %arg18[%run_scoped3A_10, %dma_wait3A_111] : memref<2x128xi32, #tpu.memory_space<vmem>> -> memref<1x128xi32, #tpu.memory_space<vmem>>
        %dma_wait3A_113 = tpu.memref_squeeze %dma_wait3A_112 : memref<1x128xi32, #tpu.memory_space<vmem>> -> memref<128xi32, #tpu.memory_space<vmem>>
        %dma_wait3A_114 = arith.constant 0 : i32
        %dma_wait3A_115 = tpu.memref_slice %arg7[%mul3A_9, %dma_wait3A_114] : memref<6274x128xi32, #tpu.memory_space<hbm>> -> memref<1x128xi32, #tpu.memory_space<hbm>>
        %dma_wait3A_116 = tpu.memref_squeeze %dma_wait3A_115 : memref<1x128xi32, #tpu.memory_space<hbm>> -> memref<128xi32, #tpu.memory_space<hbm>>
        %dma_wait3A_117 = arith.constant 0 : i32
        %dma_wait3A_118 = tpu.memref_slice %arg18[%run_scoped3A_10, %dma_wait3A_117] : memref<2x128xi32, #tpu.memory_space<vmem>> -> memref<1x128xi32, #tpu.memory_space<vmem>>
        %dma_wait3A_119 = tpu.memref_squeeze %dma_wait3A_118 : memref<1x128xi32, #tpu.memory_space<vmem>> -> memref<128xi32, #tpu.memory_space<vmem>>
        %dma_wait3A_120 = arith.constant 0 : i32
        %dma_wait3A_121 = tpu.memref_slice %arg7[%mul3A_9, %dma_wait3A_120] : memref<6274x128xi32, #tpu.memory_space<hbm>> -> memref<1x128xi32, #tpu.memory_space<hbm>>
        %dma_wait3A_122 = tpu.memref_squeeze %dma_wait3A_121 : memref<1x128xi32, #tpu.memory_space<hbm>> -> memref<128xi32, #tpu.memory_space<hbm>>
        tpu.wait_dma2 semaphore(%run_scoped3A_98 : memref<!tpu.dma_semaphore, #tpu.memory_space<semaphore_mem>>) src(%dma_wait3A_122 : memref<128xi32, #tpu.memory_space<hbm>>) dst(%dma_wait3A_119 : memref<128xi32, #tpu.memory_space<vmem>>)
        tpu.yield
      }) : () -> ()
      %dma_start3A = arith.constant 0 : i32
      %dma_start3A_11 = arith.constant 0 : i32
      %dma_start3A_12 = arith.constant 0 : i32
      %dma_start3A_13 = arith.constant 0 : i32
      %dma_start3A_14 = tpu.memref_slice %arg19[%dma_start3A_11, %dma_start3A_12, %dma_start3A_13] : memref<2x128x64xf32, #tpu.memory_space<vmem>> -> memref<1x128x64xf32, #tpu.memory_space<vmem>>
      %dma_start3A_15 = tpu.memref_squeeze %dma_start3A_14 : memref<1x128x64xf32, #tpu.memory_space<vmem>> -> memref<128x64xf32, #tpu.memory_space<vmem>>
      %dma_start3A_16 = arith.constant 0 : i32
      %dma_start3A_17 = tpu.memref_slice %arg17[%dma_start3A, %dma_start3A_16] : memref<2x128xi32, #tpu.memory_space<vmem>> -> memref<1x128xi32, #tpu.memory_space<vmem>>
      %dma_start3A_18 = tpu.memref_squeeze %dma_start3A_17 : memref<1x128xi32, #tpu.memory_space<vmem>> -> memref<128xi32, #tpu.memory_space<vmem>>
      %dma_start3A_19 = arith.constant 0 : i32
      %dma_start3A_20 = arith.constant 0 : i32
      %dma_start3A_21 = tpu.memref_slice %arg2[%dma_start3A_19, %dma_start3A_20] : memref<25000x64xf32, #tpu.memory_space<hbm>> -> memref<25000x64xf32, #tpu.memory_space<hbm>>
      tpu.enqueue_indirect_dma source(%dma_start3A_21 : memref<25000x64xf32, #tpu.memory_space<hbm>>) target(%dma_start3A_15 : memref<128x64xf32, #tpu.memory_space<vmem>>) offsets(%dma_start3A_18 : memref<128xi32, #tpu.memory_space<vmem>>) semaphore(%arg21 : memref<!tpu.dma_semaphore, #tpu.memory_space<semaphore_mem>>)
      %add3A = arith.constant 1 : i32
      %add3A_22 = arith.addi %mul3A_9, %add3A : i32
      %dma_start3A_23 = arith.constant 1 : i32
      %dma_start3A_24 = arith.constant 0 : i32
      %dma_start3A_25 = tpu.memref_slice %arg17[%dma_start3A_23, %dma_start3A_24] : memref<2x128xi32, #tpu.memory_space<vmem>> -> memref<1x128xi32, #tpu.memory_space<vmem>>
      %dma_start3A_26 = tpu.memref_squeeze %dma_start3A_25 : memref<1x128xi32, #tpu.memory_space<vmem>> -> memref<128xi32, #tpu.memory_space<vmem>>
      %dma_start3A_27 = arith.constant 0 : i32
      %dma_start3A_28 = tpu.memref_slice %arg6[%add3A_22, %dma_start3A_27] : memref<6274x128xi32, #tpu.memory_space<hbm>> -> memref<1x128xi32, #tpu.memory_space<hbm>>
      %dma_start3A_29 = tpu.memref_squeeze %dma_start3A_28 : memref<1x128xi32, #tpu.memory_space<hbm>> -> memref<128xi32, #tpu.memory_space<hbm>>
      %dma_start3A_30 = arith.constant 0 : i32
      %dma_start3A_31 = tpu.memref_slice %arg17[%dma_start3A_23, %dma_start3A_30] : memref<2x128xi32, #tpu.memory_space<vmem>> -> memref<1x128xi32, #tpu.memory_space<vmem>>
      %dma_start3A_32 = tpu.memref_squeeze %dma_start3A_31 : memref<1x128xi32, #tpu.memory_space<vmem>> -> memref<128xi32, #tpu.memory_space<vmem>>
      %dma_start3A_33 = arith.constant 0 : i32
      %dma_start3A_34 = tpu.memref_slice %arg6[%add3A_22, %dma_start3A_33] : memref<6274x128xi32, #tpu.memory_space<hbm>> -> memref<1x128xi32, #tpu.memory_space<hbm>>
      %dma_start3A_35 = tpu.memref_squeeze %dma_start3A_34 : memref<1x128xi32, #tpu.memory_space<hbm>> -> memref<128xi32, #tpu.memory_space<hbm>>
      tpu.enqueue_dma source(%dma_start3A_35 : memref<128xi32, #tpu.memory_space<hbm>>) target(%dma_start3A_32 : memref<128xi32, #tpu.memory_space<vmem>>) target_semaphore(%arg23 : memref<!tpu.dma_semaphore, #tpu.memory_space<semaphore_mem>>)
      %scan3A = arith.constant 0 : i32
      %scan3A_36 = arith.constant 0 : i32
      %scan3A_37 = arith.constant 196 : i32
      %scan3A_38 = arith.addi %scan3A_36, %scan3A_37 : i32
      %scan3A_39 = arith.constant 1 : i32
      scf.for %scan3A_98 = %scan3A_36 to %scan3A_38 step %scan3A_39  : i32 {
        %mul3A_99 = arith.constant 2 : i32
        %mul3A_100 = arith.muli %mul3A_99, %scan3A_98 : i32
        %add3A_101 = arith.addi %mul3A_9, %mul3A_100 : i32
        %gt3A = arith.constant 0 : i32
        %gt3A_102 = arith.cmpi sgt, %scan3A_98, %gt3A : i32
        %convert_element_type3A_103 = arith.extui %gt3A_102 : i1 to i32
        %cond3A_104 = arith.constant 0 : i32
        %cond3A_105 = arith.cmpi ne, %convert_element_type3A_103, %cond3A_104 : i32
        scf.if %cond3A_105 {
          %dma_wait3A_316 = arith.constant 1 : i32
          %dma_wait3A_317 = arith.constant 1 : i32
          %dma_wait3A_318 = arith.constant 0 : i32
          %dma_wait3A_319 = arith.constant 0 : i32
          %dma_wait3A_320 = tpu.memref_slice %arg19[%dma_wait3A_316, %dma_wait3A_318, %dma_wait3A_319] : memref<2x128x64xf32, #tpu.memory_space<vmem>> -> memref<1x128x64xf32, #tpu.memory_space<vmem>>
          %dma_wait3A_321 = tpu.memref_squeeze %dma_wait3A_320 : memref<1x128x64xf32, #tpu.memory_space<vmem>> -> memref<128x64xf32, #tpu.memory_space<vmem>>
          %dma_wait3A_322 = arith.constant 0 : i32
          %dma_wait3A_323 = tpu.memref_slice %arg18[%dma_wait3A_317, %dma_wait3A_322] : memref<2x128xi32, #tpu.memory_space<vmem>> -> memref<1x128xi32, #tpu.memory_space<vmem>>
          %dma_wait3A_324 = tpu.memref_squeeze %dma_wait3A_323 : memref<1x128xi32, #tpu.memory_space<vmem>> -> memref<128xi32, #tpu.memory_space<vmem>>
          %dma_wait3A_325 = arith.constant 0 : i32
          %dma_wait3A_326 = arith.constant 0 : i32
          %dma_wait3A_327 = tpu.memref_slice %arg15[%dma_wait3A_325, %dma_wait3A_326] : memref<25088x64xf32, #tpu.memory_space<vmem_shared>> -> memref<25088x64xf32, #tpu.memory_space<vmem_shared>>
          tpu.wait_indirect_dma semaphore(%arg26 : memref<!tpu.dma_semaphore, #tpu.memory_space<semaphore_mem>>) src(%dma_wait3A_321 : memref<128x64xf32, #tpu.memory_space<vmem>>) dst(%dma_wait3A_327 : memref<25088x64xf32, #tpu.memory_space<vmem_shared>>)
          %dma_wait3A_328 = arith.constant 1 : i32
          %dma_wait3A_329 = arith.constant 0 : i32
          %dma_wait3A_330 = tpu.memref_slice %arg18[%dma_wait3A_328, %dma_wait3A_329] : memref<2x128xi32, #tpu.memory_space<vmem>> -> memref<1x128xi32, #tpu.memory_space<vmem>>
          %dma_wait3A_331 = tpu.memref_squeeze %dma_wait3A_330 : memref<1x128xi32, #tpu.memory_space<vmem>> -> memref<128xi32, #tpu.memory_space<vmem>>
          %dma_wait3A_332 = arith.constant 0 : i32
          %dma_wait3A_333 = arith.constant 0 : i32
          %dma_wait3A_334 = tpu.memref_slice %arg16[%dma_wait3A_332, %dma_wait3A_333] : memref<25088x8xf32, #tpu.memory_space<vmem_shared>> -> memref<25088x8xf32, #tpu.memory_space<vmem_shared>>
          tpu.wait_indirect_dma semaphore(%arg26 : memref<!tpu.dma_semaphore, #tpu.memory_space<semaphore_mem>>) src(%arg20 : memref<128x8xf32, #tpu.memory_space<vmem>>) dst(%dma_wait3A_334 : memref<25088x8xf32, #tpu.memory_space<vmem_shared>>)
          %dma_wait3A_335 = arith.constant 0 : i32
          %dma_wait3A_336 = arith.constant 0 : i32
          %dma_wait3A_337 = tpu.memref_slice %arg18[%dma_wait3A_335, %dma_wait3A_336] : memref<2x128xi32, #tpu.memory_space<vmem>> -> memref<1x128xi32, #tpu.memory_space<vmem>>
          %dma_wait3A_338 = tpu.memref_squeeze %dma_wait3A_337 : memref<1x128xi32, #tpu.memory_space<vmem>> -> memref<128xi32, #tpu.memory_space<vmem>>
          %dma_wait3A_339 = arith.constant 0 : i32
          %dma_wait3A_340 = tpu.memref_slice %arg7[%add3A_101, %dma_wait3A_339] : memref<6274x128xi32, #tpu.memory_space<hbm>> -> memref<1x128xi32, #tpu.memory_space<hbm>>
          %dma_wait3A_341 = tpu.memref_squeeze %dma_wait3A_340 : memref<1x128xi32, #tpu.memory_space<hbm>> -> memref<128xi32, #tpu.memory_space<hbm>>
          %dma_wait3A_342 = arith.constant 0 : i32
          %dma_wait3A_343 = tpu.memref_slice %arg18[%dma_wait3A_335, %dma_wait3A_342] : memref<2x128xi32, #tpu.memory_space<vmem>> -> memref<1x128xi32, #tpu.memory_space<vmem>>
          %dma_wait3A_344 = tpu.memref_squeeze %dma_wait3A_343 : memref<1x128xi32, #tpu.memory_space<vmem>> -> memref<128xi32, #tpu.memory_space<vmem>>
          %dma_wait3A_345 = arith.constant 0 : i32
          %dma_wait3A_346 = tpu.memref_slice %arg7[%add3A_101, %dma_wait3A_345] : memref<6274x128xi32, #tpu.memory_space<hbm>> -> memref<1x128xi32, #tpu.memory_space<hbm>>
          %dma_wait3A_347 = tpu.memref_squeeze %dma_wait3A_346 : memref<1x128xi32, #tpu.memory_space<hbm>> -> memref<128xi32, #tpu.memory_space<hbm>>
          tpu.wait_dma2 semaphore(%arg24 : memref<!tpu.dma_semaphore, #tpu.memory_space<semaphore_mem>>) src(%dma_wait3A_347 : memref<128xi32, #tpu.memory_space<hbm>>) dst(%dma_wait3A_344 : memref<128xi32, #tpu.memory_space<vmem>>)
        } else {
        }
        %add3A_106 = arith.constant 1 : i32
        %add3A_107 = arith.addi %add3A_101, %add3A_106 : i32
        %dma_start3A_108 = arith.constant 1 : i32
        %dma_start3A_109 = arith.constant 0 : i32
        %dma_start3A_110 = tpu.memref_slice %arg18[%dma_start3A_108, %dma_start3A_109] : memref<2x128xi32, #tpu.memory_space<vmem>> -> memref<1x128xi32, #tpu.memory_space<vmem>>
        %dma_start3A_111 = tpu.memref_squeeze %dma_start3A_110 : memref<1x128xi32, #tpu.memory_space<vmem>> -> memref<128xi32, #tpu.memory_space<vmem>>
        %dma_start3A_112 = arith.constant 0 : i32
        %dma_start3A_113 = tpu.memref_slice %arg7[%add3A_107, %dma_start3A_112] : memref<6274x128xi32, #tpu.memory_space<hbm>> -> memref<1x128xi32, #tpu.memory_space<hbm>>
        %dma_start3A_114 = tpu.memref_squeeze %dma_start3A_113 : memref<1x128xi32, #tpu.memory_space<hbm>> -> memref<128xi32, #tpu.memory_space<hbm>>
        %dma_start3A_115 = arith.constant 0 : i32
        %dma_start3A_116 = tpu.memref_slice %arg18[%dma_start3A_108, %dma_start3A_115] : memref<2x128xi32, #tpu.memory_space<vmem>> -> memref<1x128xi32, #tpu.memory_space<vmem>>
        %dma_start3A_117 = tpu.memref_squeeze %dma_start3A_116 : memref<1x128xi32, #tpu.memory_space<vmem>> -> memref<128xi32, #tpu.memory_space<vmem>>
        %dma_start3A_118 = arith.constant 0 : i32
        %dma_start3A_119 = tpu.memref_slice %arg7[%add3A_107, %dma_start3A_118] : memref<6274x128xi32, #tpu.memory_space<hbm>> -> memref<1x128xi32, #tpu.memory_space<hbm>>
        %dma_start3A_120 = tpu.memref_squeeze %dma_start3A_119 : memref<1x128xi32, #tpu.memory_space<hbm>> -> memref<128xi32, #tpu.memory_space<hbm>>
        tpu.enqueue_dma source(%dma_start3A_120 : memref<128xi32, #tpu.memory_space<hbm>>) target(%dma_start3A_117 : memref<128xi32, #tpu.memory_space<vmem>>) target_semaphore(%arg24 : memref<!tpu.dma_semaphore, #tpu.memory_space<semaphore_mem>>)
        %add3A_121 = arith.constant 1 : i32
        %add3A_122 = arith.addi %add3A_101, %add3A_121 : i32
        %dma_wait3A_123 = arith.constant 1 : i32
        %dma_wait3A_124 = arith.constant 0 : i32
        %dma_wait3A_125 = tpu.memref_slice %arg17[%dma_wait3A_123, %dma_wait3A_124] : memref<2x128xi32, #tpu.memory_space<vmem>> -> memref<1x128xi32, #tpu.memory_space<vmem>>
        %dma_wait3A_126 = tpu.memref_squeeze %dma_wait3A_125 : memref<1x128xi32, #tpu.memory_space<vmem>> -> memref<128xi32, #tpu.memory_space<vmem>>
        %dma_wait3A_127 = arith.constant 0 : i32
        %dma_wait3A_128 = tpu.memref_slice %arg6[%add3A_122, %dma_wait3A_127] : memref<6274x128xi32, #tpu.memory_space<hbm>> -> memref<1x128xi32, #tpu.memory_space<hbm>>
        %dma_wait3A_129 = tpu.memref_squeeze %dma_wait3A_128 : memref<1x128xi32, #tpu.memory_space<hbm>> -> memref<128xi32, #tpu.memory_space<hbm>>
        %dma_wait3A_130 = arith.constant 0 : i32
        %dma_wait3A_131 = tpu.memref_slice %arg17[%dma_wait3A_123, %dma_wait3A_130] : memref<2x128xi32, #tpu.memory_space<vmem>> -> memref<1x128xi32, #tpu.memory_space<vmem>>
        %dma_wait3A_132 = tpu.memref_squeeze %dma_wait3A_131 : memref<1x128xi32, #tpu.memory_space<vmem>> -> memref<128xi32, #tpu.memory_space<vmem>>
        %dma_wait3A_133 = arith.constant 0 : i32
        %dma_wait3A_134 = tpu.memref_slice %arg6[%add3A_122, %dma_wait3A_133] : memref<6274x128xi32, #tpu.memory_space<hbm>> -> memref<1x128xi32, #tpu.memory_space<hbm>>
        %dma_wait3A_135 = tpu.memref_squeeze %dma_wait3A_134 : memref<1x128xi32, #tpu.memory_space<hbm>> -> memref<128xi32, #tpu.memory_space<hbm>>
        tpu.wait_dma2 semaphore(%arg23 : memref<!tpu.dma_semaphore, #tpu.memory_space<semaphore_mem>>) src(%dma_wait3A_135 : memref<128xi32, #tpu.memory_space<hbm>>) dst(%dma_wait3A_132 : memref<128xi32, #tpu.memory_space<vmem>>)
        %dma_start3A_136 = arith.constant 1 : i32
        %dma_start3A_137 = arith.constant 1 : i32
        %dma_start3A_138 = arith.constant 0 : i32
        %dma_start3A_139 = arith.constant 0 : i32
        %dma_start3A_140 = tpu.memref_slice %arg19[%dma_start3A_137, %dma_start3A_138, %dma_start3A_139] : memref<2x128x64xf32, #tpu.memory_space<vmem>> -> memref<1x128x64xf32, #tpu.memory_space<vmem>>
        %dma_start3A_141 = tpu.memref_squeeze %dma_start3A_140 : memref<1x128x64xf32, #tpu.memory_space<vmem>> -> memref<128x64xf32, #tpu.memory_space<vmem>>
        %dma_start3A_142 = arith.constant 0 : i32
        %dma_start3A_143 = tpu.memref_slice %arg17[%dma_start3A_136, %dma_start3A_142] : memref<2x128xi32, #tpu.memory_space<vmem>> -> memref<1x128xi32, #tpu.memory_space<vmem>>
        %dma_start3A_144 = tpu.memref_squeeze %dma_start3A_143 : memref<1x128xi32, #tpu.memory_space<vmem>> -> memref<128xi32, #tpu.memory_space<vmem>>
        %dma_start3A_145 = arith.constant 0 : i32
        %dma_start3A_146 = arith.constant 0 : i32
        %dma_start3A_147 = tpu.memref_slice %arg2[%dma_start3A_145, %dma_start3A_146] : memref<25000x64xf32, #tpu.memory_space<hbm>> -> memref<25000x64xf32, #tpu.memory_space<hbm>>
        tpu.enqueue_indirect_dma source(%dma_start3A_147 : memref<25000x64xf32, #tpu.memory_space<hbm>>) target(%dma_start3A_141 : memref<128x64xf32, #tpu.memory_space<vmem>>) offsets(%dma_start3A_144 : memref<128xi32, #tpu.memory_space<vmem>>) semaphore(%arg22 : memref<!tpu.dma_semaphore, #tpu.memory_space<semaphore_mem>>)
        %dma_wait3A_148 = arith.constant 0 : i32
        %dma_wait3A_149 = arith.constant 0 : i32
        %dma_wait3A_150 = arith.constant 0 : i32
        %dma_wait3A_151 = arith.constant 0 : i32
        %dma_wait3A_152 = tpu.memref_slice %arg19[%dma_wait3A_149, %dma_wait3A_150, %dma_wait3A_151] : memref<2x128x64xf32, #tpu.memory_space<vmem>> -> memref<1x128x64xf32, #tpu.memory_space<vmem>>
        %dma_wait3A_153 = tpu.memref_squeeze %dma_wait3A_152 : memref<1x128x64xf32, #tpu.memory_space<vmem>> -> memref<128x64xf32, #tpu.memory_space<vmem>>
        %dma_wait3A_154 = arith.constant 0 : i32
        %dma_wait3A_155 = tpu.memref_slice %arg17[%dma_wait3A_148, %dma_wait3A_154] : memref<2x128xi32, #tpu.memory_space<vmem>> -> memref<1x128xi32, #tpu.memory_space<vmem>>
        %dma_wait3A_156 = tpu.memref_squeeze %dma_wait3A_155 : memref<1x128xi32, #tpu.memory_space<vmem>> -> memref<128xi32, #tpu.memory_space<vmem>>
        %dma_wait3A_157 = arith.constant 0 : i32
        %dma_wait3A_158 = arith.constant 0 : i32
        %dma_wait3A_159 = tpu.memref_slice %arg2[%dma_wait3A_157, %dma_wait3A_158] : memref<25000x64xf32, #tpu.memory_space<hbm>> -> memref<25000x64xf32, #tpu.memory_space<hbm>>
        tpu.wait_indirect_dma semaphore(%arg21 : memref<!tpu.dma_semaphore, #tpu.memory_space<semaphore_mem>>) src(%dma_wait3A_159 : memref<25000x64xf32, #tpu.memory_space<hbm>>) dst(%dma_wait3A_153 : memref<128x64xf32, #tpu.memory_space<vmem>>)
        %add3A_160 = arith.constant 2 : i32
        %add3A_161 = arith.addi %add3A_101, %add3A_160 : i32
        %dma_start3A_162 = arith.constant 0 : i32
        %dma_start3A_163 = arith.constant 0 : i32
        %dma_start3A_164 = tpu.memref_slice %arg17[%dma_start3A_162, %dma_start3A_163] : memref<2x128xi32, #tpu.memory_space<vmem>> -> memref<1x128xi32, #tpu.memory_space<vmem>>
        %dma_start3A_165 = tpu.memref_squeeze %dma_start3A_164 : memref<1x128xi32, #tpu.memory_space<vmem>> -> memref<128xi32, #tpu.memory_space<vmem>>
        %dma_start3A_166 = arith.constant 0 : i32
        %dma_start3A_167 = tpu.memref_slice %arg6[%add3A_161, %dma_start3A_166] : memref<6274x128xi32, #tpu.memory_space<hbm>> -> memref<1x128xi32, #tpu.memory_space<hbm>>
        %dma_start3A_168 = tpu.memref_squeeze %dma_start3A_167 : memref<1x128xi32, #tpu.memory_space<hbm>> -> memref<128xi32, #tpu.memory_space<hbm>>
        %dma_start3A_169 = arith.constant 0 : i32
        %dma_start3A_170 = tpu.memref_slice %arg17[%dma_start3A_162, %dma_start3A_169] : memref<2x128xi32, #tpu.memory_space<vmem>> -> memref<1x128xi32, #tpu.memory_space<vmem>>
        %dma_start3A_171 = tpu.memref_squeeze %dma_start3A_170 : memref<1x128xi32, #tpu.memory_space<vmem>> -> memref<128xi32, #tpu.memory_space<vmem>>
        %dma_start3A_172 = arith.constant 0 : i32
        %dma_start3A_173 = tpu.memref_slice %arg6[%add3A_161, %dma_start3A_172] : memref<6274x128xi32, #tpu.memory_space<hbm>> -> memref<1x128xi32, #tpu.memory_space<hbm>>
        %dma_start3A_174 = tpu.memref_squeeze %dma_start3A_173 : memref<1x128xi32, #tpu.memory_space<hbm>> -> memref<128xi32, #tpu.memory_space<hbm>>
        tpu.enqueue_dma source(%dma_start3A_174 : memref<128xi32, #tpu.memory_space<hbm>>) target(%dma_start3A_171 : memref<128xi32, #tpu.memory_space<vmem>>) target_semaphore(%arg23 : memref<!tpu.dma_semaphore, #tpu.memory_space<semaphore_mem>>)
        %dma_start3A_175 = arith.constant 0 : i32
        %dma_start3A_176 = arith.constant 0 : i32
        %dma_start3A_177 = arith.constant 0 : i32
        %dma_start3A_178 = arith.constant 0 : i32
        %dma_start3A_179 = tpu.memref_slice %arg19[%dma_start3A_175, %dma_start3A_177, %dma_start3A_178] : memref<2x128x64xf32, #tpu.memory_space<vmem>> -> memref<1x128x64xf32, #tpu.memory_space<vmem>>
        %dma_start3A_180 = tpu.memref_squeeze %dma_start3A_179 : memref<1x128x64xf32, #tpu.memory_space<vmem>> -> memref<128x64xf32, #tpu.memory_space<vmem>>
        %dma_start3A_181 = arith.constant 0 : i32
        %dma_start3A_182 = tpu.memref_slice %arg18[%dma_start3A_176, %dma_start3A_181] : memref<2x128xi32, #tpu.memory_space<vmem>> -> memref<1x128xi32, #tpu.memory_space<vmem>>
        %dma_start3A_183 = tpu.memref_squeeze %dma_start3A_182 : memref<1x128xi32, #tpu.memory_space<vmem>> -> memref<128xi32, #tpu.memory_space<vmem>>
        %dma_start3A_184 = arith.constant 0 : i32
        %dma_start3A_185 = arith.constant 0 : i32
        %dma_start3A_186 = tpu.memref_slice %arg15[%dma_start3A_184, %dma_start3A_185] : memref<25088x64xf32, #tpu.memory_space<vmem_shared>> -> memref<25088x64xf32, #tpu.memory_space<vmem_shared>>
        tpu.enqueue_indirect_dma source(%dma_start3A_180 : memref<128x64xf32, #tpu.memory_space<vmem>>) target(%dma_start3A_186 : memref<25088x64xf32, #tpu.memory_space<vmem_shared>>) offsets(%dma_start3A_183 : memref<128xi32, #tpu.memory_space<vmem>>) semaphore(%arg25 : memref<!tpu.dma_semaphore, #tpu.memory_space<semaphore_mem>>) {add = true}
        %dma_start3A_187 = arith.constant 0 : i32
        %dma_start3A_188 = arith.constant 0 : i32
        %dma_start3A_189 = tpu.memref_slice %arg18[%dma_start3A_187, %dma_start3A_188] : memref<2x128xi32, #tpu.memory_space<vmem>> -> memref<1x128xi32, #tpu.memory_space<vmem>>
        %dma_start3A_190 = tpu.memref_squeeze %dma_start3A_189 : memref<1x128xi32, #tpu.memory_space<vmem>> -> memref<128xi32, #tpu.memory_space<vmem>>
        %dma_start3A_191 = arith.constant 0 : i32
        %dma_start3A_192 = arith.constant 0 : i32
        %dma_start3A_193 = tpu.memref_slice %arg16[%dma_start3A_191, %dma_start3A_192] : memref<25088x8xf32, #tpu.memory_space<vmem_shared>> -> memref<25088x8xf32, #tpu.memory_space<vmem_shared>>
        tpu.enqueue_indirect_dma source(%arg20 : memref<128x8xf32, #tpu.memory_space<vmem>>) target(%dma_start3A_193 : memref<25088x8xf32, #tpu.memory_space<vmem_shared>>) offsets(%dma_start3A_190 : memref<128xi32, #tpu.memory_space<vmem>>) semaphore(%arg25 : memref<!tpu.dma_semaphore, #tpu.memory_space<semaphore_mem>>) {add = true}
        %add3A_194 = arith.constant 1 : i32
        %add3A_195 = arith.addi %add3A_101, %add3A_194 : i32
        %dma_wait3A_196 = arith.constant 0 : i32
        %dma_wait3A_197 = arith.constant 0 : i32
        %dma_wait3A_198 = arith.constant 0 : i32
        %dma_wait3A_199 = arith.constant 0 : i32
        %dma_wait3A_200 = tpu.memref_slice %arg19[%dma_wait3A_196, %dma_wait3A_198, %dma_wait3A_199] : memref<2x128x64xf32, #tpu.memory_space<vmem>> -> memref<1x128x64xf32, #tpu.memory_space<vmem>>
        %dma_wait3A_201 = tpu.memref_squeeze %dma_wait3A_200 : memref<1x128x64xf32, #tpu.memory_space<vmem>> -> memref<128x64xf32, #tpu.memory_space<vmem>>
        %dma_wait3A_202 = arith.constant 0 : i32
        %dma_wait3A_203 = tpu.memref_slice %arg18[%dma_wait3A_197, %dma_wait3A_202] : memref<2x128xi32, #tpu.memory_space<vmem>> -> memref<1x128xi32, #tpu.memory_space<vmem>>
        %dma_wait3A_204 = tpu.memref_squeeze %dma_wait3A_203 : memref<1x128xi32, #tpu.memory_space<vmem>> -> memref<128xi32, #tpu.memory_space<vmem>>
        %dma_wait3A_205 = arith.constant 0 : i32
        %dma_wait3A_206 = arith.constant 0 : i32
        %dma_wait3A_207 = tpu.memref_slice %arg15[%dma_wait3A_205, %dma_wait3A_206] : memref<25088x64xf32, #tpu.memory_space<vmem_shared>> -> memref<25088x64xf32, #tpu.memory_space<vmem_shared>>
        tpu.wait_indirect_dma semaphore(%arg25 : memref<!tpu.dma_semaphore, #tpu.memory_space<semaphore_mem>>) src(%dma_wait3A_201 : memref<128x64xf32, #tpu.memory_space<vmem>>) dst(%dma_wait3A_207 : memref<25088x64xf32, #tpu.memory_space<vmem_shared>>)
        %dma_wait3A_208 = arith.constant 0 : i32
        %dma_wait3A_209 = arith.constant 0 : i32
        %dma_wait3A_210 = tpu.memref_slice %arg18[%dma_wait3A_208, %dma_wait3A_209] : memref<2x128xi32, #tpu.memory_space<vmem>> -> memref<1x128xi32, #tpu.memory_space<vmem>>
        %dma_wait3A_211 = tpu.memref_squeeze %dma_wait3A_210 : memref<1x128xi32, #tpu.memory_space<vmem>> -> memref<128xi32, #tpu.memory_space<vmem>>
        %dma_wait3A_212 = arith.constant 0 : i32
        %dma_wait3A_213 = arith.constant 0 : i32
        %dma_wait3A_214 = tpu.memref_slice %arg16[%dma_wait3A_212, %dma_wait3A_213] : memref<25088x8xf32, #tpu.memory_space<vmem_shared>> -> memref<25088x8xf32, #tpu.memory_space<vmem_shared>>
        tpu.wait_indirect_dma semaphore(%arg25 : memref<!tpu.dma_semaphore, #tpu.memory_space<semaphore_mem>>) src(%arg20 : memref<128x8xf32, #tpu.memory_space<vmem>>) dst(%dma_wait3A_214 : memref<25088x8xf32, #tpu.memory_space<vmem_shared>>)
        %dma_wait3A_215 = arith.constant 1 : i32
        %dma_wait3A_216 = arith.constant 0 : i32
        %dma_wait3A_217 = tpu.memref_slice %arg18[%dma_wait3A_215, %dma_wait3A_216] : memref<2x128xi32, #tpu.memory_space<vmem>> -> memref<1x128xi32, #tpu.memory_space<vmem>>
        %dma_wait3A_218 = tpu.memref_squeeze %dma_wait3A_217 : memref<1x128xi32, #tpu.memory_space<vmem>> -> memref<128xi32, #tpu.memory_space<vmem>>
        %dma_wait3A_219 = arith.constant 0 : i32
        %dma_wait3A_220 = tpu.memref_slice %arg7[%add3A_195, %dma_wait3A_219] : memref<6274x128xi32, #tpu.memory_space<hbm>> -> memref<1x128xi32, #tpu.memory_space<hbm>>
        %dma_wait3A_221 = tpu.memref_squeeze %dma_wait3A_220 : memref<1x128xi32, #tpu.memory_space<hbm>> -> memref<128xi32, #tpu.memory_space<hbm>>
        %dma_wait3A_222 = arith.constant 0 : i32
        %dma_wait3A_223 = tpu.memref_slice %arg18[%dma_wait3A_215, %dma_wait3A_222] : memref<2x128xi32, #tpu.memory_space<vmem>> -> memref<1x128xi32, #tpu.memory_space<vmem>>
        %dma_wait3A_224 = tpu.memref_squeeze %dma_wait3A_223 : memref<1x128xi32, #tpu.memory_space<vmem>> -> memref<128xi32, #tpu.memory_space<vmem>>
        %dma_wait3A_225 = arith.constant 0 : i32
        %dma_wait3A_226 = tpu.memref_slice %arg7[%add3A_195, %dma_wait3A_225] : memref<6274x128xi32, #tpu.memory_space<hbm>> -> memref<1x128xi32, #tpu.memory_space<hbm>>
        %dma_wait3A_227 = tpu.memref_squeeze %dma_wait3A_226 : memref<1x128xi32, #tpu.memory_space<hbm>> -> memref<128xi32, #tpu.memory_space<hbm>>
        tpu.wait_dma2 semaphore(%arg24 : memref<!tpu.dma_semaphore, #tpu.memory_space<semaphore_mem>>) src(%dma_wait3A_227 : memref<128xi32, #tpu.memory_space<hbm>>) dst(%dma_wait3A_224 : memref<128xi32, #tpu.memory_space<vmem>>)
        %add3A_228 = arith.constant 1 : i32
        %add3A_229 = arith.addi %add3A_195, %add3A_228 : i32
        %dma_start3A_230 = arith.constant 0 : i32
        %dma_start3A_231 = arith.constant 0 : i32
        %dma_start3A_232 = tpu.memref_slice %arg18[%dma_start3A_230, %dma_start3A_231] : memref<2x128xi32, #tpu.memory_space<vmem>> -> memref<1x128xi32, #tpu.memory_space<vmem>>
        %dma_start3A_233 = tpu.memref_squeeze %dma_start3A_232 : memref<1x128xi32, #tpu.memory_space<vmem>> -> memref<128xi32, #tpu.memory_space<vmem>>
        %dma_start3A_234 = arith.constant 0 : i32
        %dma_start3A_235 = tpu.memref_slice %arg7[%add3A_229, %dma_start3A_234] : memref<6274x128xi32, #tpu.memory_space<hbm>> -> memref<1x128xi32, #tpu.memory_space<hbm>>
        %dma_start3A_236 = tpu.memref_squeeze %dma_start3A_235 : memref<1x128xi32, #tpu.memory_space<hbm>> -> memref<128xi32, #tpu.memory_space<hbm>>
        %dma_start3A_237 = arith.constant 0 : i32
        %dma_start3A_238 = tpu.memref_slice %arg18[%dma_start3A_230, %dma_start3A_237] : memref<2x128xi32, #tpu.memory_space<vmem>> -> memref<1x128xi32, #tpu.memory_space<vmem>>
        %dma_start3A_239 = tpu.memref_squeeze %dma_start3A_238 : memref<1x128xi32, #tpu.memory_space<vmem>> -> memref<128xi32, #tpu.memory_space<vmem>>
        %dma_start3A_240 = arith.constant 0 : i32
        %dma_start3A_241 = tpu.memref_slice %arg7[%add3A_229, %dma_start3A_240] : memref<6274x128xi32, #tpu.memory_space<hbm>> -> memref<1x128xi32, #tpu.memory_space<hbm>>
        %dma_start3A_242 = tpu.memref_squeeze %dma_start3A_241 : memref<1x128xi32, #tpu.memory_space<hbm>> -> memref<128xi32, #tpu.memory_space<hbm>>
        tpu.enqueue_dma source(%dma_start3A_242 : memref<128xi32, #tpu.memory_space<hbm>>) target(%dma_start3A_239 : memref<128xi32, #tpu.memory_space<vmem>>) target_semaphore(%arg24 : memref<!tpu.dma_semaphore, #tpu.memory_space<semaphore_mem>>)
        %add3A_243 = arith.constant 1 : i32
        %add3A_244 = arith.addi %add3A_195, %add3A_243 : i32
        %dma_wait3A_245 = arith.constant 0 : i32
        %dma_wait3A_246 = arith.constant 0 : i32
        %dma_wait3A_247 = tpu.memref_slice %arg17[%dma_wait3A_245, %dma_wait3A_246] : memref<2x128xi32, #tpu.memory_space<vmem>> -> memref<1x128xi32, #tpu.memory_space<vmem>>
        %dma_wait3A_248 = tpu.memref_squeeze %dma_wait3A_247 : memref<1x128xi32, #tpu.memory_space<vmem>> -> memref<128xi32, #tpu.memory_space<vmem>>
        %dma_wait3A_249 = arith.constant 0 : i32
        %dma_wait3A_250 = tpu.memref_slice %arg6[%add3A_244, %dma_wait3A_249] : memref<6274x128xi32, #tpu.memory_space<hbm>> -> memref<1x128xi32, #tpu.memory_space<hbm>>
        %dma_wait3A_251 = tpu.memref_squeeze %dma_wait3A_250 : memref<1x128xi32, #tpu.memory_space<hbm>> -> memref<128xi32, #tpu.memory_space<hbm>>
        %dma_wait3A_252 = arith.constant 0 : i32
        %dma_wait3A_253 = tpu.memref_slice %arg17[%dma_wait3A_245, %dma_wait3A_252] : memref<2x128xi32, #tpu.memory_space<vmem>> -> memref<1x128xi32, #tpu.memory_space<vmem>>
        %dma_wait3A_254 = tpu.memref_squeeze %dma_wait3A_253 : memref<1x128xi32, #tpu.memory_space<vmem>> -> memref<128xi32, #tpu.memory_space<vmem>>
        %dma_wait3A_255 = arith.constant 0 : i32
        %dma_wait3A_256 = tpu.memref_slice %arg6[%add3A_244, %dma_wait3A_255] : memref<6274x128xi32, #tpu.memory_space<hbm>> -> memref<1x128xi32, #tpu.memory_space<hbm>>
        %dma_wait3A_257 = tpu.memref_squeeze %dma_wait3A_256 : memref<1x128xi32, #tpu.memory_space<hbm>> -> memref<128xi32, #tpu.memory_space<hbm>>
        tpu.wait_dma2 semaphore(%arg23 : memref<!tpu.dma_semaphore, #tpu.memory_space<semaphore_mem>>) src(%dma_wait3A_257 : memref<128xi32, #tpu.memory_space<hbm>>) dst(%dma_wait3A_254 : memref<128xi32, #tpu.memory_space<vmem>>)
        %dma_start3A_258 = arith.constant 0 : i32
        %dma_start3A_259 = arith.constant 0 : i32
        %dma_start3A_260 = arith.constant 0 : i32
        %dma_start3A_261 = arith.constant 0 : i32
        %dma_start3A_262 = tpu.memref_slice %arg19[%dma_start3A_259, %dma_start3A_260, %dma_start3A_261] : memref<2x128x64xf32, #tpu.memory_space<vmem>> -> memref<1x128x64xf32, #tpu.memory_space<vmem>>
        %dma_start3A_263 = tpu.memref_squeeze %dma_start3A_262 : memref<1x128x64xf32, #tpu.memory_space<vmem>> -> memref<128x64xf32, #tpu.memory_space<vmem>>
        %dma_start3A_264 = arith.constant 0 : i32
        %dma_start3A_265 = tpu.memref_slice %arg17[%dma_start3A_258, %dma_start3A_264] : memref<2x128xi32, #tpu.memory_space<vmem>> -> memref<1x128xi32, #tpu.memory_space<vmem>>
        %dma_start3A_266 = tpu.memref_squeeze %dma_start3A_265 : memref<1x128xi32, #tpu.memory_space<vmem>> -> memref<128xi32, #tpu.memory_space<vmem>>
        %dma_start3A_267 = arith.constant 0 : i32
        %dma_start3A_268 = arith.constant 0 : i32
        %dma_start3A_269 = tpu.memref_slice %arg2[%dma_start3A_267, %dma_start3A_268] : memref<25000x64xf32, #tpu.memory_space<hbm>> -> memref<25000x64xf32, #tpu.memory_space<hbm>>
        tpu.enqueue_indirect_dma source(%dma_start3A_269 : memref<25000x64xf32, #tpu.memory_space<hbm>>) target(%dma_start3A_263 : memref<128x64xf32, #tpu.memory_space<vmem>>) offsets(%dma_start3A_266 : memref<128xi32, #tpu.memory_space<vmem>>) semaphore(%arg21 : memref<!tpu.dma_semaphore, #tpu.memory_space<semaphore_mem>>)
        %dma_wait3A_270 = arith.constant 1 : i32
        %dma_wait3A_271 = arith.constant 1 : i32
        %dma_wait3A_272 = arith.constant 0 : i32
        %dma_wait3A_273 = arith.constant 0 : i32
        %dma_wait3A_274 = tpu.memref_slice %arg19[%dma_wait3A_271, %dma_wait3A_272, %dma_wait3A_273] : memref<2x128x64xf32, #tpu.memory_space<vmem>> -> memref<1x128x64xf32, #tpu.memory_space<vmem>>
        %dma_wait3A_275 = tpu.memref_squeeze %dma_wait3A_274 : memref<1x128x64xf32, #tpu.memory_space<vmem>> -> memref<128x64xf32, #tpu.memory_space<vmem>>
        %dma_wait3A_276 = arith.constant 0 : i32
        %dma_wait3A_277 = tpu.memref_slice %arg17[%dma_wait3A_270, %dma_wait3A_276] : memref<2x128xi32, #tpu.memory_space<vmem>> -> memref<1x128xi32, #tpu.memory_space<vmem>>
        %dma_wait3A_278 = tpu.memref_squeeze %dma_wait3A_277 : memref<1x128xi32, #tpu.memory_space<vmem>> -> memref<128xi32, #tpu.memory_space<vmem>>
        %dma_wait3A_279 = arith.constant 0 : i32
        %dma_wait3A_280 = arith.constant 0 : i32
        %dma_wait3A_281 = tpu.memref_slice %arg2[%dma_wait3A_279, %dma_wait3A_280] : memref<25000x64xf32, #tpu.memory_space<hbm>> -> memref<25000x64xf32, #tpu.memory_space<hbm>>
        tpu.wait_indirect_dma semaphore(%arg22 : memref<!tpu.dma_semaphore, #tpu.memory_space<semaphore_mem>>) src(%dma_wait3A_281 : memref<25000x64xf32, #tpu.memory_space<hbm>>) dst(%dma_wait3A_275 : memref<128x64xf32, #tpu.memory_space<vmem>>)
        %add3A_282 = arith.constant 2 : i32
        %add3A_283 = arith.addi %add3A_195, %add3A_282 : i32
        %dma_start3A_284 = arith.constant 1 : i32
        %dma_start3A_285 = arith.constant 0 : i32
        %dma_start3A_286 = tpu.memref_slice %arg17[%dma_start3A_284, %dma_start3A_285] : memref<2x128xi32, #tpu.memory_space<vmem>> -> memref<1x128xi32, #tpu.memory_space<vmem>>
        %dma_start3A_287 = tpu.memref_squeeze %dma_start3A_286 : memref<1x128xi32, #tpu.memory_space<vmem>> -> memref<128xi32, #tpu.memory_space<vmem>>
        %dma_start3A_288 = arith.constant 0 : i32
        %dma_start3A_289 = tpu.memref_slice %arg6[%add3A_283, %dma_start3A_288] : memref<6274x128xi32, #tpu.memory_space<hbm>> -> memref<1x128xi32, #tpu.memory_space<hbm>>
        %dma_start3A_290 = tpu.memref_squeeze %dma_start3A_289 : memref<1x128xi32, #tpu.memory_space<hbm>> -> memref<128xi32, #tpu.memory_space<hbm>>
        %dma_start3A_291 = arith.constant 0 : i32
        %dma_start3A_292 = tpu.memref_slice %arg17[%dma_start3A_284, %dma_start3A_291] : memref<2x128xi32, #tpu.memory_space<vmem>> -> memref<1x128xi32, #tpu.memory_space<vmem>>
        %dma_start3A_293 = tpu.memref_squeeze %dma_start3A_292 : memref<1x128xi32, #tpu.memory_space<vmem>> -> memref<128xi32, #tpu.memory_space<vmem>>
        %dma_start3A_294 = arith.constant 0 : i32
        %dma_start3A_295 = tpu.memref_slice %arg6[%add3A_283, %dma_start3A_294] : memref<6274x128xi32, #tpu.memory_space<hbm>> -> memref<1x128xi32, #tpu.memory_space<hbm>>
        %dma_start3A_296 = tpu.memref_squeeze %dma_start3A_295 : memref<1x128xi32, #tpu.memory_space<hbm>> -> memref<128xi32, #tpu.memory_space<hbm>>
        tpu.enqueue_dma source(%dma_start3A_296 : memref<128xi32, #tpu.memory_space<hbm>>) target(%dma_start3A_293 : memref<128xi32, #tpu.memory_space<vmem>>) target_semaphore(%arg23 : memref<!tpu.dma_semaphore, #tpu.memory_space<semaphore_mem>>)
        %dma_start3A_297 = arith.constant 1 : i32
        %dma_start3A_298 = arith.constant 1 : i32
        %dma_start3A_299 = arith.constant 0 : i32
        %dma_start3A_300 = arith.constant 0 : i32
        %dma_start3A_301 = tpu.memref_slice %arg19[%dma_start3A_297, %dma_start3A_299, %dma_start3A_300] : memref<2x128x64xf32, #tpu.memory_space<vmem>> -> memref<1x128x64xf32, #tpu.memory_space<vmem>>
        %dma_start3A_302 = tpu.memref_squeeze %dma_start3A_301 : memref<1x128x64xf32, #tpu.memory_space<vmem>> -> memref<128x64xf32, #tpu.memory_space<vmem>>
        %dma_start3A_303 = arith.constant 0 : i32
        %dma_start3A_304 = tpu.memref_slice %arg18[%dma_start3A_298, %dma_start3A_303] : memref<2x128xi32, #tpu.memory_space<vmem>> -> memref<1x128xi32, #tpu.memory_space<vmem>>
        %dma_start3A_305 = tpu.memref_squeeze %dma_start3A_304 : memref<1x128xi32, #tpu.memory_space<vmem>> -> memref<128xi32, #tpu.memory_space<vmem>>
        %dma_start3A_306 = arith.constant 0 : i32
        %dma_start3A_307 = arith.constant 0 : i32
        %dma_start3A_308 = tpu.memref_slice %arg15[%dma_start3A_306, %dma_start3A_307] : memref<25088x64xf32, #tpu.memory_space<vmem_shared>> -> memref<25088x64xf32, #tpu.memory_space<vmem_shared>>
        tpu.enqueue_indirect_dma source(%dma_start3A_302 : memref<128x64xf32, #tpu.memory_space<vmem>>) target(%dma_start3A_308 : memref<25088x64xf32, #tpu.memory_space<vmem_shared>>) offsets(%dma_start3A_305 : memref<128xi32, #tpu.memory_space<vmem>>) semaphore(%arg26 : memref<!tpu.dma_semaphore, #tpu.memory_space<semaphore_mem>>) {add = true}
        %dma_start3A_309 = arith.constant 1 : i32
        %dma_start3A_310 = arith.constant 0 : i32
        %dma_start3A_311 = tpu.memref_slice %arg18[%dma_start3A_309, %dma_start3A_310] : memref<2x128xi32, #tpu.memory_space<vmem>> -> memref<1x128xi32, #tpu.memory_space<vmem>>
        %dma_start3A_312 = tpu.memref_squeeze %dma_start3A_311 : memref<1x128xi32, #tpu.memory_space<vmem>> -> memref<128xi32, #tpu.memory_space<vmem>>
        %dma_start3A_313 = arith.constant 0 : i32
        %dma_start3A_314 = arith.constant 0 : i32
        %dma_start3A_315 = tpu.memref_slice %arg16[%dma_start3A_313, %dma_start3A_314] : memref<25088x8xf32, #tpu.memory_space<vmem_shared>> -> memref<25088x8xf32, #tpu.memory_space<vmem_shared>>
        tpu.enqueue_indirect_dma source(%arg20 : memref<128x8xf32, #tpu.memory_space<vmem>>) target(%dma_start3A_315 : memref<25088x8xf32, #tpu.memory_space<vmem_shared>>) offsets(%dma_start3A_312 : memref<128xi32, #tpu.memory_space<vmem>>) semaphore(%arg26 : memref<!tpu.dma_semaphore, #tpu.memory_space<semaphore_mem>>) {add = true}
      }
      %scan3A_40 = arith.constant 196 : i32
      %dma_wait3A = arith.constant 0 : i32
      %dma_wait3A_41 = arith.constant 0 : i32
      %dma_wait3A_42 = arith.constant 0 : i32
      %dma_wait3A_43 = arith.constant 0 : i32
      %dma_wait3A_44 = tpu.memref_slice %arg19[%dma_wait3A_41, %dma_wait3A_42, %dma_wait3A_43] : memref<2x128x64xf32, #tpu.memory_space<vmem>> -> memref<1x128x64xf32, #tpu.memory_space<vmem>>
      %dma_wait3A_45 = tpu.memref_squeeze %dma_wait3A_44 : memref<1x128x64xf32, #tpu.memory_space<vmem>> -> memref<128x64xf32, #tpu.memory_space<vmem>>
      %dma_wait3A_46 = arith.constant 0 : i32
      %dma_wait3A_47 = tpu.memref_slice %arg17[%dma_wait3A, %dma_wait3A_46] : memref<2x128xi32, #tpu.memory_space<vmem>> -> memref<1x128xi32, #tpu.memory_space<vmem>>
      %dma_wait3A_48 = tpu.memref_squeeze %dma_wait3A_47 : memref<1x128xi32, #tpu.memory_space<vmem>> -> memref<128xi32, #tpu.memory_space<vmem>>
      %dma_wait3A_49 = arith.constant 0 : i32
      %dma_wait3A_50 = arith.constant 0 : i32
      %dma_wait3A_51 = tpu.memref_slice %arg2[%dma_wait3A_49, %dma_wait3A_50] : memref<25000x64xf32, #tpu.memory_space<hbm>> -> memref<25000x64xf32, #tpu.memory_space<hbm>>
      tpu.wait_indirect_dma semaphore(%arg21 : memref<!tpu.dma_semaphore, #tpu.memory_space<semaphore_mem>>) src(%dma_wait3A_51 : memref<25000x64xf32, #tpu.memory_space<hbm>>) dst(%dma_wait3A_45 : memref<128x64xf32, #tpu.memory_space<vmem>>)
      %dma_wait3A_52 = arith.constant 1 : i32
      %dma_wait3A_53 = arith.constant 1 : i32
      %dma_wait3A_54 = arith.constant 0 : i32
      %dma_wait3A_55 = arith.constant 0 : i32
      %dma_wait3A_56 = tpu.memref_slice %arg19[%dma_wait3A_52, %dma_wait3A_54, %dma_wait3A_55] : memref<2x128x64xf32, #tpu.memory_space<vmem>> -> memref<1x128x64xf32, #tpu.memory_space<vmem>>
      %dma_wait3A_57 = tpu.memref_squeeze %dma_wait3A_56 : memref<1x128x64xf32, #tpu.memory_space<vmem>> -> memref<128x64xf32, #tpu.memory_space<vmem>>
      %dma_wait3A_58 = arith.constant 0 : i32
      %dma_wait3A_59 = tpu.memref_slice %arg18[%dma_wait3A_53, %dma_wait3A_58] : memref<2x128xi32, #tpu.memory_space<vmem>> -> memref<1x128xi32, #tpu.memory_space<vmem>>
      %dma_wait3A_60 = tpu.memref_squeeze %dma_wait3A_59 : memref<1x128xi32, #tpu.memory_space<vmem>> -> memref<128xi32, #tpu.memory_space<vmem>>
      %dma_wait3A_61 = arith.constant 0 : i32
      %dma_wait3A_62 = arith.constant 0 : i32
      %dma_wait3A_63 = tpu.memref_slice %arg15[%dma_wait3A_61, %dma_wait3A_62] : memref<25088x64xf32, #tpu.memory_space<vmem_shared>> -> memref<25088x64xf32, #tpu.memory_space<vmem_shared>>
      tpu.wait_indirect_dma semaphore(%arg26 : memref<!tpu.dma_semaphore, #tpu.memory_space<semaphore_mem>>) src(%dma_wait3A_57 : memref<128x64xf32, #tpu.memory_space<vmem>>) dst(%dma_wait3A_63 : memref<25088x64xf32, #tpu.memory_space<vmem_shared>>)
      %dma_wait3A_64 = arith.constant 1 : i32
      %dma_wait3A_65 = arith.constant 0 : i32
      %dma_wait3A_66 = tpu.memref_slice %arg18[%dma_wait3A_64, %dma_wait3A_65] : memref<2x128xi32, #tpu.memory_space<vmem>> -> memref<1x128xi32, #tpu.memory_space<vmem>>
      %dma_wait3A_67 = tpu.memref_squeeze %dma_wait3A_66 : memref<1x128xi32, #tpu.memory_space<vmem>> -> memref<128xi32, #tpu.memory_space<vmem>>
      %dma_wait3A_68 = arith.constant 0 : i32
      %dma_wait3A_69 = arith.constant 0 : i32
      %dma_wait3A_70 = tpu.memref_slice %arg16[%dma_wait3A_68, %dma_wait3A_69] : memref<25088x8xf32, #tpu.memory_space<vmem_shared>> -> memref<25088x8xf32, #tpu.memory_space<vmem_shared>>
      tpu.wait_indirect_dma semaphore(%arg26 : memref<!tpu.dma_semaphore, #tpu.memory_space<semaphore_mem>>) src(%arg20 : memref<128x8xf32, #tpu.memory_space<vmem>>) dst(%dma_wait3A_70 : memref<25088x8xf32, #tpu.memory_space<vmem_shared>>)
      %dma_wait3A_71 = arith.constant 1 : i32
      %dma_wait3A_72 = arith.constant 0 : i32
      %dma_wait3A_73 = tpu.memref_slice %arg17[%dma_wait3A_71, %dma_wait3A_72] : memref<2x128xi32, #tpu.memory_space<vmem>> -> memref<1x128xi32, #tpu.memory_space<vmem>>
      %dma_wait3A_74 = tpu.memref_squeeze %dma_wait3A_73 : memref<1x128xi32, #tpu.memory_space<vmem>> -> memref<128xi32, #tpu.memory_space<vmem>>
      %dma_wait3A_75 = arith.constant 0 : i32
      %dma_wait3A_76 = tpu.memref_slice %arg6[%mul3A_9, %dma_wait3A_75] : memref<6274x128xi32, #tpu.memory_space<hbm>> -> memref<1x128xi32, #tpu.memory_space<hbm>>
      %dma_wait3A_77 = tpu.memref_squeeze %dma_wait3A_76 : memref<1x128xi32, #tpu.memory_space<hbm>> -> memref<128xi32, #tpu.memory_space<hbm>>
      %dma_wait3A_78 = arith.constant 0 : i32
      %dma_wait3A_79 = tpu.memref_slice %arg17[%dma_wait3A_71, %dma_wait3A_78] : memref<2x128xi32, #tpu.memory_space<vmem>> -> memref<1x128xi32, #tpu.memory_space<vmem>>
      %dma_wait3A_80 = tpu.memref_squeeze %dma_wait3A_79 : memref<1x128xi32, #tpu.memory_space<vmem>> -> memref<128xi32, #tpu.memory_space<vmem>>
      %dma_wait3A_81 = arith.constant 0 : i32
      %dma_wait3A_82 = tpu.memref_slice %arg6[%mul3A_9, %dma_wait3A_81] : memref<6274x128xi32, #tpu.memory_space<hbm>> -> memref<1x128xi32, #tpu.memory_space<hbm>>
      %dma_wait3A_83 = tpu.memref_squeeze %dma_wait3A_82 : memref<1x128xi32, #tpu.memory_space<hbm>> -> memref<128xi32, #tpu.memory_space<hbm>>
      tpu.wait_dma2 semaphore(%arg23 : memref<!tpu.dma_semaphore, #tpu.memory_space<semaphore_mem>>) src(%dma_wait3A_83 : memref<128xi32, #tpu.memory_space<hbm>>) dst(%dma_wait3A_80 : memref<128xi32, #tpu.memory_space<vmem>>)
      %dma_wait3A_84 = arith.constant 1 : i32
      %dma_wait3A_85 = arith.constant 0 : i32
      %dma_wait3A_86 = tpu.memref_slice %arg18[%dma_wait3A_84, %dma_wait3A_85] : memref<2x128xi32, #tpu.memory_space<vmem>> -> memref<1x128xi32, #tpu.memory_space<vmem>>
      %dma_wait3A_87 = tpu.memref_squeeze %dma_wait3A_86 : memref<1x128xi32, #tpu.memory_space<vmem>> -> memref<128xi32, #tpu.memory_space<vmem>>
      %dma_wait3A_88 = arith.constant 0 : i32
      %dma_wait3A_89 = tpu.memref_slice %arg7[%mul3A_9, %dma_wait3A_88] : memref<6274x128xi32, #tpu.memory_space<hbm>> -> memref<1x128xi32, #tpu.memory_space<hbm>>
      %dma_wait3A_90 = tpu.memref_squeeze %dma_wait3A_89 : memref<1x128xi32, #tpu.memory_space<hbm>> -> memref<128xi32, #tpu.memory_space<hbm>>
      %dma_wait3A_91 = arith.constant 0 : i32
      %dma_wait3A_92 = tpu.memref_slice %arg18[%dma_wait3A_84, %dma_wait3A_91] : memref<2x128xi32, #tpu.memory_space<vmem>> -> memref<1x128xi32, #tpu.memory_space<vmem>>
      %dma_wait3A_93 = tpu.memref_squeeze %dma_wait3A_92 : memref<1x128xi32, #tpu.memory_space<vmem>> -> memref<128xi32, #tpu.memory_space<vmem>>
      %dma_wait3A_94 = arith.constant 0 : i32
      %dma_wait3A_95 = tpu.memref_slice %arg7[%mul3A_9, %dma_wait3A_94] : memref<6274x128xi32, #tpu.memory_space<hbm>> -> memref<1x128xi32, #tpu.memory_space<hbm>>
      %dma_wait3A_96 = tpu.memref_squeeze %dma_wait3A_95 : memref<1x128xi32, #tpu.memory_space<hbm>> -> memref<128xi32, #tpu.memory_space<hbm>>
      tpu.wait_dma2 semaphore(%arg24 : memref<!tpu.dma_semaphore, #tpu.memory_space<semaphore_mem>>) src(%dma_wait3A_96 : memref<128xi32, #tpu.memory_space<hbm>>) dst(%dma_wait3A_93 : memref<128xi32, #tpu.memory_space<vmem>>)
      %barrier3A_97 = arith.constant 0 : index
      tpu.barrier barrier_id(%barrier3A_97)
      "tpu.region"() ({
        %run_scoped3A_98 = tpu.sem_alloc : memref<!tpu.dma_semaphore, #tpu.memory_space<semaphore_mem>>
        %dma_start3A_99 = arith.constant 0 : i32
        %dma_start3A_100 = tpu.memref_slice %arg13[%mul3A_0, %dma_start3A_99] : memref<25088x64xf32, #tpu.memory_space<hbm>> -> memref<1568x64xf32, #tpu.memory_space<hbm>>
        %dma_start3A_101 = arith.constant 0 : i32
        %dma_start3A_102 = tpu.memref_slice %arg15[%mul3A_0, %dma_start3A_101] : memref<25088x64xf32, #tpu.memory_space<vmem_shared>> -> memref<1568x64xf32, #tpu.memory_space<vmem_shared>>
        tpu.enqueue_dma source(%dma_start3A_102 : memref<1568x64xf32, #tpu.memory_space<vmem_shared>>) target(%dma_start3A_100 : memref<1568x64xf32, #tpu.memory_space<hbm>>) target_semaphore(%run_scoped3A_98 : memref<!tpu.dma_semaphore, #tpu.memory_space<semaphore_mem>>)
        %dma_wait3A_103 = arith.constant 0 : i32
        %dma_wait3A_104 = tpu.memref_slice %arg13[%mul3A_0, %dma_wait3A_103] : memref<25088x64xf32, #tpu.memory_space<hbm>> -> memref<1568x64xf32, #tpu.memory_space<hbm>>
        %dma_wait3A_105 = arith.constant 0 : i32
        %dma_wait3A_106 = tpu.memref_slice %arg15[%mul3A_0, %dma_wait3A_105] : memref<25088x64xf32, #tpu.memory_space<vmem_shared>> -> memref<1568x64xf32, #tpu.memory_space<vmem_shared>>
        tpu.wait_dma2 semaphore(%run_scoped3A_98 : memref<!tpu.dma_semaphore, #tpu.memory_space<semaphore_mem>>) src(%dma_wait3A_106 : memref<1568x64xf32, #tpu.memory_space<vmem_shared>>) dst(%dma_wait3A_104 : memref<1568x64xf32, #tpu.memory_space<hbm>>)
        tpu.yield
      }) : () -> ()
      "tpu.region"() ({
        %run_scoped3A_98 = tpu.sem_alloc : memref<!tpu.dma_semaphore, #tpu.memory_space<semaphore_mem>>
        %dma_start3A_99 = arith.constant 0 : i32
        %dma_start3A_100 = tpu.memref_slice %arg14[%mul3A_0, %dma_start3A_99] : memref<25088x8xf32, #tpu.memory_space<hbm>> -> memref<1568x8xf32, #tpu.memory_space<hbm>>
        %dma_start3A_101 = arith.constant 0 : i32
        %dma_start3A_102 = tpu.memref_slice %arg16[%mul3A_0, %dma_start3A_101] : memref<25088x8xf32, #tpu.memory_space<vmem_shared>> -> memref<1568x8xf32, #tpu.memory_space<vmem_shared>>
        tpu.enqueue_dma source(%dma_start3A_102 : memref<1568x8xf32, #tpu.memory_space<vmem_shared>>) target(%dma_start3A_100 : memref<1568x8xf32, #tpu.memory_space<hbm>>) target_semaphore(%run_scoped3A_98 : memref<!tpu.dma_semaphore, #tpu.memory_space<semaphore_mem>>)
        %dma_wait3A_103 = arith.constant 0 : i32
        %dma_wait3A_104 = tpu.memref_slice %arg14[%mul3A_0, %dma_wait3A_103] : memref<25088x8xf32, #tpu.memory_space<hbm>> -> memref<1568x8xf32, #tpu.memory_space<hbm>>
        %dma_wait3A_105 = arith.constant 0 : i32
        %dma_wait3A_106 = tpu.memref_slice %arg16[%mul3A_0, %dma_wait3A_105] : memref<25088x8xf32, #tpu.memory_space<vmem_shared>> -> memref<1568x8xf32, #tpu.memory_space<vmem_shared>>
        tpu.wait_dma2 semaphore(%run_scoped3A_98 : memref<!tpu.dma_semaphore, #tpu.memory_space<semaphore_mem>>) src(%dma_wait3A_106 : memref<1568x8xf32, #tpu.memory_space<vmem_shared>>) dst(%dma_wait3A_104 : memref<1568x8xf32, #tpu.memory_space<hbm>>)
        tpu.yield
      }) : () -> ()
    } else {
    }
    return
  }
}

module attributes {stable_mosaic.version = 14 : i64} {
  func.func @_a1_body(%arg0: i32, %arg1: memref<1000x14xf32, #tpu.memory_space<vmem>>, %arg2: memref<1000x16xf32, #tpu.memory_space<vmem>>, %arg3: memref<1000x4xf32, #tpu.memory_space<vmem>>, %arg4: memref<1000x16xf32, #tpu.memory_space<vmem>>, %arg5: memref<14x192xf32, #tpu.memory_space<vmem>>, %arg6: memref<16x192xf32, #tpu.memory_space<vmem>>, %arg7: memref<1x192xf32, #tpu.memory_space<vmem>>, %arg8: memref<4x192xf32, #tpu.memory_space<vmem>>, %arg9: memref<16x192xf32, #tpu.memory_space<vmem>>, %arg10: memref<1x192xf32, #tpu.memory_space<vmem>>, %arg11: memref<1000x64xf32, #tpu.memory_space<vmem>>, %arg12: memref<1000x64xf32, #tpu.memory_space<vmem>>, %arg13: memref<1000x64xf32, #tpu.memory_space<vmem>>, %arg14: memref<1000x64xf32, #tpu.memory_space<vmem>>, %arg15: memref<4x64xf32, #tpu.memory_space<vmem>>, %arg16: memref<4x64xf32, #tpu.memory_space<vmem>>) attributes {dimension_semantics = [#tpu.dimension_semantics<arbitrary>], iteration_bounds = array<i64: 25>, scalar_prefetch = 0 : i64, scratch_operands = 1 : i64, tpu.core_type = #tpu.core_type<tc>, window_params = [{transform_indices = @transform_0, window_bounds = array<i64: 1000, 14>}, {transform_indices = @transform_1, window_bounds = array<i64: 1000, 16>}, {transform_indices = @transform_2, window_bounds = array<i64: 1000, 4>}, {transform_indices = @transform_3, window_bounds = array<i64: 1000, 16>}, {pipeline_mode = #tpu.pipeline_mode<synchronous>, transform_indices = @transform_4, window_bounds = array<i64: 14, 192>}, {pipeline_mode = #tpu.pipeline_mode<synchronous>, transform_indices = @transform_5, window_bounds = array<i64: 16, 192>}, {pipeline_mode = #tpu.pipeline_mode<synchronous>, transform_indices = @transform_6, window_bounds = array<i64: 1, 192>}, {pipeline_mode = #tpu.pipeline_mode<synchronous>, transform_indices = @transform_7, window_bounds = array<i64: 4, 192>}, {pipeline_mode = #tpu.pipeline_mode<synchronous>, transform_indices = @transform_8, window_bounds = array<i64: 16, 192>}, {pipeline_mode = #tpu.pipeline_mode<synchronous>, transform_indices = @transform_9, window_bounds = array<i64: 1, 192>}, {transform_indices = @transform_10, window_bounds = array<i64: 1000, 64>}, {transform_indices = @transform_11, window_bounds = array<i64: 1000, 64>}, {transform_indices = @transform_12, window_bounds = array<i64: 1000, 64>}, {transform_indices = @transform_13, window_bounds = array<i64: 1000, 64>}, {pipeline_mode = #tpu.pipeline_mode<synchronous>, transform_indices = @transform_14, window_bounds = array<i64: 4, 64>}]} {
    %get3A = arith.constant 0 : index
    %get3A_0 = arith.constant 0 : index
    %get3A_1 = vector.load %arg1[%get3A, %get3A_0] : memref<1000x14xf32, #tpu.memory_space<vmem>>, vector<1000x14xf32>
    %get3A_2 = arith.constant 0 : index
    %get3A_3 = arith.constant 0 : index
    %get3A_4 = vector.load %arg5[%get3A_2, %get3A_3] : memref<14x192xf32, #tpu.memory_space<vmem>>, vector<14x192xf32>
    %dot_general3A = arith.constant dense<0.000000e+00> : vector<1000x192xf32>
    %dot_general3A_5 = tpu.matmul %get3A_1, %get3A_4, %dot_general3A {dimension_numbers = #tpu.dot_dimension_numbers<[1], [0], [0], [1], [0, 0, 1, 1], [], []>, transpose_lhs_hint = false} : vector<1000x14xf32>, vector<14x192xf32>, vector<1000x192xf32> -> vector<1000x192xf32>
    %get3A_6 = arith.constant 0 : index
    %get3A_7 = arith.constant 0 : index
    %get3A_8 = vector.load %arg2[%get3A_6, %get3A_7] : memref<1000x16xf32, #tpu.memory_space<vmem>>, vector<1000x16xf32>
    %get3A_9 = arith.constant 0 : index
    %get3A_10 = arith.constant 0 : index
    %get3A_11 = vector.load %arg6[%get3A_9, %get3A_10] : memref<16x192xf32, #tpu.memory_space<vmem>>, vector<16x192xf32>
    %dot_general3A_12 = arith.constant dense<0.000000e+00> : vector<1000x192xf32>
    %dot_general3A_13 = tpu.matmul %get3A_8, %get3A_11, %dot_general3A_12 {dimension_numbers = #tpu.dot_dimension_numbers<[1], [0], [0], [1], [0, 0, 1, 1], [], []>, transpose_lhs_hint = false} : vector<1000x16xf32>, vector<16x192xf32>, vector<1000x192xf32> -> vector<1000x192xf32>
    %add3A = arith.addf %dot_general3A_5, %dot_general3A_13 : vector<1000x192xf32>
    %get3A_14 = arith.constant 0 : index
    %get3A_15 = arith.constant 0 : index
    %get3A_16 = vector.load %arg7[%get3A_14, %get3A_15] : memref<1x192xf32, #tpu.memory_space<vmem>>, vector<1x192xf32>
    %add3A_17 = vector.broadcast %get3A_16 : vector<1x192xf32> to vector<1000x192xf32>
    %add3A_18 = arith.addf %add3A, %add3A_17 : vector<1000x192xf32>
    %slice3A = vector.extract_strided_slice %add3A_18 {offsets = [0, 0], sizes = [1000, 64], strides = [1, 1]} : vector<1000x192xf32> to vector<1000x64xf32>
    %mul3A = arith.constant 5.000000e-01 : f32
    %mul3A_19 = vector.broadcast %mul3A : f32 to vector<1000x64xf32>
    %mul3A_20 = arith.mulf %mul3A_19, %slice3A : vector<1000x64xf32>
    %tanh3A = math.tanh %mul3A_20 : vector<1000x64xf32>
    %mul3A_21 = arith.constant 5.000000e-01 : f32
    %mul3A_22 = vector.broadcast %mul3A_21 : f32 to vector<1000x64xf32>
    %mul3A_23 = arith.mulf %mul3A_22, %tanh3A : vector<1000x64xf32>
    %add3A_24 = arith.constant 5.000000e-01 : f32
    %add3A_25 = vector.broadcast %add3A_24 : f32 to vector<1000x64xf32>
    %add3A_26 = arith.addf %mul3A_23, %add3A_25 : vector<1000x64xf32>
    %slice3A_27 = vector.extract_strided_slice %add3A_18 {offsets = [0, 64], sizes = [1000, 64], strides = [1, 1]} : vector<1000x192xf32> to vector<1000x64xf32>
    %tanh3A_28 = math.tanh %slice3A_27 : vector<1000x64xf32>
    %mul3A_29 = arith.mulf %add3A_26, %tanh3A_28 : vector<1000x64xf32>
    %slice3A_30 = vector.extract_strided_slice %add3A_18 {offsets = [0, 128], sizes = [1000, 64], strides = [1, 1]} : vector<1000x192xf32> to vector<1000x64xf32>
    %mul3A_31 = arith.constant 5.000000e-01 : f32
    %mul3A_32 = vector.broadcast %mul3A_31 : f32 to vector<1000x64xf32>
    %mul3A_33 = arith.mulf %mul3A_32, %slice3A_30 : vector<1000x64xf32>
    %tanh3A_34 = math.tanh %mul3A_33 : vector<1000x64xf32>
    %mul3A_35 = arith.constant 5.000000e-01 : f32
    %mul3A_36 = vector.broadcast %mul3A_35 : f32 to vector<1000x64xf32>
    %mul3A_37 = arith.mulf %mul3A_36, %tanh3A_34 : vector<1000x64xf32>
    %add3A_38 = arith.constant 5.000000e-01 : f32
    %add3A_39 = vector.broadcast %add3A_38 : f32 to vector<1000x64xf32>
    %add3A_40 = arith.addf %mul3A_37, %add3A_39 : vector<1000x64xf32>
    %tanh3A_41 = math.tanh %mul3A_29 : vector<1000x64xf32>
    %mul3A_42 = arith.mulf %add3A_40, %tanh3A_41 : vector<1000x64xf32>
    %swap3A = arith.constant 0 : index
    %swap3A_43 = arith.constant 0 : index
    %swap3A_44 = vector.load %arg12[%swap3A, %swap3A_43] : memref<1000x64xf32, #tpu.memory_space<vmem>>, vector<1000x64xf32>
    tpu.vector_store %arg12[%swap3A, %swap3A_43], %mul3A_29 {strides = array<i32>} : memref<1000x64xf32, #tpu.memory_space<vmem>>, vector<1000x64xf32>,
    %swap3A_45 = arith.constant 0 : index
    %swap3A_46 = arith.constant 0 : index
    %swap3A_47 = vector.load %arg11[%swap3A_45, %swap3A_46] : memref<1000x64xf32, #tpu.memory_space<vmem>>, vector<1000x64xf32>
    tpu.vector_store %arg11[%swap3A_45, %swap3A_46], %mul3A_42 {strides = array<i32>} : memref<1000x64xf32, #tpu.memory_space<vmem>>, vector<1000x64xf32>,
    %get3A_48 = arith.constant 0 : index
    %get3A_49 = arith.constant 0 : index
    %get3A_50 = vector.load %arg3[%get3A_48, %get3A_49] : memref<1000x4xf32, #tpu.memory_space<vmem>>, vector<1000x4xf32>
    %get3A_51 = arith.constant 0 : index
    %get3A_52 = arith.constant 0 : index
    %get3A_53 = vector.load %arg8[%get3A_51, %get3A_52] : memref<4x192xf32, #tpu.memory_space<vmem>>, vector<4x192xf32>
    %dot_general3A_54 = arith.constant dense<0.000000e+00> : vector<1000x192xf32>
    %dot_general3A_55 = tpu.matmul %get3A_50, %get3A_53, %dot_general3A_54 {dimension_numbers = #tpu.dot_dimension_numbers<[1], [0], [0], [1], [0, 0, 1, 1], [], []>, transpose_lhs_hint = false} : vector<1000x4xf32>, vector<4x192xf32>, vector<1000x192xf32> -> vector<1000x192xf32>
    %get3A_56 = arith.constant 0 : index
    %get3A_57 = arith.constant 0 : index
    %get3A_58 = vector.load %arg4[%get3A_56, %get3A_57] : memref<1000x16xf32, #tpu.memory_space<vmem>>, vector<1000x16xf32>
    %get3A_59 = arith.constant 0 : index
    %get3A_60 = arith.constant 0 : index
    %get3A_61 = vector.load %arg9[%get3A_59, %get3A_60] : memref<16x192xf32, #tpu.memory_space<vmem>>, vector<16x192xf32>
    %dot_general3A_62 = arith.constant dense<0.000000e+00> : vector<1000x192xf32>
    %dot_general3A_63 = tpu.matmul %get3A_58, %get3A_61, %dot_general3A_62 {dimension_numbers = #tpu.dot_dimension_numbers<[1], [0], [0], [1], [0, 0, 1, 1], [], []>, transpose_lhs_hint = false} : vector<1000x16xf32>, vector<16x192xf32>, vector<1000x192xf32> -> vector<1000x192xf32>
    %add3A_64 = arith.addf %dot_general3A_55, %dot_general3A_63 : vector<1000x192xf32>
    %get3A_65 = arith.constant 0 : index
    %get3A_66 = arith.constant 0 : index
    %get3A_67 = vector.load %arg10[%get3A_65, %get3A_66] : memref<1x192xf32, #tpu.memory_space<vmem>>, vector<1x192xf32>
    %add3A_68 = vector.broadcast %get3A_67 : vector<1x192xf32> to vector<1000x192xf32>
    %add3A_69 = arith.addf %add3A_64, %add3A_68 : vector<1000x192xf32>
    %slice3A_70 = vector.extract_strided_slice %add3A_69 {offsets = [0, 0], sizes = [1000, 64], strides = [1, 1]} : vector<1000x192xf32> to vector<1000x64xf32>
    %mul3A_71 = arith.constant 5.000000e-01 : f32
    %mul3A_72 = vector.broadcast %mul3A_71 : f32 to vector<1000x64xf32>
    %mul3A_73 = arith.mulf %mul3A_72, %slice3A_70 : vector<1000x64xf32>
    %tanh3A_74 = math.tanh %mul3A_73 : vector<1000x64xf32>
    %mul3A_75 = arith.constant 5.000000e-01 : f32
    %mul3A_76 = vector.broadcast %mul3A_75 : f32 to vector<1000x64xf32>
    %mul3A_77 = arith.mulf %mul3A_76, %tanh3A_74 : vector<1000x64xf32>
    %add3A_78 = arith.constant 5.000000e-01 : f32
    %add3A_79 = vector.broadcast %add3A_78 : f32 to vector<1000x64xf32>
    %add3A_80 = arith.addf %mul3A_77, %add3A_79 : vector<1000x64xf32>
    %slice3A_81 = vector.extract_strided_slice %add3A_69 {offsets = [0, 64], sizes = [1000, 64], strides = [1, 1]} : vector<1000x192xf32> to vector<1000x64xf32>
    %tanh3A_82 = math.tanh %slice3A_81 : vector<1000x64xf32>
    %mul3A_83 = arith.mulf %add3A_80, %tanh3A_82 : vector<1000x64xf32>
    %slice3A_84 = vector.extract_strided_slice %add3A_69 {offsets = [0, 128], sizes = [1000, 64], strides = [1, 1]} : vector<1000x192xf32> to vector<1000x64xf32>
    %mul3A_85 = arith.constant 5.000000e-01 : f32
    %mul3A_86 = vector.broadcast %mul3A_85 : f32 to vector<1000x64xf32>
    %mul3A_87 = arith.mulf %mul3A_86, %slice3A_84 : vector<1000x64xf32>
    %tanh3A_88 = math.tanh %mul3A_87 : vector<1000x64xf32>
    %mul3A_89 = arith.constant 5.000000e-01 : f32
    %mul3A_90 = vector.broadcast %mul3A_89 : f32 to vector<1000x64xf32>
    %mul3A_91 = arith.mulf %mul3A_90, %tanh3A_88 : vector<1000x64xf32>
    %add3A_92 = arith.constant 5.000000e-01 : f32
    %add3A_93 = vector.broadcast %add3A_92 : f32 to vector<1000x64xf32>
    %add3A_94 = arith.addf %mul3A_91, %add3A_93 : vector<1000x64xf32>
    %tanh3A_95 = math.tanh %mul3A_83 : vector<1000x64xf32>
    %mul3A_96 = arith.mulf %add3A_94, %tanh3A_95 : vector<1000x64xf32>
    %swap3A_97 = arith.constant 0 : index
    %swap3A_98 = arith.constant 0 : index
    %swap3A_99 = vector.load %arg14[%swap3A_97, %swap3A_98] : memref<1000x64xf32, #tpu.memory_space<vmem>>, vector<1000x64xf32>
    tpu.vector_store %arg14[%swap3A_97, %swap3A_98], %mul3A_83 {strides = array<i32>} : memref<1000x64xf32, #tpu.memory_space<vmem>>, vector<1000x64xf32>,
    %swap3A_100 = arith.constant 0 : index
    %swap3A_101 = arith.constant 0 : index
    %swap3A_102 = vector.load %arg13[%swap3A_100, %swap3A_101] : memref<1000x64xf32, #tpu.memory_space<vmem>>, vector<1000x64xf32>
    tpu.vector_store %arg13[%swap3A_100, %swap3A_101], %mul3A_96 {strides = array<i32>} : memref<1000x64xf32, #tpu.memory_space<vmem>>, vector<1000x64xf32>,
    %eq3A = arith.constant 0 : i32
    %eq3A_103 = arith.cmpi eq, %arg0, %eq3A : i32
    %convert_element_type3A = arith.extui %eq3A_103 : i1 to i32
    %cond3A = arith.constant 0 : i32
    %cond3A_104 = arith.cmpi ne, %convert_element_type3A, %cond3A : i32
    scf.if %cond3A_104 {
      %broadcast_in_dim3A_151 = arith.constant 0.000000e+00 : f32
      %broadcast_in_dim3A_152 = vector.broadcast %broadcast_in_dim3A_151 : f32 to vector<4x64xf32>
      %swap3A_153 = arith.constant 0 : index
      %swap3A_154 = arith.constant 0 : index
      %swap3A_155 = vector.load %arg16[%swap3A_153, %swap3A_154] : memref<4x64xf32, #tpu.memory_space<vmem>>, vector<4x64xf32>
      tpu.vector_store %arg16[%swap3A_153, %swap3A_154], %broadcast_in_dim3A_152 {strides = array<i32>} : memref<4x64xf32, #tpu.memory_space<vmem>>, vector<4x64xf32>,
    } else {
    }
    %get3A_105 = arith.constant 0 : index
    %get3A_106 = arith.constant 0 : index
    %get3A_107 = vector.load %arg16[%get3A_105, %get3A_106] : memref<4x64xf32, #tpu.memory_space<vmem>>, vector<1x64xf32>
    %reduce_sum3A = arith.constant dense<0.000000e+00> : vector<64xf32>
    %reduce_sum3A_108 = vector.multi_reduction <add>, %mul3A_42, %reduce_sum3A [0] : vector<1000x64xf32> to vector<64xf32>
    %broadcast_in_dim3A = vector.shape_cast %reduce_sum3A_108 : vector<64xf32> to vector<1x64xf32>
    %add3A_109 = arith.addf %get3A_107, %broadcast_in_dim3A : vector<1x64xf32>
    %swap3A_110 = arith.constant 0 : index
    %swap3A_111 = arith.constant 0 : index
    %swap3A_112 = vector.load %arg16[%swap3A_110, %swap3A_111] : memref<4x64xf32, #tpu.memory_space<vmem>>, vector<1x64xf32>
    tpu.vector_store %arg16[%swap3A_110, %swap3A_111], %add3A_109 {strides = array<i32>} : memref<4x64xf32, #tpu.memory_space<vmem>>, vector<1x64xf32>,
    %get3A_113 = arith.constant 1 : index
    %get3A_114 = arith.constant 0 : index
    %get3A_115 = vector.load %arg16[%get3A_113, %get3A_114] : memref<4x64xf32, #tpu.memory_space<vmem>>, vector<1x64xf32>
    %mul3A_116 = arith.mulf %mul3A_42, %mul3A_42 : vector<1000x64xf32>
    %reduce_sum3A_117 = arith.constant dense<0.000000e+00> : vector<64xf32>
    %reduce_sum3A_118 = vector.multi_reduction <add>, %mul3A_116, %reduce_sum3A_117 [0] : vector<1000x64xf32> to vector<64xf32>
    %broadcast_in_dim3A_119 = vector.shape_cast %reduce_sum3A_118 : vector<64xf32> to vector<1x64xf32>
    %add3A_120 = arith.addf %get3A_115, %broadcast_in_dim3A_119 : vector<1x64xf32>
    %swap3A_121 = arith.constant 1 : index
    %swap3A_122 = arith.constant 0 : index
    %swap3A_123 = vector.load %arg16[%swap3A_121, %swap3A_122] : memref<4x64xf32, #tpu.memory_space<vmem>>, vector<1x64xf32>
    tpu.vector_store %arg16[%swap3A_121, %swap3A_122], %add3A_120 {strides = array<i32>} : memref<4x64xf32, #tpu.memory_space<vmem>>, vector<1x64xf32>,
    %get3A_124 = arith.constant 2 : index
    %get3A_125 = arith.constant 0 : index
    %get3A_126 = vector.load %arg16[%get3A_124, %get3A_125] : memref<4x64xf32, #tpu.memory_space<vmem>>, vector<1x64xf32>
    %reduce_sum3A_127 = arith.constant dense<0.000000e+00> : vector<64xf32>
    %reduce_sum3A_128 = vector.multi_reduction <add>, %mul3A_96, %reduce_sum3A_127 [0] : vector<1000x64xf32> to vector<64xf32>
    %broadcast_in_dim3A_129 = vector.shape_cast %reduce_sum3A_128 : vector<64xf32> to vector<1x64xf32>
    %add3A_130 = arith.addf %get3A_126, %broadcast_in_dim3A_129 : vector<1x64xf32>
    %swap3A_131 = arith.constant 2 : index
    %swap3A_132 = arith.constant 0 : index
    %swap3A_133 = vector.load %arg16[%swap3A_131, %swap3A_132] : memref<4x64xf32, #tpu.memory_space<vmem>>, vector<1x64xf32>
    tpu.vector_store %arg16[%swap3A_131, %swap3A_132], %add3A_130 {strides = array<i32>} : memref<4x64xf32, #tpu.memory_space<vmem>>, vector<1x64xf32>,
    %get3A_134 = arith.constant 3 : index
    %get3A_135 = arith.constant 0 : index
    %get3A_136 = vector.load %arg16[%get3A_134, %get3A_135] : memref<4x64xf32, #tpu.memory_space<vmem>>, vector<1x64xf32>
    %mul3A_137 = arith.mulf %mul3A_96, %mul3A_96 : vector<1000x64xf32>
    %reduce_sum3A_138 = arith.constant dense<0.000000e+00> : vector<64xf32>
    %reduce_sum3A_139 = vector.multi_reduction <add>, %mul3A_137, %reduce_sum3A_138 [0] : vector<1000x64xf32> to vector<64xf32>
    %broadcast_in_dim3A_140 = vector.shape_cast %reduce_sum3A_139 : vector<64xf32> to vector<1x64xf32>
    %add3A_141 = arith.addf %get3A_136, %broadcast_in_dim3A_140 : vector<1x64xf32>
    %swap3A_142 = arith.constant 3 : index
    %swap3A_143 = arith.constant 0 : index
    %swap3A_144 = vector.load %arg16[%swap3A_142, %swap3A_143] : memref<4x64xf32, #tpu.memory_space<vmem>>, vector<1x64xf32>
    tpu.vector_store %arg16[%swap3A_142, %swap3A_143], %add3A_141 {strides = array<i32>} : memref<4x64xf32, #tpu.memory_space<vmem>>, vector<1x64xf32>,
    %get3A_145 = arith.constant 0 : index
    %get3A_146 = arith.constant 0 : index
    %get3A_147 = vector.load %arg16[%get3A_145, %get3A_146] : memref<4x64xf32, #tpu.memory_space<vmem>>, vector<4x64xf32>
    %swap3A_148 = arith.constant 0 : index
    %swap3A_149 = arith.constant 0 : index
    %swap3A_150 = vector.load %arg15[%swap3A_148, %swap3A_149] : memref<4x64xf32, #tpu.memory_space<vmem>>, vector<4x64xf32>
    tpu.vector_store %arg15[%swap3A_148, %swap3A_149], %get3A_147 {strides = array<i32>} : memref<4x64xf32, #tpu.memory_space<vmem>>, vector<4x64xf32>,
    return
  }
  func.func @transform_0(%arg0: i32) -> (i32, i32) {
    %c0_i32 = arith.constant 0 : i32
    %c0_i32_0 = arith.constant 0 : i32
    return %arg0, %c0_i32 : i32, i32
  }
  func.func @transform_1(%arg0: i32) -> (i32, i32) {
    %c0_i32 = arith.constant 0 : i32
    %c0_i32_0 = arith.constant 0 : i32
    return %arg0, %c0_i32 : i32, i32
  }
  func.func @transform_2(%arg0: i32) -> (i32, i32) {
    %c0_i32 = arith.constant 0 : i32
    %c0_i32_0 = arith.constant 0 : i32
    return %arg0, %c0_i32 : i32, i32
  }
  func.func @transform_3(%arg0: i32) -> (i32, i32) {
    %c0_i32 = arith.constant 0 : i32
    %c0_i32_0 = arith.constant 0 : i32
    return %arg0, %c0_i32 : i32, i32
  }
  func.func @transform_4(%arg0: i32) -> (i32, i32) {
    %c0_i32 = arith.constant 0 : i32
    %c0_i32_0 = arith.constant 0 : i32
    %c0_i32_1 = arith.constant 0 : i32
    return %c0_i32, %c0_i32_0 : i32, i32
  }
  func.func @transform_5(%arg0: i32) -> (i32, i32) {
    %c0_i32 = arith.constant 0 : i32
    %c0_i32_0 = arith.constant 0 : i32
    %c0_i32_1 = arith.constant 0 : i32
    return %c0_i32, %c0_i32_0 : i32, i32
  }
  func.func @transform_6(%arg0: i32) -> (i32, i32) {
    %c0_i32 = arith.constant 0 : i32
    %c0_i32_0 = arith.constant 0 : i32
    %c0_i32_1 = arith.constant 0 : i32
    return %c0_i32, %c0_i32_0 : i32, i32
  }
  func.func @transform_7(%arg0: i32) -> (i32, i32) {
    %c0_i32 = arith.constant 0 : i32
    %c0_i32_0 = arith.constant 0 : i32
    %c0_i32_1 = arith.constant 0 : i32
    return %c0_i32, %c0_i32_0 : i32, i32
  }
  func.func @transform_8(%arg0: i32) -> (i32, i32) {
    %c0_i32 = arith.constant 0 : i32
    %c0_i32_0 = arith.constant 0 : i32
    %c0_i32_1 = arith.constant 0 : i32
    return %c0_i32, %c0_i32_0 : i32, i32
  }
  func.func @transform_9(%arg0: i32) -> (i32, i32) {
    %c0_i32 = arith.constant 0 : i32
    %c0_i32_0 = arith.constant 0 : i32
    %c0_i32_1 = arith.constant 0 : i32
    return %c0_i32, %c0_i32_0 : i32, i32
  }
  func.func @transform_10(%arg0: i32) -> (i32, i32) {
    %c0_i32 = arith.constant 0 : i32
    %c0_i32_0 = arith.constant 0 : i32
    return %arg0, %c0_i32 : i32, i32
  }
  func.func @transform_11(%arg0: i32) -> (i32, i32) {
    %c0_i32 = arith.constant 0 : i32
    %c0_i32_0 = arith.constant 0 : i32
    return %arg0, %c0_i32 : i32, i32
  }
  func.func @transform_12(%arg0: i32) -> (i32, i32) {
    %c0_i32 = arith.constant 0 : i32
    %c0_i32_0 = arith.constant 0 : i32
    return %arg0, %c0_i32 : i32, i32
  }
  func.func @transform_13(%arg0: i32) -> (i32, i32) {
    %c0_i32 = arith.constant 0 : i32
    %c0_i32_0 = arith.constant 0 : i32
    return %arg0, %c0_i32 : i32, i32
  }
  func.func @transform_14(%arg0: i32) -> (i32, i32) {
    %c0_i32 = arith.constant 0 : i32
    %c0_i32_0 = arith.constant 0 : i32
    %c0_i32_1 = arith.constant 0 : i32
    return %c0_i32, %c0_i32_0 : i32, i32
  }
}

module attributes {stable_mosaic.version = 14 : i64} {
  func.func @_b1_body(%arg0: i32, %arg1: memref<1000x64xf32, #tpu.memory_space<vmem>>, %arg2: memref<1000x64xf32, #tpu.memory_space<vmem>>, %arg3: memref<1000x64xf32, #tpu.memory_space<vmem>>, %arg4: memref<1000x8xf32, #tpu.memory_space<vmem>>, %arg5: memref<1000x64xf32, #tpu.memory_space<vmem>>, %arg6: memref<1000x64xf32, #tpu.memory_space<vmem>>, %arg7: memref<1000x64xf32, #tpu.memory_space<vmem>>, %arg8: memref<1000x8xf32, #tpu.memory_space<vmem>>, %arg9: memref<64x256xf32, #tpu.memory_space<vmem>>, %arg10: memref<64x256xf32, #tpu.memory_space<vmem>>, %arg11: memref<1x256xf32, #tpu.memory_space<vmem>>, %arg12: memref<64x256xf32, #tpu.memory_space<vmem>>, %arg13: memref<64x256xf32, #tpu.memory_space<vmem>>, %arg14: memref<1x256xf32, #tpu.memory_space<vmem>>, %arg15: memref<6x64xf32, #tpu.memory_space<vmem>>, %arg16: memref<4x64xf32, #tpu.memory_space<vmem>>, %arg17: memref<1000x64xf32, #tpu.memory_space<vmem>>, %arg18: memref<1000x64xf32, #tpu.memory_space<vmem>>, %arg19: memref<1000x64xf32, #tpu.memory_space<vmem>>, %arg20: memref<1000x64xf32, #tpu.memory_space<vmem>>, %arg21: memref<4x64xf32, #tpu.memory_space<vmem>>, %arg22: memref<4x64xf32, #tpu.memory_space<vmem>>) attributes {dimension_semantics = [#tpu.dimension_semantics<arbitrary>], iteration_bounds = array<i64: 25>, scalar_prefetch = 0 : i64, scratch_operands = 1 : i64, tpu.core_type = #tpu.core_type<tc>, window_params = [{transform_indices = @transform_0, window_bounds = array<i64: 1000, 64>}, {transform_indices = @transform_1, window_bounds = array<i64: 1000, 64>}, {transform_indices = @transform_2, window_bounds = array<i64: 1000, 64>}, {transform_indices = @transform_3, window_bounds = array<i64: 1000, 8>}, {transform_indices = @transform_4, window_bounds = array<i64: 1000, 64>}, {transform_indices = @transform_5, window_bounds = array<i64: 1000, 64>}, {transform_indices = @transform_6, window_bounds = array<i64: 1000, 64>}, {transform_indices = @transform_7, window_bounds = array<i64: 1000, 8>}, {pipeline_mode = #tpu.pipeline_mode<synchronous>, transform_indices = @transform_8, window_bounds = array<i64: 64, 256>}, {pipeline_mode = #tpu.pipeline_mode<synchronous>, transform_indices = @transform_9, window_bounds = array<i64: 64, 256>}, {pipeline_mode = #tpu.pipeline_mode<synchronous>, transform_indices = @transform_10, window_bounds = array<i64: 1, 256>}, {pipeline_mode = #tpu.pipeline_mode<synchronous>, transform_indices = @transform_11, window_bounds = array<i64: 64, 256>}, {pipeline_mode = #tpu.pipeline_mode<synchronous>, transform_indices = @transform_12, window_bounds = array<i64: 64, 256>}, {pipeline_mode = #tpu.pipeline_mode<synchronous>, transform_indices = @transform_13, window_bounds = array<i64: 1, 256>}, {pipeline_mode = #tpu.pipeline_mode<synchronous>, transform_indices = @transform_14, window_bounds = array<i64: 6, 64>}, {pipeline_mode = #tpu.pipeline_mode<synchronous>, transform_indices = @transform_15, window_bounds = array<i64: 4, 64>}, {transform_indices = @transform_16, window_bounds = array<i64: 1000, 64>}, {transform_indices = @transform_17, window_bounds = array<i64: 1000, 64>}, {transform_indices = @transform_18, window_bounds = array<i64: 1000, 64>}, {transform_indices = @transform_19, window_bounds = array<i64: 1000, 64>}, {pipeline_mode = #tpu.pipeline_mode<synchronous>, transform_indices = @transform_20, window_bounds = array<i64: 4, 64>}]} {
    %get3A = arith.constant 0 : index
    %get3A_0 = arith.constant 0 : index
    %get3A_1 = vector.load %arg15[%get3A, %get3A_0] : memref<6x64xf32, #tpu.memory_space<vmem>>, vector<1x64xf32>
    %get3A_2 = arith.constant 1 : index
    %get3A_3 = arith.constant 0 : index
    %get3A_4 = vector.load %arg15[%get3A_2, %get3A_3] : memref<6x64xf32, #tpu.memory_space<vmem>>, vector<1x64xf32>
    %get3A_5 = arith.constant 2 : index
    %get3A_6 = arith.constant 0 : index
    %get3A_7 = vector.load %arg15[%get3A_5, %get3A_6] : memref<6x64xf32, #tpu.memory_space<vmem>>, vector<1x64xf32>
    %get3A_8 = arith.constant 0 : index
    %get3A_9 = arith.constant 0 : index
    %get3A_10 = vector.load %arg16[%get3A_8, %get3A_9] : memref<4x64xf32, #tpu.memory_space<vmem>>, vector<1x64xf32>
    %mul3A = arith.constant 4.000000e-05 : f32
    %mul3A_11 = vector.broadcast %mul3A : f32 to vector<1x64xf32>
    %mul3A_12 = arith.mulf %get3A_10, %mul3A_11 : vector<1x64xf32>
    %get3A_13 = arith.constant 1 : index
    %get3A_14 = arith.constant 0 : index
    %get3A_15 = vector.load %arg16[%get3A_13, %get3A_14] : memref<4x64xf32, #tpu.memory_space<vmem>>, vector<1x64xf32>
    %mul3A_16 = arith.constant 4.000000e-05 : f32
    %mul3A_17 = vector.broadcast %mul3A_16 : f32 to vector<1x64xf32>
    %mul3A_18 = arith.mulf %get3A_15, %mul3A_17 : vector<1x64xf32>
    %mul3A_19 = arith.mulf %mul3A_12, %mul3A_12 : vector<1x64xf32>
    %mul3A_20 = arith.constant 2.000000e+00 : f32
    %mul3A_21 = vector.broadcast %mul3A_20 : f32 to vector<1x64xf32>
    %mul3A_22 = arith.mulf %mul3A_21, %get3A_1 : vector<1x64xf32>
    %mul3A_23 = arith.mulf %get3A_1, %get3A_1 : vector<1x64xf32>
    %sub3A = arith.subf %mul3A_22, %mul3A_23 : vector<1x64xf32>
    %mul3A_24 = arith.mulf %mul3A_19, %sub3A : vector<1x64xf32>
    %sub3A_25 = arith.subf %mul3A_18, %mul3A_24 : vector<1x64xf32>
    %add3A = arith.constant 9.99999974E-6 : f32
    %add3A_26 = vector.broadcast %add3A : f32 to vector<1x64xf32>
    %add3A_27 = arith.addf %sub3A_25, %add3A_26 : vector<1x64xf32>
    %sqrt3A = math.sqrt %add3A_27 : vector<1x64xf32>
    %div3A = arith.constant 1.000000e+00 : f32
    %div3A_28 = vector.broadcast %div3A : f32 to vector<1x64xf32>
    %div3A_29 = arith.divf %div3A_28, %sqrt3A : vector<1x64xf32>
    %mul3A_30 = arith.mulf %div3A_29, %get3A_4 : vector<1x64xf32>
    %mul3A_31 = arith.mulf %get3A_1, %mul3A_12 : vector<1x64xf32>
    %mul3A_32 = arith.mulf %mul3A_31, %mul3A_30 : vector<1x64xf32>
    %sub3A_33 = arith.subf %get3A_7, %mul3A_32 : vector<1x64xf32>
    %get3A_34 = arith.constant 3 : index
    %get3A_35 = arith.constant 0 : index
    %get3A_36 = vector.load %arg15[%get3A_34, %get3A_35] : memref<6x64xf32, #tpu.memory_space<vmem>>, vector<1x64xf32>
    %get3A_37 = arith.constant 4 : index
    %get3A_38 = arith.constant 0 : index
    %get3A_39 = vector.load %arg15[%get3A_37, %get3A_38] : memref<6x64xf32, #tpu.memory_space<vmem>>, vector<1x64xf32>
    %get3A_40 = arith.constant 5 : index
    %get3A_41 = arith.constant 0 : index
    %get3A_42 = vector.load %arg15[%get3A_40, %get3A_41] : memref<6x64xf32, #tpu.memory_space<vmem>>, vector<1x64xf32>
    %get3A_43 = arith.constant 2 : index
    %get3A_44 = arith.constant 0 : index
    %get3A_45 = vector.load %arg16[%get3A_43, %get3A_44] : memref<4x64xf32, #tpu.memory_space<vmem>>, vector<1x64xf32>
    %mul3A_46 = arith.constant 4.000000e-05 : f32
    %mul3A_47 = vector.broadcast %mul3A_46 : f32 to vector<1x64xf32>
    %mul3A_48 = arith.mulf %get3A_45, %mul3A_47 : vector<1x64xf32>
    %get3A_49 = arith.constant 3 : index
    %get3A_50 = arith.constant 0 : index
    %get3A_51 = vector.load %arg16[%get3A_49, %get3A_50] : memref<4x64xf32, #tpu.memory_space<vmem>>, vector<1x64xf32>
    %mul3A_52 = arith.constant 4.000000e-05 : f32
    %mul3A_53 = vector.broadcast %mul3A_52 : f32 to vector<1x64xf32>
    %mul3A_54 = arith.mulf %get3A_51, %mul3A_53 : vector<1x64xf32>
    %mul3A_55 = arith.mulf %mul3A_48, %mul3A_48 : vector<1x64xf32>
    %mul3A_56 = arith.constant 2.000000e+00 : f32
    %mul3A_57 = vector.broadcast %mul3A_56 : f32 to vector<1x64xf32>
    %mul3A_58 = arith.mulf %mul3A_57, %get3A_36 : vector<1x64xf32>
    %mul3A_59 = arith.mulf %get3A_36, %get3A_36 : vector<1x64xf32>
    %sub3A_60 = arith.subf %mul3A_58, %mul3A_59 : vector<1x64xf32>
    %mul3A_61 = arith.mulf %mul3A_55, %sub3A_60 : vector<1x64xf32>
    %sub3A_62 = arith.subf %mul3A_54, %mul3A_61 : vector<1x64xf32>
    %add3A_63 = arith.constant 9.99999974E-6 : f32
    %add3A_64 = vector.broadcast %add3A_63 : f32 to vector<1x64xf32>
    %add3A_65 = arith.addf %sub3A_62, %add3A_64 : vector<1x64xf32>
    %sqrt3A_66 = math.sqrt %add3A_65 : vector<1x64xf32>
    %div3A_67 = arith.constant 1.000000e+00 : f32
    %div3A_68 = vector.broadcast %div3A_67 : f32 to vector<1x64xf32>
    %div3A_69 = arith.divf %div3A_68, %sqrt3A_66 : vector<1x64xf32>
    %mul3A_70 = arith.mulf %div3A_69, %get3A_39 : vector<1x64xf32>
    %mul3A_71 = arith.mulf %get3A_36, %mul3A_48 : vector<1x64xf32>
    %mul3A_72 = arith.mulf %mul3A_71, %mul3A_70 : vector<1x64xf32>
    %sub3A_73 = arith.subf %get3A_42, %mul3A_72 : vector<1x64xf32>
    %get3A_74 = arith.constant 0 : index
    %get3A_75 = arith.constant 0 : index
    %get3A_76 = vector.load %arg1[%get3A_74, %get3A_75] : memref<1000x64xf32, #tpu.memory_space<vmem>>, vector<1000x64xf32>
    %mul3A_77 = vector.broadcast %mul3A_30 : vector<1x64xf32> to vector<1000x64xf32>
    %mul3A_78 = arith.mulf %get3A_76, %mul3A_77 : vector<1000x64xf32>
    %add3A_79 = vector.broadcast %sub3A_33 : vector<1x64xf32> to vector<1000x64xf32>
    %add3A_80 = arith.addf %mul3A_78, %add3A_79 : vector<1000x64xf32>
    %get3A_81 = arith.constant 0 : index
    %get3A_82 = arith.constant 0 : index
    %get3A_83 = vector.load %arg4[%get3A_81, %get3A_82] : memref<1000x8xf32, #tpu.memory_space<vmem>>, vector<1000x8xf32>
    %slice3A = vector.extract_strided_slice %get3A_83 {offsets = [0, 0], sizes = [1000, 1], strides = [1, 1]} : vector<1000x8xf32> to vector<1000x1xf32>
    %max3A = arith.constant 1.000000e+00 : f32
    %max3A_84 = vector.broadcast %max3A : f32 to vector<1000x1xf32>
    %max3A_85 = arith.maximumf %slice3A, %max3A_84 : vector<1000x1xf32>
    %div3A_86 = arith.constant 1.000000e+00 : f32
    %div3A_87 = vector.broadcast %div3A_86 : f32 to vector<1000x1xf32>
    %div3A_88 = arith.divf %div3A_87, %max3A_85 : vector<1000x1xf32>
    %mul3A_89 = arith.mulf %slice3A, %div3A_88 : vector<1000x1xf32>
    %get3A_90 = arith.constant 0 : index
    %get3A_91 = arith.constant 0 : index
    %get3A_92 = vector.load %arg3[%get3A_90, %get3A_91] : memref<1000x64xf32, #tpu.memory_space<vmem>>, vector<1000x64xf32>
    %mul3A_93 = vector.broadcast %div3A_88 : vector<1000x1xf32> to vector<1000x64xf32>
    %mul3A_94 = arith.mulf %get3A_92, %mul3A_93 : vector<1000x64xf32>
    %mul3A_95 = vector.broadcast %mul3A_70 : vector<1x64xf32> to vector<1000x64xf32>
    %mul3A_96 = arith.mulf %mul3A_94, %mul3A_95 : vector<1000x64xf32>
    %mul3A_97 = vector.broadcast %mul3A_89 : vector<1000x1xf32> to vector<1000x64xf32>
    %mul3A_98 = vector.broadcast %sub3A_73 : vector<1x64xf32> to vector<1000x64xf32>
    %mul3A_99 = arith.mulf %mul3A_97, %mul3A_98 : vector<1000x64xf32>
    %add3A_100 = arith.addf %mul3A_96, %mul3A_99 : vector<1000x64xf32>
    %get3A_101 = arith.constant 0 : index
    %get3A_102 = arith.constant 0 : index
    %get3A_103 = vector.load %arg9[%get3A_101, %get3A_102] : memref<64x256xf32, #tpu.memory_space<vmem>>, vector<64x256xf32>
    %dot_general3A = arith.constant dense<0.000000e+00> : vector<1000x256xf32>
    %dot_general3A_104 = tpu.matmul %add3A_80, %get3A_103, %dot_general3A {dimension_numbers = #tpu.dot_dimension_numbers<[1], [0], [0], [1], [0, 0, 1, 1], [], []>, transpose_lhs_hint = false} : vector<1000x64xf32>, vector<64x256xf32>, vector<1000x256xf32> -> vector<1000x256xf32>
    %get3A_105 = arith.constant 0 : index
    %get3A_106 = arith.constant 0 : index
    %get3A_107 = vector.load %arg10[%get3A_105, %get3A_106] : memref<64x256xf32, #tpu.memory_space<vmem>>, vector<64x256xf32>
    %dot_general3A_108 = arith.constant dense<0.000000e+00> : vector<1000x256xf32>
    %dot_general3A_109 = tpu.matmul %add3A_100, %get3A_107, %dot_general3A_108 {dimension_numbers = #tpu.dot_dimension_numbers<[1], [0], [0], [1], [0, 0, 1, 1], [], []>, transpose_lhs_hint = false} : vector<1000x64xf32>, vector<64x256xf32>, vector<1000x256xf32> -> vector<1000x256xf32>
    %add3A_110 = arith.addf %dot_general3A_104, %dot_general3A_109 : vector<1000x256xf32>
    %get3A_111 = arith.constant 0 : index
    %get3A_112 = arith.constant 0 : index
    %get3A_113 = vector.load %arg11[%get3A_111, %get3A_112] : memref<1x256xf32, #tpu.memory_space<vmem>>, vector<1x256xf32>
    %add3A_114 = vector.broadcast %get3A_113 : vector<1x256xf32> to vector<1000x256xf32>
    %add3A_115 = arith.addf %add3A_110, %add3A_114 : vector<1000x256xf32>
    %slice3A_116 = vector.extract_strided_slice %add3A_115 {offsets = [0, 64], sizes = [1000, 64], strides = [1, 1]} : vector<1000x256xf32> to vector<1000x64xf32>
    %mul3A_117 = arith.constant 5.000000e-01 : f32
    %mul3A_118 = vector.broadcast %mul3A_117 : f32 to vector<1000x64xf32>
    %mul3A_119 = arith.mulf %mul3A_118, %slice3A_116 : vector<1000x64xf32>
    %tanh3A = math.tanh %mul3A_119 : vector<1000x64xf32>
    %mul3A_120 = arith.constant 5.000000e-01 : f32
    %mul3A_121 = vector.broadcast %mul3A_120 : f32 to vector<1000x64xf32>
    %mul3A_122 = arith.mulf %mul3A_121, %tanh3A : vector<1000x64xf32>
    %add3A_123 = arith.constant 5.000000e-01 : f32
    %add3A_124 = vector.broadcast %add3A_123 : f32 to vector<1000x64xf32>
    %add3A_125 = arith.addf %mul3A_122, %add3A_124 : vector<1000x64xf32>
    %get3A_126 = arith.constant 0 : index
    %get3A_127 = arith.constant 0 : index
    %get3A_128 = vector.load %arg2[%get3A_126, %get3A_127] : memref<1000x64xf32, #tpu.memory_space<vmem>>, vector<1000x64xf32>
    %mul3A_129 = arith.mulf %add3A_125, %get3A_128 : vector<1000x64xf32>
    %slice3A_130 = vector.extract_strided_slice %add3A_115 {offsets = [0, 0], sizes = [1000, 64], strides = [1, 1]} : vector<1000x256xf32> to vector<1000x64xf32>
    %mul3A_131 = arith.constant 5.000000e-01 : f32
    %mul3A_132 = vector.broadcast %mul3A_131 : f32 to vector<1000x64xf32>
    %mul3A_133 = arith.mulf %mul3A_132, %slice3A_130 : vector<1000x64xf32>
    %tanh3A_134 = math.tanh %mul3A_133 : vector<1000x64xf32>
    %mul3A_135 = arith.constant 5.000000e-01 : f32
    %mul3A_136 = vector.broadcast %mul3A_135 : f32 to vector<1000x64xf32>
    %mul3A_137 = arith.mulf %mul3A_136, %tanh3A_134 : vector<1000x64xf32>
    %add3A_138 = arith.constant 5.000000e-01 : f32
    %add3A_139 = vector.broadcast %add3A_138 : f32 to vector<1000x64xf32>
    %add3A_140 = arith.addf %mul3A_137, %add3A_139 : vector<1000x64xf32>
    %slice3A_141 = vector.extract_strided_slice %add3A_115 {offsets = [0, 128], sizes = [1000, 64], strides = [1, 1]} : vector<1000x256xf32> to vector<1000x64xf32>
    %tanh3A_142 = math.tanh %slice3A_141 : vector<1000x64xf32>
    %mul3A_143 = arith.mulf %add3A_140, %tanh3A_142 : vector<1000x64xf32>
    %add3A_144 = arith.addf %mul3A_129, %mul3A_143 : vector<1000x64xf32>
    %slice3A_145 = vector.extract_strided_slice %add3A_115 {offsets = [0, 192], sizes = [1000, 64], strides = [1, 1]} : vector<1000x256xf32> to vector<1000x64xf32>
    %mul3A_146 = arith.constant 5.000000e-01 : f32
    %mul3A_147 = vector.broadcast %mul3A_146 : f32 to vector<1000x64xf32>
    %mul3A_148 = arith.mulf %mul3A_147, %slice3A_145 : vector<1000x64xf32>
    %tanh3A_149 = math.tanh %mul3A_148 : vector<1000x64xf32>
    %mul3A_150 = arith.constant 5.000000e-01 : f32
    %mul3A_151 = vector.broadcast %mul3A_150 : f32 to vector<1000x64xf32>
    %mul3A_152 = arith.mulf %mul3A_151, %tanh3A_149 : vector<1000x64xf32>
    %add3A_153 = arith.constant 5.000000e-01 : f32
    %add3A_154 = vector.broadcast %add3A_153 : f32 to vector<1000x64xf32>
    %add3A_155 = arith.addf %mul3A_152, %add3A_154 : vector<1000x64xf32>
    %tanh3A_156 = math.tanh %add3A_144 : vector<1000x64xf32>
    %mul3A_157 = arith.mulf %add3A_155, %tanh3A_156 : vector<1000x64xf32>
    %swap3A = arith.constant 0 : index
    %swap3A_158 = arith.constant 0 : index
    %swap3A_159 = vector.load %arg17[%swap3A, %swap3A_158] : memref<1000x64xf32, #tpu.memory_space<vmem>>, vector<1000x64xf32>
    tpu.vector_store %arg17[%swap3A, %swap3A_158], %add3A_144 {strides = array<i32>} : memref<1000x64xf32, #tpu.memory_space<vmem>>, vector<1000x64xf32>,
    %swap3A_160 = arith.constant 0 : index
    %swap3A_161 = arith.constant 0 : index
    %swap3A_162 = vector.load %arg18[%swap3A_160, %swap3A_161] : memref<1000x64xf32, #tpu.memory_space<vmem>>, vector<1000x64xf32>
    tpu.vector_store %arg18[%swap3A_160, %swap3A_161], %mul3A_157 {strides = array<i32>} : memref<1000x64xf32, #tpu.memory_space<vmem>>, vector<1000x64xf32>,
    %get3A_163 = arith.constant 3 : index
    %get3A_164 = arith.constant 0 : index
    %get3A_165 = vector.load %arg15[%get3A_163, %get3A_164] : memref<6x64xf32, #tpu.memory_space<vmem>>, vector<1x64xf32>
    %get3A_166 = arith.constant 4 : index
    %get3A_167 = arith.constant 0 : index
    %get3A_168 = vector.load %arg15[%get3A_166, %get3A_167] : memref<6x64xf32, #tpu.memory_space<vmem>>, vector<1x64xf32>
    %get3A_169 = arith.constant 5 : index
    %get3A_170 = arith.constant 0 : index
    %get3A_171 = vector.load %arg15[%get3A_169, %get3A_170] : memref<6x64xf32, #tpu.memory_space<vmem>>, vector<1x64xf32>
    %get3A_172 = arith.constant 2 : index
    %get3A_173 = arith.constant 0 : index
    %get3A_174 = vector.load %arg16[%get3A_172, %get3A_173] : memref<4x64xf32, #tpu.memory_space<vmem>>, vector<1x64xf32>
    %mul3A_175 = arith.constant 4.000000e-05 : f32
    %mul3A_176 = vector.broadcast %mul3A_175 : f32 to vector<1x64xf32>
    %mul3A_177 = arith.mulf %get3A_174, %mul3A_176 : vector<1x64xf32>
    %get3A_178 = arith.constant 3 : index
    %get3A_179 = arith.constant 0 : index
    %get3A_180 = vector.load %arg16[%get3A_178, %get3A_179] : memref<4x64xf32, #tpu.memory_space<vmem>>, vector<1x64xf32>
    %mul3A_181 = arith.constant 4.000000e-05 : f32
    %mul3A_182 = vector.broadcast %mul3A_181 : f32 to vector<1x64xf32>
    %mul3A_183 = arith.mulf %get3A_180, %mul3A_182 : vector<1x64xf32>
    %mul3A_184 = arith.mulf %mul3A_177, %mul3A_177 : vector<1x64xf32>
    %mul3A_185 = arith.constant 2.000000e+00 : f32
    %mul3A_186 = vector.broadcast %mul3A_185 : f32 to vector<1x64xf32>
    %mul3A_187 = arith.mulf %mul3A_186, %get3A_165 : vector<1x64xf32>
    %mul3A_188 = arith.mulf %get3A_165, %get3A_165 : vector<1x64xf32>
    %sub3A_189 = arith.subf %mul3A_187, %mul3A_188 : vector<1x64xf32>
    %mul3A_190 = arith.mulf %mul3A_184, %sub3A_189 : vector<1x64xf32>
    %sub3A_191 = arith.subf %mul3A_183, %mul3A_190 : vector<1x64xf32>
    %add3A_192 = arith.constant 9.99999974E-6 : f32
    %add3A_193 = vector.broadcast %add3A_192 : f32 to vector<1x64xf32>
    %add3A_194 = arith.addf %sub3A_191, %add3A_193 : vector<1x64xf32>
    %sqrt3A_195 = math.sqrt %add3A_194 : vector<1x64xf32>
    %div3A_196 = arith.constant 1.000000e+00 : f32
    %div3A_197 = vector.broadcast %div3A_196 : f32 to vector<1x64xf32>
    %div3A_198 = arith.divf %div3A_197, %sqrt3A_195 : vector<1x64xf32>
    %mul3A_199 = arith.mulf %div3A_198, %get3A_168 : vector<1x64xf32>
    %mul3A_200 = arith.mulf %get3A_165, %mul3A_177 : vector<1x64xf32>
    %mul3A_201 = arith.mulf %mul3A_200, %mul3A_199 : vector<1x64xf32>
    %sub3A_202 = arith.subf %get3A_171, %mul3A_201 : vector<1x64xf32>
    %get3A_203 = arith.constant 0 : index
    %get3A_204 = arith.constant 0 : index
    %get3A_205 = vector.load %arg15[%get3A_203, %get3A_204] : memref<6x64xf32, #tpu.memory_space<vmem>>, vector<1x64xf32>
    %get3A_206 = arith.constant 1 : index
    %get3A_207 = arith.constant 0 : index
    %get3A_208 = vector.load %arg15[%get3A_206, %get3A_207] : memref<6x64xf32, #tpu.memory_space<vmem>>, vector<1x64xf32>
    %get3A_209 = arith.constant 2 : index
    %get3A_210 = arith.constant 0 : index
    %get3A_211 = vector.load %arg15[%get3A_209, %get3A_210] : memref<6x64xf32, #tpu.memory_space<vmem>>, vector<1x64xf32>
    %get3A_212 = arith.constant 0 : index
    %get3A_213 = arith.constant 0 : index
    %get3A_214 = vector.load %arg16[%get3A_212, %get3A_213] : memref<4x64xf32, #tpu.memory_space<vmem>>, vector<1x64xf32>
    %mul3A_215 = arith.constant 4.000000e-05 : f32
    %mul3A_216 = vector.broadcast %mul3A_215 : f32 to vector<1x64xf32>
    %mul3A_217 = arith.mulf %get3A_214, %mul3A_216 : vector<1x64xf32>
    %get3A_218 = arith.constant 1 : index
    %get3A_219 = arith.constant 0 : index
    %get3A_220 = vector.load %arg16[%get3A_218, %get3A_219] : memref<4x64xf32, #tpu.memory_space<vmem>>, vector<1x64xf32>
    %mul3A_221 = arith.constant 4.000000e-05 : f32
    %mul3A_222 = vector.broadcast %mul3A_221 : f32 to vector<1x64xf32>
    %mul3A_223 = arith.mulf %get3A_220, %mul3A_222 : vector<1x64xf32>
    %mul3A_224 = arith.mulf %mul3A_217, %mul3A_217 : vector<1x64xf32>
    %mul3A_225 = arith.constant 2.000000e+00 : f32
    %mul3A_226 = vector.broadcast %mul3A_225 : f32 to vector<1x64xf32>
    %mul3A_227 = arith.mulf %mul3A_226, %get3A_205 : vector<1x64xf32>
    %mul3A_228 = arith.mulf %get3A_205, %get3A_205 : vector<1x64xf32>
    %sub3A_229 = arith.subf %mul3A_227, %mul3A_228 : vector<1x64xf32>
    %mul3A_230 = arith.mulf %mul3A_224, %sub3A_229 : vector<1x64xf32>
    %sub3A_231 = arith.subf %mul3A_223, %mul3A_230 : vector<1x64xf32>
    %add3A_232 = arith.constant 9.99999974E-6 : f32
    %add3A_233 = vector.broadcast %add3A_232 : f32 to vector<1x64xf32>
    %add3A_234 = arith.addf %sub3A_231, %add3A_233 : vector<1x64xf32>
    %sqrt3A_235 = math.sqrt %add3A_234 : vector<1x64xf32>
    %div3A_236 = arith.constant 1.000000e+00 : f32
    %div3A_237 = vector.broadcast %div3A_236 : f32 to vector<1x64xf32>
    %div3A_238 = arith.divf %div3A_237, %sqrt3A_235 : vector<1x64xf32>
    %mul3A_239 = arith.mulf %div3A_238, %get3A_208 : vector<1x64xf32>
    %mul3A_240 = arith.mulf %get3A_205, %mul3A_217 : vector<1x64xf32>
    %mul3A_241 = arith.mulf %mul3A_240, %mul3A_239 : vector<1x64xf32>
    %sub3A_242 = arith.subf %get3A_211, %mul3A_241 : vector<1x64xf32>
    %get3A_243 = arith.constant 0 : index
    %get3A_244 = arith.constant 0 : index
    %get3A_245 = vector.load %arg5[%get3A_243, %get3A_244] : memref<1000x64xf32, #tpu.memory_space<vmem>>, vector<1000x64xf32>
    %mul3A_246 = vector.broadcast %mul3A_199 : vector<1x64xf32> to vector<1000x64xf32>
    %mul3A_247 = arith.mulf %get3A_245, %mul3A_246 : vector<1000x64xf32>
    %add3A_248 = vector.broadcast %sub3A_202 : vector<1x64xf32> to vector<1000x64xf32>
    %add3A_249 = arith.addf %mul3A_247, %add3A_248 : vector<1000x64xf32>
    %get3A_250 = arith.constant 0 : index
    %get3A_251 = arith.constant 0 : index
    %get3A_252 = vector.load %arg8[%get3A_250, %get3A_251] : memref<1000x8xf32, #tpu.memory_space<vmem>>, vector<1000x8xf32>
    %slice3A_253 = vector.extract_strided_slice %get3A_252 {offsets = [0, 0], sizes = [1000, 1], strides = [1, 1]} : vector<1000x8xf32> to vector<1000x1xf32>
    %max3A_254 = arith.constant 1.000000e+00 : f32
    %max3A_255 = vector.broadcast %max3A_254 : f32 to vector<1000x1xf32>
    %max3A_256 = arith.maximumf %slice3A_253, %max3A_255 : vector<1000x1xf32>
    %div3A_257 = arith.constant 1.000000e+00 : f32
    %div3A_258 = vector.broadcast %div3A_257 : f32 to vector<1000x1xf32>
    %div3A_259 = arith.divf %div3A_258, %max3A_256 : vector<1000x1xf32>
    %mul3A_260 = arith.mulf %slice3A_253, %div3A_259 : vector<1000x1xf32>
    %get3A_261 = arith.constant 0 : index
    %get3A_262 = arith.constant 0 : index
    %get3A_263 = vector.load %arg7[%get3A_261, %get3A_262] : memref<1000x64xf32, #tpu.memory_space<vmem>>, vector<1000x64xf32>
    %mul3A_264 = vector.broadcast %div3A_259 : vector<1000x1xf32> to vector<1000x64xf32>
    %mul3A_265 = arith.mulf %get3A_263, %mul3A_264 : vector<1000x64xf32>
    %mul3A_266 = vector.broadcast %mul3A_239 : vector<1x64xf32> to vector<1000x64xf32>
    %mul3A_267 = arith.mulf %mul3A_265, %mul3A_266 : vector<1000x64xf32>
    %mul3A_268 = vector.broadcast %mul3A_260 : vector<1000x1xf32> to vector<1000x64xf32>
    %mul3A_269 = vector.broadcast %sub3A_242 : vector<1x64xf32> to vector<1000x64xf32>
    %mul3A_270 = arith.mulf %mul3A_268, %mul3A_269 : vector<1000x64xf32>
    %add3A_271 = arith.addf %mul3A_267, %mul3A_270 : vector<1000x64xf32>
    %get3A_272 = arith.constant 0 : index
    %get3A_273 = arith.constant 0 : index
    %get3A_274 = vector.load %arg12[%get3A_272, %get3A_273] : memref<64x256xf32, #tpu.memory_space<vmem>>, vector<64x256xf32>
    %dot_general3A_275 = arith.constant dense<0.000000e+00> : vector<1000x256xf32>
    %dot_general3A_276 = tpu.matmul %add3A_249, %get3A_274, %dot_general3A_275 {dimension_numbers = #tpu.dot_dimension_numbers<[1], [0], [0], [1], [0, 0, 1, 1], [], []>, transpose_lhs_hint = false} : vector<1000x64xf32>, vector<64x256xf32>, vector<1000x256xf32> -> vector<1000x256xf32>
    %get3A_277 = arith.constant 0 : index
    %get3A_278 = arith.constant 0 : index
    %get3A_279 = vector.load %arg13[%get3A_277, %get3A_278] : memref<64x256xf32, #tpu.memory_space<vmem>>, vector<64x256xf32>
    %dot_general3A_280 = arith.constant dense<0.000000e+00> : vector<1000x256xf32>
    %dot_general3A_281 = tpu.matmul %add3A_271, %get3A_279, %dot_general3A_280 {dimension_numbers = #tpu.dot_dimension_numbers<[1], [0], [0], [1], [0, 0, 1, 1], [], []>, transpose_lhs_hint = false} : vector<1000x64xf32>, vector<64x256xf32>, vector<1000x256xf32> -> vector<1000x256xf32>
    %add3A_282 = arith.addf %dot_general3A_276, %dot_general3A_281 : vector<1000x256xf32>
    %get3A_283 = arith.constant 0 : index
    %get3A_284 = arith.constant 0 : index
    %get3A_285 = vector.load %arg14[%get3A_283, %get3A_284] : memref<1x256xf32, #tpu.memory_space<vmem>>, vector<1x256xf32>
    %add3A_286 = vector.broadcast %get3A_285 : vector<1x256xf32> to vector<1000x256xf32>
    %add3A_287 = arith.addf %add3A_282, %add3A_286 : vector<1000x256xf32>
    %slice3A_288 = vector.extract_strided_slice %add3A_287 {offsets = [0, 64], sizes = [1000, 64], strides = [1, 1]} : vector<1000x256xf32> to vector<1000x64xf32>
    %mul3A_289 = arith.constant 5.000000e-01 : f32
    %mul3A_290 = vector.broadcast %mul3A_289 : f32 to vector<1000x64xf32>
    %mul3A_291 = arith.mulf %mul3A_290, %slice3A_288 : vector<1000x64xf32>
    %tanh3A_292 = math.tanh %mul3A_291 : vector<1000x64xf32>
    %mul3A_293 = arith.constant 5.000000e-01 : f32
    %mul3A_294 = vector.broadcast %mul3A_293 : f32 to vector<1000x64xf32>
    %mul3A_295 = arith.mulf %mul3A_294, %tanh3A_292 : vector<1000x64xf32>
    %add3A_296 = arith.constant 5.000000e-01 : f32
    %add3A_297 = vector.broadcast %add3A_296 : f32 to vector<1000x64xf32>
    %add3A_298 = arith.addf %mul3A_295, %add3A_297 : vector<1000x64xf32>
    %get3A_299 = arith.constant 0 : index
    %get3A_300 = arith.constant 0 : index
    %get3A_301 = vector.load %arg6[%get3A_299, %get3A_300] : memref<1000x64xf32, #tpu.memory_space<vmem>>, vector<1000x64xf32>
    %mul3A_302 = arith.mulf %add3A_298, %get3A_301 : vector<1000x64xf32>
    %slice3A_303 = vector.extract_strided_slice %add3A_287 {offsets = [0, 0], sizes = [1000, 64], strides = [1, 1]} : vector<1000x256xf32> to vector<1000x64xf32>
    %mul3A_304 = arith.constant 5.000000e-01 : f32
    %mul3A_305 = vector.broadcast %mul3A_304 : f32 to vector<1000x64xf32>
    %mul3A_306 = arith.mulf %mul3A_305, %slice3A_303 : vector<1000x64xf32>
    %tanh3A_307 = math.tanh %mul3A_306 : vector<1000x64xf32>
    %mul3A_308 = arith.constant 5.000000e-01 : f32
    %mul3A_309 = vector.broadcast %mul3A_308 : f32 to vector<1000x64xf32>
    %mul3A_310 = arith.mulf %mul3A_309, %tanh3A_307 : vector<1000x64xf32>
    %add3A_311 = arith.constant 5.000000e-01 : f32
    %add3A_312 = vector.broadcast %add3A_311 : f32 to vector<1000x64xf32>
    %add3A_313 = arith.addf %mul3A_310, %add3A_312 : vector<1000x64xf32>
    %slice3A_314 = vector.extract_strided_slice %add3A_287 {offsets = [0, 128], sizes = [1000, 64], strides = [1, 1]} : vector<1000x256xf32> to vector<1000x64xf32>
    %tanh3A_315 = math.tanh %slice3A_314 : vector<1000x64xf32>
    %mul3A_316 = arith.mulf %add3A_313, %tanh3A_315 : vector<1000x64xf32>
    %add3A_317 = arith.addf %mul3A_302, %mul3A_316 : vector<1000x64xf32>
    %slice3A_318 = vector.extract_strided_slice %add3A_287 {offsets = [0, 192], sizes = [1000, 64], strides = [1, 1]} : vector<1000x256xf32> to vector<1000x64xf32>
    %mul3A_319 = arith.constant 5.000000e-01 : f32
    %mul3A_320 = vector.broadcast %mul3A_319 : f32 to vector<1000x64xf32>
    %mul3A_321 = arith.mulf %mul3A_320, %slice3A_318 : vector<1000x64xf32>
    %tanh3A_322 = math.tanh %mul3A_321 : vector<1000x64xf32>
    %mul3A_323 = arith.constant 5.000000e-01 : f32
    %mul3A_324 = vector.broadcast %mul3A_323 : f32 to vector<1000x64xf32>
    %mul3A_325 = arith.mulf %mul3A_324, %tanh3A_322 : vector<1000x64xf32>
    %add3A_326 = arith.constant 5.000000e-01 : f32
    %add3A_327 = vector.broadcast %add3A_326 : f32 to vector<1000x64xf32>
    %add3A_328 = arith.addf %mul3A_325, %add3A_327 : vector<1000x64xf32>
    %tanh3A_329 = math.tanh %add3A_317 : vector<1000x64xf32>
    %mul3A_330 = arith.mulf %add3A_328, %tanh3A_329 : vector<1000x64xf32>
    %swap3A_331 = arith.constant 0 : index
    %swap3A_332 = arith.constant 0 : index
    %swap3A_333 = vector.load %arg19[%swap3A_331, %swap3A_332] : memref<1000x64xf32, #tpu.memory_space<vmem>>, vector<1000x64xf32>
    tpu.vector_store %arg19[%swap3A_331, %swap3A_332], %add3A_317 {strides = array<i32>} : memref<1000x64xf32, #tpu.memory_space<vmem>>, vector<1000x64xf32>,
    %swap3A_334 = arith.constant 0 : index
    %swap3A_335 = arith.constant 0 : index
    %swap3A_336 = vector.load %arg20[%swap3A_334, %swap3A_335] : memref<1000x64xf32, #tpu.memory_space<vmem>>, vector<1000x64xf32>
    tpu.vector_store %arg20[%swap3A_334, %swap3A_335], %mul3A_330 {strides = array<i32>} : memref<1000x64xf32, #tpu.memory_space<vmem>>, vector<1000x64xf32>,
    %eq3A = arith.constant 0 : i32
    %eq3A_337 = arith.cmpi eq, %arg0, %eq3A : i32
    %convert_element_type3A = arith.extui %eq3A_337 : i1 to i32
    %cond3A = arith.constant 0 : i32
    %cond3A_338 = arith.cmpi ne, %convert_element_type3A, %cond3A : i32
    scf.if %cond3A_338 {
      %broadcast_in_dim3A_385 = arith.constant 0.000000e+00 : f32
      %broadcast_in_dim3A_386 = vector.broadcast %broadcast_in_dim3A_385 : f32 to vector<4x64xf32>
      %swap3A_387 = arith.constant 0 : index
      %swap3A_388 = arith.constant 0 : index
      %swap3A_389 = vector.load %arg22[%swap3A_387, %swap3A_388] : memref<4x64xf32, #tpu.memory_space<vmem>>, vector<4x64xf32>
      tpu.vector_store %arg22[%swap3A_387, %swap3A_388], %broadcast_in_dim3A_386 {strides = array<i32>} : memref<4x64xf32, #tpu.memory_space<vmem>>, vector<4x64xf32>,
    } else {
    }
    %get3A_339 = arith.constant 0 : index
    %get3A_340 = arith.constant 0 : index
    %get3A_341 = vector.load %arg22[%get3A_339, %get3A_340] : memref<4x64xf32, #tpu.memory_space<vmem>>, vector<1x64xf32>
    %reduce_sum3A = arith.constant dense<0.000000e+00> : vector<64xf32>
    %reduce_sum3A_342 = vector.multi_reduction <add>, %mul3A_157, %reduce_sum3A [0] : vector<1000x64xf32> to vector<64xf32>
    %broadcast_in_dim3A = vector.shape_cast %reduce_sum3A_342 : vector<64xf32> to vector<1x64xf32>
    %add3A_343 = arith.addf %get3A_341, %broadcast_in_dim3A : vector<1x64xf32>
    %swap3A_344 = arith.constant 0 : index
    %swap3A_345 = arith.constant 0 : index
    %swap3A_346 = vector.load %arg22[%swap3A_344, %swap3A_345] : memref<4x64xf32, #tpu.memory_space<vmem>>, vector<1x64xf32>
    tpu.vector_store %arg22[%swap3A_344, %swap3A_345], %add3A_343 {strides = array<i32>} : memref<4x64xf32, #tpu.memory_space<vmem>>, vector<1x64xf32>,
    %get3A_347 = arith.constant 1 : index
    %get3A_348 = arith.constant 0 : index
    %get3A_349 = vector.load %arg22[%get3A_347, %get3A_348] : memref<4x64xf32, #tpu.memory_space<vmem>>, vector<1x64xf32>
    %mul3A_350 = arith.mulf %mul3A_157, %mul3A_157 : vector<1000x64xf32>
    %reduce_sum3A_351 = arith.constant dense<0.000000e+00> : vector<64xf32>
    %reduce_sum3A_352 = vector.multi_reduction <add>, %mul3A_350, %reduce_sum3A_351 [0] : vector<1000x64xf32> to vector<64xf32>
    %broadcast_in_dim3A_353 = vector.shape_cast %reduce_sum3A_352 : vector<64xf32> to vector<1x64xf32>
    %add3A_354 = arith.addf %get3A_349, %broadcast_in_dim3A_353 : vector<1x64xf32>
    %swap3A_355 = arith.constant 1 : index
    %swap3A_356 = arith.constant 0 : index
    %swap3A_357 = vector.load %arg22[%swap3A_355, %swap3A_356] : memref<4x64xf32, #tpu.memory_space<vmem>>, vector<1x64xf32>
    tpu.vector_store %arg22[%swap3A_355, %swap3A_356], %add3A_354 {strides = array<i32>} : memref<4x64xf32, #tpu.memory_space<vmem>>, vector<1x64xf32>,
    %get3A_358 = arith.constant 2 : index
    %get3A_359 = arith.constant 0 : index
    %get3A_360 = vector.load %arg22[%get3A_358, %get3A_359] : memref<4x64xf32, #tpu.memory_space<vmem>>, vector<1x64xf32>
    %reduce_sum3A_361 = arith.constant dense<0.000000e+00> : vector<64xf32>
    %reduce_sum3A_362 = vector.multi_reduction <add>, %mul3A_330, %reduce_sum3A_361 [0] : vector<1000x64xf32> to vector<64xf32>
    %broadcast_in_dim3A_363 = vector.shape_cast %reduce_sum3A_362 : vector<64xf32> to vector<1x64xf32>
    %add3A_364 = arith.addf %get3A_360, %broadcast_in_dim3A_363 : vector<1x64xf32>
    %swap3A_365 = arith.constant 2 : index
    %swap3A_366 = arith.constant 0 : index
    %swap3A_367 = vector.load %arg22[%swap3A_365, %swap3A_366] : memref<4x64xf32, #tpu.memory_space<vmem>>, vector<1x64xf32>
    tpu.vector_store %arg22[%swap3A_365, %swap3A_366], %add3A_364 {strides = array<i32>} : memref<4x64xf32, #tpu.memory_space<vmem>>, vector<1x64xf32>,
    %get3A_368 = arith.constant 3 : index
    %get3A_369 = arith.constant 0 : index
    %get3A_370 = vector.load %arg22[%get3A_368, %get3A_369] : memref<4x64xf32, #tpu.memory_space<vmem>>, vector<1x64xf32>
    %mul3A_371 = arith.mulf %mul3A_330, %mul3A_330 : vector<1000x64xf32>
    %reduce_sum3A_372 = arith.constant dense<0.000000e+00> : vector<64xf32>
    %reduce_sum3A_373 = vector.multi_reduction <add>, %mul3A_371, %reduce_sum3A_372 [0] : vector<1000x64xf32> to vector<64xf32>
    %broadcast_in_dim3A_374 = vector.shape_cast %reduce_sum3A_373 : vector<64xf32> to vector<1x64xf32>
    %add3A_375 = arith.addf %get3A_370, %broadcast_in_dim3A_374 : vector<1x64xf32>
    %swap3A_376 = arith.constant 3 : index
    %swap3A_377 = arith.constant 0 : index
    %swap3A_378 = vector.load %arg22[%swap3A_376, %swap3A_377] : memref<4x64xf32, #tpu.memory_space<vmem>>, vector<1x64xf32>
    tpu.vector_store %arg22[%swap3A_376, %swap3A_377], %add3A_375 {strides = array<i32>} : memref<4x64xf32, #tpu.memory_space<vmem>>, vector<1x64xf32>,
    %get3A_379 = arith.constant 0 : index
    %get3A_380 = arith.constant 0 : index
    %get3A_381 = vector.load %arg22[%get3A_379, %get3A_380] : memref<4x64xf32, #tpu.memory_space<vmem>>, vector<4x64xf32>
    %swap3A_382 = arith.constant 0 : index
    %swap3A_383 = arith.constant 0 : index
    %swap3A_384 = vector.load %arg21[%swap3A_382, %swap3A_383] : memref<4x64xf32, #tpu.memory_space<vmem>>, vector<4x64xf32>
    tpu.vector_store %arg21[%swap3A_382, %swap3A_383], %get3A_381 {strides = array<i32>} : memref<4x64xf32, #tpu.memory_space<vmem>>, vector<4x64xf32>,
    return
  }
  func.func @transform_0(%arg0: i32) -> (i32, i32) {
    %c0_i32 = arith.constant 0 : i32
    %c0_i32_0 = arith.constant 0 : i32
    return %arg0, %c0_i32 : i32, i32
  }
  func.func @transform_1(%arg0: i32) -> (i32, i32) {
    %c0_i32 = arith.constant 0 : i32
    %c0_i32_0 = arith.constant 0 : i32
    return %arg0, %c0_i32 : i32, i32
  }
  func.func @transform_2(%arg0: i32) -> (i32, i32) {
    %c0_i32 = arith.constant 0 : i32
    %c0_i32_0 = arith.constant 0 : i32
    return %arg0, %c0_i32 : i32, i32
  }
  func.func @transform_3(%arg0: i32) -> (i32, i32) {
    %c0_i32 = arith.constant 0 : i32
    %c0_i32_0 = arith.constant 0 : i32
    return %arg0, %c0_i32 : i32, i32
  }
  func.func @transform_4(%arg0: i32) -> (i32, i32) {
    %c0_i32 = arith.constant 0 : i32
    %c0_i32_0 = arith.constant 0 : i32
    return %arg0, %c0_i32 : i32, i32
  }
  func.func @transform_5(%arg0: i32) -> (i32, i32) {
    %c0_i32 = arith.constant 0 : i32
    %c0_i32_0 = arith.constant 0 : i32
    return %arg0, %c0_i32 : i32, i32
  }
  func.func @transform_6(%arg0: i32) -> (i32, i32) {
    %c0_i32 = arith.constant 0 : i32
    %c0_i32_0 = arith.constant 0 : i32
    return %arg0, %c0_i32 : i32, i32
  }
  func.func @transform_7(%arg0: i32) -> (i32, i32) {
    %c0_i32 = arith.constant 0 : i32
    %c0_i32_0 = arith.constant 0 : i32
    return %arg0, %c0_i32 : i32, i32
  }
  func.func @transform_8(%arg0: i32) -> (i32, i32) {
    %c0_i32 = arith.constant 0 : i32
    %c0_i32_0 = arith.constant 0 : i32
    %c0_i32_1 = arith.constant 0 : i32
    return %c0_i32, %c0_i32_0 : i32, i32
  }
  func.func @transform_9(%arg0: i32) -> (i32, i32) {
    %c0_i32 = arith.constant 0 : i32
    %c0_i32_0 = arith.constant 0 : i32
    %c0_i32_1 = arith.constant 0 : i32
    return %c0_i32, %c0_i32_0 : i32, i32
  }
  func.func @transform_10(%arg0: i32) -> (i32, i32) {
    %c0_i32 = arith.constant 0 : i32
    %c0_i32_0 = arith.constant 0 : i32
    %c0_i32_1 = arith.constant 0 : i32
    return %c0_i32, %c0_i32_0 : i32, i32
  }
  func.func @transform_11(%arg0: i32) -> (i32, i32) {
    %c0_i32 = arith.constant 0 : i32
    %c0_i32_0 = arith.constant 0 : i32
    %c0_i32_1 = arith.constant 0 : i32
    return %c0_i32, %c0_i32_0 : i32, i32
  }
  func.func @transform_12(%arg0: i32) -> (i32, i32) {
    %c0_i32 = arith.constant 0 : i32
    %c0_i32_0 = arith.constant 0 : i32
    %c0_i32_1 = arith.constant 0 : i32
    return %c0_i32, %c0_i32_0 : i32, i32
  }
  func.func @transform_13(%arg0: i32) -> (i32, i32) {
    %c0_i32 = arith.constant 0 : i32
    %c0_i32_0 = arith.constant 0 : i32
    %c0_i32_1 = arith.constant 0 : i32
    return %c0_i32, %c0_i32_0 : i32, i32
  }
  func.func @transform_14(%arg0: i32) -> (i32, i32) {
    %c0_i32 = arith.constant 0 : i32
    %c0_i32_0 = arith.constant 0 : i32
    %c0_i32_1 = arith.constant 0 : i32
    return %c0_i32, %c0_i32_0 : i32, i32
  }
  func.func @transform_15(%arg0: i32) -> (i32, i32) {
    %c0_i32 = arith.constant 0 : i32
    %c0_i32_0 = arith.constant 0 : i32
    %c0_i32_1 = arith.constant 0 : i32
    return %c0_i32, %c0_i32_0 : i32, i32
  }
  func.func @transform_16(%arg0: i32) -> (i32, i32) {
    %c0_i32 = arith.constant 0 : i32
    %c0_i32_0 = arith.constant 0 : i32
    return %arg0, %c0_i32 : i32, i32
  }
  func.func @transform_17(%arg0: i32) -> (i32, i32) {
    %c0_i32 = arith.constant 0 : i32
    %c0_i32_0 = arith.constant 0 : i32
    return %arg0, %c0_i32 : i32, i32
  }
  func.func @transform_18(%arg0: i32) -> (i32, i32) {
    %c0_i32 = arith.constant 0 : i32
    %c0_i32_0 = arith.constant 0 : i32
    return %arg0, %c0_i32 : i32, i32
  }
  func.func @transform_19(%arg0: i32) -> (i32, i32) {
    %c0_i32 = arith.constant 0 : i32
    %c0_i32_0 = arith.constant 0 : i32
    return %arg0, %c0_i32 : i32, i32
  }
  func.func @transform_20(%arg0: i32) -> (i32, i32) {
    %c0_i32 = arith.constant 0 : i32
    %c0_i32_0 = arith.constant 0 : i32
    %c0_i32_1 = arith.constant 0 : i32
    return %c0_i32, %c0_i32_0 : i32, i32
  }
}

module attributes {stable_mosaic.version = 14 : i64} {
  func.func @_b2_body(%arg0: i32, %arg1: memref<1000x64xf32, #tpu.memory_space<vmem>>, %arg2: memref<1000x64xf32, #tpu.memory_space<vmem>>, %arg3: memref<6x64xf32, #tpu.memory_space<vmem>>, %arg4: memref<4x64xf32, #tpu.memory_space<vmem>>, %arg5: memref<64x64xf32, #tpu.memory_space<vmem>>, %arg6: memref<1x64xf32, #tpu.memory_space<vmem>>, %arg7: memref<64x64xf32, #tpu.memory_space<vmem>>, %arg8: memref<1x64xf32, #tpu.memory_space<vmem>>, %arg9: memref<64x32xf32, #tpu.memory_space<vmem>>, %arg10: memref<1x32xf32, #tpu.memory_space<vmem>>, %arg11: memref<32x8xf32, #tpu.memory_space<vmem>>, %arg12: memref<1x8xf32, #tpu.memory_space<vmem>>, %arg13: memref<1000x8xf32, #tpu.memory_space<vmem>>, %arg14: memref<1000x64xf32, #tpu.memory_space<vmem>>, %arg15: memref<1000x64xf32, #tpu.memory_space<vmem>>) attributes {dimension_semantics = [#tpu.dimension_semantics<arbitrary>], iteration_bounds = array<i64: 25>, scalar_prefetch = 0 : i64, scratch_operands = 0 : i64, tpu.core_type = #tpu.core_type<tc>, window_params = [{transform_indices = @transform_0, window_bounds = array<i64: 1000, 64>}, {transform_indices = @transform_1, window_bounds = array<i64: 1000, 64>}, {pipeline_mode = #tpu.pipeline_mode<synchronous>, transform_indices = @transform_2, window_bounds = array<i64: 6, 64>}, {pipeline_mode = #tpu.pipeline_mode<synchronous>, transform_indices = @transform_3, window_bounds = array<i64: 4, 64>}, {pipeline_mode = #tpu.pipeline_mode<synchronous>, transform_indices = @transform_4, window_bounds = array<i64: 64, 64>}, {pipeline_mode = #tpu.pipeline_mode<synchronous>, transform_indices = @transform_5, window_bounds = array<i64: 1, 64>}, {pipeline_mode = #tpu.pipeline_mode<synchronous>, transform_indices = @transform_6, window_bounds = array<i64: 64, 64>}, {pipeline_mode = #tpu.pipeline_mode<synchronous>, transform_indices = @transform_7, window_bounds = array<i64: 1, 64>}, {pipeline_mode = #tpu.pipeline_mode<synchronous>, transform_indices = @transform_8, window_bounds = array<i64: 64, 32>}, {pipeline_mode = #tpu.pipeline_mode<synchronous>, transform_indices = @transform_9, window_bounds = array<i64: 1, 32>}, {pipeline_mode = #tpu.pipeline_mode<synchronous>, transform_indices = @transform_10, window_bounds = array<i64: 32, 8>}, {pipeline_mode = #tpu.pipeline_mode<synchronous>, transform_indices = @transform_11, window_bounds = array<i64: 1, 8>}, {transform_indices = @transform_12, window_bounds = array<i64: 1000, 8>}, {transform_indices = @transform_13, window_bounds = array<i64: 1000, 64>}, {transform_indices = @transform_14, window_bounds = array<i64: 1000, 64>}]} {
    %get3A = arith.constant 0 : index
    %get3A_0 = arith.constant 0 : index
    %get3A_1 = vector.load %arg1[%get3A, %get3A_0] : memref<1000x64xf32, #tpu.memory_space<vmem>>, vector<1000x64xf32>
    %get3A_2 = arith.constant 0 : index
    %get3A_3 = arith.constant 0 : index
    %get3A_4 = vector.load %arg3[%get3A_2, %get3A_3] : memref<6x64xf32, #tpu.memory_space<vmem>>, vector<6x64xf32>
    %get3A_5 = arith.constant 0 : index
    %get3A_6 = arith.constant 0 : index
    %get3A_7 = vector.load %arg4[%get3A_5, %get3A_6] : memref<4x64xf32, #tpu.memory_space<vmem>>, vector<4x64xf32>
    %slice3A = vector.extract_strided_slice %get3A_4 {offsets = [0, 0], sizes = [1, 64], strides = [1, 1]} : vector<6x64xf32> to vector<1x64xf32>
    %slice3A_8 = vector.extract_strided_slice %get3A_4 {offsets = [1, 0], sizes = [1, 64], strides = [1, 1]} : vector<6x64xf32> to vector<1x64xf32>
    %slice3A_9 = vector.extract_strided_slice %get3A_4 {offsets = [2, 0], sizes = [1, 64], strides = [1, 1]} : vector<6x64xf32> to vector<1x64xf32>
    %slice3A_10 = vector.extract_strided_slice %get3A_7 {offsets = [0, 0], sizes = [1, 64], strides = [1, 1]} : vector<4x64xf32> to vector<1x64xf32>
    %mul3A = arith.constant 4.000000e-05 : f32
    %mul3A_11 = vector.broadcast %mul3A : f32 to vector<1x64xf32>
    %mul3A_12 = arith.mulf %slice3A_10, %mul3A_11 : vector<1x64xf32>
    %slice3A_13 = vector.extract_strided_slice %get3A_7 {offsets = [1, 0], sizes = [1, 64], strides = [1, 1]} : vector<4x64xf32> to vector<1x64xf32>
    %mul3A_14 = arith.constant 4.000000e-05 : f32
    %mul3A_15 = vector.broadcast %mul3A_14 : f32 to vector<1x64xf32>
    %mul3A_16 = arith.mulf %slice3A_13, %mul3A_15 : vector<1x64xf32>
    %mul3A_17 = arith.mulf %mul3A_12, %mul3A_12 : vector<1x64xf32>
    %mul3A_18 = arith.constant 2.000000e+00 : f32
    %mul3A_19 = vector.broadcast %mul3A_18 : f32 to vector<1x64xf32>
    %mul3A_20 = arith.mulf %mul3A_19, %slice3A : vector<1x64xf32>
    %mul3A_21 = arith.mulf %slice3A, %slice3A : vector<1x64xf32>
    %sub3A = arith.subf %mul3A_20, %mul3A_21 : vector<1x64xf32>
    %mul3A_22 = arith.mulf %mul3A_17, %sub3A : vector<1x64xf32>
    %sub3A_23 = arith.subf %mul3A_16, %mul3A_22 : vector<1x64xf32>
    %mul3A_24 = arith.mulf %slice3A, %mul3A_12 : vector<1x64xf32>
    %sub3A_25 = vector.broadcast %mul3A_24 : vector<1x64xf32> to vector<1000x64xf32>
    %sub3A_26 = arith.subf %get3A_1, %sub3A_25 : vector<1000x64xf32>
    %add3A = arith.constant 9.99999974E-6 : f32
    %add3A_27 = vector.broadcast %add3A : f32 to vector<1x64xf32>
    %add3A_28 = arith.addf %sub3A_23, %add3A_27 : vector<1x64xf32>
    %sqrt3A = math.sqrt %add3A_28 : vector<1x64xf32>
    %div3A = vector.broadcast %sqrt3A : vector<1x64xf32> to vector<1000x64xf32>
    %div3A_29 = arith.divf %sub3A_26, %div3A : vector<1000x64xf32>
    %mul3A_30 = vector.broadcast %slice3A_8 : vector<1x64xf32> to vector<1000x64xf32>
    %mul3A_31 = arith.mulf %div3A_29, %mul3A_30 : vector<1000x64xf32>
    %add3A_32 = vector.broadcast %slice3A_9 : vector<1x64xf32> to vector<1000x64xf32>
    %add3A_33 = arith.addf %mul3A_31, %add3A_32 : vector<1000x64xf32>
    %get3A_34 = arith.constant 0 : index
    %get3A_35 = arith.constant 0 : index
    %get3A_36 = vector.load %arg2[%get3A_34, %get3A_35] : memref<1000x64xf32, #tpu.memory_space<vmem>>, vector<1000x64xf32>
    %get3A_37 = arith.constant 0 : index
    %get3A_38 = arith.constant 0 : index
    %get3A_39 = vector.load %arg3[%get3A_37, %get3A_38] : memref<6x64xf32, #tpu.memory_space<vmem>>, vector<6x64xf32>
    %get3A_40 = arith.constant 0 : index
    %get3A_41 = arith.constant 0 : index
    %get3A_42 = vector.load %arg4[%get3A_40, %get3A_41] : memref<4x64xf32, #tpu.memory_space<vmem>>, vector<4x64xf32>
    %slice3A_43 = vector.extract_strided_slice %get3A_39 {offsets = [3, 0], sizes = [1, 64], strides = [1, 1]} : vector<6x64xf32> to vector<1x64xf32>
    %slice3A_44 = vector.extract_strided_slice %get3A_39 {offsets = [4, 0], sizes = [1, 64], strides = [1, 1]} : vector<6x64xf32> to vector<1x64xf32>
    %slice3A_45 = vector.extract_strided_slice %get3A_39 {offsets = [5, 0], sizes = [1, 64], strides = [1, 1]} : vector<6x64xf32> to vector<1x64xf32>
    %slice3A_46 = vector.extract_strided_slice %get3A_42 {offsets = [2, 0], sizes = [1, 64], strides = [1, 1]} : vector<4x64xf32> to vector<1x64xf32>
    %mul3A_47 = arith.constant 4.000000e-05 : f32
    %mul3A_48 = vector.broadcast %mul3A_47 : f32 to vector<1x64xf32>
    %mul3A_49 = arith.mulf %slice3A_46, %mul3A_48 : vector<1x64xf32>
    %slice3A_50 = vector.extract_strided_slice %get3A_42 {offsets = [3, 0], sizes = [1, 64], strides = [1, 1]} : vector<4x64xf32> to vector<1x64xf32>
    %mul3A_51 = arith.constant 4.000000e-05 : f32
    %mul3A_52 = vector.broadcast %mul3A_51 : f32 to vector<1x64xf32>
    %mul3A_53 = arith.mulf %slice3A_50, %mul3A_52 : vector<1x64xf32>
    %mul3A_54 = arith.mulf %mul3A_49, %mul3A_49 : vector<1x64xf32>
    %mul3A_55 = arith.constant 2.000000e+00 : f32
    %mul3A_56 = vector.broadcast %mul3A_55 : f32 to vector<1x64xf32>
    %mul3A_57 = arith.mulf %mul3A_56, %slice3A_43 : vector<1x64xf32>
    %mul3A_58 = arith.mulf %slice3A_43, %slice3A_43 : vector<1x64xf32>
    %sub3A_59 = arith.subf %mul3A_57, %mul3A_58 : vector<1x64xf32>
    %mul3A_60 = arith.mulf %mul3A_54, %sub3A_59 : vector<1x64xf32>
    %sub3A_61 = arith.subf %mul3A_53, %mul3A_60 : vector<1x64xf32>
    %mul3A_62 = arith.mulf %slice3A_43, %mul3A_49 : vector<1x64xf32>
    %sub3A_63 = vector.broadcast %mul3A_62 : vector<1x64xf32> to vector<1000x64xf32>
    %sub3A_64 = arith.subf %get3A_36, %sub3A_63 : vector<1000x64xf32>
    %add3A_65 = arith.constant 9.99999974E-6 : f32
    %add3A_66 = vector.broadcast %add3A_65 : f32 to vector<1x64xf32>
    %add3A_67 = arith.addf %sub3A_61, %add3A_66 : vector<1x64xf32>
    %sqrt3A_68 = math.sqrt %add3A_67 : vector<1x64xf32>
    %div3A_69 = vector.broadcast %sqrt3A_68 : vector<1x64xf32> to vector<1000x64xf32>
    %div3A_70 = arith.divf %sub3A_64, %div3A_69 : vector<1000x64xf32>
    %mul3A_71 = vector.broadcast %slice3A_44 : vector<1x64xf32> to vector<1000x64xf32>
    %mul3A_72 = arith.mulf %div3A_70, %mul3A_71 : vector<1000x64xf32>
    %add3A_73 = vector.broadcast %slice3A_45 : vector<1x64xf32> to vector<1000x64xf32>
    %add3A_74 = arith.addf %mul3A_72, %add3A_73 : vector<1000x64xf32>
    %swap3A = arith.constant 0 : index
    %swap3A_75 = arith.constant 0 : index
    %swap3A_76 = vector.load %arg15[%swap3A, %swap3A_75] : memref<1000x64xf32, #tpu.memory_space<vmem>>, vector<1000x64xf32>
    tpu.vector_store %arg15[%swap3A, %swap3A_75], %add3A_74 {strides = array<i32>} : memref<1000x64xf32, #tpu.memory_space<vmem>>, vector<1000x64xf32>,
    %swap3A_77 = arith.constant 0 : index
    %swap3A_78 = arith.constant 0 : index
    %swap3A_79 = vector.load %arg14[%swap3A_77, %swap3A_78] : memref<1000x64xf32, #tpu.memory_space<vmem>>, vector<1000x64xf32>
    tpu.vector_store %arg14[%swap3A_77, %swap3A_78], %add3A_33 {strides = array<i32>} : memref<1000x64xf32, #tpu.memory_space<vmem>>, vector<1000x64xf32>,
    %get3A_80 = arith.constant 0 : index
    %get3A_81 = arith.constant 0 : index
    %get3A_82 = vector.load %arg5[%get3A_80, %get3A_81] : memref<64x64xf32, #tpu.memory_space<vmem>>, vector<64x64xf32>
    %dot_general3A = arith.constant dense<0.000000e+00> : vector<1000x64xf32>
    %dot_general3A_83 = tpu.matmul %add3A_33, %get3A_82, %dot_general3A {dimension_numbers = #tpu.dot_dimension_numbers<[1], [0], [0], [1], [0, 0, 1, 1], [], []>, transpose_lhs_hint = false} : vector<1000x64xf32>, vector<64x64xf32>, vector<1000x64xf32> -> vector<1000x64xf32>
    %get3A_84 = arith.constant 0 : index
    %get3A_85 = arith.constant 0 : index
    %get3A_86 = vector.load %arg6[%get3A_84, %get3A_85] : memref<1x64xf32, #tpu.memory_space<vmem>>, vector<1x64xf32>
    %add3A_87 = vector.broadcast %get3A_86 : vector<1x64xf32> to vector<1000x64xf32>
    %add3A_88 = arith.addf %dot_general3A_83, %add3A_87 : vector<1000x64xf32>
    %get3A_89 = arith.constant 0 : index
    %get3A_90 = arith.constant 0 : index
    %get3A_91 = vector.load %arg7[%get3A_89, %get3A_90] : memref<64x64xf32, #tpu.memory_space<vmem>>, vector<64x64xf32>
    %dot_general3A_92 = arith.constant dense<0.000000e+00> : vector<1000x64xf32>
    %dot_general3A_93 = tpu.matmul %add3A_88, %get3A_91, %dot_general3A_92 {dimension_numbers = #tpu.dot_dimension_numbers<[1], [0], [0], [1], [0, 0, 1, 1], [], []>, transpose_lhs_hint = false} : vector<1000x64xf32>, vector<64x64xf32>, vector<1000x64xf32> -> vector<1000x64xf32>
    %add3A_94 = arith.addf %add3A_33, %dot_general3A_93 : vector<1000x64xf32>
    %get3A_95 = arith.constant 0 : index
    %get3A_96 = arith.constant 0 : index
    %get3A_97 = vector.load %arg8[%get3A_95, %get3A_96] : memref<1x64xf32, #tpu.memory_space<vmem>>, vector<1x64xf32>
    %add3A_98 = vector.broadcast %get3A_97 : vector<1x64xf32> to vector<1000x64xf32>
    %add3A_99 = arith.addf %add3A_94, %add3A_98 : vector<1000x64xf32>
    %get3A_100 = arith.constant 0 : index
    %get3A_101 = arith.constant 0 : index
    %get3A_102 = vector.load %arg9[%get3A_100, %get3A_101] : memref<64x32xf32, #tpu.memory_space<vmem>>, vector<64x32xf32>
    %dot_general3A_103 = arith.constant dense<0.000000e+00> : vector<1000x32xf32>
    %dot_general3A_104 = tpu.matmul %add3A_99, %get3A_102, %dot_general3A_103 {dimension_numbers = #tpu.dot_dimension_numbers<[1], [0], [0], [1], [0, 0, 1, 1], [], []>, transpose_lhs_hint = false} : vector<1000x64xf32>, vector<64x32xf32>, vector<1000x32xf32> -> vector<1000x32xf32>
    %get3A_105 = arith.constant 0 : index
    %get3A_106 = arith.constant 0 : index
    %get3A_107 = vector.load %arg10[%get3A_105, %get3A_106] : memref<1x32xf32, #tpu.memory_space<vmem>>, vector<1x32xf32>
    %add3A_108 = vector.broadcast %get3A_107 : vector<1x32xf32> to vector<1000x32xf32>
    %add3A_109 = arith.addf %dot_general3A_104, %add3A_108 : vector<1000x32xf32>
    %max3A = arith.constant 0.000000e+00 : f32
    %max3A_110 = vector.broadcast %max3A : f32 to vector<1000x32xf32>
    %max3A_111 = arith.maximumf %add3A_109, %max3A_110 : vector<1000x32xf32>
    %get3A_112 = arith.constant 0 : index
    %get3A_113 = arith.constant 0 : index
    %get3A_114 = vector.load %arg11[%get3A_112, %get3A_113] : memref<32x8xf32, #tpu.memory_space<vmem>>, vector<32x8xf32>
    %dot_general3A_115 = arith.constant dense<0.000000e+00> : vector<1000x8xf32>
    %dot_general3A_116 = tpu.matmul %max3A_111, %get3A_114, %dot_general3A_115 {dimension_numbers = #tpu.dot_dimension_numbers<[1], [0], [0], [1], [0, 0, 1, 1], [], []>, transpose_lhs_hint = false} : vector<1000x32xf32>, vector<32x8xf32>, vector<1000x8xf32> -> vector<1000x8xf32>
    %get3A_117 = arith.constant 0 : index
    %get3A_118 = arith.constant 0 : index
    %get3A_119 = vector.load %arg12[%get3A_117, %get3A_118] : memref<1x8xf32, #tpu.memory_space<vmem>>, vector<1x8xf32>
    %add3A_120 = vector.broadcast %get3A_119 : vector<1x8xf32> to vector<1000x8xf32>
    %add3A_121 = arith.addf %dot_general3A_116, %add3A_120 : vector<1000x8xf32>
    %swap3A_122 = arith.constant 0 : index
    %swap3A_123 = arith.constant 0 : index
    %swap3A_124 = vector.load %arg13[%swap3A_122, %swap3A_123] : memref<1000x8xf32, #tpu.memory_space<vmem>>, vector<1000x8xf32>
    tpu.vector_store %arg13[%swap3A_122, %swap3A_123], %add3A_121 {strides = array<i32>} : memref<1000x8xf32, #tpu.memory_space<vmem>>, vector<1000x8xf32>,
    return
  }
  func.func @transform_0(%arg0: i32) -> (i32, i32) {
    %c0_i32 = arith.constant 0 : i32
    %c0_i32_0 = arith.constant 0 : i32
    return %arg0, %c0_i32 : i32, i32
  }
  func.func @transform_1(%arg0: i32) -> (i32, i32) {
    %c0_i32 = arith.constant 0 : i32
    %c0_i32_0 = arith.constant 0 : i32
    return %arg0, %c0_i32 : i32, i32
  }
  func.func @transform_2(%arg0: i32) -> (i32, i32) {
    %c0_i32 = arith.constant 0 : i32
    %c0_i32_0 = arith.constant 0 : i32
    %c0_i32_1 = arith.constant 0 : i32
    return %c0_i32, %c0_i32_0 : i32, i32
  }
  func.func @transform_3(%arg0: i32) -> (i32, i32) {
    %c0_i32 = arith.constant 0 : i32
    %c0_i32_0 = arith.constant 0 : i32
    %c0_i32_1 = arith.constant 0 : i32
    return %c0_i32, %c0_i32_0 : i32, i32
  }
  func.func @transform_4(%arg0: i32) -> (i32, i32) {
    %c0_i32 = arith.constant 0 : i32
    %c0_i32_0 = arith.constant 0 : i32
    %c0_i32_1 = arith.constant 0 : i32
    return %c0_i32, %c0_i32_0 : i32, i32
  }
  func.func @transform_5(%arg0: i32) -> (i32, i32) {
    %c0_i32 = arith.constant 0 : i32
    %c0_i32_0 = arith.constant 0 : i32
    %c0_i32_1 = arith.constant 0 : i32
    return %c0_i32, %c0_i32_0 : i32, i32
  }
  func.func @transform_6(%arg0: i32) -> (i32, i32) {
    %c0_i32 = arith.constant 0 : i32
    %c0_i32_0 = arith.constant 0 : i32
    %c0_i32_1 = arith.constant 0 : i32
    return %c0_i32, %c0_i32_0 : i32, i32
  }
  func.func @transform_7(%arg0: i32) -> (i32, i32) {
    %c0_i32 = arith.constant 0 : i32
    %c0_i32_0 = arith.constant 0 : i32
    %c0_i32_1 = arith.constant 0 : i32
    return %c0_i32, %c0_i32_0 : i32, i32
  }
  func.func @transform_8(%arg0: i32) -> (i32, i32) {
    %c0_i32 = arith.constant 0 : i32
    %c0_i32_0 = arith.constant 0 : i32
    %c0_i32_1 = arith.constant 0 : i32
    return %c0_i32, %c0_i32_0 : i32, i32
  }
  func.func @transform_9(%arg0: i32) -> (i32, i32) {
    %c0_i32 = arith.constant 0 : i32
    %c0_i32_0 = arith.constant 0 : i32
    %c0_i32_1 = arith.constant 0 : i32
    return %c0_i32, %c0_i32_0 : i32, i32
  }
  func.func @transform_10(%arg0: i32) -> (i32, i32) {
    %c0_i32 = arith.constant 0 : i32
    %c0_i32_0 = arith.constant 0 : i32
    %c0_i32_1 = arith.constant 0 : i32
    return %c0_i32, %c0_i32_0 : i32, i32
  }
  func.func @transform_11(%arg0: i32) -> (i32, i32) {
    %c0_i32 = arith.constant 0 : i32
    %c0_i32_0 = arith.constant 0 : i32
    %c0_i32_1 = arith.constant 0 : i32
    return %c0_i32, %c0_i32_0 : i32, i32
  }
  func.func @transform_12(%arg0: i32) -> (i32, i32) {
    %c0_i32 = arith.constant 0 : i32
    %c0_i32_0 = arith.constant 0 : i32
    return %arg0, %c0_i32 : i32, i32
  }
  func.func @transform_13(%arg0: i32) -> (i32, i32) {
    %c0_i32 = arith.constant 0 : i32
    %c0_i32_0 = arith.constant 0 : i32
    return %arg0, %c0_i32 : i32, i32
  }
  func.func @transform_14(%arg0: i32) -> (i32, i32) {
    %c0_i32 = arith.constant 0 : i32
    %c0_i32_0 = arith.constant 0 : i32
    return %arg0, %c0_i32 : i32, i32
  }
}

</mosaic_0001>

<sc_bundles>
// kernel: kernel.10.cloned.1.call-start
scs
__scs_entry_jumppad:
0x0: {  	(pc) =	sbr.rel $0x88, $3  }
0x1: {  	(tag) =	ssettag $0x0;
	lr =	simm.s32 $0x1  }
0x2: {  	[smem:$0x3F4D] =	sst lr;
	_ =	strace $0xD0000000  }
0x3: {  	_ = 	snop  }
0x4: {  	_ = 	snop  }
0x5: {  	_ = 	snop  }
0x6: {  	_ = 	snop  }
0x7: {  	_ = 	snop  }
__scs_overlays_trampoline_lowered:
0x8: {  	[smem:$0x3F5C] =	sst s0  }
0x9: {  	[smem:$0x3F5D] =	sst s1  }
0xa: {  	[smem:$0x3F5E] =	sst s2  }
0xb: {  	[smem:$0x3F5F] =	sst s3  }
0xc: {  	[smem:$0x3F60] =	sst s4  }
0xd: {  	[smem:$0x3F61] =	sst s5  }
0xe: {  	[smem:$0x3F62] =	sst s6  }
0xf: {  	[smem:$0x3F63] =	sst s7  }
0x10: {  	[smem:$0x3F64] =	sst s8  }
0x11: {  	[smem:$0x3F65] =	sst s9;
	s0 =	simm.s32 @!p0 $0x0  }
0x12: {  	s1 =	sld [smem:$0x3F4B];
	s0 =	simm.s32 @p0 $0x1  }
0x13: {  	[smem:$0x3F66] =	sst s0;
	s0 =	simm.s32 @!p1 $0x0  }
0x14: {  	s2 =	sld [smem:$0x3F4A];
	s0 =	simm.s32 @p1 $0x1  }
0x15: {  	[smem:$0x3F67] =	sst s0;
	s0 =	simm.s32 @!p2 $0x0  }
0x16: {  	s3 =	sld [smem:$0x3FDB];
	s0 =	simm.s32 @p2 $0x1  }
0x17: {  	s4 =	simm.s32 $0x1BF5;
	[smem:$0x3F69] =	sst s0  }
0x18: {  	s0 =	sld [smem:$0x3F4C];
	_ =	swait.ge [sflag:s4], $0x0  }
0x19: {  	s7 =	sld [smem:$0x3F4D]  }
0x1a: {  	s8 =	sadd.s32 $0xFFFFE003, lr  }
0x1b: {  	s9 =	sadd.s32 $0xFFFFFEF7, lr;
	s5 =	simm.s32 $0xFFFFFFFF;
	p2 =	slt.u32 s8, $0xFFFFF086  }
0x1c: {  	p1 =	slt.u32 s9, $0xF7A;
	s5 =	simm.s32 @!p2 $0x0  }
0x1d: {  	s5 =	simm.s32 @p1 $0x1;
	p0 =	seq.s32 s7, s2  }
0x1e: {  	s7 =	smul.u32 @!p0 $0xF7A, s2;
	p2 =	seq.s32 @!p0 s5, $0x0  }
0x1f: {  	s9 =	smul.u32 $0xF7A, s1;
	s8 =	simm.s32 @!p0 $0x1BF5;
	p2 =	por !p2, p0  }
0x20: {  	[sflag:s8] =	ssyncset.s32 @!p0 $0xFFFFF086;
	s6 =	sadd.s32 @!p0 s3, s7;
	s7 =	simm.s32 @!p0 $0x108  }
0x21: {  	s3 =	sadd.s32 s3, s9;
	s6 =	sadd.s32 @!p0 $0x88, s6;
	s7 =	simm.s32 @p2 $0x1082  }
0x22: {  	[simem:s7], [sflag:s8] =	dma.local @!p0 [hbm:s6], $0xF7A  }
0x23: {  	s9 =	sor.u32 $0xD0000000, s2;
	s6 =	simm.s32 $0x108;
	_ =	swait.ge @!p0 [sflag:s8], $0x0  }
0x24: {  	s3 =	sadd.s32 $0x88, s3;
	s6 =	simm.s32 @!p1 $0x1082;
	[sflag:s4] =	ssyncset.s32 $0xFFFFF086  }
0x25: {  	[simem:s6], [sflag:s4] =	dma.local [hbm:s3], $0xF7A  }
0x26: {  	[smem:$0x3F4D] =	sst s1;
	(tag) =	ssettag s2;
	_ =	strace s9  }
0x27: {  	s1 =	sld [smem:$0x3F5D]  }
0x28: {  	s2 =	sld [smem:$0x3F5E]  }
0x29: {  	s4 =	sld [smem:$0x3F60]  }
0x2a: {  	p0 =	seq.s32 s5, $0x0;
	s5 =	sld [smem:$0x3F61]  }
0x2b: {  	s6 =	sld [smem:$0x3F62]  }
0x2c: {  	s7 =	sld [smem:$0x3F63]  }
0x2d: {  	s3 =	simm.s32 $0x108;
	s8 =	sld [smem:$0x3F64]  }
0x2e: {  	s3 =	simm.s32 @!p0 $0x1082;
	s9 =	sld [smem:$0x3F65]  }
0x2f: {  	lr =	sadd.s32 s0, s3;
	s0 =	sld [smem:$0x3F5C]  }
0x30: {  	s3 =	sld [smem:$0x3F5F]  }
0x31: {  	[smem:$0x3F68] =	sst s10  }
0x32: {  	s10 =	sld [smem:$0x3F66];
	_ =	sdelay $0x3  }
0x33: {  	p0 =	seq.s32 s10, $0x1;
	s10 =	sld [smem:$0x3F68];
	_ =	sdelay $0x3  }
0x34: {  	[smem:$0x3F68] =	sst s10  }
0x35: {  	s10 =	sld [smem:$0x3F67];
	_ =	sdelay $0x3  }
0x36: {  	p1 =	seq.s32 s10, $0x1;
	s10 =	sld [smem:$0x3F68];
	_ =	sdelay $0x3  }
0x37: {  	[smem:$0x3F68] =	sst s10  }
0x38: {  	s10 =	sld [smem:$0x3F69]  }
0x39: {  	_ = 	snop;
	(pc) =	sbr.ind lr, $3  }
0x3a: {  	_ = 	snop  }
0x3b: {  	_ = 	snop  }
0x3c: {  	p2 =	seq.s32 s10, $0x1;
	s10 =	sld [smem:$0x3F68]  }
0x3d: {  	_ =	shalt  }
0x3e: {  	_ =	shalt  }
0x3f: {  	_ =	shalt  }
0x40: {  	_ =	shalt  }
0x41: {  	_ =	shalt  }
0x42: {  	_ =	shalt  }
0x43: {  	_ =	shalt  }
0x44: {  	_ =	shalt  }
0x45: {  	_ =	shalt  }
0x46: {  	_ =	shalt  }
0x47: {  	_ =	shalt  }
0x48: {  	_ =	shalt  }
0x49: {  	_ =	shalt  }
0x4a: {  	_ =	shalt  }
0x4b: {  	_ =	shalt  }
0x4c: {  	_ =	shalt  }
0x4d: {  	_ =	shalt  }
0x4e: {  	_ =	shalt  }
0x4f: {  	_ =	shalt  }
0x50: {  	_ =	shalt  }
0x51: {  	_ =	shalt  }
0x52: {  	_ =	shalt  }
0x53: {  	_ =	shalt  }
0x54: {  	_ =	shalt  }
0x55: {  	_ =	shalt  }
0x56: {  	_ =	shalt  }
0x57: {  	_ =	shalt  }
0x58: {  	_ =	shalt  }
0x59: {  	_ =	shalt  }
0x5a: {  	_ =	shalt  }
0x5b: {  	_ =	shalt  }
0x5c: {  	_ =	shalt  }
0x5d: {  	_ =	shalt  }
0x5e: {  	_ =	shalt  }
0x5f: {  	_ =	shalt  }
0x60: {  	_ =	shalt  }
0x61: {  	_ =	shalt  }
0x62: {  	_ =	shalt  }
0x63: {  	_ =	shalt  }
0x64: {  	_ =	shalt  }
0x65: {  	_ =	shalt  }
0x66: {  	_ =	shalt  }
0x67: {  	_ =	shalt  }
0x68: {  	_ =	shalt  }
0x69: {  	_ =	shalt  }
0x6a: {  	_ =	shalt  }
0x6b: {  	_ =	shalt  }
0x6c: {  	_ =	shalt  }
0x6d: {  	_ =	shalt  }
0x6e: {  	_ =	shalt  }
0x6f: {  	_ =	shalt  }
0x70: {  	_ =	shalt  }
0x71: {  	_ =	shalt  }
0x72: {  	_ =	shalt  }
0x73: {  	_ =	shalt  }
0x74: {  	_ =	shalt  }
0x75: {  	_ =	shalt  }
0x76: {  	_ =	shalt  }
0x77: {  	_ =	shalt  }
0x78: {  	_ =	shalt  }
0x79: {  	_ =	shalt  }
0x7a: {  	_ =	shalt  }
0x7b: {  	_ =	shalt  }
0x7c: {  	_ =	shalt  }
0x7d: {  	_ =	shalt  }
0x7e: {  	_ =	shalt  }
0x7f: {  	_ =	shalt  }
0x80: {  	_ =	shalt  }
0x81: {  	_ =	shalt  }
0x82: {  	_ =	shalt  }
0x83: {  	_ =	shalt  }
0x84: {  	_ =	shalt  }
0x85: {  	_ =	shalt  }
0x86: {  	_ =	shalt  }
0x87: {  	_ =	shalt  }
.Lfunc_end0:
.L_simem_size_0:
called_computation.1_lowered:
.L_overlay_start_0:
0x88: {  	s2 =	sld [smem:$0x3FD9]  }
0x89: {  	s3 =	sld [smem:$0x3FFE];
	_ =	sdelay $0x1  }
0x8a: {  	s1 =	srdreg.scid  }
0x8b: {  	s0 =	sand.u32 $0x1, s1  }
0x8c: {  	s14 =	sshll.u32 s0, $0xA;
	s2 =	sadd.s32 s3, s2  }
0x8d: {  	s2 =	sadd.s32 s2, s14  }
0x8e: {  	[smem:$0x3F74] =	sst s2  }
0x8f: {  	_ = 	snop  }
0x90: {  	s2 =	sld [smem:$0x3FD0];
	_ =	sdelay $0x2  }
0x91: {  	s15 =	simm.s32 $0xA;
	s4 =	simm.s32 $0x10  }
0x92: {  	[smem:s4], [sflag:s15] =	dma.local [hbm:s2], $0x1  }
0x93: {  	_ =	swait.eq [sflag:s15], $0x1  }
0x94: {  	s16 =	sld [smem:$0x10]  }
0x95: {  	s17 =	sld [smem:$0x11]  }
0x96: {  	s5 =	sld [smem:$0x12];
	[sflag:s15] =	ssyncset.done $0x0  }
0x97: {  	s6 =	sld [smem:$0x13];
	[sflag:s15] =	ssyncadd.s32 $0xFFFFFFFF  }
0x98: {  	s18 =	sld [smem:$0x14];
	(tm) =	ssettm $0x1  }
0x99: {  	s7 =	sld [smem:$0x3FFB];
	_ =	sdelay $0x3  }
0x9a: {  	_ =	strace s7  }
0x9b: {  	s7 =	sld [smem:$0x3FFC];
	_ =	sdelay $0x3  }
0x9c: {  	_ =	strace s7  }
0x9d: {  	s7 =	sld [smem:$0x3FFD];
	_ =	sdelay $0x3  }
0x9e: {  	_ =	strace s7  }
0x9f: {  	_ =	strace $0x8FFFFFFF  }
0xa0: {  	s19 =	sld [smem:$0x3FDB];
	_ =	sdelay $0x1  }
0xa1: {  	s8 =	simm.s32 $_scs_section_size  }
0xa2: {  	s9 =	simm.s32 $_size__tile_overlayer_lowered;
	s10 =	simm.s32 $_tile_overlayer_lowered  }
0xa3: {  	s22 =	simm.s32 $0x1BFF;
	s21 =	sshll.u32 s10, $0x1;
	s7 =	sadd.s32 s8, s19  }
0xa4: {  	s11 =	simm.s32 $0x0;
	s20 =	sshll.u32 s9, $0x1;
	s9 =	sadd.s32 s21, s7  }
0xa5: {  	[timem:s11], [sflag:s22] =	dma.local [hbm:s9], s20  }
0xa6: {  	_ =	swait.ge [sflag:s22], s20  }
0xa7: {  	s8 =	ssub.s32 $0x0, s20;
	[sflag:s22] =	ssyncset.done $0x0  }
0xa8: {  	[sflag:s22] =	ssyncadd.s32 s8;
	_ =	sdelay $0x1  }
0xa9: {  	s23 =	simm.s32 $0x1B8B  }
0xaa: {  	_ =	swait.ge [sflag:s23], $0x1  }
0xab: {  	[sflag:s23] =	ssyncset.done $0x0  }
0xac: {  	s25 =	simm.s32 $0x1B8E;
	s24 =	sld [smem:$0x3FFE];
	[sflag:s23] =	ssyncadd.s32 $0xFFFFFFFF  }
0xad: {  	s26 =	simm.s32 $execute0_lowered;
	[smem:$0x3FD2] =	sst s25  }
0xae: {  	s9 =	sshll.u32 s26, $0x1;
	_ =	strace $0x80000049;
	[dreg:$0x1] =	wrdreg $0xFFFFFFFF  }
0xaf: {  	s28 =	simm.s32 $_size_execute0_lowered;
	s7 =	sadd.s32 s7, s9;
	[dreg:$0x0] =	wrdreg $0x0  }
0xb0: {  	s9 =	sshll.u32 s28, $0x1;
	[dreg:$0x2] =	wrdreg s7  }
0xb1: {  	[dreg:$0x3] =	wrdreg s9  }
0xb2: {  	[dreg:$0x4] =	wrdreg $0xC0  }
0xb3: {  	_ =	task [dreg:s11], $0x5FFFF  }
0xb4: {  	[dreg:$0x1] =	wrdreg $0xFFFFFFFF  }
0xb5: {  	[dreg:$0x0] =	wrdreg $0x60  }
0xb6: {  	[dreg:$0x2] =	wrdreg s5  }
0xb7: {  	[dreg:$0x3] =	wrdreg s17  }
0xb8: {  	[dreg:$0x4] =	wrdreg s24  }
0xb9: {  	[dreg:$0x5] =	wrdreg s16  }
0xba: {  	[dreg:$0x6] =	wrdreg s18  }
0xbb: {  	[dreg:$0x7] =	wrdreg s6  }
0xbc: {  	[dreg:$0x8] =	wrdreg $0x0  }
0xbd: {  	[dreg:$0x9] =	wrdreg $0x188000  }
0xbe: {  	[dreg:$0xa] =	wrdreg $0x9  }
0xbf: {  	_ =	task.clear_ibuf [dreg:s11], $0xBFFFF;
	_ =	strace $0x90000049  }
0xc0: {  	s29 =	simm.s32 $0x9;
	_ =	strace $0x8000004B  }
0xc1: {  	_ =	swait.ge [sflag:s29], $0x1  }
0xc2: {  	[sflag:s29] =	ssyncadd.s32 $0xFFFFFFFF  }
0xc3: {  	_ =	strace $0x9000004B  }
0xc4: {  	_ =	sfence  }
0xc5: {  	s30 =	sld [smem:$0x0];
	_ =	sdelay $0x2  }
0xc6: {  	s31 =	sshll.u32 s1, $0xD;
	s1 =	sshrl.u32 s1, $0x2  }
0xc7: {  	s3 =	sand.u32 $0x4000, s31;
	s1 =	sadd.s32 s1, s30  }
0xc8: {  	s0 =	sor.u32 s3, s0;
	s1 =	sshll.u32 s1, $0x11  }
0xc9: {  	s0 =	sor.u32 s1, s0  }
0xca: {  	s0 =	sadd.s32 $0x8F2B, s0  }
0xcb: {  	[sflag:s0] =	ssyncadd.remote.s32 $0x1  }
0xcc: {  	_ =	sfence.sel $0xFFFF  }
0xcd: {  	[dreg:$0x0] =	wrdreg $0xFFFFFFFF;
	(pc) =	sbr.abs _section_cstart, $3  }
0xce: {  	[dreg:$0x1] =	wrdreg $0xFFFFFFFF  }
0xcf: {  	_ =	task.clear_ibuf [dreg:s11], $0x2FFFF;
	_ =	strace $0x9FFFFFFF  }
0xd0: {  	(tm) =	ssettm $0x7FFFFFFF  }
0xd1: {  	_ =	shalt  }
tec
execute0_lowered:
.L_overlay_start_1:
0x0: {  	(tag) =	ssettag $0x1  }
0x1: {  	s0 =	rddreg [dreg:$0x0]  }
0x2: {  	s1 =	rddreg [dreg:$0x1]  }
0x3: {  	s2 =	rddreg [dreg:$0x2]  }
0x4: {  	s6 =	rddreg [dreg:$0x6]  }
0x5: {  	s7 =	rddreg [dreg:$0x7];
	s8 =	simm.s32 $0x0  }
0x6: {  	s4 =	srdreg.scid;
	s13 =	stileid.u32;
	s29 =	simm.s32 $0x3  }
0x7: {  	s30 =	simm.s32 $0x1DB00;
	s31 =	simm.s32 $0x1;
	[smem:$0x7FF] =	sst s8  }
0x8: {  	s3 =	sadd.s32 $0xD0000, s2;
	s5 =	sadd.s32 $0x119E00, s2;
	s9 =	sadd.s32 $0xE8A00, s2  }
0x9: {  	s4 =	sand.u32 $0x1, s4;
	s10 =	sadd.s32 $0x101400, s2;
	s15 =	smul.u32 $0x1880, s13  }
0xa: {  	s12 =	sadd.s32 $0x6E400, s2;
	s14 =	sadd.s32 $0x71600, s2;
	s18 =	smul.u32 $0x3100, s13  }
0xb: {  	s17 =	sshll.u32 s13, $0x6;
	_ =	strace $0x8000004A;
	[dreg:$0x9] =	wrdreg s12  }
0xc: {  	[dreg:$0xa] =	wrdreg s14;
	s22 =	sor.u32 $0x1C07, s17;
	s17 =	sadd.s32 s18, s7  }
0xd: {  	s25 =	sor.u32 $0x20, s15;
	s19 =	sshrl.u32 s18, $0x3;
	[dreg:$0x13] =	wrdreg s17  }
0xe: {  	s12 =	sadd.s32 s3, s15;
	s3 =	sadd.s32 s3, s25;
	[dreg:$0x14] =	wrdreg s19  }
0xf: {  	s16 =	smul.u32 $0x18800, s13;
	s26 =	sadd.s32 s5, s25;
	[dreg:$0xb] =	wrdreg s3  }
0x10: {  	s11 =	ssub.s32 $0x2, s4;
	s28 =	sadd.s32 s9, s25;
	[dreg:$0xc] =	wrdreg s26  }
0x11: {  	s13 =	sadd.s32 s5, s15;
	s5 =	sadd.s32 s10, s25;
	[dreg:$0xd] =	wrdreg s28  }
0x12: {  	s14 =	sadd.s32 s9, s15;
	s9 =	sadd.s32 $0x71800, s2;
	[dreg:$0xe] =	wrdreg s5  }
0x13: {  	p0 =	seq.s32 s4, $0x1;
	s2 =	sadd.s32 $0x77A00, s2;
	[dreg:$0xf] =	wrdreg s9  }
0x14: {  	s15 =	sadd.s32 s10, s15;
	s10 =	sadd.s32 s16, s6;
	[dreg:$0x10] =	wrdreg s2  }
0x15: {  	s4 =	simm.s32 $0x2;
	s16 =	sshrl.u32 s16, $0x3;
	[dreg:$0x11] =	wrdreg s10  }
0x16: {  	s24 =	sshrl.u32 s11, $0x1;
	s21 =	sadd.s32 $0x10, s12;
	[dreg:$0x12] =	wrdreg s16  }
0x17: {  	s18 =	simm.s32 $0x80;
	s23 =	sadd.s32 $0x10, s14;
	[dreg:$0x16] =	wrdreg s21  }
0x18: {  	s11 =	ssub.s32 s11, s24;
	s24 =	sadd.s32 $0x10, s13;
	[dreg:$0x17] =	wrdreg s23  }
0x19: {  	s25 =	sadd.s32 $0x30, s12;
	s17 =	simm.s32 $0x1BA00;
	[dreg:$0x18] =	wrdreg s24  }
0x1a: {  	s19 =	simm.s32 $0x1BB00;
	s20 =	smax.u32 s11, $0x1;
	[dreg:$0x19] =	wrdreg s25  }
.Ltmp0:
0x1b: {  	s26 =	sadd.s32 $0x10, s15;
	s28 =	sadd.s32 $0x30, s14;
	(pc) =	sbr.rel .LBB2_1-.Ltmp0, $4  }
0x1c: {  	s5 =	simm.s32 $0x7;
	s3 =	simm.s32 $0x1FB00;
	s16 =	simm.s32 $0x1B900  }
0x1d: {  	s21 =	simm.s32 $0x1BA80;
	s2 =	simm.s32 $0x5;
	[dreg:$0x15] =	wrdreg s20  }
0x1e: {  	s9 =	simm.s32 $0x4;
	s10 =	simm.s32 $0x6;
	[dreg:$0x1a] =	wrdreg s26  }
0x1f: {  	s11 =	simm.s32 $0x0;
	[dreg:$0x1b] =	wrdreg s28;
	s20 =	simm.s32 $0x1B980  }
.LBB2_7:
0x20: {  	[spmem:s7] =	stream.indirect.scatter.add.f32 [tilespmem:s3], [sflag:$0x6], $0x8, s21, s18, $0xb8;
	[tilespmem:$0x1FF00] =	vst v63  }
0x21: {  	s26 =	rddreg [dreg:$0x5]  }
0x22: {  	s25 =	rddreg [dreg:$0x10]  }
.LBB2_8:
0x23: {  	_ =	swait.ge [sflag:s31], $0x2000  }
0x24: {  	[sflag:s31] =	ssyncset.done $0x0  }
0x25: {  	[sflag:s31] =	ssyncadd.s32 $0xFFFFE000  }
0x26: {  	_ =	swait.ge [sflag:s10], $0x2000  }
0x27: {  	[sflag:s10] =	ssyncset.done $0x0  }
0x28: {  	[sflag:s10] =	ssyncadd.s32 $0xFFFFE000  }
0x29: {  	_ =	swait.ge [sflag:s10], $0x400  }
0x2a: {  	[sflag:s10] =	ssyncset.done $0x0  }
0x2b: {  	[sflag:s10] =	ssyncadd.s32 $0xFFFFFC00  }
0x2c: {  	_ =	swait.ge [sflag:s29], $0x80  }
0x2d: {  	[sflag:s29] =	ssyncset.done $0x0  }
0x2e: {  	[sflag:s29] =	ssyncadd.s32 $0xFFFFFF80  }
0x2f: {  	_ =	swait.ge [sflag:s9], $0x80  }
0x30: {  	[sflag:s9] =	ssyncset.done $0x0  }
0x31: {  	[sflag:s9] =	ssyncadd.s32 $0xFFFFFF80  }
0x32: {  	s23 =	rddreg [dreg:$0x12];
	[bflag:$0x0] =	sbarrier.arrive $0xFFFF  }
0x33: {  	s23 =	sadd.s32 s26, s23;
	s28 =	rddreg [dreg:$0x1c]  }
0x34: {  	[hbm:s23], [sflag:s22] =	dma.local [spmem:s28], $0x3100  }
0x35: {  	_ =	swait.ge [sflag:s5], $0x3100  }
0x36: {  	[sflag:s5] =	ssyncset.done $0x0;
	s26 =	rddreg [dreg:$0x14]  }
0x37: {  	s23 =	sadd.s32 s25, s26;
	[sflag:s5] =	ssyncadd.s32 $0xFFFFCF00  }
0x38: {  	[hbm:s23], [sflag:s22] =	dma.local [spmem:s24], $0x620  }
0x39: {  	_ =	swait.ge [sflag:s5], $0x620  }
0x3a: {  	s11 =	sadd.s32 $0x1, s11;
	s28 =	rddreg [dreg:$0x15]  }
0x3b: {  	p1 =	sne.s32 s11, s28  }
.Ltmp1:
0x3c: {  	_ = 	snop;
	(pc) =	sbr.rel @!p1 .LBB2_9-.Ltmp1, $3  }
0x3d: {  	_ =	sdelay $0x1  }
0x3e: {  	[sflag:s5] =	ssyncset.done $0x0  }
0x3f: {  	[sflag:s5] =	ssyncadd.s32 $0xFFFFF9E0  }
.LBB2_1:
0x40: {  	s23 =	rddreg [dreg:$0x11]  }
0x41: {  	s28 =	rddreg [dreg:$0x9];
	s24 =	sshrl.u32 s23, $0x3  }
0x42: {  	[dreg:$0x1c] =	wrdreg s24  }
0x43: {  	[spmem:s24], [sflag:s22] =	dma.local [hbm:s28], $0x3100  }
0x44: {  	_ =	swait.ge [sflag:s5], $0x3100  }
0x45: {  	[sflag:s5] =	ssyncset.done $0x0  }
0x46: {  	s25 =	rddreg [dreg:$0x13];
	[sflag:s5] =	ssyncadd.s32 $0xFFFFCF00  }
0x47: {  	s24 =	sshrl.u32 s25, $0x3;
	s26 =	rddreg [dreg:$0x3]  }
0x48: {  	[spmem:s24], [sflag:s22] =	dma.local [hbm:s26], $0x620  }
0x49: {  	_ =	swait.ge [sflag:s5], $0x620  }
0x4a: {  	[sflag:s5] =	ssyncset.done $0x0  }
0x4b: {  	s28 =	rddreg [dreg:$0xa];
	[sflag:s5] =	ssyncadd.s32 $0xFFFFF9E0  }
0x4c: {  	[tilespmem:s3], [sflag:$0x7] =	stream.linear.gather [hbm4b:s28+s8], $0x400, $0x38;
	[tilespmem:$0x1FF00] =	vst v63  }
.Ltmp2:
0x4d: {  	_ =	swait.ge [sflag:s5], $0x400;
	(pc) =	sbr.rel @!p0 .LBB2_2-.Ltmp2, $3  }
0x4e: {  	[sflag:s5] =	ssyncset.done $0x0  }
0x4f: {  	[sflag:s5] =	ssyncadd.s32 $0xFFFFFC00  }
0x50: {  	[bflag:$0x0] =	sbarrier.arrive $0xFFFF;
	_ =	sdelay $0x1  }
0x51: {  	[tilespmem:s16], [sflag:$0x7] =	stream.linear.gather [hbm4b:s14+s8], $0x80, $0x38;
	[tilespmem:$0x1FF00] =	vst v63  }
0x52: {  	_ =	swait.ge [sflag:s5], $0x80  }
0x53: {  	[sflag:s5] =	ssyncset.done $0x0  }
0x54: {  	[sflag:s5] =	ssyncadd.s32 $0xFFFFFF80  }
0x55: {  	[tilespmem:s17], [sflag:$0x7] =	stream.linear.gather [hbm4b:s15+s8], $0x80, $0x38;
	[tilespmem:$0x1FF00] =	vst v63  }
0x56: {  	_ =	swait.ge [sflag:s5], $0x80  }
0x57: {  	[sflag:s5] =	ssyncset.done $0x0  }
0x58: {  	[sflag:s5] =	ssyncadd.s32 $0xFFFFFF80  }
0x59: {  	[tilespmem:s19], [sflag:$0x1] =	stream.indirect.gather [hbm4b:s0+s18], $0x40, s16, s18, $0xb8;
	[tilespmem:$0x1FF00] =	vst v63  }
0x5a: {  	s23 =	rddreg [dreg:$0x17]  }
0x5b: {  	[tilespmem:s20], [sflag:$0x3] =	stream.linear.gather [hbm4b:s23+s8], $0x80, $0x38;
	[tilespmem:$0x1FF00] =	vst v63  }
0x5c: {  	s26 =	rddreg [dreg:$0x1a]  }
0x5d: {  	[tilespmem:s21], [sflag:$0x4] =	stream.linear.gather [hbm4b:s26+s8], $0x80, $0x38;
	[tilespmem:$0x1FF00] =	vst v63  }
0x5e: {  	_ =	swait.ge [sflag:s29], $0x80  }
0x5f: {  	[sflag:s29] =	ssyncset.done $0x0  }
0x60: {  	[sflag:s29] =	ssyncadd.s32 $0xFFFFFF80  }
0x61: {  	[tilespmem:s30], [sflag:$0x2] =	stream.indirect.gather [hbm4b:s0+s18], $0x40, s20, s18, $0xb8;
	[tilespmem:$0x1FF00] =	vst v63  }
0x62: {  	_ =	swait.ge [sflag:s31], $0x2000  }
0x63: {  	[sflag:s31] =	ssyncset.done $0x0  }
0x64: {  	s28 =	rddreg [dreg:$0xd];
	[sflag:s31] =	ssyncadd.s32 $0xFFFFE000  }
0x65: {  	[tilespmem:s16], [sflag:$0x3] =	stream.linear.gather [hbm4b:s28+s8], $0x80, $0x38;
	[tilespmem:$0x1FF00] =	vst v63  }
0x66: {  	_ = 	snop  }
0x67: {  	[spmem:s6] =	stream.indirect.scatter.add.f32 [tilespmem:s19], [sflag:$0x5], $0x40, s17, s18, $0xb8;
	[tilespmem:$0x1FF00] =	vst v63  }
0x68: {  	_ = 	snop  }
0x69: {  	[spmem:s7] =	stream.indirect.scatter.add.f32 [tilespmem:s3], [sflag:$0x5], $0x8, s17, s18, $0xb8;
	[tilespmem:$0x1FF00] =	vst v63  }
0x6a: {  	_ =	swait.ge [sflag:s2], $0x2000  }
0x6b: {  	[sflag:s2] =	ssyncset.done $0x0  }
0x6c: {  	[sflag:s2] =	ssyncadd.s32 $0xFFFFE000  }
0x6d: {  	_ =	swait.ge [sflag:s2], $0x400  }
0x6e: {  	[sflag:s2] =	ssyncset.done $0x0  }
0x6f: {  	[sflag:s2] =	ssyncadd.s32 $0xFFFFFC00  }
0x70: {  	_ =	swait.ge [sflag:s9], $0x80  }
0x71: {  	[sflag:s9] =	ssyncset.done $0x0  }
0x72: {  	s25 =	rddreg [dreg:$0xe];
	[sflag:s9] =	ssyncadd.s32 $0xFFFFFF80  }
0x73: {  	[tilespmem:s17], [sflag:$0x4] =	stream.linear.gather [hbm4b:s25+s8], $0x80, $0x38;
	[tilespmem:$0x1FF00] =	vst v63  }
0x74: {  	_ =	swait.ge [sflag:s29], $0x80  }
0x75: {  	[sflag:s29] =	ssyncset.done $0x0  }
0x76: {  	[sflag:s29] =	ssyncadd.s32 $0xFFFFFF80  }
0x77: {  	[tilespmem:s19], [sflag:$0x1] =	stream.indirect.gather [hbm4b:s0+s18], $0x40, s16, s18, $0xb8;
	[tilespmem:$0x1FF00] =	vst v63  }
0x78: {  	_ =	swait.ge [sflag:s4], $0x2000  }
0x79: {  	[sflag:s4] =	ssyncset.done $0x0  }
0x7a: {  	s26 =	rddreg [dreg:$0x1b];
	[sflag:s4] =	ssyncadd.s32 $0xFFFFE000  }
0x7b: {  	[tilespmem:s20], [sflag:$0x3] =	stream.linear.gather [hbm4b:s26+s8], $0x80, $0x38;
	[tilespmem:$0x1FF00] =	vst v63  }
0x7c: {  	_ = 	snop  }
0x7d: {  	[spmem:s6] =	stream.indirect.scatter.add.f32 [tilespmem:s30], [sflag:$0x6], $0x40, s21, s18, $0xb8;
	[tilespmem:$0x1FF00] =	vst v63  }
0x7e: {  	_ = 	snop  }
0x7f: {  	[spmem:s7] =	stream.indirect.scatter.add.f32 [tilespmem:s3], [sflag:$0x6], $0x8, s21, s18, $0xb8;
	[tilespmem:$0x1FF00] =	vst v63  }
0x80: {  	_ =	swait.ge [sflag:s10], $0x2000  }
0x81: {  	[sflag:s10] =	ssyncset.done $0x0  }
0x82: {  	[sflag:s10] =	ssyncadd.s32 $0xFFFFE000  }
0x83: {  	_ =	swait.ge [sflag:s10], $0x400  }
0x84: {  	[sflag:s10] =	ssyncset.done $0x0  }
0x85: {  	[sflag:s10] =	ssyncadd.s32 $0xFFFFFC00  }
0x86: {  	_ =	swait.ge [sflag:s9], $0x80  }
0x87: {  	s23 =	sadd.s32 $0xFFFFE7A0, s15;
	[sflag:s9] =	ssyncset.done $0x0  }
0x88: {  	s25 =	sadd.s32 $0x1890, s23;
	[sflag:s9] =	ssyncadd.s32 $0xFFFFFF80  }
0x89: {  	[tilespmem:s21], [sflag:$0x4] =	stream.linear.gather [hbm4b:s25+s8], $0x80, $0x38;
	[tilespmem:$0x1FF00] =	vst v63  }
0x8a: {  	_ =	swait.ge [sflag:s29], $0x80  }
0x8b: {  	[sflag:s29] =	ssyncset.done $0x0  }
0x8c: {  	[sflag:s29] =	ssyncadd.s32 $0xFFFFFF80  }
0x8d: {  	[tilespmem:s30], [sflag:$0x2] =	stream.indirect.gather [hbm4b:s0+s18], $0x40, s20, s18, $0xb8;
	[tilespmem:$0x1FF00] =	vst v63  }
0x8e: {  	_ =	swait.ge [sflag:s31], $0x2000  }
0x8f: {  	s28 =	sadd.s32 $0xFFFFE7A0, s14;
	[sflag:s31] =	ssyncset.done $0x0  }
0x90: {  	s26 =	sadd.s32 $0x18A0, s28;
	[sflag:s31] =	ssyncadd.s32 $0xFFFFE000  }
0x91: {  	[tilespmem:s16], [sflag:$0x3] =	stream.linear.gather [hbm4b:s26+s8], $0x80, $0x38;
	[tilespmem:$0x1FF00] =	vst v63  }
0x92: {  	_ = 	snop  }
0x93: {  	[spmem:s6] =	stream.indirect.scatter.add.f32 [tilespmem:s19], [sflag:$0x5], $0x40, s17, s18, $0xb8;
	[tilespmem:$0x1FF00] =	vst v63  }
0x94: {  	_ = 	snop  }
0x95: {  	[spmem:s7] =	stream.indirect.scatter.add.f32 [tilespmem:s3], [sflag:$0x5], $0x8, s17, s18, $0xb8;
	[tilespmem:$0x1FF00] =	vst v63  }
0x96: {  	_ =	swait.ge [sflag:s2], $0x2000  }
0x97: {  	[sflag:s2] =	ssyncset.done $0x0  }
0x98: {  	[sflag:s2] =	ssyncadd.s32 $0xFFFFE000  }
0x99: {  	_ =	swait.ge [sflag:s2], $0x400  }
0x9a: {  	[sflag:s2] =	ssyncset.done $0x0  }
0x9b: {  	[sflag:s2] =	ssyncadd.s32 $0xFFFFFC00  }
0x9c: {  	_ =	swait.ge [sflag:s9], $0x80  }
0x9d: {  	[sflag:s9] =	ssyncset.done $0x0  }
0x9e: {  	s23 =	sadd.s32 $0x18A0, s23;
	[sflag:s9] =	ssyncadd.s32 $0xFFFFFF80  }
0x9f: {  	[tilespmem:s17], [sflag:$0x4] =	stream.linear.gather [hbm4b:s23+s8], $0x80, $0x38;
	[tilespmem:$0x1FF00] =	vst v63  }
0xa0: {  	_ =	swait.ge [sflag:s29], $0x80  }
0xa1: {  	[sflag:s29] =	ssyncset.done $0x0  }
0xa2: {  	[sflag:s29] =	ssyncadd.s32 $0xFFFFFF80  }
0xa3: {  	[tilespmem:s19], [sflag:$0x1] =	stream.indirect.gather [hbm4b:s0+s18], $0x40, s16, s18, $0xb8;
	[tilespmem:$0x1FF00] =	vst v63  }
0xa4: {  	_ =	swait.ge [sflag:s4], $0x2000  }
0xa5: {  	[sflag:s4] =	ssyncset.done $0x0  }
0xa6: {  	s28 =	sadd.s32 $0x18B0, s28;
	[sflag:s4] =	ssyncadd.s32 $0xFFFFE000  }
0xa7: {  	[tilespmem:s20], [sflag:$0x3] =	stream.linear.gather [hbm4b:s28+s8], $0x80, $0x38;
	[tilespmem:$0x1FF00] =	vst v63  }
0xa8: {  	s25 =	simm.s32 $0xFFFFE7C0  }
0xa9: {  	[spmem:s6] =	stream.indirect.scatter.add.f32 [tilespmem:s30], [sflag:$0x6], $0x40, s21, s18, $0xb8;
	[tilespmem:$0x1FF00] =	vst v63  }
.LBB2_6:
0xaa: {  	[spmem:s7] =	stream.indirect.scatter.add.f32 [tilespmem:s3], [sflag:$0x6], $0x8, s21, s18, $0xb8;
	[tilespmem:$0x1FF00] =	vst v63  }
0xab: {  	s23 =	smov.u32 s25  }
0xac: {  	p1 =	sne.s32 s25, $0xFFFFFFE0;
	s25 =	sadd.s32 $0x20, s25;
	_ =	swait.ge [sflag:s10], $0x2000  }
0xad: {  	[sflag:s10] =	ssyncset.done $0x0  }
0xae: {  	[sflag:s10] =	ssyncadd.s32 $0xFFFFE000  }
0xaf: {  	_ =	swait.ge [sflag:s10], $0x400  }
0xb0: {  	[sflag:s10] =	ssyncset.done $0x0  }
0xb1: {  	[sflag:s10] =	ssyncadd.s32 $0xFFFFFC00  }
0xb2: {  	_ =	swait.ge [sflag:s9], $0x80  }
0xb3: {  	s26 =	sadd.s32 s23, s15;
	[sflag:s9] =	ssyncset.done $0x0  }
0xb4: {  	s28 =	sadd.s32 $0x1890, s26;
	[sflag:s9] =	ssyncadd.s32 $0xFFFFFF80  }
0xb5: {  	[tilespmem:s21], [sflag:$0x4] =	stream.linear.gather [hbm4b:s28+s8], $0x80, $0x38;
	[tilespmem:$0x1FF00] =	vst v63  }
0xb6: {  	_ =	swait.ge [sflag:s29], $0x80  }
0xb7: {  	[sflag:s29] =	ssyncset.done $0x0  }
0xb8: {  	[sflag:s29] =	ssyncadd.s32 $0xFFFFFF80  }
0xb9: {  	[tilespmem:s30], [sflag:$0x2] =	stream.indirect.gather [hbm4b:s0+s18], $0x40, s20, s18, $0xb8;
	[tilespmem:$0x1FF00] =	vst v63  }
0xba: {  	_ =	swait.ge [sflag:s31], $0x2000  }
0xbb: {  	s23 =	sadd.s32 s23, s14;
	[sflag:s31] =	ssyncset.done $0x0  }
0xbc: {  	s28 =	sadd.s32 $0x18A0, s23;
	[sflag:s31] =	ssyncadd.s32 $0xFFFFE000  }
0xbd: {  	[tilespmem:s16], [sflag:$0x3] =	stream.linear.gather [hbm4b:s28+s8], $0x80, $0x38;
	[tilespmem:$0x1FF00] =	vst v63  }
0xbe: {  	_ = 	snop  }
0xbf: {  	[spmem:s6] =	stream.indirect.scatter.add.f32 [tilespmem:s19], [sflag:$0x5], $0x40, s17, s18, $0xb8;
	[tilespmem:$0x1FF00] =	vst v63  }
0xc0: {  	_ = 	snop  }
0xc1: {  	[spmem:s7] =	stream.indirect.scatter.add.f32 [tilespmem:s3], [sflag:$0x5], $0x8, s17, s18, $0xb8;
	[tilespmem:$0x1FF00] =	vst v63  }
0xc2: {  	_ =	swait.ge [sflag:s2], $0x2000  }
0xc3: {  	[sflag:s2] =	ssyncset.done $0x0  }
0xc4: {  	[sflag:s2] =	ssyncadd.s32 $0xFFFFE000  }
0xc5: {  	_ =	swait.ge [sflag:s2], $0x400  }
0xc6: {  	[sflag:s2] =	ssyncset.done $0x0  }
0xc7: {  	[sflag:s2] =	ssyncadd.s32 $0xFFFFFC00  }
0xc8: {  	_ =	swait.ge [sflag:s9], $0x80  }
0xc9: {  	[sflag:s9] =	ssyncset.done $0x0  }
0xca: {  	s26 =	sadd.s32 $0x18A0, s26;
	[sflag:s9] =	ssyncadd.s32 $0xFFFFFF80  }
0xcb: {  	[tilespmem:s17], [sflag:$0x4] =	stream.linear.gather [hbm4b:s26+s8], $0x80, $0x38;
	[tilespmem:$0x1FF00] =	vst v63  }
0xcc: {  	_ =	swait.ge [sflag:s29], $0x80  }
0xcd: {  	[sflag:s29] =	ssyncset.done $0x0  }
0xce: {  	[sflag:s29] =	ssyncadd.s32 $0xFFFFFF80  }
0xcf: {  	[tilespmem:s19], [sflag:$0x1] =	stream.indirect.gather [hbm4b:s0+s18], $0x40, s16, s18, $0xb8;
	[tilespmem:$0x1FF00] =	vst v63  }
0xd0: {  	_ =	swait.ge [sflag:s4], $0x2000  }
.Ltmp3:
0xd1: {  	[sflag:s4] =	ssyncset.done $0x0;
	(pc) =	sbr.rel @p1 .LBB2_6-.Ltmp3, $4  }
0xd2: {  	s23 =	sadd.s32 $0x18B0, s23;
	[sflag:s4] =	ssyncadd.s32 $0xFFFFE000  }
0xd3: {  	[tilespmem:s20], [sflag:$0x3] =	stream.linear.gather [hbm4b:s23+s8], $0x80, $0x38;
	[tilespmem:$0x1FF00] =	vst v63  }
0xd4: {  	_ = 	snop  }
0xd5: {  	[spmem:s6] =	stream.indirect.scatter.add.f32 [tilespmem:s30], [sflag:$0x6], $0x40, s21, s18, $0xb8;
	[tilespmem:$0x1FF00] =	vst v63  }
.Ltmp4:
0xd6: {  	_ = 	snop;
	(pc) =	sbr.rel .LBB2_7-.Ltmp4, $1  }
0xd7: {  	_ =	sdelay $0x3  }
.LBB2_2:
0xd8: {  	[tilespmem:s16], [sflag:$0x7] =	stream.linear.gather [hbm4b:s12+s8], $0x80, $0x38;
	[tilespmem:$0x1FF00] =	vst v63  }
0xd9: {  	_ =	swait.ge [sflag:s5], $0x80  }
0xda: {  	[sflag:s5] =	ssyncset.done $0x0  }
0xdb: {  	[sflag:s5] =	ssyncadd.s32 $0xFFFFFF80  }
0xdc: {  	[tilespmem:s17], [sflag:$0x7] =	stream.linear.gather [hbm4b:s13+s8], $0x80, $0x38;
	[tilespmem:$0x1FF00] =	vst v63  }
0xdd: {  	_ =	swait.ge [sflag:s5], $0x80  }
0xde: {  	[sflag:s5] =	ssyncset.done $0x0  }
0xdf: {  	[sflag:s5] =	ssyncadd.s32 $0xFFFFFF80  }
0xe0: {  	[tilespmem:s19], [sflag:$0x1] =	stream.indirect.gather [hbm4b:s1+s18], $0x40, s16, s18, $0xb8;
	[tilespmem:$0x1FF00] =	vst v63  }
0xe1: {  	s23 =	rddreg [dreg:$0x16]  }
0xe2: {  	[tilespmem:s20], [sflag:$0x3] =	stream.linear.gather [hbm4b:s23+s8], $0x80, $0x38;
	[tilespmem:$0x1FF00] =	vst v63  }
0xe3: {  	s28 =	rddreg [dreg:$0x18]  }
0xe4: {  	[tilespmem:s21], [sflag:$0x4] =	stream.linear.gather [hbm4b:s28+s8], $0x80, $0x38;
	[tilespmem:$0x1FF00] =	vst v63  }
0xe5: {  	_ =	swait.ge [sflag:s29], $0x80  }
0xe6: {  	[sflag:s29] =	ssyncset.done $0x0  }
0xe7: {  	[sflag:s29] =	ssyncadd.s32 $0xFFFFFF80  }
0xe8: {  	[tilespmem:s30], [sflag:$0x2] =	stream.indirect.gather [hbm4b:s1+s18], $0x40, s20, s18, $0xb8;
	[tilespmem:$0x1FF00] =	vst v63  }
0xe9: {  	_ =	swait.ge [sflag:s31], $0x2000  }
0xea: {  	[sflag:s31] =	ssyncset.done $0x0  }
0xeb: {  	s25 =	rddreg [dreg:$0xb];
	[sflag:s31] =	ssyncadd.s32 $0xFFFFE000  }
0xec: {  	[tilespmem:s16], [sflag:$0x3] =	stream.linear.gather [hbm4b:s25+s8], $0x80, $0x38;
	[tilespmem:$0x1FF00] =	vst v63  }
0xed: {  	_ = 	snop  }
0xee: {  	[spmem:s6] =	stream.indirect.scatter.add.f32 [tilespmem:s19], [sflag:$0x5], $0x40, s17, s18, $0xb8;
	[tilespmem:$0x1FF00] =	vst v63  }
0xef: {  	_ = 	snop  }
0xf0: {  	[spmem:s7] =	stream.indirect.scatter.add.f32 [tilespmem:s3], [sflag:$0x5], $0x8, s17, s18, $0xb8;
	[tilespmem:$0x1FF00] =	vst v63  }
0xf1: {  	_ =	swait.ge [sflag:s2], $0x2000  }
0xf2: {  	[sflag:s2] =	ssyncset.done $0x0  }
0xf3: {  	[sflag:s2] =	ssyncadd.s32 $0xFFFFE000  }
0xf4: {  	_ =	swait.ge [sflag:s2], $0x400  }
0xf5: {  	[sflag:s2] =	ssyncset.done $0x0  }
0xf6: {  	[sflag:s2] =	ssyncadd.s32 $0xFFFFFC00  }
0xf7: {  	_ =	swait.ge [sflag:s9], $0x80  }
0xf8: {  	[sflag:s9] =	ssyncset.done $0x0  }
0xf9: {  	s26 =	rddreg [dreg:$0xc];
	[sflag:s9] =	ssyncadd.s32 $0xFFFFFF80  }
0xfa: {  	[tilespmem:s17], [sflag:$0x4] =	stream.linear.gather [hbm4b:s26+s8], $0x80, $0x38;
	[tilespmem:$0x1FF00] =	vst v63  }
0xfb: {  	_ =	swait.ge [sflag:s29], $0x80  }
0xfc: {  	[sflag:s29] =	ssyncset.done $0x0  }
0xfd: {  	[sflag:s29] =	ssyncadd.s32 $0xFFFFFF80  }
0xfe: {  	[tilespmem:s19], [sflag:$0x1] =	stream.indirect.gather [hbm4b:s1+s18], $0x40, s16, s18, $0xb8;
	[tilespmem:$0x1FF00] =	vst v63  }
0xff: {  	_ =	swait.ge [sflag:s4], $0x2000  }
0x100: {  	[sflag:s4] =	ssyncset.done $0x0  }
0x101: {  	s28 =	rddreg [dreg:$0x19];
	[sflag:s4] =	ssyncadd.s32 $0xFFFFE000  }
0x102: {  	[tilespmem:s20], [sflag:$0x3] =	stream.linear.gather [hbm4b:s28+s8], $0x80, $0x38;
	[tilespmem:$0x1FF00] =	vst v63  }
0x103: {  	_ = 	snop  }
0x104: {  	[spmem:s6] =	stream.indirect.scatter.add.f32 [tilespmem:s30], [sflag:$0x6], $0x40, s21, s18, $0xb8;
	[tilespmem:$0x1FF00] =	vst v63  }
0x105: {  	_ = 	snop  }
0x106: {  	[spmem:s7] =	stream.indirect.scatter.add.f32 [tilespmem:s3], [sflag:$0x6], $0x8, s21, s18, $0xb8;
	[tilespmem:$0x1FF00] =	vst v63  }
0x107: {  	_ =	swait.ge [sflag:s10], $0x2000  }
0x108: {  	[sflag:s10] =	ssyncset.done $0x0  }
0x109: {  	[sflag:s10] =	ssyncadd.s32 $0xFFFFE000  }
0x10a: {  	_ =	swait.ge [sflag:s10], $0x400  }
0x10b: {  	[sflag:s10] =	ssyncset.done $0x0  }
0x10c: {  	[sflag:s10] =	ssyncadd.s32 $0xFFFFFC00  }
0x10d: {  	_ =	swait.ge [sflag:s9], $0x80  }
0x10e: {  	s25 =	sadd.s32 $0xFFFFE7A0, s13;
	[sflag:s9] =	ssyncset.done $0x0  }
0x10f: {  	s26 =	sadd.s32 $0x1890, s25;
	[sflag:s9] =	ssyncadd.s32 $0xFFFFFF80  }
0x110: {  	[tilespmem:s21], [sflag:$0x4] =	stream.linear.gather [hbm4b:s26+s8], $0x80, $0x38;
	[tilespmem:$0x1FF00] =	vst v63  }
0x111: {  	_ =	swait.ge [sflag:s29], $0x80  }
0x112: {  	[sflag:s29] =	ssyncset.done $0x0  }
0x113: {  	[sflag:s29] =	ssyncadd.s32 $0xFFFFFF80  }
0x114: {  	[tilespmem:s30], [sflag:$0x2] =	stream.indirect.gather [hbm4b:s1+s18], $0x40, s20, s18, $0xb8;
	[tilespmem:$0x1FF00] =	vst v63  }
0x115: {  	_ =	swait.ge [sflag:s31], $0x2000  }
0x116: {  	s23 =	sadd.s32 $0xFFFFE7A0, s12;
	[sflag:s31] =	ssyncset.done $0x0  }
0x117: {  	s28 =	sadd.s32 $0x18A0, s23;
	[sflag:s31] =	ssyncadd.s32 $0xFFFFE000  }
0x118: {  	[tilespmem:s16], [sflag:$0x3] =	stream.linear.gather [hbm4b:s28+s8], $0x80, $0x38;
	[tilespmem:$0x1FF00] =	vst v63  }
0x119: {  	_ = 	snop  }
0x11a: {  	[spmem:s6] =	stream.indirect.scatter.add.f32 [tilespmem:s19], [sflag:$0x5], $0x40, s17, s18, $0xb8;
	[tilespmem:$0x1FF00] =	vst v63  }
0x11b: {  	_ = 	snop  }
0x11c: {  	[spmem:s7] =	stream.indirect.scatter.add.f32 [tilespmem:s3], [sflag:$0x5], $0x8, s17, s18, $0xb8;
	[tilespmem:$0x1FF00] =	vst v63  }
0x11d: {  	_ =	swait.ge [sflag:s2], $0x2000  }
0x11e: {  	[sflag:s2] =	ssyncset.done $0x0  }
0x11f: {  	[sflag:s2] =	ssyncadd.s32 $0xFFFFE000  }
0x120: {  	_ =	swait.ge [sflag:s2], $0x400  }
0x121: {  	[sflag:s2] =	ssyncset.done $0x0  }
0x122: {  	[sflag:s2] =	ssyncadd.s32 $0xFFFFFC00  }
0x123: {  	_ =	swait.ge [sflag:s9], $0x80  }
0x124: {  	[sflag:s9] =	ssyncset.done $0x0  }
0x125: {  	s25 =	sadd.s32 $0x18A0, s25;
	[sflag:s9] =	ssyncadd.s32 $0xFFFFFF80  }
0x126: {  	[tilespmem:s17], [sflag:$0x4] =	stream.linear.gather [hbm4b:s25+s8], $0x80, $0x38;
	[tilespmem:$0x1FF00] =	vst v63  }
0x127: {  	_ =	swait.ge [sflag:s29], $0x80  }
0x128: {  	[sflag:s29] =	ssyncset.done $0x0  }
0x129: {  	[sflag:s29] =	ssyncadd.s32 $0xFFFFFF80  }
0x12a: {  	[tilespmem:s19], [sflag:$0x1] =	stream.indirect.gather [hbm4b:s1+s18], $0x40, s16, s18, $0xb8;
	[tilespmem:$0x1FF00] =	vst v63  }
0x12b: {  	_ =	swait.ge [sflag:s4], $0x2000  }
0x12c: {  	[sflag:s4] =	ssyncset.done $0x0  }
0x12d: {  	s28 =	sadd.s32 $0x18B0, s23;
	[sflag:s4] =	ssyncadd.s32 $0xFFFFE000  }
0x12e: {  	[tilespmem:s20], [sflag:$0x3] =	stream.linear.gather [hbm4b:s28+s8], $0x80, $0x38;
	[tilespmem:$0x1FF00] =	vst v63  }
0x12f: {  	s25 =	simm.s32 $0xFFFFE7C0  }
0x130: {  	[spmem:s6] =	stream.indirect.scatter.add.f32 [tilespmem:s30], [sflag:$0x6], $0x40, s21, s18, $0xb8;
	[tilespmem:$0x1FF00] =	vst v63  }
.LBB2_3:
0x131: {  	[spmem:s7] =	stream.indirect.scatter.add.f32 [tilespmem:s3], [sflag:$0x6], $0x8, s21, s18, $0xb8;
	[tilespmem:$0x1FF00] =	vst v63  }
0x132: {  	s26 =	smov.u32 s25  }
0x133: {  	p1 =	seq.s32 s25, $0xFFFFFFE0;
	s25 =	sadd.s32 $0x20, s25;
	_ =	swait.ge [sflag:s10], $0x2000  }
0x134: {  	[sflag:s10] =	ssyncset.done $0x0  }
0x135: {  	[sflag:s10] =	ssyncadd.s32 $0xFFFFE000  }
0x136: {  	_ =	swait.ge [sflag:s10], $0x400  }
0x137: {  	[sflag:s10] =	ssyncset.done $0x0  }
0x138: {  	[sflag:s10] =	ssyncadd.s32 $0xFFFFFC00  }
0x139: {  	_ =	swait.ge [sflag:s9], $0x80  }
0x13a: {  	s28 =	sadd.s32 s26, s13;
	[sflag:s9] =	ssyncset.done $0x0  }
0x13b: {  	s23 =	sadd.s32 $0x1890, s28;
	[sflag:s9] =	ssyncadd.s32 $0xFFFFFF80  }
0x13c: {  	[tilespmem:s21], [sflag:$0x4] =	stream.linear.gather [hbm4b:s23+s8], $0x80, $0x38;
	[tilespmem:$0x1FF00] =	vst v63  }
0x13d: {  	_ =	swait.ge [sflag:s29], $0x80  }
0x13e: {  	[sflag:s29] =	ssyncset.done $0x0  }
0x13f: {  	[sflag:s29] =	ssyncadd.s32 $0xFFFFFF80  }
0x140: {  	[tilespmem:s30], [sflag:$0x2] =	stream.indirect.gather [hbm4b:s1+s18], $0x40, s20, s18, $0xb8;
	[tilespmem:$0x1FF00] =	vst v63  }
0x141: {  	_ =	swait.ge [sflag:s31], $0x2000  }
0x142: {  	s23 =	sadd.s32 s26, s12;
	[sflag:s31] =	ssyncset.done $0x0  }
0x143: {  	s26 =	sadd.s32 $0x18A0, s23;
	[sflag:s31] =	ssyncadd.s32 $0xFFFFE000  }
0x144: {  	[tilespmem:s16], [sflag:$0x3] =	stream.linear.gather [hbm4b:s26+s8], $0x80, $0x38;
	[tilespmem:$0x1FF00] =	vst v63  }
0x145: {  	_ = 	snop  }
0x146: {  	[spmem:s6] =	stream.indirect.scatter.add.f32 [tilespmem:s19], [sflag:$0x5], $0x40, s17, s18, $0xb8;
	[tilespmem:$0x1FF00] =	vst v63  }
0x147: {  	_ = 	snop  }
0x148: {  	[spmem:s7] =	stream.indirect.scatter.add.f32 [tilespmem:s3], [sflag:$0x5], $0x8, s17, s18, $0xb8;
	[tilespmem:$0x1FF00] =	vst v63  }
0x149: {  	_ =	swait.ge [sflag:s2], $0x2000  }
0x14a: {  	[sflag:s2] =	ssyncset.done $0x0  }
0x14b: {  	[sflag:s2] =	ssyncadd.s32 $0xFFFFE000  }
0x14c: {  	_ =	swait.ge [sflag:s2], $0x400  }
0x14d: {  	[sflag:s2] =	ssyncset.done $0x0  }
0x14e: {  	[sflag:s2] =	ssyncadd.s32 $0xFFFFFC00  }
0x14f: {  	_ =	swait.ge [sflag:s9], $0x80  }
0x150: {  	[sflag:s9] =	ssyncset.done $0x0  }
0x151: {  	s26 =	sadd.s32 $0x18A0, s28;
	[sflag:s9] =	ssyncadd.s32 $0xFFFFFF80  }
0x152: {  	[tilespmem:s17], [sflag:$0x4] =	stream.linear.gather [hbm4b:s26+s8], $0x80, $0x38;
	[tilespmem:$0x1FF00] =	vst v63  }
0x153: {  	_ =	swait.ge [sflag:s29], $0x80  }
0x154: {  	[sflag:s29] =	ssyncset.done $0x0  }
0x155: {  	[sflag:s29] =	ssyncadd.s32 $0xFFFFFF80  }
0x156: {  	[tilespmem:s19], [sflag:$0x1] =	stream.indirect.gather [hbm4b:s1+s18], $0x40, s16, s18, $0xb8;
	[tilespmem:$0x1FF00] =	vst v63  }
0x157: {  	_ =	swait.ge [sflag:s4], $0x2000  }
.Ltmp5:
0x158: {  	[sflag:s4] =	ssyncset.done $0x0;
	(pc) =	sbr.rel @!p1 .LBB2_3-.Ltmp5, $4  }
0x159: {  	s23 =	sadd.s32 $0x18B0, s23;
	[sflag:s4] =	ssyncadd.s32 $0xFFFFE000  }
0x15a: {  	[tilespmem:s20], [sflag:$0x3] =	stream.linear.gather [hbm4b:s23+s8], $0x80, $0x38;
	[tilespmem:$0x1FF00] =	vst v63  }
0x15b: {  	_ = 	snop  }
0x15c: {  	[spmem:s6] =	stream.indirect.scatter.add.f32 [tilespmem:s30], [sflag:$0x6], $0x40, s21, s18, $0xb8;
	[tilespmem:$0x1FF00] =	vst v63  }
.Ltmp6:
0x15d: {  	(pc) =	sbr.rel .LBB2_8-.Ltmp6, $4  }
0x15e: {  	_ = 	snop  }
0x15f: {  	[spmem:s7] =	stream.indirect.scatter.add.f32 [tilespmem:s3], [sflag:$0x6], $0x8, s21, s18, $0xb8;
	[tilespmem:$0x1FF00] =	vst v63  }
0x160: {  	s26 =	rddreg [dreg:$0x4]  }
0x161: {  	s25 =	rddreg [dreg:$0xf]  }
.LBB2_9:
0x162: {  	_ =	sfence.sel $0x180000  }
0x163: {  	[bflag:$0x0] =	sbarrier.arrive $0xFFFF  }
0x164: {  	_ =	strace $0x9000004A  }
0x165: {  	s0 =	stileid.u32;
	[bflag:$0x2] =	sbarrier.arrive $0xFFFF  }
0x166: {  	p0 =	sne.s32 s0, $0x0;
	s0 =	rddreg [dreg:$0x8]  }
0x167: {  	s0 =	sadd.s32 @!p0 $0x100000, s0  }
0x168: {  	[sflag:s0] =	ssyncadd.tile.s32 @!p0 $0x1;
	_ =	shalt  }
.Lfunc_end2:
_tile_overlayer_lowered:
.L_overlay_start_2:
0x169: {  	(tag) =	ssettag $0x2  }
0x16a: {  	s0 =	rddreg [dreg:$0x0];
	s2 =	stileid.u32  }
0x16b: {  	s1 =	rddreg [dreg:$0x1];
	p0 =	sne.s32 s2, $0x0  }
0x16c: {  	s3 =	rddreg [dreg:$0x2];
	[bflag:$0x3] =	sbarrier.arrive $0xFFFF;
	s2 =	simm.s32 @!p0 $0x1C07  }
0x16d: {  	[timem:s3], [sflag:s2] =	dma.local @!p0 [hbm:s0], s1  }
0x16e: {  	s0 =	simm.s32 @!p0 $0x7  }
0x16f: {  	_ =	swait.ge @!p0 [sflag:s0], s1  }
0x170: {  	s1 =	ssub.s32 @!p0 $0x0, s1;
	[sflag:s0] =	ssyncset.done @!p0 $0x0  }
0x171: {  	[sflag:s0] =	ssyncadd.s32 @!p0 s1  }
0x172: {  	[bflag:$0x3] =	sbarrier.arrive $0xFFFF  }
0x173: {  	_ =	shalt  }

// kernel: kernel.7.cloned.1.call-start
scs
__scs_entry_jumppad:
0x0: {  	(pc) =	sbr.rel $0x88, $3  }
0x1: {  	(tag) =	ssettag $0x0;
	lr =	simm.s32 $0x1  }
0x2: {  	[smem:$0x3F4D] =	sst lr;
	_ =	strace $0xD0000000  }
0x3: {  	_ = 	snop  }
0x4: {  	_ = 	snop  }
0x5: {  	_ = 	snop  }
0x6: {  	_ = 	snop  }
0x7: {  	_ = 	snop  }
__scs_overlays_trampoline_lowered:
0x8: {  	[smem:$0x3F5C] =	sst s0  }
0x9: {  	[smem:$0x3F5D] =	sst s1  }
0xa: {  	[smem:$0x3F5E] =	sst s2  }
0xb: {  	[smem:$0x3F5F] =	sst s3  }
0xc: {  	[smem:$0x3F60] =	sst s4  }
0xd: {  	[smem:$0x3F61] =	sst s5  }
0xe: {  	[smem:$0x3F62] =	sst s6  }
0xf: {  	[smem:$0x3F63] =	sst s7  }
0x10: {  	[smem:$0x3F64] =	sst s8  }
0x11: {  	[smem:$0x3F65] =	sst s9;
	s0 =	simm.s32 @!p0 $0x0  }
0x12: {  	s1 =	sld [smem:$0x3F4B];
	s0 =	simm.s32 @p0 $0x1  }
0x13: {  	[smem:$0x3F66] =	sst s0;
	s0 =	simm.s32 @!p1 $0x0  }
0x14: {  	s2 =	sld [smem:$0x3F4A];
	s0 =	simm.s32 @p1 $0x1  }
0x15: {  	[smem:$0x3F67] =	sst s0;
	s0 =	simm.s32 @!p2 $0x0  }
0x16: {  	s3 =	sld [smem:$0x3FDB];
	s0 =	simm.s32 @p2 $0x1  }
0x17: {  	s4 =	simm.s32 $0x1BF5;
	[smem:$0x3F69] =	sst s0  }
0x18: {  	s0 =	sld [smem:$0x3F4C];
	_ =	swait.ge [sflag:s4], $0x0  }
0x19: {  	s7 =	sld [smem:$0x3F4D]  }
0x1a: {  	s8 =	sadd.s32 $0xFFFFE003, lr  }
0x1b: {  	s9 =	sadd.s32 $0xFFFFFEF7, lr;
	s5 =	simm.s32 $0xFFFFFFFF;
	p2 =	slt.u32 s8, $0xFFFFF086  }
0x1c: {  	p1 =	slt.u32 s9, $0xF7A;
	s5 =	simm.s32 @!p2 $0x0  }
0x1d: {  	s5 =	simm.s32 @p1 $0x1;
	p0 =	seq.s32 s7, s2  }
0x1e: {  	s7 =	smul.u32 @!p0 $0xF7A, s2;
	p2 =	seq.s32 @!p0 s5, $0x0  }
0x1f: {  	s9 =	smul.u32 $0xF7A, s1;
	s8 =	simm.s32 @!p0 $0x1BF5;
	p2 =	por !p2, p0  }
0x20: {  	[sflag:s8] =	ssyncset.s32 @!p0 $0xFFFFF086;
	s6 =	sadd.s32 @!p0 s3, s7;
	s7 =	simm.s32 @!p0 $0x108  }
0x21: {  	s3 =	sadd.s32 s3, s9;
	s6 =	sadd.s32 @!p0 $0x88, s6;
	s7 =	simm.s32 @p2 $0x1082  }
0x22: {  	[simem:s7], [sflag:s8] =	dma.local @!p0 [hbm:s6], $0xF7A  }
0x23: {  	s9 =	sor.u32 $0xD0000000, s2;
	s6 =	simm.s32 $0x108;
	_ =	swait.ge @!p0 [sflag:s8], $0x0  }
0x24: {  	s3 =	sadd.s32 $0x88, s3;
	s6 =	simm.s32 @!p1 $0x1082;
	[sflag:s4] =	ssyncset.s32 $0xFFFFF086  }
0x25: {  	[simem:s6], [sflag:s4] =	dma.local [hbm:s3], $0xF7A  }
0x26: {  	[smem:$0x3F4D] =	sst s1;
	(tag) =	ssettag s2;
	_ =	strace s9  }
0x27: {  	s1 =	sld [smem:$0x3F5D]  }
0x28: {  	s2 =	sld [smem:$0x3F5E]  }
0x29: {  	s4 =	sld [smem:$0x3F60]  }
0x2a: {  	p0 =	seq.s32 s5, $0x0;
	s5 =	sld [smem:$0x3F61]  }
0x2b: {  	s6 =	sld [smem:$0x3F62]  }
0x2c: {  	s7 =	sld [smem:$0x3F63]  }
0x2d: {  	s3 =	simm.s32 $0x108;
	s8 =	sld [smem:$0x3F64]  }
0x2e: {  	s3 =	simm.s32 @!p0 $0x1082;
	s9 =	sld [smem:$0x3F65]  }
0x2f: {  	lr =	sadd.s32 s0, s3;
	s0 =	sld [smem:$0x3F5C]  }
0x30: {  	s3 =	sld [smem:$0x3F5F]  }
0x31: {  	[smem:$0x3F68] =	sst s10  }
0x32: {  	s10 =	sld [smem:$0x3F66];
	_ =	sdelay $0x3  }
0x33: {  	p0 =	seq.s32 s10, $0x1;
	s10 =	sld [smem:$0x3F68];
	_ =	sdelay $0x3  }
0x34: {  	[smem:$0x3F68] =	sst s10  }
0x35: {  	s10 =	sld [smem:$0x3F67];
	_ =	sdelay $0x3  }
0x36: {  	p1 =	seq.s32 s10, $0x1;
	s10 =	sld [smem:$0x3F68];
	_ =	sdelay $0x3  }
0x37: {  	[smem:$0x3F68] =	sst s10  }
0x38: {  	s10 =	sld [smem:$0x3F69]  }
0x39: {  	_ = 	snop;
	(pc) =	sbr.ind lr, $3  }
0x3a: {  	_ = 	snop  }
0x3b: {  	_ = 	snop  }
0x3c: {  	p2 =	seq.s32 s10, $0x1;
	s10 =	sld [smem:$0x3F68]  }
0x3d: {  	_ =	shalt  }
0x3e: {  	_ =	shalt  }
0x3f: {  	_ =	shalt  }
0x40: {  	_ =	shalt  }
0x41: {  	_ =	shalt  }
0x42: {  	_ =	shalt  }
0x43: {  	_ =	shalt  }
0x44: {  	_ =	shalt  }
0x45: {  	_ =	shalt  }
0x46: {  	_ =	shalt  }
0x47: {  	_ =	shalt  }
0x48: {  	_ =	shalt  }
0x49: {  	_ =	shalt  }
0x4a: {  	_ =	shalt  }
0x4b: {  	_ =	shalt  }
0x4c: {  	_ =	shalt  }
0x4d: {  	_ =	shalt  }
0x4e: {  	_ =	shalt  }
0x4f: {  	_ =	shalt  }
0x50: {  	_ =	shalt  }
0x51: {  	_ =	shalt  }
0x52: {  	_ =	shalt  }
0x53: {  	_ =	shalt  }
0x54: {  	_ =	shalt  }
0x55: {  	_ =	shalt  }
0x56: {  	_ =	shalt  }
0x57: {  	_ =	shalt  }
0x58: {  	_ =	shalt  }
0x59: {  	_ =	shalt  }
0x5a: {  	_ =	shalt  }
0x5b: {  	_ =	shalt  }
0x5c: {  	_ =	shalt  }
0x5d: {  	_ =	shalt  }
0x5e: {  	_ =	shalt  }
0x5f: {  	_ =	shalt  }
0x60: {  	_ =	shalt  }
0x61: {  	_ =	shalt  }
0x62: {  	_ =	shalt  }
0x63: {  	_ =	shalt  }
0x64: {  	_ =	shalt  }
0x65: {  	_ =	shalt  }
0x66: {  	_ =	shalt  }
0x67: {  	_ =	shalt  }
0x68: {  	_ =	shalt  }
0x69: {  	_ =	shalt  }
0x6a: {  	_ =	shalt  }
0x6b: {  	_ =	shalt  }
0x6c: {  	_ =	shalt  }
0x6d: {  	_ =	shalt  }
0x6e: {  	_ =	shalt  }
0x6f: {  	_ =	shalt  }
0x70: {  	_ =	shalt  }
0x71: {  	_ =	shalt  }
0x72: {  	_ =	shalt  }
0x73: {  	_ =	shalt  }
0x74: {  	_ =	shalt  }
0x75: {  	_ =	shalt  }
0x76: {  	_ =	shalt  }
0x77: {  	_ =	shalt  }
0x78: {  	_ =	shalt  }
0x79: {  	_ =	shalt  }
0x7a: {  	_ =	shalt  }
0x7b: {  	_ =	shalt  }
0x7c: {  	_ =	shalt  }
0x7d: {  	_ =	shalt  }
0x7e: {  	_ =	shalt  }
0x7f: {  	_ =	shalt  }
0x80: {  	_ =	shalt  }
0x81: {  	_ =	shalt  }
0x82: {  	_ =	shalt  }
0x83: {  	_ =	shalt  }
0x84: {  	_ =	shalt  }
0x85: {  	_ =	shalt  }
0x86: {  	_ =	shalt  }
0x87: {  	_ =	shalt  }
.Lfunc_end0:
.L_simem_size_0:
called_computation_lowered:
.L_overlay_start_0:
0x88: {  	s2 =	sld [smem:$0x3FD9]  }
0x89: {  	s3 =	sld [smem:$0x3FFE];
	_ =	sdelay $0x1  }
0x8a: {  	s1 =	srdreg.scid  }
0x8b: {  	s0 =	sand.u32 $0x1, s1  }
0x8c: {  	s15 =	sshll.u32 s0, $0xA;
	s2 =	sadd.s32 s3, s2  }
0x8d: {  	s2 =	sadd.s32 s2, s15  }
0x8e: {  	[smem:$0x3F74] =	sst s2  }
0x8f: {  	_ = 	snop  }
0x90: {  	s2 =	sld [smem:$0x3FD0];
	_ =	sdelay $0x2  }
0x91: {  	s16 =	simm.s32 $0xA;
	s4 =	simm.s32 $0x10  }
0x92: {  	[smem:s4], [sflag:s16] =	dma.local [hbm:s2], $0x1  }
0x93: {  	_ =	swait.eq [sflag:s16], $0x1  }
0x94: {  	s17 =	sld [smem:$0x12];
	[sflag:s16] =	ssyncset.done $0x0  }
0x95: {  	s18 =	sld [smem:$0x13];
	[sflag:s16] =	ssyncadd.s32 $0xFFFFFFFF  }
0x96: {  	s19 =	sld [smem:$0x14];
	(tm) =	ssettm $0x1  }
0x97: {  	s5 =	sld [smem:$0x3FFB];
	_ =	sdelay $0x3  }
0x98: {  	_ =	strace s5  }
0x99: {  	s5 =	sld [smem:$0x3FFC];
	_ =	sdelay $0x3  }
0x9a: {  	_ =	strace s5  }
0x9b: {  	s5 =	sld [smem:$0x3FFD];
	_ =	sdelay $0x3  }
0x9c: {  	_ =	strace s5  }
0x9d: {  	_ =	strace $0x8FFFFFFF  }
0x9e: {  	s20 =	sld [smem:$0x3FDB];
	_ =	sdelay $0x1  }
0x9f: {  	s6 =	simm.s32 $_scs_section_size  }
0xa0: {  	s7 =	simm.s32 $_size__tile_overlayer_lowered;
	s8 =	simm.s32 $_tile_overlayer_lowered  }
0xa1: {  	s23 =	simm.s32 $0x1BFF;
	s22 =	sshll.u32 s8, $0x1;
	s5 =	sadd.s32 s6, s20  }
0xa2: {  	s9 =	simm.s32 $0x0;
	s21 =	sshll.u32 s7, $0x1;
	s7 =	sadd.s32 s22, s5  }
0xa3: {  	[timem:s9], [sflag:s23] =	dma.local [hbm:s7], s21  }
0xa4: {  	_ =	swait.ge [sflag:s23], s21  }
0xa5: {  	s6 =	ssub.s32 $0x0, s21;
	[sflag:s23] =	ssyncset.done $0x0  }
0xa6: {  	[sflag:s23] =	ssyncadd.s32 s6;
	_ =	sdelay $0x1  }
0xa7: {  	s24 =	simm.s32 $0x1B8B  }
0xa8: {  	_ =	swait.ge [sflag:s24], $0x1  }
0xa9: {  	[sflag:s24] =	ssyncset.done $0x0  }
0xaa: {  	s25 =	simm.s32 $0x1B8E;
	[sflag:s24] =	ssyncadd.s32 $0xFFFFFFFF  }
0xab: {  	s26 =	simm.s32 $execute0_lowered;
	[smem:$0x3FD2] =	sst s25  }
0xac: {  	s6 =	sshll.u32 s26, $0x1;
	_ =	strace $0x80000046;
	[dreg:$0x1] =	wrdreg $0xFFFFFFFF  }
0xad: {  	s28 =	simm.s32 $_size_execute0_lowered;
	s5 =	sadd.s32 s5, s6;
	[dreg:$0x0] =	wrdreg $0x0  }
0xae: {  	s6 =	sshll.u32 s28, $0x1;
	[dreg:$0x2] =	wrdreg s5  }
0xaf: {  	[dreg:$0x3] =	wrdreg s6  }
0xb0: {  	[dreg:$0x4] =	wrdreg $0xC0  }
0xb1: {  	_ =	task [dreg:s9], $0x5FFFF  }
0xb2: {  	[dreg:$0x1] =	wrdreg $0xFFFFFFFF  }
0xb3: {  	[dreg:$0x0] =	wrdreg $0x60  }
0xb4: {  	[dreg:$0x2] =	wrdreg s17  }
0xb5: {  	[dreg:$0x3] =	wrdreg s18  }
0xb6: {  	[dreg:$0x4] =	wrdreg s19  }
0xb7: {  	[dreg:$0x5] =	wrdreg $0x9  }
0xb8: {  	_ =	task.clear_ibuf [dreg:s9], $0x6FFFF;
	_ =	strace $0x90000046  }
0xb9: {  	s29 =	simm.s32 $0x9;
	_ =	strace $0x80000048  }
0xba: {  	_ =	swait.ge [sflag:s29], $0x1  }
0xbb: {  	[sflag:s29] =	ssyncadd.s32 $0xFFFFFFFF  }
0xbc: {  	_ =	strace $0x90000048  }
0xbd: {  	_ =	sfence  }
0xbe: {  	s30 =	sld [smem:$0x0];
	_ =	sdelay $0x2  }
0xbf: {  	s31 =	sshll.u32 s1, $0xD;
	s1 =	sshrl.u32 s1, $0x2  }
0xc0: {  	s3 =	sand.u32 $0x4000, s31;
	s1 =	sadd.s32 s1, s30  }
0xc1: {  	s0 =	sor.u32 s3, s0;
	s1 =	sshll.u32 s1, $0x11  }
0xc2: {  	s0 =	sor.u32 s1, s0  }
0xc3: {  	s0 =	sadd.s32 $0x8F2B, s0  }
0xc4: {  	[sflag:s0] =	ssyncadd.remote.s32 $0x1  }
0xc5: {  	_ =	sfence.sel $0xFFFF  }
0xc6: {  	[dreg:$0x0] =	wrdreg $0xFFFFFFFF;
	(pc) =	sbr.abs _section_cstart, $3  }
0xc7: {  	[dreg:$0x1] =	wrdreg $0xFFFFFFFF  }
0xc8: {  	_ =	task.clear_ibuf [dreg:s9], $0x2FFFF;
	_ =	strace $0x9FFFFFFF  }
0xc9: {  	(tm) =	ssettm $0x7FFFFFFF  }
tec
execute0_lowered:
.L_overlay_start_1:
0x0: {  	(tag) =	ssettag $0x1  }
0x1: {  	s1 =	rddreg [dreg:$0x0];
	s2 =	srdreg.scid  }
0x2: {  	s0 =	stileid.u32;
	s5 =	rddreg [dreg:$0x1]  }
0x3: {  	s4 =	rddreg [dreg:$0x2];
	s8 =	simm.s32 $0x1500;
	s9 =	simm.s32 $0x150  }
0x4: {  	s25 =	simm.s32 $0x1C00;
	s11 =	simm.s32 $0x2A0;
	s12 =	simm.s32 $0x3100  }
0x5: {  	s13 =	simm.s32 $0x310;
	s14 =	simm.s32 $0x3800;
	s15 =	simm.s32 $0x380  }
0x6: {  	s16 =	simm.s32 $0x3F00;
	s17 =	simm.s32 $0x3F0;
	s18 =	simm.s32 $0x4600  }
0x7: {  	s19 =	simm.s32 $0x460;
	s20 =	simm.s32 $0x4D00;
	s21 =	simm.s32 $0x4D0  }
0x8: {  	s22 =	simm.s32 $0x5400;
	s23 =	simm.s32 $0x540;
	s24 =	simm.s32 $0x5B00  }
0x9: {  	p0 =	por $0x0, $0x0;
	s3 =	sand.u32 $0x1, s2;
	s26 =	sshll.u32 s0, $0x1  }
0xa: {  	s28 =	simm.s32 $0x620;
	s2 =	simm.s32 $0x0;
	s6 =	sor.u32 s3, s26  }
0xb: {  	s29 =	simm.s32 $0x6900;
	[smem:$0x7FF] =	sst s2;
	s7 =	smul.u32 $0xE0, s6  }
0xc: {  	s30 =	simm.s32 $0x690;
	s3 =	ssub.s32 $0x2, s3;
	_ =	strace $0x80000047  }
0xd: {  	[dreg:$0x8] =	wrdreg s8;
	s1 =	sadd.s32 s1, s7;
	s7 =	sshrl.u32 s3, $0x1  }
0xe: {  	s26 =	simm.s32 $0x1C0;
	[dreg:$0x9] =	wrdreg s9;
	s3 =	ssub.s32 s3, s7  }
0xf: {  	s6 =	smul.u32 $0xE00, s6;
	[dreg:$0xa] =	wrdreg s25;
	s10 =	smax.u32 s3, $0x1  }
0x10: {  	s31 =	simm.s32 $0x7000;
	[dreg:$0xb] =	wrdreg s26;
	p1 =	sne.s32 s10, $0x1  }
.Ltmp0:
0x11: {  	s0 =	sadd.s32 s4, s6;
	[dreg:$0x4] =	wrdreg s1;
	(pc) =	sbr.rel @!p1 .LBB2_3-.Ltmp0, $4  }
0x12: {  	s25 =	simm.s32 $0x5B0;
	s4 =	simm.s32 $0xE00;
	[dreg:$0x5] =	wrdreg s0  }
0x13: {  	s26 =	simm.s32 $0x6200;
	s6 =	simm.s32 $0xE0;
	[dreg:$0x6] =	wrdreg s4  }
0x14: {  	[dreg:$0x7] =	wrdreg s6;
	s7 =	simm.s32 $0x70;
	s4 =	simm.s32 $0x700  }
0x15: {  	s6 =	simm.s32 $0x1;
	s3 =	simm.s32 $0x2;
	s8 =	sadd.s32 $0xFFFFFFFF, s10  }
0x16: {  	s0 =	rddreg [dreg:$0x4]  }
0x17: {  	[tilespmem:s2], [sflag:$0x2] =	stream.linear.gather [hbm4b:s0+s2], $0x700, $0x38;
	[tilespmem:$0x7700] =	vst v63  }
0x18: {  	_ =	swait.ge [sflag:s3], $0x700  }
0x19: {  	s10 =	rddreg [dreg:$0x7]  }
0x1a: {  	s1 =	rddreg [dreg:$0x6]  }
0x1b: {  	s0 =	rddreg [dreg:$0x8]  }
0x1c: {  	[sflag:s3] =	ssyncset.done $0x0;
	[dreg:$0xc] =	wrdreg s10  }
0x1d: {  	[sflag:s3] =	ssyncadd.s32 $0xFFFFF900;
	s10 =	rddreg [dreg:$0xa]  }
0x1e: {  	[tilespmem:s4], [sflag:$0x1] =	stream.indirect.gather [hbm4b:s5+s7], $0x10, s2, s7, $0xb8;
	[tilespmem:$0x7700] =	vst v63  }
0x1f: {  	[dreg:$0xd] =	wrdreg s10  }
0x20: {  	s10 =	rddreg [dreg:$0xc]  }
0x21: {  	[tilespmem:s1], [sflag:$0x1] =	stream.indirect.gather [hbm4b:s5+s7], $0x10, s7, s7, $0xb8;
	[tilespmem:$0x7700] =	vst v63  }
0x22: {  	s1 =	rddreg [dreg:$0x9]  }
0x23: {  	[tilespmem:s0], [sflag:$0x1] =	stream.indirect.gather [hbm4b:s5+s7], $0x10, s10, s7, $0xb8;
	[tilespmem:$0x7700] =	vst v63  }
0x24: {  	s10 =	rddreg [dreg:$0xd]  }
0x25: {  	[tilespmem:s10], [sflag:$0x1] =	stream.indirect.gather [hbm4b:s5+s7], $0x10, s1, s7, $0xb8;
	[tilespmem:$0x7700] =	vst v63  }
0x26: {  	s9 =	simm.s32 $0x2300;
	s0 =	rddreg [dreg:$0xb]  }
0x27: {  	[tilespmem:s9], [sflag:$0x1] =	stream.indirect.gather [hbm4b:s5+s7], $0x10, s0, s7, $0xb8;
	[tilespmem:$0x7700] =	vst v63  }
0x28: {  	s1 =	simm.s32 $0x230;
	s9 =	simm.s32 $0x2A00  }
0x29: {  	[tilespmem:s9], [sflag:$0x1] =	stream.indirect.gather [hbm4b:s5+s7], $0x10, s1, s7, $0xb8;
	[tilespmem:$0x7700] =	vst v63  }
0x2a: {  	_ = 	snop  }
0x2b: {  	[tilespmem:s12], [sflag:$0x1] =	stream.indirect.gather [hbm4b:s5+s7], $0x10, s11, s7, $0xb8;
	[tilespmem:$0x7700] =	vst v63  }
0x2c: {  	_ = 	snop  }
0x2d: {  	[tilespmem:s14], [sflag:$0x1] =	stream.indirect.gather [hbm4b:s5+s7], $0x10, s13, s7, $0xb8;
	[tilespmem:$0x7700] =	vst v63  }
0x2e: {  	_ = 	snop  }
0x2f: {  	[tilespmem:s16], [sflag:$0x1] =	stream.indirect.gather [hbm4b:s5+s7], $0x10, s15, s7, $0xb8;
	[tilespmem:$0x7700] =	vst v63  }
0x30: {  	_ = 	snop  }
0x31: {  	[tilespmem:s18], [sflag:$0x1] =	stream.indirect.gather [hbm4b:s5+s7], $0x10, s17, s7, $0xb8;
	[tilespmem:$0x7700] =	vst v63  }
0x32: {  	_ = 	snop  }
0x33: {  	[tilespmem:s20], [sflag:$0x1] =	stream.indirect.gather [hbm4b:s5+s7], $0x10, s19, s7, $0xb8;
	[tilespmem:$0x7700] =	vst v63  }
0x34: {  	_ = 	snop  }
0x35: {  	[tilespmem:s22], [sflag:$0x1] =	stream.indirect.gather [hbm4b:s5+s7], $0x10, s21, s7, $0xb8;
	[tilespmem:$0x7700] =	vst v63  }
0x36: {  	_ = 	snop  }
0x37: {  	[tilespmem:s24], [sflag:$0x1] =	stream.indirect.gather [hbm4b:s5+s7], $0x10, s23, s7, $0xb8;
	[tilespmem:$0x7700] =	vst v63  }
0x38: {  	_ = 	snop  }
0x39: {  	[tilespmem:s26], [sflag:$0x1] =	stream.indirect.gather [hbm4b:s5+s7], $0x10, s25, s7, $0xb8;
	[tilespmem:$0x7700] =	vst v63  }
0x3a: {  	_ = 	snop  }
0x3b: {  	[tilespmem:s29], [sflag:$0x1] =	stream.indirect.gather [hbm4b:s5+s7], $0x10, s28, s7, $0xb8;
	[tilespmem:$0x7700] =	vst v63  }
0x3c: {  	_ = 	snop  }
0x3d: {  	[tilespmem:s31], [sflag:$0x1] =	stream.indirect.gather [hbm4b:s5+s7], $0x10, s30, s7, $0xb8;
	[tilespmem:$0x7700] =	vst v63  }
0x3e: {  	_ =	swait.ge [sflag:s6], $0x700  }
0x3f: {  	[sflag:s6] =	ssyncset.done $0x0  }
0x40: {  	[sflag:s6] =	ssyncadd.s32 $0xFFFFF900  }
0x41: {  	_ =	swait.ge [sflag:s6], $0x700  }
0x42: {  	[sflag:s6] =	ssyncset.done $0x0  }
0x43: {  	[sflag:s6] =	ssyncadd.s32 $0xFFFFF900  }
0x44: {  	_ =	swait.ge [sflag:s6], $0x700  }
0x45: {  	[sflag:s6] =	ssyncset.done $0x0  }
0x46: {  	[sflag:s6] =	ssyncadd.s32 $0xFFFFF900  }
0x47: {  	_ =	swait.ge [sflag:s6], $0x700  }
0x48: {  	[sflag:s6] =	ssyncset.done $0x0  }
0x49: {  	[sflag:s6] =	ssyncadd.s32 $0xFFFFF900  }
0x4a: {  	_ =	swait.ge [sflag:s6], $0x700  }
0x4b: {  	[sflag:s6] =	ssyncset.done $0x0  }
0x4c: {  	[sflag:s6] =	ssyncadd.s32 $0xFFFFF900  }
0x4d: {  	_ =	swait.ge [sflag:s6], $0x700  }
0x4e: {  	[sflag:s6] =	ssyncset.done $0x0  }
0x4f: {  	[sflag:s6] =	ssyncadd.s32 $0xFFFFF900  }
0x50: {  	_ =	swait.ge [sflag:s6], $0x700  }
0x51: {  	[sflag:s6] =	ssyncset.done $0x0  }
0x52: {  	[sflag:s6] =	ssyncadd.s32 $0xFFFFF900  }
0x53: {  	_ =	swait.ge [sflag:s6], $0x700  }
0x54: {  	[sflag:s6] =	ssyncset.done $0x0  }
0x55: {  	[sflag:s6] =	ssyncadd.s32 $0xFFFFF900  }
0x56: {  	_ =	swait.ge [sflag:s6], $0x700  }
0x57: {  	[sflag:s6] =	ssyncset.done $0x0  }
0x58: {  	[sflag:s6] =	ssyncadd.s32 $0xFFFFF900  }
0x59: {  	_ =	swait.ge [sflag:s6], $0x700  }
0x5a: {  	[sflag:s6] =	ssyncset.done $0x0  }
0x5b: {  	[sflag:s6] =	ssyncadd.s32 $0xFFFFF900  }
0x5c: {  	_ =	swait.ge [sflag:s6], $0x700  }
0x5d: {  	[sflag:s6] =	ssyncset.done $0x0  }
0x5e: {  	[sflag:s6] =	ssyncadd.s32 $0xFFFFF900  }
0x5f: {  	_ =	swait.ge [sflag:s6], $0x700  }
0x60: {  	[sflag:s6] =	ssyncset.done $0x0  }
0x61: {  	[sflag:s6] =	ssyncadd.s32 $0xFFFFF900  }
0x62: {  	_ =	swait.ge [sflag:s6], $0x700  }
0x63: {  	[sflag:s6] =	ssyncset.done $0x0  }
0x64: {  	[sflag:s6] =	ssyncadd.s32 $0xFFFFF900  }
0x65: {  	_ =	swait.ge [sflag:s6], $0x700  }
0x66: {  	[sflag:s6] =	ssyncset.done $0x0  }
0x67: {  	[sflag:s6] =	ssyncadd.s32 $0xFFFFF900  }
0x68: {  	_ =	swait.ge [sflag:s6], $0x700  }
0x69: {  	p1 =	sne.s32 s8, $0x1;
	[sflag:s6] =	ssyncset.done $0x0  }
.Ltmp1:
0x6a: {  	[sflag:s6] =	ssyncadd.s32 $0xFFFFF900;
	(pc) =	sbr.rel @!p1 .LBB2_3-.Ltmp1, $4  }
0x6b: {  	_ =	swait.ge [sflag:s6], $0x700  }
0x6c: {  	p0 =	por $0x1, $0x1;
	[sflag:s6] =	ssyncset.done $0x0  }
0x6d: {  	s1 =	sadd.s32 $0xFFFFFFFF, s8;
	s10 =	rddreg [dreg:$0x5];
	[sflag:s6] =	ssyncadd.s32 $0xFFFFF900  }
0x6e: {  	[hbm4b:s10+s2] =	stream.linear.scatter [tilespmem:s4], [sflag:$0x2], $0x7000, $0x38;
	[tilespmem:$0x7700] =	vst v63  }
.LBB2_2:
0x6f: {  	_ =	swait.ge [sflag:s3], $0x7000  }
0x70: {  	[sflag:s3] =	ssyncset.done $0x0  }
0x71: {  	s0 =	rddreg [dreg:$0x4];
	[sflag:s3] =	ssyncadd.s32 $0xFFFF9000  }
0x72: {  	[tilespmem:s2], [sflag:$0x2] =	stream.linear.gather [hbm4b:s0+s2], $0x700, $0x38;
	[tilespmem:$0x7700] =	vst v63  }
0x73: {  	_ =	swait.ge [sflag:s3], $0x700  }
0x74: {  	s0 =	rddreg [dreg:$0x7];
	[sflag:s3] =	ssyncset.done $0x0  }
0x75: {  	s8 =	rddreg [dreg:$0x6];
	[sflag:s3] =	ssyncadd.s32 $0xFFFFF900  }
0x76: {  	[tilespmem:s4], [sflag:$0x1] =	stream.indirect.gather [hbm4b:s5+s7], $0x10, s2, s7, $0xb8;
	[tilespmem:$0x7700] =	vst v63  }
0x77: {  	s9 =	rddreg [dreg:$0x8]  }
0x78: {  	[tilespmem:s8], [sflag:$0x1] =	stream.indirect.gather [hbm4b:s5+s7], $0x10, s7, s7, $0xb8;
	[tilespmem:$0x7700] =	vst v63  }
0x79: {  	s10 =	rddreg [dreg:$0xa]  }
0x7a: {  	[tilespmem:s9], [sflag:$0x1] =	stream.indirect.gather [hbm4b:s5+s7], $0x10, s0, s7, $0xb8;
	[tilespmem:$0x7700] =	vst v63  }
0x7b: {  	s8 =	rddreg [dreg:$0x9]  }
0x7c: {  	[tilespmem:s10], [sflag:$0x1] =	stream.indirect.gather [hbm4b:s5+s7], $0x10, s8, s7, $0xb8;
	[tilespmem:$0x7700] =	vst v63  }
0x7d: {  	s0 =	rddreg [dreg:$0xb];
	s8 =	simm.s32 $0x2300  }
0x7e: {  	[tilespmem:s8], [sflag:$0x1] =	stream.indirect.gather [hbm4b:s5+s7], $0x10, s0, s7, $0xb8;
	[tilespmem:$0x7700] =	vst v63  }
0x7f: {  	s9 =	simm.s32 $0x230;
	s10 =	simm.s32 $0x2A00  }
0x80: {  	[tilespmem:s10], [sflag:$0x1] =	stream.indirect.gather [hbm4b:s5+s7], $0x10, s9, s7, $0xb8;
	[tilespmem:$0x7700] =	vst v63  }
0x81: {  	_ = 	snop  }
0x82: {  	[tilespmem:s12], [sflag:$0x1] =	stream.indirect.gather [hbm4b:s5+s7], $0x10, s11, s7, $0xb8;
	[tilespmem:$0x7700] =	vst v63  }
0x83: {  	_ = 	snop  }
0x84: {  	[tilespmem:s14], [sflag:$0x1] =	stream.indirect.gather [hbm4b:s5+s7], $0x10, s13, s7, $0xb8;
	[tilespmem:$0x7700] =	vst v63  }
0x85: {  	_ = 	snop  }
0x86: {  	[tilespmem:s16], [sflag:$0x1] =	stream.indirect.gather [hbm4b:s5+s7], $0x10, s15, s7, $0xb8;
	[tilespmem:$0x7700] =	vst v63  }
0x87: {  	_ = 	snop  }
0x88: {  	[tilespmem:s18], [sflag:$0x1] =	stream.indirect.gather [hbm4b:s5+s7], $0x10, s17, s7, $0xb8;
	[tilespmem:$0x7700] =	vst v63  }
0x89: {  	_ = 	snop  }
0x8a: {  	[tilespmem:s20], [sflag:$0x1] =	stream.indirect.gather [hbm4b:s5+s7], $0x10, s19, s7, $0xb8;
	[tilespmem:$0x7700] =	vst v63  }
0x8b: {  	_ = 	snop  }
0x8c: {  	[tilespmem:s22], [sflag:$0x1] =	stream.indirect.gather [hbm4b:s5+s7], $0x10, s21, s7, $0xb8;
	[tilespmem:$0x7700] =	vst v63  }
0x8d: {  	_ = 	snop  }
0x8e: {  	[tilespmem:s24], [sflag:$0x1] =	stream.indirect.gather [hbm4b:s5+s7], $0x10, s23, s7, $0xb8;
	[tilespmem:$0x7700] =	vst v63  }
0x8f: {  	_ = 	snop  }
0x90: {  	[tilespmem:s26], [sflag:$0x1] =	stream.indirect.gather [hbm4b:s5+s7], $0x10, s25, s7, $0xb8;
	[tilespmem:$0x7700] =	vst v63  }
0x91: {  	_ = 	snop  }
0x92: {  	[tilespmem:s29], [sflag:$0x1] =	stream.indirect.gather [hbm4b:s5+s7], $0x10, s28, s7, $0xb8;
	[tilespmem:$0x7700] =	vst v63  }
0x93: {  	_ = 	snop  }
0x94: {  	[tilespmem:s31], [sflag:$0x1] =	stream.indirect.gather [hbm4b:s5+s7], $0x10, s30, s7, $0xb8;
	[tilespmem:$0x7700] =	vst v63  }
0x95: {  	_ =	swait.ge [sflag:s6], $0x700  }
0x96: {  	[sflag:s6] =	ssyncset.done $0x0  }
0x97: {  	[sflag:s6] =	ssyncadd.s32 $0xFFFFF900  }
0x98: {  	_ =	swait.ge [sflag:s6], $0x700  }
0x99: {  	[sflag:s6] =	ssyncset.done $0x0  }
0x9a: {  	[sflag:s6] =	ssyncadd.s32 $0xFFFFF900  }
0x9b: {  	_ =	swait.ge [sflag:s6], $0x700  }
0x9c: {  	[sflag:s6] =	ssyncset.done $0x0  }
0x9d: {  	[sflag:s6] =	ssyncadd.s32 $0xFFFFF900  }
0x9e: {  	_ =	swait.ge [sflag:s6], $0x700  }
0x9f: {  	[sflag:s6] =	ssyncset.done $0x0  }
0xa0: {  	[sflag:s6] =	ssyncadd.s32 $0xFFFFF900  }
0xa1: {  	_ =	swait.ge [sflag:s6], $0x700  }
0xa2: {  	[sflag:s6] =	ssyncset.done $0x0  }
0xa3: {  	[sflag:s6] =	ssyncadd.s32 $0xFFFFF900  }
0xa4: {  	_ =	swait.ge [sflag:s6], $0x700  }
0xa5: {  	[sflag:s6] =	ssyncset.done $0x0  }
0xa6: {  	[sflag:s6] =	ssyncadd.s32 $0xFFFFF900  }
0xa7: {  	_ =	swait.ge [sflag:s6], $0x700  }
0xa8: {  	[sflag:s6] =	ssyncset.done $0x0  }
0xa9: {  	[sflag:s6] =	ssyncadd.s32 $0xFFFFF900  }
0xaa: {  	_ =	swait.ge [sflag:s6], $0x700  }
0xab: {  	[sflag:s6] =	ssyncset.done $0x0  }
0xac: {  	[sflag:s6] =	ssyncadd.s32 $0xFFFFF900  }
0xad: {  	_ =	swait.ge [sflag:s6], $0x700  }
0xae: {  	[sflag:s6] =	ssyncset.done $0x0  }
0xaf: {  	[sflag:s6] =	ssyncadd.s32 $0xFFFFF900  }
0xb0: {  	_ =	swait.ge [sflag:s6], $0x700  }
0xb1: {  	[sflag:s6] =	ssyncset.done $0x0  }
0xb2: {  	[sflag:s6] =	ssyncadd.s32 $0xFFFFF900  }
0xb3: {  	_ =	swait.ge [sflag:s6], $0x700  }
0xb4: {  	[sflag:s6] =	ssyncset.done $0x0  }
0xb5: {  	[sflag:s6] =	ssyncadd.s32 $0xFFFFF900  }
0xb6: {  	_ =	swait.ge [sflag:s6], $0x700  }
0xb7: {  	[sflag:s6] =	ssyncset.done $0x0  }
0xb8: {  	[sflag:s6] =	ssyncadd.s32 $0xFFFFF900  }
0xb9: {  	_ =	swait.ge [sflag:s6], $0x700  }
0xba: {  	[sflag:s6] =	ssyncset.done $0x0  }
0xbb: {  	[sflag:s6] =	ssyncadd.s32 $0xFFFFF900  }
0xbc: {  	_ =	swait.ge [sflag:s6], $0x700  }
0xbd: {  	[sflag:s6] =	ssyncset.done $0x0  }
0xbe: {  	[sflag:s6] =	ssyncadd.s32 $0xFFFFF900  }
0xbf: {  	_ =	swait.ge [sflag:s6], $0x700  }
0xc0: {  	p1 =	sne.s32 s1, $0x1;
	[sflag:s6] =	ssyncset.done $0x0  }
.Ltmp2:
0xc1: {  	[sflag:s6] =	ssyncadd.s32 $0xFFFFF900;
	(pc) =	sbr.rel @p1 .LBB2_2-.Ltmp2, $4  }
0xc2: {  	_ =	swait.ge [sflag:s6], $0x700  }
0xc3: {  	[sflag:s6] =	ssyncset.done $0x0  }
0xc4: {  	s1 =	sadd.s32 $0xFFFFFFFF, s1;
	s10 =	rddreg [dreg:$0x5];
	[sflag:s6] =	ssyncadd.s32 $0xFFFFF900  }
0xc5: {  	[hbm4b:s10+s2] =	stream.linear.scatter [tilespmem:s4], [sflag:$0x2], $0x7000, $0x38;
	[tilespmem:$0x7700] =	vst v63  }
.LBB2_3:
0xc6: {  	_ =	swait.ge @p0 [sflag:s3], $0x7000  }
0xc7: {  	[sflag:s3] =	ssyncset.done @p0 $0x0  }
0xc8: {  	s0 =	rddreg [dreg:$0x4];
	[sflag:s3] =	ssyncadd.s32 @p0 $0xFFFF9000  }
0xc9: {  	[tilespmem:s2], [sflag:$0x2] =	stream.linear.gather [hbm4b:s0+s2], $0x700, $0x38;
	[tilespmem:$0x7700] =	vst v63  }
0xca: {  	_ =	swait.ge [sflag:s3], $0x700  }
0xcb: {  	[sflag:s3] =	ssyncset.done $0x0;
	s10 =	rddreg [dreg:$0x6]  }
0xcc: {  	s0 =	rddreg [dreg:$0x7];
	[sflag:s3] =	ssyncadd.s32 $0xFFFFF900  }
0xcd: {  	[tilespmem:s4], [sflag:$0x1] =	stream.indirect.gather [hbm4b:s5+s7], $0x10, s2, s7, $0xb8;
	[tilespmem:$0x7700] =	vst v63  }
0xce: {  	s1 =	rddreg [dreg:$0x8]  }
0xcf: {  	[tilespmem:s10], [sflag:$0x1] =	stream.indirect.gather [hbm4b:s5+s7], $0x10, s7, s7, $0xb8;
	[tilespmem:$0x7700] =	vst v63  }
0xd0: {  	s8 =	rddreg [dreg:$0xa]  }
0xd1: {  	[tilespmem:s1], [sflag:$0x1] =	stream.indirect.gather [hbm4b:s5+s7], $0x10, s0, s7, $0xb8;
	[tilespmem:$0x7700] =	vst v63  }
0xd2: {  	s9 =	rddreg [dreg:$0x9]  }
0xd3: {  	[tilespmem:s8], [sflag:$0x1] =	stream.indirect.gather [hbm4b:s5+s7], $0x10, s9, s7, $0xb8;
	[tilespmem:$0x7700] =	vst v63  }
0xd4: {  	s10 =	simm.s32 $0x2300;
	s1 =	rddreg [dreg:$0xb]  }
0xd5: {  	[tilespmem:s10], [sflag:$0x1] =	stream.indirect.gather [hbm4b:s5+s7], $0x10, s1, s7, $0xb8;
	[tilespmem:$0x7700] =	vst v63  }
0xd6: {  	s9 =	simm.s32 $0x2A00;
	s10 =	simm.s32 $0x230  }
0xd7: {  	[tilespmem:s9], [sflag:$0x1] =	stream.indirect.gather [hbm4b:s5+s7], $0x10, s10, s7, $0xb8;
	[tilespmem:$0x7700] =	vst v63  }
0xd8: {  	_ = 	snop  }
0xd9: {  	[tilespmem:s12], [sflag:$0x1] =	stream.indirect.gather [hbm4b:s5+s7], $0x10, s11, s7, $0xb8;
	[tilespmem:$0x7700] =	vst v63  }
0xda: {  	_ = 	snop  }
0xdb: {  	[tilespmem:s14], [sflag:$0x1] =	stream.indirect.gather [hbm4b:s5+s7], $0x10, s13, s7, $0xb8;
	[tilespmem:$0x7700] =	vst v63  }
0xdc: {  	_ = 	snop  }
0xdd: {  	[tilespmem:s16], [sflag:$0x1] =	stream.indirect.gather [hbm4b:s5+s7], $0x10, s15, s7, $0xb8;
	[tilespmem:$0x7700] =	vst v63  }
0xde: {  	_ = 	snop  }
0xdf: {  	[tilespmem:s18], [sflag:$0x1] =	stream.indirect.gather [hbm4b:s5+s7], $0x10, s17, s7, $0xb8;
	[tilespmem:$0x7700] =	vst v63  }
0xe0: {  	_ = 	snop  }
0xe1: {  	[tilespmem:s20], [sflag:$0x1] =	stream.indirect.gather [hbm4b:s5+s7], $0x10, s19, s7, $0xb8;
	[tilespmem:$0x7700] =	vst v63  }
0xe2: {  	_ = 	snop  }
0xe3: {  	[tilespmem:s22], [sflag:$0x1] =	stream.indirect.gather [hbm4b:s5+s7], $0x10, s21, s7, $0xb8;
	[tilespmem:$0x7700] =	vst v63  }
0xe4: {  	_ = 	snop  }
0xe5: {  	[tilespmem:s24], [sflag:$0x1] =	stream.indirect.gather [hbm4b:s5+s7], $0x10, s23, s7, $0xb8;
	[tilespmem:$0x7700] =	vst v63  }
0xe6: {  	_ = 	snop  }
0xe7: {  	[tilespmem:s26], [sflag:$0x1] =	stream.indirect.gather [hbm4b:s5+s7], $0x10, s25, s7, $0xb8;
	[tilespmem:$0x7700] =	vst v63  }
0xe8: {  	_ = 	snop  }
0xe9: {  	[tilespmem:s29], [sflag:$0x1] =	stream.indirect.gather [hbm4b:s5+s7], $0x10, s28, s7, $0xb8;
	[tilespmem:$0x7700] =	vst v63  }
0xea: {  	_ = 	snop  }
0xeb: {  	[tilespmem:s31], [sflag:$0x1] =	stream.indirect.gather [hbm4b:s5+s7], $0x10, s30, s7, $0xb8;
	[tilespmem:$0x7700] =	vst v63  }
0xec: {  	_ =	swait.ge [sflag:s6], $0x700  }
0xed: {  	[sflag:s6] =	ssyncset.done $0x0  }
0xee: {  	[sflag:s6] =	ssyncadd.s32 $0xFFFFF900  }
0xef: {  	_ =	swait.ge [sflag:s6], $0x700  }
0xf0: {  	[sflag:s6] =	ssyncset.done $0x0  }
0xf1: {  	[sflag:s6] =	ssyncadd.s32 $0xFFFFF900  }
0xf2: {  	_ =	swait.ge [sflag:s6], $0x700  }
0xf3: {  	[sflag:s6] =	ssyncset.done $0x0  }
0xf4: {  	[sflag:s6] =	ssyncadd.s32 $0xFFFFF900  }
0xf5: {  	_ =	swait.ge [sflag:s6], $0x700  }
0xf6: {  	[sflag:s6] =	ssyncset.done $0x0  }
0xf7: {  	[sflag:s6] =	ssyncadd.s32 $0xFFFFF900  }
0xf8: {  	_ =	swait.ge [sflag:s6], $0x700  }
0xf9: {  	[sflag:s6] =	ssyncset.done $0x0  }
0xfa: {  	[sflag:s6] =	ssyncadd.s32 $0xFFFFF900  }
0xfb: {  	_ =	swait.ge [sflag:s6], $0x700  }
0xfc: {  	[sflag:s6] =	ssyncset.done $0x0  }
0xfd: {  	[sflag:s6] =	ssyncadd.s32 $0xFFFFF900  }
0xfe: {  	_ =	swait.ge [sflag:s6], $0x700  }
0xff: {  	[sflag:s6] =	ssyncset.done $0x0  }
0x100: {  	[sflag:s6] =	ssyncadd.s32 $0xFFFFF900  }
0x101: {  	_ =	swait.ge [sflag:s6], $0x700  }
0x102: {  	[sflag:s6] =	ssyncset.done $0x0  }
0x103: {  	[sflag:s6] =	ssyncadd.s32 $0xFFFFF900  }
0x104: {  	_ =	swait.ge [sflag:s6], $0x700  }
0x105: {  	[sflag:s6] =	ssyncset.done $0x0  }
0x106: {  	[sflag:s6] =	ssyncadd.s32 $0xFFFFF900  }
0x107: {  	_ =	swait.ge [sflag:s6], $0x700  }
0x108: {  	[sflag:s6] =	ssyncset.done $0x0  }
0x109: {  	[sflag:s6] =	ssyncadd.s32 $0xFFFFF900  }
0x10a: {  	_ =	swait.ge [sflag:s6], $0x700  }
0x10b: {  	[sflag:s6] =	ssyncset.done $0x0  }
0x10c: {  	[sflag:s6] =	ssyncadd.s32 $0xFFFFF900  }
0x10d: {  	_ =	swait.ge [sflag:s6], $0x700  }
0x10e: {  	[sflag:s6] =	ssyncset.done $0x0  }
0x10f: {  	[sflag:s6] =	ssyncadd.s32 $0xFFFFF900  }
0x110: {  	_ =	swait.ge [sflag:s6], $0x700  }
0x111: {  	[sflag:s6] =	ssyncset.done $0x0  }
0x112: {  	[sflag:s6] =	ssyncadd.s32 $0xFFFFF900  }
0x113: {  	_ =	swait.ge [sflag:s6], $0x700  }
0x114: {  	[sflag:s6] =	ssyncset.done $0x0  }
0x115: {  	[sflag:s6] =	ssyncadd.s32 $0xFFFFF900  }
0x116: {  	_ =	swait.ge [sflag:s6], $0x700  }
0x117: {  	[sflag:s6] =	ssyncset.done $0x0  }
0x118: {  	[sflag:s6] =	ssyncadd.s32 $0xFFFFF900  }
0x119: {  	_ =	swait.ge [sflag:s6], $0x700  }
0x11a: {  	[sflag:s6] =	ssyncset.done $0x0  }
0x11b: {  	s30 =	rddreg [dreg:$0x5];
	[sflag:s6] =	ssyncadd.s32 $0xFFFFF900  }
0x11c: {  	[hbm4b:s30+s2] =	stream.linear.scatter [tilespmem:s4], [sflag:$0x2], $0x7000, $0x38;
	[tilespmem:$0x7700] =	vst v63  }
0x11d: {  	_ =	swait.ge [sflag:s3], $0x7000  }
0x11e: {  	[sflag:s3] =	ssyncset.done $0x0  }
0x11f: {  	[sflag:s3] =	ssyncadd.s32 $0xFFFF9000  }
0x120: {  	_ =	sfence.sel $0x180000  }
0x121: {  	[bflag:$0x0] =	sbarrier.arrive $0xFFFF  }
0x122: {  	_ =	strace $0x90000047  }
0x123: {  	s31 =	stileid.u32;
	[bflag:$0x2] =	sbarrier.arrive $0xFFFF  }
0x124: {  	p0 =	sne.s32 s31, $0x0;
	s0 =	rddreg [dreg:$0x3]  }
0x125: {  	s0 =	sadd.s32 @!p0 $0x100000, s0  }
0x126: {  	[sflag:s0] =	ssyncadd.tile.s32 @!p0 $0x1;
	_ =	shalt  }
.Lfunc_end2:
_tile_overlayer_lowered:
.L_overlay_start_2:
0x127: {  	(tag) =	ssettag $0x2  }
0x128: {  	s0 =	rddreg [dreg:$0x0];
	s2 =	stileid.u32  }
0x129: {  	s1 =	rddreg [dreg:$0x1];
	p0 =	sne.s32 s2, $0x0  }
0x12a: {  	s3 =	rddreg [dreg:$0x2];
	[bflag:$0x3] =	sbarrier.arrive $0xFFFF;
	s2 =	simm.s32 @!p0 $0x1C02  }
0x12b: {  	[timem:s3], [sflag:s2] =	dma.local @!p0 [hbm:s0], s1  }
0x12c: {  	s0 =	simm.s32 @!p0 $0x2  }
0x12d: {  	_ =	swait.ge @!p0 [sflag:s0], s1  }
0x12e: {  	s1 =	ssub.s32 @!p0 $0x0, s1;
	[sflag:s0] =	ssyncset.done @!p0 $0x0  }
0x12f: {  	[sflag:s0] =	ssyncadd.s32 @!p0 s1  }
0x130: {  	[bflag:$0x3] =	sbarrier.arrive $0xFFFF  }
0x131: {  	_ =	shalt  }

</sc_bundles>
